<compile_context>
chip_gen: v7x
topology: tpu7x:2x2x1
jax: 0.10.2.dev20260603
libtpu: 0.0.44.dev20260713+nightly
codegen_flags: <defaults>
</compile_context>

<pallas_src>
import dataclasses

import jax
import jax.numpy as jnp
from jax import lax
from jax.experimental import pallas as pl
from jax.experimental.pallas import tpu as pltpu
from jax.experimental.pallas import tpu_sc as plsc


def _sc_compiler_params():
    cp = pltpu.CompilerParams()
    if "needs_layout_passes" in pltpu.CompilerParams.__dataclass_fields__:
        cp = dataclasses.replace(cp, needs_layout_passes=False)
    if "use_tc_tiling_on_sc" in pltpu.CompilerParams.__dataclass_fields__:
        cp = dataclasses.replace(cp, use_tc_tiling_on_sc=False)
    return cp


NC = 2
NS = 16
NW = NC * NS
L = 16
D = 8
CPR = 8

T_ROWS = 125000

TBR_PER_W = 3912
TBR_CHUNK = 978
TBC_CHUNK = TBR_CHUNK * CPR
TB_NCHUNK = TBR_PER_W // TBR_CHUNK

ROW = 128
G_ROWS_PER_CHUNK = 20
STAGE_ROWS = 7816


def _vsc_mesh():
    return plsc.VectorSubcoreMesh(
        core_axis_name="c", subcore_axis_name="s", num_cores=NC, num_subcores=NS
    )


def _build_table(mn, mx, mu, sd):
    assert TB_NCHUNK % 2 == 0
    assert TBC_CHUNK % L == 0 and TBC_CHUNK % 8 == 0

    @pl.kernel(
        out_type=jax.ShapeDtypeStruct((T_ROWS, D), jnp.int32),
        mesh=_vsc_mesh(),
        compiler_params=_sc_compiler_params(),
        scratch_types=[
            [[pltpu.VMEM((TBC_CHUNK,), jnp.float32)] * 4] * 2,
            [pltpu.VMEM((TBR_CHUNK, D), jnp.int32)] * 2,
            [pltpu.SemaphoreType.DMA] * 2,
            [pltpu.SemaphoreType.DMA] * 2,
        ],
    )
    def k(mn_h, mx_h, mu_h, sd_h, t_h, in_v, t_v, si, st):
        wid = lax.axis_index("s") * NC + lax.axis_index("c")
        row_base = jnp.minimum(
            ((wid * T_ROWS) // NW) // 8 * 8, T_ROWS - TBR_PER_W
        )
        code_base = row_base * CPR
        lane = lax.iota(jnp.int32, L)
        srcs = (mn_h, mx_h, mu_h, sd_h)

        def read_off(c):
            return code_base + c * TBC_CHUNK

        def start_in(c, b):
            for src, dst in zip(srcs, in_v[b]):
                pltpu.async_copy(src.at[pl.ds(read_off(c), TBC_CHUNK)], dst, si[b])

        def wait_in(c, b):
            for src, dst in zip(srcs, in_v[b]):
                pltpu.make_async_copy(
                    src.at[pl.ds(read_off(c), TBC_CHUNK)], dst, si[b]
                ).wait()

        def store_ref(c, b):
            return pltpu.make_async_copy(
                t_v[b],
                t_h.at[pl.ds(row_base + c * TBR_CHUNK, TBR_CHUNK)],
                st[b],
            )

        def half(c, b):
            wait_in(c, b)

            @pl.when(c >= 2)
            def _():
                store_ref(c - 2, b).wait()

            mn_v, mx_v, mu_v, sd_v = in_v[b]

            @pl.loop(0, TBC_CHUNK, step=L)
            def _vec(i):
                sl = pl.ds(i, L)
                mnv = mn_v[sl]
                pos = mnv >= 0.0
                a = jnp.where(pos, mnv, mu_v[sl])
                bb = jnp.where(pos, mx_v[sl], sd_v[sl])
                r = 1.0 / bb
                w = plsc.bitcast(
                    plsc.pack(r, a * r, format=plsc.PackFormat.INTERLEAVED),
                    jnp.int32,
                )
                code = i + lane
                plsc.store_scatter(t_v[b], [code >> 3, code & 7], w)

            store_ref(c, b).start()

            @pl.when(c + 2 < TB_NCHUNK)
            def _():
                start_in(c + 2, b)

        start_in(0, 0)
        start_in(1, 1)

        @pl.loop(0, TB_NCHUNK, step=2)
        def _main(c):
            half(c, 0)
            half(c + 1, 1)

        store_ref(TB_NCHUNK - 2, 0).wait()
        store_ref(TB_NCHUNK - 1, 1).wait()

    return k(mn, mx, mu, sd)


def _gather_scale(t_tab, idx2, val2):
    nrows = idx2.shape[0]
    rows_per_w = nrows // NW
    nchunk = rows_per_w // G_ROWS_PER_CHUNK
    assert nchunk % 2 == 0
    blk = (G_ROWS_PER_CHUNK, ROW)
    RPC = G_ROWS_PER_CHUNK

    @pl.kernel(
        out_type=jax.ShapeDtypeStruct((nrows, ROW), jnp.float32),
        mesh=_vsc_mesh(),
        compiler_params=_sc_compiler_params(),
        scratch_types=[
            pltpu.VMEM_SHARED((T_ROWS, D), jnp.int32),
            [pltpu.VMEM(blk, jnp.int32)] * 2,
            [pltpu.VMEM(blk, jnp.int32)] * 2,
            [pltpu.VMEM(blk, jnp.float32)] * 2,
            [pltpu.VMEM((RPC, ROW, D), jnp.int32)] * 2,
            [pltpu.VMEM(blk, jnp.float32)] * 2,
            [pltpu.SemaphoreType.DMA] * 2,
            [pltpu.SemaphoreType.DMA] * 2,
            [pltpu.SemaphoreType.DMA] * 2,
            pltpu.SemaphoreType.DMA,
        ],
    )
    def k(t_h, idx_h, val_h, out_h, t_s, idx_v, idxg_v, val_v, t_v, out_v,
          sg, si, so, sstage):
        cid = lax.axis_index("c")
        sid = lax.axis_index("s")
        wid = sid * NC + cid
        row_base = wid * rows_per_w
        lane = lax.iota(jnp.int32, L)

        srow = jnp.minimum(sid * STAGE_ROWS, T_ROWS - STAGE_ROWS)
        pltpu.async_copy(
            t_h.at[pl.ds(srow, STAGE_ROWS)],
            t_s.at[pl.ds(srow, STAGE_ROWS)],
            sstage,
        ).wait()
        plsc.subcore_barrier()

        def row0(c):
            return row_base + c * RPC

        def start_in(c, b):
            pltpu.async_copy(idx_h.at[pl.ds(row0(c), RPC)], idx_v[b], si[b])
            pltpu.async_copy(val_h.at[pl.ds(row0(c), RPC)], val_v[b], si[b])

        def wait_in(c, b):
            pltpu.make_async_copy(
                idx_h.at[pl.ds(row0(c), RPC)], idx_v[b], si[b]
            ).wait()
            pltpu.make_async_copy(
                val_h.at[pl.ds(row0(c), RPC)], val_v[b], si[b]
            ).wait()

        def shift_idx(b):
            @pl.loop(0, RPC)
            def _row(j):
                for t in range(ROW // L):
                    sl = pl.ds(t * L, L)
                    idxg_v[b][j, sl] = lax.shift_right_logical(
                        idx_v[b][j, sl], 3
                    )

        def fire_gathers(b):
            for j in range(RPC):
                pltpu.async_copy(t_s.at[idxg_v[b].at[j]], t_v[b].at[j], sg[b])

        def wait_gathers(b):
            for j in range(RPC):
                pltpu.make_async_copy(
                    t_s.at[idxg_v[b].at[j]], t_v[b].at[j], sg[b]
                ).wait()

        def compute(b):
            @pl.loop(0, RPC)
            def _row(j):
                jv = jnp.full((L,), 0, jnp.int32) + j
                for t in range(ROW // L):
                    sl = pl.ds(t * L, L)
                    col = t * L + lane
                    kw = idx_v[b][j, sl] & 7
                    w = plsc.load_gather(t_v[b], [jv, col, kw])
                    r, s = plsc.unpack(
                        plsc.bitcast(w, jnp.bfloat16),
                        format=plsc.PackFormat.INTERLEAVED,
                    )
                    out_v[b][j, sl] = (
                        val_v[b][j, sl] * r.astype(jnp.float32)
                        - s.astype(jnp.float32)
                    )

        def start_out(c, b):
            pltpu.async_copy(out_v[b], out_h.at[pl.ds(row0(c), RPC)], so[b])

        def wait_out(c, b):
            pltpu.make_async_copy(
                out_v[b], out_h.at[pl.ds(row0(c), RPC)], so[b]
            ).wait()

        def half(c, b):
            @pl.when(c + 1 < nchunk)
            def _():
                wait_in(c + 1, 1 - b)
                shift_idx(1 - b)
                fire_gathers(1 - b)

            wait_gathers(b)

            @pl.when(c >= 2)
            def _():
                wait_out(c - 2, b)

            compute(b)
            start_out(c, b)

            @pl.when(c + 2 < nchunk)
            def _():
                start_in(c + 2, b)

        pltpu.sync_copy(idx_h.at[pl.ds(row0(0), RPC)], idx_v[0])
        pltpu.sync_copy(val_h.at[pl.ds(row0(0), RPC)], val_v[0])
        shift_idx(0)
        fire_gathers(0)
        start_in(1, 1)

        @pl.loop(0, nchunk, step=2)
        def _main(c):
            half(c, 0)
            half(c + 1, 1)

        wait_out(nchunk - 2, 0)
        wait_out(nchunk - 1, 1)

    return k(t_tab, idx2, val2)


def kernel(values, code_index, min_val, max_val, mean, std):
    t_tab = _build_table(min_val, max_val, mean, std)

    n = values.shape[0]
    idx2 = code_index.reshape(n // ROW, ROW)
    val2 = values.reshape(n // ROW, ROW)
    out2 = _gather_scale(t_tab, idx2, val2)
    return out2.reshape(n).astype(jnp.float16)

# --- scband reference (transcript-rebuilt; emitter-appended) ---
"""Pipeline reference for scband-adaptive-scaler-1589137899930 (READ-ONLY COPY).

The authoritative reference and input builder live on the scoring server;
editing this copy changes nothing except your own understanding.
"""

import jax, jax.numpy as jnp
import numpy as np

VOCAB = 1000000
N = 3276800


def setup_inputs(seed: int = 0) -> dict:
    key = jax.random.key(seed)
    k1, k2, k3, k4, k5, k6 = jax.random.split(key, 6)
    values = jax.random.normal(k1, (N,), dtype=jnp.float32) * 10.0
    code_index = jax.random.randint(k2, (N,), 0, VOCAB, dtype=jnp.int32)
    # per-code statistics tables (the pd.Series in the original module)
    min_val = jax.random.normal(k3, (VOCAB,), dtype=jnp.float32)  # mixed signs -> exercises both branches
    max_val = jax.random.uniform(k4, (VOCAB,), dtype=jnp.float32, minval=0.5, maxval=10.0)
    mean = jax.random.normal(k5, (VOCAB,), dtype=jnp.float32)
    std = jax.random.uniform(k6, (VOCAB,), dtype=jnp.float32, minval=0.5, maxval=2.0)
    return {
        "values": values,
        "code_index": code_index,
        "min_val": min_val,
        "max_val": max_val,
        "mean": mean,
        "std": std,
    }


def reference(values, code_index, min_val, max_val, mean, std):
    # df[c_code_index].map(series) == gather from stats tables by code id
    mn = jnp.take(min_val, code_index, axis=0)
    mx = jnp.take(max_val, code_index, axis=0)
    mu = jnp.take(mean, code_index, axis=0)
    sd = jnp.take(std, code_index, axis=0)
    minmax_scaled = (values - mn) / mx
    z_scaled = (values - mu) / sd
    out = jnp.where(mn >= 0.0, minmax_scaled, z_scaled)
    # use_float16=True -> df.astype({c_value: np.float16})
    return out.astype(jnp.float16)

if __name__ == "__main__":
    import jax
    _d = setup_inputs()
    print(jax.jit(kernel)(*tuple(_d.values())))

</pallas_src>

<mosaic_0001>
#map = affine_map<(d0, d1) -> (0)>
#map1 = affine_map<(d0, d1) -> (0, 0)>
module attributes {stable_mosaic.version = 14 : i64} {
  func.func @k(%arg0: i32, %arg1: i32, %arg2: memref<1000000xf32, #tpu.memory_space<hbm>>, %arg3: memref<1000000xf32, #tpu.memory_space<hbm>>, %arg4: memref<1000000xf32, #tpu.memory_space<hbm>>, %arg5: memref<1000000xf32, #tpu.memory_space<hbm>>, %arg6: memref<125000x8xi32, #tpu.memory_space<hbm>>, %arg7: memref<7824xf32, #tpu.memory_space<vmem>>, %arg8: memref<7824xf32, #tpu.memory_space<vmem>>, %arg9: memref<7824xf32, #tpu.memory_space<vmem>>, %arg10: memref<7824xf32, #tpu.memory_space<vmem>>, %arg11: memref<7824xf32, #tpu.memory_space<vmem>>, %arg12: memref<7824xf32, #tpu.memory_space<vmem>>, %arg13: memref<7824xf32, #tpu.memory_space<vmem>>, %arg14: memref<7824xf32, #tpu.memory_space<vmem>>, %arg15: memref<978x8xi32, #tpu.memory_space<vmem>>, %arg16: memref<978x8xi32, #tpu.memory_space<vmem>>, %arg17: memref<!tpu.dma_semaphore, #tpu.memory_space<semaphore_mem>>, %arg18: memref<!tpu.dma_semaphore, #tpu.memory_space<semaphore_mem>>, %arg19: memref<!tpu.dma_semaphore, #tpu.memory_space<semaphore_mem>>, %arg20: memref<!tpu.dma_semaphore, #tpu.memory_space<semaphore_mem>>) attributes {dimension_semantics = [#tpu.dimension_semantics<core_parallel>, #tpu.dimension_semantics<subcore_parallel>], iteration_bounds = array<i64: 2, 16>, scalar_prefetch = 0 : i64, scratch_operands = 14 : i64, tpu.core_type = #tpu.core_type<sc_vector_subcore>, window_params = [{transform_indices = #map}, {transform_indices = #map}, {transform_indices = #map}, {transform_indices = #map}, {transform_indices = #map1}]} {
    %mul3A = arith.constant 2 : i32
    %mul3A_0 = arith.muli %arg1, %mul3A : i32
    %add3A = arith.addi %mul3A_0, %arg0 : i32
    %mul3A_1 = arith.constant 125000 : i32
    %mul3A_2 = arith.muli %add3A, %mul3A_1 : i32
    %jit3A = arith.constant 32 : i32
    %div3A = arith.divsi %mul3A_2, %jit3A : i32
    %sign3A = arith.constant 0 : i32
    %sign3A_3 = arith.cmpi sgt, %mul3A_2, %sign3A : i32
    %sign3A_4 = arith.extui %sign3A_3 : i1 to i32
    %sign3A_5 = arith.constant 0 : i32
    %sign3A_6 = arith.cmpi slt, %mul3A_2, %sign3A_5 : i32
    %sign3A_7 = arith.extui %sign3A_6 : i1 to i32
    %sign3A_8 = arith.subi %sign3A_4, %sign3A_7 : i32
    %sign3A_9 = arith.constant 0 : i32
    %sign3A_10 = arith.cmpi sgt, %jit3A, %sign3A_9 : i32
    %sign3A_11 = arith.extui %sign3A_10 : i1 to i32
    %sign3A_12 = arith.constant 0 : i32
    %sign3A_13 = arith.cmpi slt, %jit3A, %sign3A_12 : i32
    %sign3A_14 = arith.extui %sign3A_13 : i1 to i32
    %sign3A_15 = arith.subi %sign3A_11, %sign3A_14 : i32
    %ne3A = arith.cmpi ne, %sign3A_8, %sign3A_15 : i32
    %rem3A = arith.remsi %mul3A_2, %jit3A : i32
    %ne3A_16 = arith.constant 0 : i32
    %ne3A_17 = arith.cmpi ne, %rem3A, %ne3A_16 : i32
    %and3A = arith.andi %ne3A, %ne3A_17 : i1
    %sub3A = arith.constant 1 : i32
    %sub3A_18 = arith.subi %div3A, %sub3A : i32
    %select_n3A = arith.select %and3A, %sub3A_18, %div3A : i32
    %jit3A_19 = arith.constant 8 : i32
    %div3A_20 = arith.divsi %select_n3A, %jit3A_19 : i32
    %sign3A_21 = arith.constant 0 : i32
    %sign3A_22 = arith.cmpi sgt, %select_n3A, %sign3A_21 : i32
    %sign3A_23 = arith.extui %sign3A_22 : i1 to i32
    %sign3A_24 = arith.constant 0 : i32
    %sign3A_25 = arith.cmpi slt, %select_n3A, %sign3A_24 : i32
    %sign3A_26 = arith.extui %sign3A_25 : i1 to i32
    %sign3A_27 = arith.subi %sign3A_23, %sign3A_26 : i32
    %sign3A_28 = arith.constant 0 : i32
    %sign3A_29 = arith.cmpi sgt, %jit3A_19, %sign3A_28 : i32
    %sign3A_30 = arith.extui %sign3A_29 : i1 to i32
    %sign3A_31 = arith.constant 0 : i32
    %sign3A_32 = arith.cmpi slt, %jit3A_19, %sign3A_31 : i32
    %sign3A_33 = arith.extui %sign3A_32 : i1 to i32
    %sign3A_34 = arith.subi %sign3A_30, %sign3A_33 : i32
    %ne3A_35 = arith.cmpi ne, %sign3A_27, %sign3A_34 : i32
    %rem3A_36 = arith.remsi %select_n3A, %jit3A_19 : i32
    %ne3A_37 = arith.constant 0 : i32
    %ne3A_38 = arith.cmpi ne, %rem3A_36, %ne3A_37 : i32
    %and3A_39 = arith.andi %ne3A_35, %ne3A_38 : i1
    %sub3A_40 = arith.constant 1 : i32
    %sub3A_41 = arith.subi %div3A_20, %sub3A_40 : i32
    %select_n3A_42 = arith.select %and3A_39, %sub3A_41, %div3A_20 : i32
    %mul3A_43 = arith.constant 8 : i32
    %mul3A_44 = arith.muli %select_n3A_42, %mul3A_43 : i32
    %min3A = arith.constant 121088 : i32
    %min3A_45 = arith.minsi %mul3A_44, %min3A : i32
    %mul3A_46 = arith.constant 8 : i32
    %mul3A_47 = arith.muli %min3A_45, %mul3A_46 : i32
    %iota3A = tpu.iota {dimensions = array<i32: 0>} : vector<16xi32>
    %add3A_48 = arith.constant 0 : i32
    %add3A_49 = arith.addi %mul3A_47, %add3A_48 : i32
    %dma_start3A = tpu.memref_slice %arg2[%add3A_49] : memref<1000000xf32, #tpu.memory_space<hbm>> -> memref<7824xf32, #tpu.memory_space<hbm>>
    %dma_start3A_50 = tpu.memref_slice %arg2[%add3A_49] : memref<1000000xf32, #tpu.memory_space<hbm>> -> memref<7824xf32, #tpu.memory_space<hbm>>
    tpu.enqueue_dma source(%dma_start3A_50 : memref<7824xf32, #tpu.memory_space<hbm>>) target(%arg7 : memref<7824xf32, #tpu.memory_space<vmem>>) target_semaphore(%arg17 : memref<!tpu.dma_semaphore, #tpu.memory_space<semaphore_mem>>)
    %add3A_51 = arith.constant 0 : i32
    %add3A_52 = arith.addi %mul3A_47, %add3A_51 : i32
    %dma_start3A_53 = tpu.memref_slice %arg3[%add3A_52] : memref<1000000xf32, #tpu.memory_space<hbm>> -> memref<7824xf32, #tpu.memory_space<hbm>>
    %dma_start3A_54 = tpu.memref_slice %arg3[%add3A_52] : memref<1000000xf32, #tpu.memory_space<hbm>> -> memref<7824xf32, #tpu.memory_space<hbm>>
    tpu.enqueue_dma source(%dma_start3A_54 : memref<7824xf32, #tpu.memory_space<hbm>>) target(%arg8 : memref<7824xf32, #tpu.memory_space<vmem>>) target_semaphore(%arg17 : memref<!tpu.dma_semaphore, #tpu.memory_space<semaphore_mem>>)
    %add3A_55 = arith.constant 0 : i32
    %add3A_56 = arith.addi %mul3A_47, %add3A_55 : i32
    %dma_start3A_57 = tpu.memref_slice %arg4[%add3A_56] : memref<1000000xf32, #tpu.memory_space<hbm>> -> memref<7824xf32, #tpu.memory_space<hbm>>
    %dma_start3A_58 = tpu.memref_slice %arg4[%add3A_56] : memref<1000000xf32, #tpu.memory_space<hbm>> -> memref<7824xf32, #tpu.memory_space<hbm>>
    tpu.enqueue_dma source(%dma_start3A_58 : memref<7824xf32, #tpu.memory_space<hbm>>) target(%arg9 : memref<7824xf32, #tpu.memory_space<vmem>>) target_semaphore(%arg17 : memref<!tpu.dma_semaphore, #tpu.memory_space<semaphore_mem>>)
    %add3A_59 = arith.constant 0 : i32
    %add3A_60 = arith.addi %mul3A_47, %add3A_59 : i32
    %dma_start3A_61 = tpu.memref_slice %arg5[%add3A_60] : memref<1000000xf32, #tpu.memory_space<hbm>> -> memref<7824xf32, #tpu.memory_space<hbm>>
    %dma_start3A_62 = tpu.memref_slice %arg5[%add3A_60] : memref<1000000xf32, #tpu.memory_space<hbm>> -> memref<7824xf32, #tpu.memory_space<hbm>>
    tpu.enqueue_dma source(%dma_start3A_62 : memref<7824xf32, #tpu.memory_space<hbm>>) target(%arg10 : memref<7824xf32, #tpu.memory_space<vmem>>) target_semaphore(%arg17 : memref<!tpu.dma_semaphore, #tpu.memory_space<semaphore_mem>>)
    %add3A_63 = arith.constant 7824 : i32
    %add3A_64 = arith.addi %mul3A_47, %add3A_63 : i32
    %dma_start3A_65 = tpu.memref_slice %arg2[%add3A_64] : memref<1000000xf32, #tpu.memory_space<hbm>> -> memref<7824xf32, #tpu.memory_space<hbm>>
    %dma_start3A_66 = tpu.memref_slice %arg2[%add3A_64] : memref<1000000xf32, #tpu.memory_space<hbm>> -> memref<7824xf32, #tpu.memory_space<hbm>>
    tpu.enqueue_dma source(%dma_start3A_66 : memref<7824xf32, #tpu.memory_space<hbm>>) target(%arg11 : memref<7824xf32, #tpu.memory_space<vmem>>) target_semaphore(%arg18 : memref<!tpu.dma_semaphore, #tpu.memory_space<semaphore_mem>>)
    %add3A_67 = arith.constant 7824 : i32
    %add3A_68 = arith.addi %mul3A_47, %add3A_67 : i32
    %dma_start3A_69 = tpu.memref_slice %arg3[%add3A_68] : memref<1000000xf32, #tpu.memory_space<hbm>> -> memref<7824xf32, #tpu.memory_space<hbm>>
    %dma_start3A_70 = tpu.memref_slice %arg3[%add3A_68] : memref<1000000xf32, #tpu.memory_space<hbm>> -> memref<7824xf32, #tpu.memory_space<hbm>>
    tpu.enqueue_dma source(%dma_start3A_70 : memref<7824xf32, #tpu.memory_space<hbm>>) target(%arg12 : memref<7824xf32, #tpu.memory_space<vmem>>) target_semaphore(%arg18 : memref<!tpu.dma_semaphore, #tpu.memory_space<semaphore_mem>>)
    %add3A_71 = arith.constant 7824 : i32
    %add3A_72 = arith.addi %mul3A_47, %add3A_71 : i32
    %dma_start3A_73 = tpu.memref_slice %arg4[%add3A_72] : memref<1000000xf32, #tpu.memory_space<hbm>> -> memref<7824xf32, #tpu.memory_space<hbm>>
    %dma_start3A_74 = tpu.memref_slice %arg4[%add3A_72] : memref<1000000xf32, #tpu.memory_space<hbm>> -> memref<7824xf32, #tpu.memory_space<hbm>>
    tpu.enqueue_dma source(%dma_start3A_74 : memref<7824xf32, #tpu.memory_space<hbm>>) target(%arg13 : memref<7824xf32, #tpu.memory_space<vmem>>) target_semaphore(%arg18 : memref<!tpu.dma_semaphore, #tpu.memory_space<semaphore_mem>>)
    %add3A_75 = arith.constant 7824 : i32
    %add3A_76 = arith.addi %mul3A_47, %add3A_75 : i32
    %dma_start3A_77 = tpu.memref_slice %arg5[%add3A_76] : memref<1000000xf32, #tpu.memory_space<hbm>> -> memref<7824xf32, #tpu.memory_space<hbm>>
    %dma_start3A_78 = tpu.memref_slice %arg5[%add3A_76] : memref<1000000xf32, #tpu.memory_space<hbm>> -> memref<7824xf32, #tpu.memory_space<hbm>>
    tpu.enqueue_dma source(%dma_start3A_78 : memref<7824xf32, #tpu.memory_space<hbm>>) target(%arg14 : memref<7824xf32, #tpu.memory_space<vmem>>) target_semaphore(%arg18 : memref<!tpu.dma_semaphore, #tpu.memory_space<semaphore_mem>>)
    %scan3A = arith.constant 0 : i32
    %scan3A_79 = arith.constant 2 : i32
    %scan3A_80 = arith.addi %scan3A, %scan3A_79 : i32
    %scan3A_81 = arith.constant 1 : i32
    scf.for %scan3A_94 = %scan3A to %scan3A_80 step %scan3A_81  : i32 {
      %mul3A_95 = arith.constant 2 : i32
      %mul3A_96 = arith.muli %scan3A_94, %mul3A_95 : i32
      %add3A_97 = arith.constant 0 : i32
      %add3A_98 = arith.addi %add3A_97, %mul3A_96 : i32
      %mul3A_99 = arith.constant 7824 : i32
      %mul3A_100 = arith.muli %add3A_98, %mul3A_99 : i32
      %add3A_101 = arith.addi %mul3A_47, %mul3A_100 : i32
      %dma_wait3A_102 = tpu.memref_slice %arg2[%add3A_101] : memref<1000000xf32, #tpu.memory_space<hbm>> -> memref<7824xf32, #tpu.memory_space<hbm>>
      %dma_wait3A_103 = tpu.memref_slice %arg2[%add3A_101] : memref<1000000xf32, #tpu.memory_space<hbm>> -> memref<7824xf32, #tpu.memory_space<hbm>>
      tpu.wait_dma2 semaphore(%arg17 : memref<!tpu.dma_semaphore, #tpu.memory_space<semaphore_mem>>) src(%dma_wait3A_103 : memref<7824xf32, #tpu.memory_space<hbm>>) dst(%arg7 : memref<7824xf32, #tpu.memory_space<vmem>>)
      %mul3A_104 = arith.constant 7824 : i32
      %mul3A_105 = arith.muli %add3A_98, %mul3A_104 : i32
      %add3A_106 = arith.addi %mul3A_47, %mul3A_105 : i32
      %dma_wait3A_107 = tpu.memref_slice %arg3[%add3A_106] : memref<1000000xf32, #tpu.memory_space<hbm>> -> memref<7824xf32, #tpu.memory_space<hbm>>
      %dma_wait3A_108 = tpu.memref_slice %arg3[%add3A_106] : memref<1000000xf32, #tpu.memory_space<hbm>> -> memref<7824xf32, #tpu.memory_space<hbm>>
      tpu.wait_dma2 semaphore(%arg17 : memref<!tpu.dma_semaphore, #tpu.memory_space<semaphore_mem>>) src(%dma_wait3A_108 : memref<7824xf32, #tpu.memory_space<hbm>>) dst(%arg8 : memref<7824xf32, #tpu.memory_space<vmem>>)
      %mul3A_109 = arith.constant 7824 : i32
      %mul3A_110 = arith.muli %add3A_98, %mul3A_109 : i32
      %add3A_111 = arith.addi %mul3A_47, %mul3A_110 : i32
      %dma_wait3A_112 = tpu.memref_slice %arg4[%add3A_111] : memref<1000000xf32, #tpu.memory_space<hbm>> -> memref<7824xf32, #tpu.memory_space<hbm>>
      %dma_wait3A_113 = tpu.memref_slice %arg4[%add3A_111] : memref<1000000xf32, #tpu.memory_space<hbm>> -> memref<7824xf32, #tpu.memory_space<hbm>>
      tpu.wait_dma2 semaphore(%arg17 : memref<!tpu.dma_semaphore, #tpu.memory_space<semaphore_mem>>) src(%dma_wait3A_113 : memref<7824xf32, #tpu.memory_space<hbm>>) dst(%arg9 : memref<7824xf32, #tpu.memory_space<vmem>>)
      %mul3A_114 = arith.constant 7824 : i32
      %mul3A_115 = arith.muli %add3A_98, %mul3A_114 : i32
      %add3A_116 = arith.addi %mul3A_47, %mul3A_115 : i32
      %dma_wait3A_117 = tpu.memref_slice %arg5[%add3A_116] : memref<1000000xf32, #tpu.memory_space<hbm>> -> memref<7824xf32, #tpu.memory_space<hbm>>
      %dma_wait3A_118 = tpu.memref_slice %arg5[%add3A_116] : memref<1000000xf32, #tpu.memory_space<hbm>> -> memref<7824xf32, #tpu.memory_space<hbm>>
      tpu.wait_dma2 semaphore(%arg17 : memref<!tpu.dma_semaphore, #tpu.memory_space<semaphore_mem>>) src(%dma_wait3A_118 : memref<7824xf32, #tpu.memory_space<hbm>>) dst(%arg10 : memref<7824xf32, #tpu.memory_space<vmem>>)
      %ge3A = arith.constant 2 : i32
      %ge3A_119 = arith.cmpi sge, %add3A_98, %ge3A : i32
      %convert_element_type3A = arith.extui %ge3A_119 : i1 to i32
      %cond3A = arith.constant 0 : i32
      %cond3A_120 = arith.cmpi ne, %convert_element_type3A, %cond3A : i32
      scf.if %cond3A_120 {
        %sub3A_185 = arith.constant 2 : i32
        %sub3A_186 = arith.subi %add3A_98, %sub3A_185 : i32
        %mul3A_187 = arith.constant 978 : i32
        %mul3A_188 = arith.muli %sub3A_186, %mul3A_187 : i32
        %add3A_189 = arith.addi %min3A_45, %mul3A_188 : i32
        %dma_wait3A_190 = arith.constant 0 : i32
        %dma_wait3A_191 = tpu.memref_slice %arg6[%add3A_189, %dma_wait3A_190] : memref<125000x8xi32, #tpu.memory_space<hbm>> -> memref<978x8xi32, #tpu.memory_space<hbm>>
        %dma_wait3A_192 = arith.constant 0 : i32
        %dma_wait3A_193 = tpu.memref_slice %arg6[%add3A_189, %dma_wait3A_192] : memref<125000x8xi32, #tpu.memory_space<hbm>> -> memref<978x8xi32, #tpu.memory_space<hbm>>
        tpu.wait_dma2 semaphore(%arg19 : memref<!tpu.dma_semaphore, #tpu.memory_space<semaphore_mem>>) src(%arg15 : memref<978x8xi32, #tpu.memory_space<vmem>>) dst(%dma_wait3A_193 : memref<978x8xi32, #tpu.memory_space<hbm>>)
      } else {
      }
      %scan3A_121 = arith.constant 0 : i32
      %scan3A_122 = arith.constant 489 : i32
      %scan3A_123 = arith.addi %scan3A_121, %scan3A_122 : i32
      %scan3A_124 = arith.constant 1 : i32
      scf.for %scan3A_185 = %scan3A_121 to %scan3A_123 step %scan3A_124  : i32 {
        %mul3A_186 = arith.constant 16 : i32
        %mul3A_187 = arith.muli %scan3A_185, %mul3A_186 : i32
        %add3A_188 = arith.constant 0 : i32
        %add3A_189 = arith.addi %add3A_188, %mul3A_187 : i32
        %get3A = arith.index_cast %add3A_189 : i32 to index
        %get3A_190 = tpu.vector_load %arg7[%get3A] {strides = array<i32>} : memref<7824xf32, #tpu.memory_space<vmem>>, vector<16xf32>,
        %ge3A_191 = arith.constant 0.000000e+00 : f32
        %ge3A_192 = vector.broadcast %ge3A_191 : f32 to vector<16xf32>
        %ge3A_193 = arith.cmpf oge, %get3A_190, %ge3A_192 : vector<16xf32>
        %get3A_194 = arith.index_cast %add3A_189 : i32 to index
        %get3A_195 = tpu.vector_load %arg9[%get3A_194] {strides = array<i32>} : memref<7824xf32, #tpu.memory_space<vmem>>, vector<16xf32>,
        %select_n3A_196 = arith.select %ge3A_193, %get3A_190, %get3A_195 : vector<16xi1>, vector<16xf32>
        %get3A_197 = arith.index_cast %add3A_189 : i32 to index
        %get3A_198 = tpu.vector_load %arg8[%get3A_197] {strides = array<i32>} : memref<7824xf32, #tpu.memory_space<vmem>>, vector<16xf32>,
        %get3A_199 = arith.index_cast %add3A_189 : i32 to index
        %get3A_200 = tpu.vector_load %arg10[%get3A_199] {strides = array<i32>} : memref<7824xf32, #tpu.memory_space<vmem>>, vector<16xf32>,
        %select_n3A_201 = arith.select %ge3A_193, %get3A_198, %get3A_200 : vector<16xi1>, vector<16xf32>
        %div3A_202 = arith.constant 1.000000e+00 : f32
        %div3A_203 = vector.broadcast %div3A_202 : f32 to vector<16xf32>
        %div3A_204 = arith.divf %div3A_203, %select_n3A_201 : vector<16xf32>
        %mul3A_205 = arith.mulf %select_n3A_196, %div3A_204 : vector<16xf32>
        %pack3A = tpu.pack_subelements %div3A_204, %mul3A_205 {pack_format = #tpu.pack_format<interleaved>, positions = array<i32: 0, 1>} : vector<16xf32>, vector<16xf32> -> vector<32xbf16>
        %bitcast3A = vector.bitcast %pack3A : vector<32xbf16> to vector<16xi32>
        %add3A_206 = vector.broadcast %add3A_189 : i32 to vector<16xi32>
        %add3A_207 = arith.addi %add3A_206, %iota3A : vector<16xi32>
        %shift_right_arithmetic3A = arith.constant 3 : i32
        %shift_right_arithmetic3A_208 = vector.broadcast %shift_right_arithmetic3A : i32 to vector<16xi32>
        %shift_right_arithmetic3A_209 = arith.shrsi %add3A_207, %shift_right_arithmetic3A_208 : vector<16xi32>
        %and3A_210 = arith.constant 7 : i32
        %and3A_211 = vector.broadcast %and3A_210 : i32 to vector<16xi32>
        %and3A_212 = arith.andi %add3A_207, %and3A_211 : vector<16xi32>
        tpu.vector_store_idx %arg15[%shift_right_arithmetic3A_209, %and3A_212], %bitcast3A : memref<978x8xi32, #tpu.memory_space<vmem>>[vector<16xi32>, vector<16xi32>], vector<16xi32>,
      }
      %scan3A_125 = arith.constant 489 : i32
      %mul3A_126 = arith.constant 978 : i32
      %mul3A_127 = arith.muli %add3A_98, %mul3A_126 : i32
      %add3A_128 = arith.addi %min3A_45, %mul3A_127 : i32
      %dma_start3A_129 = arith.constant 0 : i32
      %dma_start3A_130 = tpu.memref_slice %arg6[%add3A_128, %dma_start3A_129] : memref<125000x8xi32, #tpu.memory_space<hbm>> -> memref<978x8xi32, #tpu.memory_space<hbm>>
      %dma_start3A_131 = arith.constant 0 : i32
      %dma_start3A_132 = tpu.memref_slice %arg6[%add3A_128, %dma_start3A_131] : memref<125000x8xi32, #tpu.memory_space<hbm>> -> memref<978x8xi32, #tpu.memory_space<hbm>>
      tpu.enqueue_dma source(%arg15 : memref<978x8xi32, #tpu.memory_space<vmem>>) target(%dma_start3A_132 : memref<978x8xi32, #tpu.memory_space<hbm>>) target_semaphore(%arg19 : memref<!tpu.dma_semaphore, #tpu.memory_space<semaphore_mem>>)
      %add3A_133 = arith.constant 2 : i32
      %add3A_134 = arith.addi %add3A_98, %add3A_133 : i32
      %lt3A = arith.constant 4 : i32
      %lt3A_135 = arith.cmpi slt, %add3A_134, %lt3A : i32
      %convert_element_type3A_136 = arith.extui %lt3A_135 : i1 to i32
      %cond3A_137 = arith.constant 0 : i32
      %cond3A_138 = arith.cmpi ne, %convert_element_type3A_136, %cond3A_137 : i32
      scf.if %cond3A_138 {
        %add3A_185 = arith.constant 2 : i32
        %add3A_186 = arith.addi %add3A_98, %add3A_185 : i32
        %mul3A_187 = arith.constant 7824 : i32
        %mul3A_188 = arith.muli %add3A_186, %mul3A_187 : i32
        %add3A_189 = arith.addi %mul3A_47, %mul3A_188 : i32
        %dma_start3A_190 = tpu.memref_slice %arg2[%add3A_189] : memref<1000000xf32, #tpu.memory_space<hbm>> -> memref<7824xf32, #tpu.memory_space<hbm>>
        %dma_start3A_191 = tpu.memref_slice %arg2[%add3A_189] : memref<1000000xf32, #tpu.memory_space<hbm>> -> memref<7824xf32, #tpu.memory_space<hbm>>
        tpu.enqueue_dma source(%dma_start3A_191 : memref<7824xf32, #tpu.memory_space<hbm>>) target(%arg7 : memref<7824xf32, #tpu.memory_space<vmem>>) target_semaphore(%arg17 : memref<!tpu.dma_semaphore, #tpu.memory_space<semaphore_mem>>)
        %mul3A_192 = arith.constant 7824 : i32
        %mul3A_193 = arith.muli %add3A_186, %mul3A_192 : i32
        %add3A_194 = arith.addi %mul3A_47, %mul3A_193 : i32
        %dma_start3A_195 = tpu.memref_slice %arg3[%add3A_194] : memref<1000000xf32, #tpu.memory_space<hbm>> -> memref<7824xf32, #tpu.memory_space<hbm>>
        %dma_start3A_196 = tpu.memref_slice %arg3[%add3A_194] : memref<1000000xf32, #tpu.memory_space<hbm>> -> memref<7824xf32, #tpu.memory_space<hbm>>
        tpu.enqueue_dma source(%dma_start3A_196 : memref<7824xf32, #tpu.memory_space<hbm>>) target(%arg8 : memref<7824xf32, #tpu.memory_space<vmem>>) target_semaphore(%arg17 : memref<!tpu.dma_semaphore, #tpu.memory_space<semaphore_mem>>)
        %mul3A_197 = arith.constant 7824 : i32
        %mul3A_198 = arith.muli %add3A_186, %mul3A_197 : i32
        %add3A_199 = arith.addi %mul3A_47, %mul3A_198 : i32
        %dma_start3A_200 = tpu.memref_slice %arg4[%add3A_199] : memref<1000000xf32, #tpu.memory_space<hbm>> -> memref<7824xf32, #tpu.memory_space<hbm>>
        %dma_start3A_201 = tpu.memref_slice %arg4[%add3A_199] : memref<1000000xf32, #tpu.memory_space<hbm>> -> memref<7824xf32, #tpu.memory_space<hbm>>
        tpu.enqueue_dma source(%dma_start3A_201 : memref<7824xf32, #tpu.memory_space<hbm>>) target(%arg9 : memref<7824xf32, #tpu.memory_space<vmem>>) target_semaphore(%arg17 : memref<!tpu.dma_semaphore, #tpu.memory_space<semaphore_mem>>)
        %mul3A_202 = arith.constant 7824 : i32
        %mul3A_203 = arith.muli %add3A_186, %mul3A_202 : i32
        %add3A_204 = arith.addi %mul3A_47, %mul3A_203 : i32
        %dma_start3A_205 = tpu.memref_slice %arg5[%add3A_204] : memref<1000000xf32, #tpu.memory_space<hbm>> -> memref<7824xf32, #tpu.memory_space<hbm>>
        %dma_start3A_206 = tpu.memref_slice %arg5[%add3A_204] : memref<1000000xf32, #tpu.memory_space<hbm>> -> memref<7824xf32, #tpu.memory_space<hbm>>
        tpu.enqueue_dma source(%dma_start3A_206 : memref<7824xf32, #tpu.memory_space<hbm>>) target(%arg10 : memref<7824xf32, #tpu.memory_space<vmem>>) target_semaphore(%arg17 : memref<!tpu.dma_semaphore, #tpu.memory_space<semaphore_mem>>)
      } else {
      }
      %add3A_139 = arith.constant 1 : i32
      %add3A_140 = arith.addi %add3A_98, %add3A_139 : i32
      %mul3A_141 = arith.constant 7824 : i32
      %mul3A_142 = arith.muli %add3A_140, %mul3A_141 : i32
      %add3A_143 = arith.addi %mul3A_47, %mul3A_142 : i32
      %dma_wait3A_144 = tpu.memref_slice %arg2[%add3A_143] : memref<1000000xf32, #tpu.memory_space<hbm>> -> memref<7824xf32, #tpu.memory_space<hbm>>
      %dma_wait3A_145 = tpu.memref_slice %arg2[%add3A_143] : memref<1000000xf32, #tpu.memory_space<hbm>> -> memref<7824xf32, #tpu.memory_space<hbm>>
      tpu.wait_dma2 semaphore(%arg18 : memref<!tpu.dma_semaphore, #tpu.memory_space<semaphore_mem>>) src(%dma_wait3A_145 : memref<7824xf32, #tpu.memory_space<hbm>>) dst(%arg11 : memref<7824xf32, #tpu.memory_space<vmem>>)
      %mul3A_146 = arith.constant 7824 : i32
      %mul3A_147 = arith.muli %add3A_140, %mul3A_146 : i32
      %add3A_148 = arith.addi %mul3A_47, %mul3A_147 : i32
      %dma_wait3A_149 = tpu.memref_slice %arg3[%add3A_148] : memref<1000000xf32, #tpu.memory_space<hbm>> -> memref<7824xf32, #tpu.memory_space<hbm>>
      %dma_wait3A_150 = tpu.memref_slice %arg3[%add3A_148] : memref<1000000xf32, #tpu.memory_space<hbm>> -> memref<7824xf32, #tpu.memory_space<hbm>>
      tpu.wait_dma2 semaphore(%arg18 : memref<!tpu.dma_semaphore, #tpu.memory_space<semaphore_mem>>) src(%dma_wait3A_150 : memref<7824xf32, #tpu.memory_space<hbm>>) dst(%arg12 : memref<7824xf32, #tpu.memory_space<vmem>>)
      %mul3A_151 = arith.constant 7824 : i32
      %mul3A_152 = arith.muli %add3A_140, %mul3A_151 : i32
      %add3A_153 = arith.addi %mul3A_47, %mul3A_152 : i32
      %dma_wait3A_154 = tpu.memref_slice %arg4[%add3A_153] : memref<1000000xf32, #tpu.memory_space<hbm>> -> memref<7824xf32, #tpu.memory_space<hbm>>
      %dma_wait3A_155 = tpu.memref_slice %arg4[%add3A_153] : memref<1000000xf32, #tpu.memory_space<hbm>> -> memref<7824xf32, #tpu.memory_space<hbm>>
      tpu.wait_dma2 semaphore(%arg18 : memref<!tpu.dma_semaphore, #tpu.memory_space<semaphore_mem>>) src(%dma_wait3A_155 : memref<7824xf32, #tpu.memory_space<hbm>>) dst(%arg13 : memref<7824xf32, #tpu.memory_space<vmem>>)
      %mul3A_156 = arith.constant 7824 : i32
      %mul3A_157 = arith.muli %add3A_140, %mul3A_156 : i32
      %add3A_158 = arith.addi %mul3A_47, %mul3A_157 : i32
      %dma_wait3A_159 = tpu.memref_slice %arg5[%add3A_158] : memref<1000000xf32, #tpu.memory_space<hbm>> -> memref<7824xf32, #tpu.memory_space<hbm>>
      %dma_wait3A_160 = tpu.memref_slice %arg5[%add3A_158] : memref<1000000xf32, #tpu.memory_space<hbm>> -> memref<7824xf32, #tpu.memory_space<hbm>>
      tpu.wait_dma2 semaphore(%arg18 : memref<!tpu.dma_semaphore, #tpu.memory_space<semaphore_mem>>) src(%dma_wait3A_160 : memref<7824xf32, #tpu.memory_space<hbm>>) dst(%arg14 : memref<7824xf32, #tpu.memory_space<vmem>>)
      %ge3A_161 = arith.constant 2 : i32
      %ge3A_162 = arith.cmpi sge, %add3A_140, %ge3A_161 : i32
      %convert_element_type3A_163 = arith.extui %ge3A_162 : i1 to i32
      %cond3A_164 = arith.constant 0 : i32
      %cond3A_165 = arith.cmpi ne, %convert_element_type3A_163, %cond3A_164 : i32
      scf.if %cond3A_165 {
        %sub3A_185 = arith.constant 2 : i32
        %sub3A_186 = arith.subi %add3A_140, %sub3A_185 : i32
        %mul3A_187 = arith.constant 978 : i32
        %mul3A_188 = arith.muli %sub3A_186, %mul3A_187 : i32
        %add3A_189 = arith.addi %min3A_45, %mul3A_188 : i32
        %dma_wait3A_190 = arith.constant 0 : i32
        %dma_wait3A_191 = tpu.memref_slice %arg6[%add3A_189, %dma_wait3A_190] : memref<125000x8xi32, #tpu.memory_space<hbm>> -> memref<978x8xi32, #tpu.memory_space<hbm>>
        %dma_wait3A_192 = arith.constant 0 : i32
        %dma_wait3A_193 = tpu.memref_slice %arg6[%add3A_189, %dma_wait3A_192] : memref<125000x8xi32, #tpu.memory_space<hbm>> -> memref<978x8xi32, #tpu.memory_space<hbm>>
        tpu.wait_dma2 semaphore(%arg20 : memref<!tpu.dma_semaphore, #tpu.memory_space<semaphore_mem>>) src(%arg16 : memref<978x8xi32, #tpu.memory_space<vmem>>) dst(%dma_wait3A_193 : memref<978x8xi32, #tpu.memory_space<hbm>>)
      } else {
      }
      %scan3A_166 = arith.constant 0 : i32
      %scan3A_167 = arith.constant 489 : i32
      %scan3A_168 = arith.addi %scan3A_166, %scan3A_167 : i32
      %scan3A_169 = arith.constant 1 : i32
      scf.for %scan3A_185 = %scan3A_166 to %scan3A_168 step %scan3A_169  : i32 {
        %mul3A_186 = arith.constant 16 : i32
        %mul3A_187 = arith.muli %scan3A_185, %mul3A_186 : i32
        %add3A_188 = arith.constant 0 : i32
        %add3A_189 = arith.addi %add3A_188, %mul3A_187 : i32
        %get3A = arith.index_cast %add3A_189 : i32 to index
        %get3A_190 = tpu.vector_load %arg11[%get3A] {strides = array<i32>} : memref<7824xf32, #tpu.memory_space<vmem>>, vector<16xf32>,
        %ge3A_191 = arith.constant 0.000000e+00 : f32
        %ge3A_192 = vector.broadcast %ge3A_191 : f32 to vector<16xf32>
        %ge3A_193 = arith.cmpf oge, %get3A_190, %ge3A_192 : vector<16xf32>
        %get3A_194 = arith.index_cast %add3A_189 : i32 to index
        %get3A_195 = tpu.vector_load %arg13[%get3A_194] {strides = array<i32>} : memref<7824xf32, #tpu.memory_space<vmem>>, vector<16xf32>,
        %select_n3A_196 = arith.select %ge3A_193, %get3A_190, %get3A_195 : vector<16xi1>, vector<16xf32>
        %get3A_197 = arith.index_cast %add3A_189 : i32 to index
        %get3A_198 = tpu.vector_load %arg12[%get3A_197] {strides = array<i32>} : memref<7824xf32, #tpu.memory_space<vmem>>, vector<16xf32>,
        %get3A_199 = arith.index_cast %add3A_189 : i32 to index
        %get3A_200 = tpu.vector_load %arg14[%get3A_199] {strides = array<i32>} : memref<7824xf32, #tpu.memory_space<vmem>>, vector<16xf32>,
        %select_n3A_201 = arith.select %ge3A_193, %get3A_198, %get3A_200 : vector<16xi1>, vector<16xf32>
        %div3A_202 = arith.constant 1.000000e+00 : f32
        %div3A_203 = vector.broadcast %div3A_202 : f32 to vector<16xf32>
        %div3A_204 = arith.divf %div3A_203, %select_n3A_201 : vector<16xf32>
        %mul3A_205 = arith.mulf %select_n3A_196, %div3A_204 : vector<16xf32>
        %pack3A = tpu.pack_subelements %div3A_204, %mul3A_205 {pack_format = #tpu.pack_format<interleaved>, positions = array<i32: 0, 1>} : vector<16xf32>, vector<16xf32> -> vector<32xbf16>
        %bitcast3A = vector.bitcast %pack3A : vector<32xbf16> to vector<16xi32>
        %add3A_206 = vector.broadcast %add3A_189 : i32 to vector<16xi32>
        %add3A_207 = arith.addi %add3A_206, %iota3A : vector<16xi32>
        %shift_right_arithmetic3A = arith.constant 3 : i32
        %shift_right_arithmetic3A_208 = vector.broadcast %shift_right_arithmetic3A : i32 to vector<16xi32>
        %shift_right_arithmetic3A_209 = arith.shrsi %add3A_207, %shift_right_arithmetic3A_208 : vector<16xi32>
        %and3A_210 = arith.constant 7 : i32
        %and3A_211 = vector.broadcast %and3A_210 : i32 to vector<16xi32>
        %and3A_212 = arith.andi %add3A_207, %and3A_211 : vector<16xi32>
        tpu.vector_store_idx %arg16[%shift_right_arithmetic3A_209, %and3A_212], %bitcast3A : memref<978x8xi32, #tpu.memory_space<vmem>>[vector<16xi32>, vector<16xi32>], vector<16xi32>,
      }
      %scan3A_170 = arith.constant 489 : i32
      %mul3A_171 = arith.constant 978 : i32
      %mul3A_172 = arith.muli %add3A_140, %mul3A_171 : i32
      %add3A_173 = arith.addi %min3A_45, %mul3A_172 : i32
      %dma_start3A_174 = arith.constant 0 : i32
      %dma_start3A_175 = tpu.memref_slice %arg6[%add3A_173, %dma_start3A_174] : memref<125000x8xi32, #tpu.memory_space<hbm>> -> memref<978x8xi32, #tpu.memory_space<hbm>>
      %dma_start3A_176 = arith.constant 0 : i32
      %dma_start3A_177 = tpu.memref_slice %arg6[%add3A_173, %dma_start3A_176] : memref<125000x8xi32, #tpu.memory_space<hbm>> -> memref<978x8xi32, #tpu.memory_space<hbm>>
      tpu.enqueue_dma source(%arg16 : memref<978x8xi32, #tpu.memory_space<vmem>>) target(%dma_start3A_177 : memref<978x8xi32, #tpu.memory_space<hbm>>) target_semaphore(%arg20 : memref<!tpu.dma_semaphore, #tpu.memory_space<semaphore_mem>>)
      %add3A_178 = arith.constant 2 : i32
      %add3A_179 = arith.addi %add3A_140, %add3A_178 : i32
      %lt3A_180 = arith.constant 4 : i32
      %lt3A_181 = arith.cmpi slt, %add3A_179, %lt3A_180 : i32
      %convert_element_type3A_182 = arith.extui %lt3A_181 : i1 to i32
      %cond3A_183 = arith.constant 0 : i32
      %cond3A_184 = arith.cmpi ne, %convert_element_type3A_182, %cond3A_183 : i32
      scf.if %cond3A_184 {
        %add3A_185 = arith.constant 2 : i32
        %add3A_186 = arith.addi %add3A_140, %add3A_185 : i32
        %mul3A_187 = arith.constant 7824 : i32
        %mul3A_188 = arith.muli %add3A_186, %mul3A_187 : i32
        %add3A_189 = arith.addi %mul3A_47, %mul3A_188 : i32
        %dma_start3A_190 = tpu.memref_slice %arg2[%add3A_189] : memref<1000000xf32, #tpu.memory_space<hbm>> -> memref<7824xf32, #tpu.memory_space<hbm>>
        %dma_start3A_191 = tpu.memref_slice %arg2[%add3A_189] : memref<1000000xf32, #tpu.memory_space<hbm>> -> memref<7824xf32, #tpu.memory_space<hbm>>
        tpu.enqueue_dma source(%dma_start3A_191 : memref<7824xf32, #tpu.memory_space<hbm>>) target(%arg11 : memref<7824xf32, #tpu.memory_space<vmem>>) target_semaphore(%arg18 : memref<!tpu.dma_semaphore, #tpu.memory_space<semaphore_mem>>)
        %mul3A_192 = arith.constant 7824 : i32
        %mul3A_193 = arith.muli %add3A_186, %mul3A_192 : i32
        %add3A_194 = arith.addi %mul3A_47, %mul3A_193 : i32
        %dma_start3A_195 = tpu.memref_slice %arg3[%add3A_194] : memref<1000000xf32, #tpu.memory_space<hbm>> -> memref<7824xf32, #tpu.memory_space<hbm>>
        %dma_start3A_196 = tpu.memref_slice %arg3[%add3A_194] : memref<1000000xf32, #tpu.memory_space<hbm>> -> memref<7824xf32, #tpu.memory_space<hbm>>
        tpu.enqueue_dma source(%dma_start3A_196 : memref<7824xf32, #tpu.memory_space<hbm>>) target(%arg12 : memref<7824xf32, #tpu.memory_space<vmem>>) target_semaphore(%arg18 : memref<!tpu.dma_semaphore, #tpu.memory_space<semaphore_mem>>)
        %mul3A_197 = arith.constant 7824 : i32
        %mul3A_198 = arith.muli %add3A_186, %mul3A_197 : i32
        %add3A_199 = arith.addi %mul3A_47, %mul3A_198 : i32
        %dma_start3A_200 = tpu.memref_slice %arg4[%add3A_199] : memref<1000000xf32, #tpu.memory_space<hbm>> -> memref<7824xf32, #tpu.memory_space<hbm>>
        %dma_start3A_201 = tpu.memref_slice %arg4[%add3A_199] : memref<1000000xf32, #tpu.memory_space<hbm>> -> memref<7824xf32, #tpu.memory_space<hbm>>
        tpu.enqueue_dma source(%dma_start3A_201 : memref<7824xf32, #tpu.memory_space<hbm>>) target(%arg13 : memref<7824xf32, #tpu.memory_space<vmem>>) target_semaphore(%arg18 : memref<!tpu.dma_semaphore, #tpu.memory_space<semaphore_mem>>)
        %mul3A_202 = arith.constant 7824 : i32
        %mul3A_203 = arith.muli %add3A_186, %mul3A_202 : i32
        %add3A_204 = arith.addi %mul3A_47, %mul3A_203 : i32
        %dma_start3A_205 = tpu.memref_slice %arg5[%add3A_204] : memref<1000000xf32, #tpu.memory_space<hbm>> -> memref<7824xf32, #tpu.memory_space<hbm>>
        %dma_start3A_206 = tpu.memref_slice %arg5[%add3A_204] : memref<1000000xf32, #tpu.memory_space<hbm>> -> memref<7824xf32, #tpu.memory_space<hbm>>
        tpu.enqueue_dma source(%dma_start3A_206 : memref<7824xf32, #tpu.memory_space<hbm>>) target(%arg14 : memref<7824xf32, #tpu.memory_space<vmem>>) target_semaphore(%arg18 : memref<!tpu.dma_semaphore, #tpu.memory_space<semaphore_mem>>)
      } else {
      }
    }
    %scan3A_82 = arith.constant 2 : i32
    %add3A_83 = arith.constant 1956 : i32
    %add3A_84 = arith.addi %min3A_45, %add3A_83 : i32
    %dma_wait3A = arith.constant 0 : i32
    %dma_wait3A_85 = tpu.memref_slice %arg6[%add3A_84, %dma_wait3A] : memref<125000x8xi32, #tpu.memory_space<hbm>> -> memref<978x8xi32, #tpu.memory_space<hbm>>
    %dma_wait3A_86 = arith.constant 0 : i32
    %dma_wait3A_87 = tpu.memref_slice %arg6[%add3A_84, %dma_wait3A_86] : memref<125000x8xi32, #tpu.memory_space<hbm>> -> memref<978x8xi32, #tpu.memory_space<hbm>>
    tpu.wait_dma2 semaphore(%arg19 : memref<!tpu.dma_semaphore, #tpu.memory_space<semaphore_mem>>) src(%arg15 : memref<978x8xi32, #tpu.memory_space<vmem>>) dst(%dma_wait3A_87 : memref<978x8xi32, #tpu.memory_space<hbm>>)
    %add3A_88 = arith.constant 2934 : i32
    %add3A_89 = arith.addi %min3A_45, %add3A_88 : i32
    %dma_wait3A_90 = arith.constant 0 : i32
    %dma_wait3A_91 = tpu.memref_slice %arg6[%add3A_89, %dma_wait3A_90] : memref<125000x8xi32, #tpu.memory_space<hbm>> -> memref<978x8xi32, #tpu.memory_space<hbm>>
    %dma_wait3A_92 = arith.constant 0 : i32
    %dma_wait3A_93 = tpu.memref_slice %arg6[%add3A_89, %dma_wait3A_92] : memref<125000x8xi32, #tpu.memory_space<hbm>> -> memref<978x8xi32, #tpu.memory_space<hbm>>
    tpu.wait_dma2 semaphore(%arg20 : memref<!tpu.dma_semaphore, #tpu.memory_space<semaphore_mem>>) src(%arg16 : memref<978x8xi32, #tpu.memory_space<vmem>>) dst(%dma_wait3A_93 : memref<978x8xi32, #tpu.memory_space<hbm>>)
    return
  }
}

#map = affine_map<(d0, d1) -> (0, 0)>
module attributes {stable_mosaic.version = 14 : i64} {
  func.func @k(%arg0: i32, %arg1: i32, %arg2: memref<125000x8xi32, #tpu.memory_space<hbm>>, %arg3: memref<25600x128xi32, #tpu.memory_space<hbm>>, %arg4: memref<25600x128xf32, #tpu.memory_space<hbm>>, %arg5: memref<25600x128xf32, #tpu.memory_space<hbm>>, %arg6: memref<125000x8xi32, #tpu.memory_space<vmem_shared>>, %arg7: memref<20x128xi32, #tpu.memory_space<vmem>>, %arg8: memref<20x128xi32, #tpu.memory_space<vmem>>, %arg9: memref<20x128xi32, #tpu.memory_space<vmem>>, %arg10: memref<20x128xi32, #tpu.memory_space<vmem>>, %arg11: memref<20x128xf32, #tpu.memory_space<vmem>>, %arg12: memref<20x128xf32, #tpu.memory_space<vmem>>, %arg13: memref<20x128x8xi32, #tpu.memory_space<vmem>>, %arg14: memref<20x128x8xi32, #tpu.memory_space<vmem>>, %arg15: memref<20x128xf32, #tpu.memory_space<vmem>>, %arg16: memref<20x128xf32, #tpu.memory_space<vmem>>, %arg17: memref<!tpu.dma_semaphore, #tpu.memory_space<semaphore_mem>>, %arg18: memref<!tpu.dma_semaphore, #tpu.memory_space<semaphore_mem>>, %arg19: memref<!tpu.dma_semaphore, #tpu.memory_space<semaphore_mem>>, %arg20: memref<!tpu.dma_semaphore, #tpu.memory_space<semaphore_mem>>, %arg21: memref<!tpu.dma_semaphore, #tpu.memory_space<semaphore_mem>>, %arg22: memref<!tpu.dma_semaphore, #tpu.memory_space<semaphore_mem>>, %arg23: memref<!tpu.dma_semaphore, #tpu.memory_space<semaphore_mem>>) attributes {dimension_semantics = [#tpu.dimension_semantics<core_parallel>, #tpu.dimension_semantics<subcore_parallel>], iteration_bounds = array<i64: 2, 16>, scalar_prefetch = 0 : i64, scratch_operands = 18 : i64, tpu.core_type = #tpu.core_type<sc_vector_subcore>, window_params = [{transform_indices = #map}, {transform_indices = #map}, {transform_indices = #map}, {transform_indices = #map}]} {
    %mul3A = arith.constant 2 : i32
    %mul3A_0 = arith.muli %arg1, %mul3A : i32
    %add3A = arith.addi %mul3A_0, %arg0 : i32
    %mul3A_1 = arith.constant 800 : i32
    %mul3A_2 = arith.muli %add3A, %mul3A_1 : i32
    %iota3A = tpu.iota {dimensions = array<i32: 0>} : vector<16xi32>
    %mul3A_3 = arith.constant 7816 : i32
    %mul3A_4 = arith.muli %arg1, %mul3A_3 : i32
    %min3A = arith.constant 117184 : i32
    %min3A_5 = arith.minsi %mul3A_4, %min3A : i32
    %dma_start3A = arith.constant 0 : i32
    %dma_start3A_6 = tpu.memref_slice %arg6[%min3A_5, %dma_start3A] : memref<125000x8xi32, #tpu.memory_space<vmem_shared>> -> memref<7816x8xi32, #tpu.memory_space<vmem_shared>>
    %dma_start3A_7 = arith.constant 0 : i32
    %dma_start3A_8 = tpu.memref_slice %arg2[%min3A_5, %dma_start3A_7] : memref<125000x8xi32, #tpu.memory_space<hbm>> -> memref<7816x8xi32, #tpu.memory_space<hbm>>
    tpu.enqueue_dma source(%dma_start3A_8 : memref<7816x8xi32, #tpu.memory_space<hbm>>) target(%dma_start3A_6 : memref<7816x8xi32, #tpu.memory_space<vmem_shared>>) target_semaphore(%arg23 : memref<!tpu.dma_semaphore, #tpu.memory_space<semaphore_mem>>)
    %dma_wait3A = arith.constant 0 : i32
    %dma_wait3A_9 = tpu.memref_slice %arg6[%min3A_5, %dma_wait3A] : memref<125000x8xi32, #tpu.memory_space<vmem_shared>> -> memref<7816x8xi32, #tpu.memory_space<vmem_shared>>
    %dma_wait3A_10 = arith.constant 0 : i32
    %dma_wait3A_11 = tpu.memref_slice %arg2[%min3A_5, %dma_wait3A_10] : memref<125000x8xi32, #tpu.memory_space<hbm>> -> memref<7816x8xi32, #tpu.memory_space<hbm>>
    tpu.wait_dma2 semaphore(%arg23 : memref<!tpu.dma_semaphore, #tpu.memory_space<semaphore_mem>>) src(%dma_wait3A_11 : memref<7816x8xi32, #tpu.memory_space<hbm>>) dst(%dma_wait3A_9 : memref<7816x8xi32, #tpu.memory_space<vmem_shared>>)
    %barrier3A = arith.constant 0 : index
    tpu.barrier barrier_id(%barrier3A)
    %add3A_12 = arith.constant 0 : i32
    %add3A_13 = arith.addi %mul3A_2, %add3A_12 : i32
    "tpu.region"() ({
      %run_scoped3A = tpu.sem_alloc : memref<!tpu.dma_semaphore, #tpu.memory_space<semaphore_mem>>
      %dma_start3A_289 = arith.constant 0 : i32
      %dma_start3A_290 = tpu.memref_slice %arg3[%add3A_13, %dma_start3A_289] : memref<25600x128xi32, #tpu.memory_space<hbm>> -> memref<20x128xi32, #tpu.memory_space<hbm>>
      %dma_start3A_291 = arith.constant 0 : i32
      %dma_start3A_292 = tpu.memref_slice %arg3[%add3A_13, %dma_start3A_291] : memref<25600x128xi32, #tpu.memory_space<hbm>> -> memref<20x128xi32, #tpu.memory_space<hbm>>
      tpu.enqueue_dma source(%dma_start3A_292 : memref<20x128xi32, #tpu.memory_space<hbm>>) target(%arg7 : memref<20x128xi32, #tpu.memory_space<vmem>>) target_semaphore(%run_scoped3A : memref<!tpu.dma_semaphore, #tpu.memory_space<semaphore_mem>>)
      %dma_wait3A_293 = arith.constant 0 : i32
      %dma_wait3A_294 = tpu.memref_slice %arg3[%add3A_13, %dma_wait3A_293] : memref<25600x128xi32, #tpu.memory_space<hbm>> -> memref<20x128xi32, #tpu.memory_space<hbm>>
      %dma_wait3A_295 = arith.constant 0 : i32
      %dma_wait3A_296 = tpu.memref_slice %arg3[%add3A_13, %dma_wait3A_295] : memref<25600x128xi32, #tpu.memory_space<hbm>> -> memref<20x128xi32, #tpu.memory_space<hbm>>
      tpu.wait_dma2 semaphore(%run_scoped3A : memref<!tpu.dma_semaphore, #tpu.memory_space<semaphore_mem>>) src(%dma_wait3A_296 : memref<20x128xi32, #tpu.memory_space<hbm>>) dst(%arg7 : memref<20x128xi32, #tpu.memory_space<vmem>>)
      tpu.yield
    }) : () -> ()
    %add3A_14 = arith.constant 0 : i32
    %add3A_15 = arith.addi %mul3A_2, %add3A_14 : i32
    "tpu.region"() ({
      %run_scoped3A = tpu.sem_alloc : memref<!tpu.dma_semaphore, #tpu.memory_space<semaphore_mem>>
      %dma_start3A_289 = arith.constant 0 : i32
      %dma_start3A_290 = tpu.memref_slice %arg4[%add3A_15, %dma_start3A_289] : memref<25600x128xf32, #tpu.memory_space<hbm>> -> memref<20x128xf32, #tpu.memory_space<hbm>>
      %dma_start3A_291 = arith.constant 0 : i32
      %dma_start3A_292 = tpu.memref_slice %arg4[%add3A_15, %dma_start3A_291] : memref<25600x128xf32, #tpu.memory_space<hbm>> -> memref<20x128xf32, #tpu.memory_space<hbm>>
      tpu.enqueue_dma source(%dma_start3A_292 : memref<20x128xf32, #tpu.memory_space<hbm>>) target(%arg11 : memref<20x128xf32, #tpu.memory_space<vmem>>) target_semaphore(%run_scoped3A : memref<!tpu.dma_semaphore, #tpu.memory_space<semaphore_mem>>)
      %dma_wait3A_293 = arith.constant 0 : i32
      %dma_wait3A_294 = tpu.memref_slice %arg4[%add3A_15, %dma_wait3A_293] : memref<25600x128xf32, #tpu.memory_space<hbm>> -> memref<20x128xf32, #tpu.memory_space<hbm>>
      %dma_wait3A_295 = arith.constant 0 : i32
      %dma_wait3A_296 = tpu.memref_slice %arg4[%add3A_15, %dma_wait3A_295] : memref<25600x128xf32, #tpu.memory_space<hbm>> -> memref<20x128xf32, #tpu.memory_space<hbm>>
      tpu.wait_dma2 semaphore(%run_scoped3A : memref<!tpu.dma_semaphore, #tpu.memory_space<semaphore_mem>>) src(%dma_wait3A_296 : memref<20x128xf32, #tpu.memory_space<hbm>>) dst(%arg11 : memref<20x128xf32, #tpu.memory_space<vmem>>)
      tpu.yield
    }) : () -> ()
    %scan3A = arith.constant 0 : i32
    %scan3A_16 = arith.constant 20 : i32
    %scan3A_17 = arith.addi %scan3A, %scan3A_16 : i32
    %scan3A_18 = arith.constant 1 : i32
    scf.for %scan3A_289 = %scan3A to %scan3A_17 step %scan3A_18  : i32 {
      %mul3A_290 = arith.constant 1 : i32
      %mul3A_291 = arith.muli %scan3A_289, %mul3A_290 : i32
      %add3A_292 = arith.constant 0 : i32
      %add3A_293 = arith.addi %add3A_292, %mul3A_291 : i32
      %get3A = arith.index_cast %add3A_293 : i32 to index
      %get3A_294 = arith.constant 0 : index
      %get3A_295 = tpu.vector_load %arg7[%get3A, %get3A_294] {strides = array<i32>} : memref<20x128xi32, #tpu.memory_space<vmem>>, vector<16xi32>,
      %shift_right_logical3A = arith.constant 3 : i32
      %shift_right_logical3A_296 = vector.broadcast %shift_right_logical3A : i32 to vector<16xi32>
      %shift_right_logical3A_297 = arith.shrui %get3A_295, %shift_right_logical3A_296 : vector<16xi32>
      %swap3A = arith.index_cast %add3A_293 : i32 to index
      %swap3A_298 = arith.constant 0 : index
      %swap3A_299 = tpu.vector_load %arg9[%swap3A, %swap3A_298] {strides = array<i32>} : memref<20x128xi32, #tpu.memory_space<vmem>>, vector<16xi32>,
      tpu.vector_store %arg9[%swap3A, %swap3A_298], %shift_right_logical3A_297 {strides = array<i32>} : memref<20x128xi32, #tpu.memory_space<vmem>>, vector<16xi32>,
      %get3A_300 = arith.index_cast %add3A_293 : i32 to index
      %get3A_301 = arith.constant 16 : index
      %get3A_302 = tpu.vector_load %arg7[%get3A_300, %get3A_301] {strides = array<i32>} : memref<20x128xi32, #tpu.memory_space<vmem>>, vector<16xi32>,
      %shift_right_logical3A_303 = arith.constant 3 : i32
      %shift_right_logical3A_304 = vector.broadcast %shift_right_logical3A_303 : i32 to vector<16xi32>
      %shift_right_logical3A_305 = arith.shrui %get3A_302, %shift_right_logical3A_304 : vector<16xi32>
      %swap3A_306 = arith.index_cast %add3A_293 : i32 to index
      %swap3A_307 = arith.constant 16 : index
      %swap3A_308 = tpu.vector_load %arg9[%swap3A_306, %swap3A_307] {strides = array<i32>} : memref<20x128xi32, #tpu.memory_space<vmem>>, vector<16xi32>,
      tpu.vector_store %arg9[%swap3A_306, %swap3A_307], %shift_right_logical3A_305 {strides = array<i32>} : memref<20x128xi32, #tpu.memory_space<vmem>>, vector<16xi32>,
      %get3A_309 = arith.index_cast %add3A_293 : i32 to index
      %get3A_310 = arith.constant 32 : index
      %get3A_311 = tpu.vector_load %arg7[%get3A_309, %get3A_310] {strides = array<i32>} : memref<20x128xi32, #tpu.memory_space<vmem>>, vector<16xi32>,
      %shift_right_logical3A_312 = arith.constant 3 : i32
      %shift_right_logical3A_313 = vector.broadcast %shift_right_logical3A_312 : i32 to vector<16xi32>
      %shift_right_logical3A_314 = arith.shrui %get3A_311, %shift_right_logical3A_313 : vector<16xi32>
      %swap3A_315 = arith.index_cast %add3A_293 : i32 to index
      %swap3A_316 = arith.constant 32 : index
      %swap3A_317 = tpu.vector_load %arg9[%swap3A_315, %swap3A_316] {strides = array<i32>} : memref<20x128xi32, #tpu.memory_space<vmem>>, vector<16xi32>,
      tpu.vector_store %arg9[%swap3A_315, %swap3A_316], %shift_right_logical3A_314 {strides = array<i32>} : memref<20x128xi32, #tpu.memory_space<vmem>>, vector<16xi32>,
      %get3A_318 = arith.index_cast %add3A_293 : i32 to index
      %get3A_319 = arith.constant 48 : index
      %get3A_320 = tpu.vector_load %arg7[%get3A_318, %get3A_319] {strides = array<i32>} : memref<20x128xi32, #tpu.memory_space<vmem>>, vector<16xi32>,
      %shift_right_logical3A_321 = arith.constant 3 : i32
      %shift_right_logical3A_322 = vector.broadcast %shift_right_logical3A_321 : i32 to vector<16xi32>
      %shift_right_logical3A_323 = arith.shrui %get3A_320, %shift_right_logical3A_322 : vector<16xi32>
      %swap3A_324 = arith.index_cast %add3A_293 : i32 to index
      %swap3A_325 = arith.constant 48 : index
      %swap3A_326 = tpu.vector_load %arg9[%swap3A_324, %swap3A_325] {strides = array<i32>} : memref<20x128xi32, #tpu.memory_space<vmem>>, vector<16xi32>,
      tpu.vector_store %arg9[%swap3A_324, %swap3A_325], %shift_right_logical3A_323 {strides = array<i32>} : memref<20x128xi32, #tpu.memory_space<vmem>>, vector<16xi32>,
      %get3A_327 = arith.index_cast %add3A_293 : i32 to index
      %get3A_328 = arith.constant 64 : index
      %get3A_329 = tpu.vector_load %arg7[%get3A_327, %get3A_328] {strides = array<i32>} : memref<20x128xi32, #tpu.memory_space<vmem>>, vector<16xi32>,
      %shift_right_logical3A_330 = arith.constant 3 : i32
      %shift_right_logical3A_331 = vector.broadcast %shift_right_logical3A_330 : i32 to vector<16xi32>
      %shift_right_logical3A_332 = arith.shrui %get3A_329, %shift_right_logical3A_331 : vector<16xi32>
      %swap3A_333 = arith.index_cast %add3A_293 : i32 to index
      %swap3A_334 = arith.constant 64 : index
      %swap3A_335 = tpu.vector_load %arg9[%swap3A_333, %swap3A_334] {strides = array<i32>} : memref<20x128xi32, #tpu.memory_space<vmem>>, vector<16xi32>,
      tpu.vector_store %arg9[%swap3A_333, %swap3A_334], %shift_right_logical3A_332 {strides = array<i32>} : memref<20x128xi32, #tpu.memory_space<vmem>>, vector<16xi32>,
      %get3A_336 = arith.index_cast %add3A_293 : i32 to index
      %get3A_337 = arith.constant 80 : index
      %get3A_338 = tpu.vector_load %arg7[%get3A_336, %get3A_337] {strides = array<i32>} : memref<20x128xi32, #tpu.memory_space<vmem>>, vector<16xi32>,
      %shift_right_logical3A_339 = arith.constant 3 : i32
      %shift_right_logical3A_340 = vector.broadcast %shift_right_logical3A_339 : i32 to vector<16xi32>
      %shift_right_logical3A_341 = arith.shrui %get3A_338, %shift_right_logical3A_340 : vector<16xi32>
      %swap3A_342 = arith.index_cast %add3A_293 : i32 to index
      %swap3A_343 = arith.constant 80 : index
      %swap3A_344 = tpu.vector_load %arg9[%swap3A_342, %swap3A_343] {strides = array<i32>} : memref<20x128xi32, #tpu.memory_space<vmem>>, vector<16xi32>,
      tpu.vector_store %arg9[%swap3A_342, %swap3A_343], %shift_right_logical3A_341 {strides = array<i32>} : memref<20x128xi32, #tpu.memory_space<vmem>>, vector<16xi32>,
      %get3A_345 = arith.index_cast %add3A_293 : i32 to index
      %get3A_346 = arith.constant 96 : index
      %get3A_347 = tpu.vector_load %arg7[%get3A_345, %get3A_346] {strides = array<i32>} : memref<20x128xi32, #tpu.memory_space<vmem>>, vector<16xi32>,
      %shift_right_logical3A_348 = arith.constant 3 : i32
      %shift_right_logical3A_349 = vector.broadcast %shift_right_logical3A_348 : i32 to vector<16xi32>
      %shift_right_logical3A_350 = arith.shrui %get3A_347, %shift_right_logical3A_349 : vector<16xi32>
      %swap3A_351 = arith.index_cast %add3A_293 : i32 to index
      %swap3A_352 = arith.constant 96 : index
      %swap3A_353 = tpu.vector_load %arg9[%swap3A_351, %swap3A_352] {strides = array<i32>} : memref<20x128xi32, #tpu.memory_space<vmem>>, vector<16xi32>,
      tpu.vector_store %arg9[%swap3A_351, %swap3A_352], %shift_right_logical3A_350 {strides = array<i32>} : memref<20x128xi32, #tpu.memory_space<vmem>>, vector<16xi32>,
      %get3A_354 = arith.index_cast %add3A_293 : i32 to index
      %get3A_355 = arith.constant 112 : index
      %get3A_356 = tpu.vector_load %arg7[%get3A_354, %get3A_355] {strides = array<i32>} : memref<20x128xi32, #tpu.memory_space<vmem>>, vector<16xi32>,
      %shift_right_logical3A_357 = arith.constant 3 : i32
      %shift_right_logical3A_358 = vector.broadcast %shift_right_logical3A_357 : i32 to vector<16xi32>
      %shift_right_logical3A_359 = arith.shrui %get3A_356, %shift_right_logical3A_358 : vector<16xi32>
      %swap3A_360 = arith.index_cast %add3A_293 : i32 to index
      %swap3A_361 = arith.constant 112 : index
      %swap3A_362 = tpu.vector_load %arg9[%swap3A_360, %swap3A_361] {strides = array<i32>} : memref<20x128xi32, #tpu.memory_space<vmem>>, vector<16xi32>,
      tpu.vector_store %arg9[%swap3A_360, %swap3A_361], %shift_right_logical3A_359 {strides = array<i32>} : memref<20x128xi32, #tpu.memory_space<vmem>>, vector<16xi32>,
    }
    %scan3A_19 = arith.constant 20 : i32
    %dma_start3A_20 = arith.constant 0 : i32
    %dma_start3A_21 = arith.constant 0 : i32
    %dma_start3A_22 = arith.constant 0 : i32
    %dma_start3A_23 = arith.constant 0 : i32
    %dma_start3A_24 = tpu.memref_slice %arg13[%dma_start3A_21, %dma_start3A_22, %dma_start3A_23] : memref<20x128x8xi32, #tpu.memory_space<vmem>> -> memref<1x128x8xi32, #tpu.memory_space<vmem>>
    %dma_start3A_25 = tpu.memref_squeeze %dma_start3A_24 : memref<1x128x8xi32, #tpu.memory_space<vmem>> -> memref<128x8xi32, #tpu.memory_space<vmem>>
    %dma_start3A_26 = arith.constant 0 : i32
    %dma_start3A_27 = tpu.memref_slice %arg9[%dma_start3A_20, %dma_start3A_26] : memref<20x128xi32, #tpu.memory_space<vmem>> -> memref<1x128xi32, #tpu.memory_space<vmem>>
    %dma_start3A_28 = tpu.memref_squeeze %dma_start3A_27 : memref<1x128xi32, #tpu.memory_space<vmem>> -> memref<128xi32, #tpu.memory_space<vmem>>
    %dma_start3A_29 = arith.constant 0 : i32
    %dma_start3A_30 = arith.constant 0 : i32
    %dma_start3A_31 = tpu.memref_slice %arg6[%dma_start3A_29, %dma_start3A_30] : memref<125000x8xi32, #tpu.memory_space<vmem_shared>> -> memref<125000x8xi32, #tpu.memory_space<vmem_shared>>
    tpu.enqueue_indirect_dma source(%dma_start3A_31 : memref<125000x8xi32, #tpu.memory_space<vmem_shared>>) target(%dma_start3A_25 : memref<128x8xi32, #tpu.memory_space<vmem>>) offsets(%dma_start3A_28 : memref<128xi32, #tpu.memory_space<vmem>>) semaphore(%arg17 : memref<!tpu.dma_semaphore, #tpu.memory_space<semaphore_mem>>)
    %dma_start3A_32 = arith.constant 1 : i32
    %dma_start3A_33 = arith.constant 1 : i32
    %dma_start3A_34 = arith.constant 0 : i32
    %dma_start3A_35 = arith.constant 0 : i32
    %dma_start3A_36 = tpu.memref_slice %arg13[%dma_start3A_33, %dma_start3A_34, %dma_start3A_35] : memref<20x128x8xi32, #tpu.memory_space<vmem>> -> memref<1x128x8xi32, #tpu.memory_space<vmem>>
    %dma_start3A_37 = tpu.memref_squeeze %dma_start3A_36 : memref<1x128x8xi32, #tpu.memory_space<vmem>> -> memref<128x8xi32, #tpu.memory_space<vmem>>
    %dma_start3A_38 = arith.constant 0 : i32
    %dma_start3A_39 = tpu.memref_slice %arg9[%dma_start3A_32, %dma_start3A_38] : memref<20x128xi32, #tpu.memory_space<vmem>> -> memref<1x128xi32, #tpu.memory_space<vmem>>
    %dma_start3A_40 = tpu.memref_squeeze %dma_start3A_39 : memref<1x128xi32, #tpu.memory_space<vmem>> -> memref<128xi32, #tpu.memory_space<vmem>>
    %dma_start3A_41 = arith.constant 0 : i32
    %dma_start3A_42 = arith.constant 0 : i32
    %dma_start3A_43 = tpu.memref_slice %arg6[%dma_start3A_41, %dma_start3A_42] : memref<125000x8xi32, #tpu.memory_space<vmem_shared>> -> memref<125000x8xi32, #tpu.memory_space<vmem_shared>>
    tpu.enqueue_indirect_dma source(%dma_start3A_43 : memref<125000x8xi32, #tpu.memory_space<vmem_shared>>) target(%dma_start3A_37 : memref<128x8xi32, #tpu.memory_space<vmem>>) offsets(%dma_start3A_40 : memref<128xi32, #tpu.memory_space<vmem>>) semaphore(%arg17 : memref<!tpu.dma_semaphore, #tpu.memory_space<semaphore_mem>>)
    %dma_start3A_44 = arith.constant 2 : i32
    %dma_start3A_45 = arith.constant 2 : i32
    %dma_start3A_46 = arith.constant 0 : i32
    %dma_start3A_47 = arith.constant 0 : i32
    %dma_start3A_48 = tpu.memref_slice %arg13[%dma_start3A_45, %dma_start3A_46, %dma_start3A_47] : memref<20x128x8xi32, #tpu.memory_space<vmem>> -> memref<1x128x8xi32, #tpu.memory_space<vmem>>
    %dma_start3A_49 = tpu.memref_squeeze %dma_start3A_48 : memref<1x128x8xi32, #tpu.memory_space<vmem>> -> memref<128x8xi32, #tpu.memory_space<vmem>>
    %dma_start3A_50 = arith.constant 0 : i32
    %dma_start3A_51 = tpu.memref_slice %arg9[%dma_start3A_44, %dma_start3A_50] : memref<20x128xi32, #tpu.memory_space<vmem>> -> memref<1x128xi32, #tpu.memory_space<vmem>>
    %dma_start3A_52 = tpu.memref_squeeze %dma_start3A_51 : memref<1x128xi32, #tpu.memory_space<vmem>> -> memref<128xi32, #tpu.memory_space<vmem>>
    %dma_start3A_53 = arith.constant 0 : i32
    %dma_start3A_54 = arith.constant 0 : i32
    %dma_start3A_55 = tpu.memref_slice %arg6[%dma_start3A_53, %dma_start3A_54] : memref<125000x8xi32, #tpu.memory_space<vmem_shared>> -> memref<125000x8xi32, #tpu.memory_space<vmem_shared>>
    tpu.enqueue_indirect_dma source(%dma_start3A_55 : memref<125000x8xi32, #tpu.memory_space<vmem_shared>>) target(%dma_start3A_49 : memref<128x8xi32, #tpu.memory_space<vmem>>) offsets(%dma_start3A_52 : memref<128xi32, #tpu.memory_space<vmem>>) semaphore(%arg17 : memref<!tpu.dma_semaphore, #tpu.memory_space<semaphore_mem>>)
    %dma_start3A_56 = arith.constant 3 : i32
    %dma_start3A_57 = arith.constant 3 : i32
    %dma_start3A_58 = arith.constant 0 : i32
    %dma_start3A_59 = arith.constant 0 : i32
    %dma_start3A_60 = tpu.memref_slice %arg13[%dma_start3A_57, %dma_start3A_58, %dma_start3A_59] : memref<20x128x8xi32, #tpu.memory_space<vmem>> -> memref<1x128x8xi32, #tpu.memory_space<vmem>>
    %dma_start3A_61 = tpu.memref_squeeze %dma_start3A_60 : memref<1x128x8xi32, #tpu.memory_space<vmem>> -> memref<128x8xi32, #tpu.memory_space<vmem>>
    %dma_start3A_62 = arith.constant 0 : i32
    %dma_start3A_63 = tpu.memref_slice %arg9[%dma_start3A_56, %dma_start3A_62] : memref<20x128xi32, #tpu.memory_space<vmem>> -> memref<1x128xi32, #tpu.memory_space<vmem>>
    %dma_start3A_64 = tpu.memref_squeeze %dma_start3A_63 : memref<1x128xi32, #tpu.memory_space<vmem>> -> memref<128xi32, #tpu.memory_space<vmem>>
    %dma_start3A_65 = arith.constant 0 : i32
    %dma_start3A_66 = arith.constant 0 : i32
    %dma_start3A_67 = tpu.memref_slice %arg6[%dma_start3A_65, %dma_start3A_66] : memref<125000x8xi32, #tpu.memory_space<vmem_shared>> -> memref<125000x8xi32, #tpu.memory_space<vmem_shared>>
    tpu.enqueue_indirect_dma source(%dma_start3A_67 : memref<125000x8xi32, #tpu.memory_space<vmem_shared>>) target(%dma_start3A_61 : memref<128x8xi32, #tpu.memory_space<vmem>>) offsets(%dma_start3A_64 : memref<128xi32, #tpu.memory_space<vmem>>) semaphore(%arg17 : memref<!tpu.dma_semaphore, #tpu.memory_space<semaphore_mem>>)
    %dma_start3A_68 = arith.constant 4 : i32
    %dma_start3A_69 = arith.constant 4 : i32
    %dma_start3A_70 = arith.constant 0 : i32
    %dma_start3A_71 = arith.constant 0 : i32
    %dma_start3A_72 = tpu.memref_slice %arg13[%dma_start3A_69, %dma_start3A_70, %dma_start3A_71] : memref<20x128x8xi32, #tpu.memory_space<vmem>> -> memref<1x128x8xi32, #tpu.memory_space<vmem>>
    %dma_start3A_73 = tpu.memref_squeeze %dma_start3A_72 : memref<1x128x8xi32, #tpu.memory_space<vmem>> -> memref<128x8xi32, #tpu.memory_space<vmem>>
    %dma_start3A_74 = arith.constant 0 : i32
    %dma_start3A_75 = tpu.memref_slice %arg9[%dma_start3A_68, %dma_start3A_74] : memref<20x128xi32, #tpu.memory_space<vmem>> -> memref<1x128xi32, #tpu.memory_space<vmem>>
    %dma_start3A_76 = tpu.memref_squeeze %dma_start3A_75 : memref<1x128xi32, #tpu.memory_space<vmem>> -> memref<128xi32, #tpu.memory_space<vmem>>
    %dma_start3A_77 = arith.constant 0 : i32
    %dma_start3A_78 = arith.constant 0 : i32
    %dma_start3A_79 = tpu.memref_slice %arg6[%dma_start3A_77, %dma_start3A_78] : memref<125000x8xi32, #tpu.memory_space<vmem_shared>> -> memref<125000x8xi32, #tpu.memory_space<vmem_shared>>
    tpu.enqueue_indirect_dma source(%dma_start3A_79 : memref<125000x8xi32, #tpu.memory_space<vmem_shared>>) target(%dma_start3A_73 : memref<128x8xi32, #tpu.memory_space<vmem>>) offsets(%dma_start3A_76 : memref<128xi32, #tpu.memory_space<vmem>>) semaphore(%arg17 : memref<!tpu.dma_semaphore, #tpu.memory_space<semaphore_mem>>)
    %dma_start3A_80 = arith.constant 5 : i32
    %dma_start3A_81 = arith.constant 5 : i32
    %dma_start3A_82 = arith.constant 0 : i32
    %dma_start3A_83 = arith.constant 0 : i32
    %dma_start3A_84 = tpu.memref_slice %arg13[%dma_start3A_81, %dma_start3A_82, %dma_start3A_83] : memref<20x128x8xi32, #tpu.memory_space<vmem>> -> memref<1x128x8xi32, #tpu.memory_space<vmem>>
    %dma_start3A_85 = tpu.memref_squeeze %dma_start3A_84 : memref<1x128x8xi32, #tpu.memory_space<vmem>> -> memref<128x8xi32, #tpu.memory_space<vmem>>
    %dma_start3A_86 = arith.constant 0 : i32
    %dma_start3A_87 = tpu.memref_slice %arg9[%dma_start3A_80, %dma_start3A_86] : memref<20x128xi32, #tpu.memory_space<vmem>> -> memref<1x128xi32, #tpu.memory_space<vmem>>
    %dma_start3A_88 = tpu.memref_squeeze %dma_start3A_87 : memref<1x128xi32, #tpu.memory_space<vmem>> -> memref<128xi32, #tpu.memory_space<vmem>>
    %dma_start3A_89 = arith.constant 0 : i32
    %dma_start3A_90 = arith.constant 0 : i32
    %dma_start3A_91 = tpu.memref_slice %arg6[%dma_start3A_89, %dma_start3A_90] : memref<125000x8xi32, #tpu.memory_space<vmem_shared>> -> memref<125000x8xi32, #tpu.memory_space<vmem_shared>>
    tpu.enqueue_indirect_dma source(%dma_start3A_91 : memref<125000x8xi32, #tpu.memory_space<vmem_shared>>) target(%dma_start3A_85 : memref<128x8xi32, #tpu.memory_space<vmem>>) offsets(%dma_start3A_88 : memref<128xi32, #tpu.memory_space<vmem>>) semaphore(%arg17 : memref<!tpu.dma_semaphore, #tpu.memory_space<semaphore_mem>>)
    %dma_start3A_92 = arith.constant 6 : i32
    %dma_start3A_93 = arith.constant 6 : i32
    %dma_start3A_94 = arith.constant 0 : i32
    %dma_start3A_95 = arith.constant 0 : i32
    %dma_start3A_96 = tpu.memref_slice %arg13[%dma_start3A_93, %dma_start3A_94, %dma_start3A_95] : memref<20x128x8xi32, #tpu.memory_space<vmem>> -> memref<1x128x8xi32, #tpu.memory_space<vmem>>
    %dma_start3A_97 = tpu.memref_squeeze %dma_start3A_96 : memref<1x128x8xi32, #tpu.memory_space<vmem>> -> memref<128x8xi32, #tpu.memory_space<vmem>>
    %dma_start3A_98 = arith.constant 0 : i32
    %dma_start3A_99 = tpu.memref_slice %arg9[%dma_start3A_92, %dma_start3A_98] : memref<20x128xi32, #tpu.memory_space<vmem>> -> memref<1x128xi32, #tpu.memory_space<vmem>>
    %dma_start3A_100 = tpu.memref_squeeze %dma_start3A_99 : memref<1x128xi32, #tpu.memory_space<vmem>> -> memref<128xi32, #tpu.memory_space<vmem>>
    %dma_start3A_101 = arith.constant 0 : i32
    %dma_start3A_102 = arith.constant 0 : i32
    %dma_start3A_103 = tpu.memref_slice %arg6[%dma_start3A_101, %dma_start3A_102] : memref<125000x8xi32, #tpu.memory_space<vmem_shared>> -> memref<125000x8xi32, #tpu.memory_space<vmem_shared>>
    tpu.enqueue_indirect_dma source(%dma_start3A_103 : memref<125000x8xi32, #tpu.memory_space<vmem_shared>>) target(%dma_start3A_97 : memref<128x8xi32, #tpu.memory_space<vmem>>) offsets(%dma_start3A_100 : memref<128xi32, #tpu.memory_space<vmem>>) semaphore(%arg17 : memref<!tpu.dma_semaphore, #tpu.memory_space<semaphore_mem>>)
    %dma_start3A_104 = arith.constant 7 : i32
    %dma_start3A_105 = arith.constant 7 : i32
    %dma_start3A_106 = arith.constant 0 : i32
    %dma_start3A_107 = arith.constant 0 : i32
    %dma_start3A_108 = tpu.memref_slice %arg13[%dma_start3A_105, %dma_start3A_106, %dma_start3A_107] : memref<20x128x8xi32, #tpu.memory_space<vmem>> -> memref<1x128x8xi32, #tpu.memory_space<vmem>>
    %dma_start3A_109 = tpu.memref_squeeze %dma_start3A_108 : memref<1x128x8xi32, #tpu.memory_space<vmem>> -> memref<128x8xi32, #tpu.memory_space<vmem>>
    %dma_start3A_110 = arith.constant 0 : i32
    %dma_start3A_111 = tpu.memref_slice %arg9[%dma_start3A_104, %dma_start3A_110] : memref<20x128xi32, #tpu.memory_space<vmem>> -> memref<1x128xi32, #tpu.memory_space<vmem>>
    %dma_start3A_112 = tpu.memref_squeeze %dma_start3A_111 : memref<1x128xi32, #tpu.memory_space<vmem>> -> memref<128xi32, #tpu.memory_space<vmem>>
    %dma_start3A_113 = arith.constant 0 : i32
    %dma_start3A_114 = arith.constant 0 : i32
    %dma_start3A_115 = tpu.memref_slice %arg6[%dma_start3A_113, %dma_start3A_114] : memref<125000x8xi32, #tpu.memory_space<vmem_shared>> -> memref<125000x8xi32, #tpu.memory_space<vmem_shared>>
    tpu.enqueue_indirect_dma source(%dma_start3A_115 : memref<125000x8xi32, #tpu.memory_space<vmem_shared>>) target(%dma_start3A_109 : memref<128x8xi32, #tpu.memory_space<vmem>>) offsets(%dma_start3A_112 : memref<128xi32, #tpu.memory_space<vmem>>) semaphore(%arg17 : memref<!tpu.dma_semaphore, #tpu.memory_space<semaphore_mem>>)
    %dma_start3A_116 = arith.constant 8 : i32
    %dma_start3A_117 = arith.constant 8 : i32
    %dma_start3A_118 = arith.constant 0 : i32
    %dma_start3A_119 = arith.constant 0 : i32
    %dma_start3A_120 = tpu.memref_slice %arg13[%dma_start3A_117, %dma_start3A_118, %dma_start3A_119] : memref<20x128x8xi32, #tpu.memory_space<vmem>> -> memref<1x128x8xi32, #tpu.memory_space<vmem>>
    %dma_start3A_121 = tpu.memref_squeeze %dma_start3A_120 : memref<1x128x8xi32, #tpu.memory_space<vmem>> -> memref<128x8xi32, #tpu.memory_space<vmem>>
    %dma_start3A_122 = arith.constant 0 : i32
    %dma_start3A_123 = tpu.memref_slice %arg9[%dma_start3A_116, %dma_start3A_122] : memref<20x128xi32, #tpu.memory_space<vmem>> -> memref<1x128xi32, #tpu.memory_space<vmem>>
    %dma_start3A_124 = tpu.memref_squeeze %dma_start3A_123 : memref<1x128xi32, #tpu.memory_space<vmem>> -> memref<128xi32, #tpu.memory_space<vmem>>
    %dma_start3A_125 = arith.constant 0 : i32
    %dma_start3A_126 = arith.constant 0 : i32
    %dma_start3A_127 = tpu.memref_slice %arg6[%dma_start3A_125, %dma_start3A_126] : memref<125000x8xi32, #tpu.memory_space<vmem_shared>> -> memref<125000x8xi32, #tpu.memory_space<vmem_shared>>
    tpu.enqueue_indirect_dma source(%dma_start3A_127 : memref<125000x8xi32, #tpu.memory_space<vmem_shared>>) target(%dma_start3A_121 : memref<128x8xi32, #tpu.memory_space<vmem>>) offsets(%dma_start3A_124 : memref<128xi32, #tpu.memory_space<vmem>>) semaphore(%arg17 : memref<!tpu.dma_semaphore, #tpu.memory_space<semaphore_mem>>)
    %dma_start3A_128 = arith.constant 9 : i32
    %dma_start3A_129 = arith.constant 9 : i32
    %dma_start3A_130 = arith.constant 0 : i32
    %dma_start3A_131 = arith.constant 0 : i32
    %dma_start3A_132 = tpu.memref_slice %arg13[%dma_start3A_129, %dma_start3A_130, %dma_start3A_131] : memref<20x128x8xi32, #tpu.memory_space<vmem>> -> memref<1x128x8xi32, #tpu.memory_space<vmem>>
    %dma_start3A_133 = tpu.memref_squeeze %dma_start3A_132 : memref<1x128x8xi32, #tpu.memory_space<vmem>> -> memref<128x8xi32, #tpu.memory_space<vmem>>
    %dma_start3A_134 = arith.constant 0 : i32
    %dma_start3A_135 = tpu.memref_slice %arg9[%dma_start3A_128, %dma_start3A_134] : memref<20x128xi32, #tpu.memory_space<vmem>> -> memref<1x128xi32, #tpu.memory_space<vmem>>
    %dma_start3A_136 = tpu.memref_squeeze %dma_start3A_135 : memref<1x128xi32, #tpu.memory_space<vmem>> -> memref<128xi32, #tpu.memory_space<vmem>>
    %dma_start3A_137 = arith.constant 0 : i32
    %dma_start3A_138 = arith.constant 0 : i32
    %dma_start3A_139 = tpu.memref_slice %arg6[%dma_start3A_137, %dma_start3A_138] : memref<125000x8xi32, #tpu.memory_space<vmem_shared>> -> memref<125000x8xi32, #tpu.memory_space<vmem_shared>>
    tpu.enqueue_indirect_dma source(%dma_start3A_139 : memref<125000x8xi32, #tpu.memory_space<vmem_shared>>) target(%dma_start3A_133 : memref<128x8xi32, #tpu.memory_space<vmem>>) offsets(%dma_start3A_136 : memref<128xi32, #tpu.memory_space<vmem>>) semaphore(%arg17 : memref<!tpu.dma_semaphore, #tpu.memory_space<semaphore_mem>>)
    %dma_start3A_140 = arith.constant 10 : i32
    %dma_start3A_141 = arith.constant 10 : i32
    %dma_start3A_142 = arith.constant 0 : i32
    %dma_start3A_143 = arith.constant 0 : i32
    %dma_start3A_144 = tpu.memref_slice %arg13[%dma_start3A_141, %dma_start3A_142, %dma_start3A_143] : memref<20x128x8xi32, #tpu.memory_space<vmem>> -> memref<1x128x8xi32, #tpu.memory_space<vmem>>
    %dma_start3A_145 = tpu.memref_squeeze %dma_start3A_144 : memref<1x128x8xi32, #tpu.memory_space<vmem>> -> memref<128x8xi32, #tpu.memory_space<vmem>>
    %dma_start3A_146 = arith.constant 0 : i32
    %dma_start3A_147 = tpu.memref_slice %arg9[%dma_start3A_140, %dma_start3A_146] : memref<20x128xi32, #tpu.memory_space<vmem>> -> memref<1x128xi32, #tpu.memory_space<vmem>>
    %dma_start3A_148 = tpu.memref_squeeze %dma_start3A_147 : memref<1x128xi32, #tpu.memory_space<vmem>> -> memref<128xi32, #tpu.memory_space<vmem>>
    %dma_start3A_149 = arith.constant 0 : i32
    %dma_start3A_150 = arith.constant 0 : i32
    %dma_start3A_151 = tpu.memref_slice %arg6[%dma_start3A_149, %dma_start3A_150] : memref<125000x8xi32, #tpu.memory_space<vmem_shared>> -> memref<125000x8xi32, #tpu.memory_space<vmem_shared>>
    tpu.enqueue_indirect_dma source(%dma_start3A_151 : memref<125000x8xi32, #tpu.memory_space<vmem_shared>>) target(%dma_start3A_145 : memref<128x8xi32, #tpu.memory_space<vmem>>) offsets(%dma_start3A_148 : memref<128xi32, #tpu.memory_space<vmem>>) semaphore(%arg17 : memref<!tpu.dma_semaphore, #tpu.memory_space<semaphore_mem>>)
    %dma_start3A_152 = arith.constant 11 : i32
    %dma_start3A_153 = arith.constant 11 : i32
    %dma_start3A_154 = arith.constant 0 : i32
    %dma_start3A_155 = arith.constant 0 : i32
    %dma_start3A_156 = tpu.memref_slice %arg13[%dma_start3A_153, %dma_start3A_154, %dma_start3A_155] : memref<20x128x8xi32, #tpu.memory_space<vmem>> -> memref<1x128x8xi32, #tpu.memory_space<vmem>>
    %dma_start3A_157 = tpu.memref_squeeze %dma_start3A_156 : memref<1x128x8xi32, #tpu.memory_space<vmem>> -> memref<128x8xi32, #tpu.memory_space<vmem>>
    %dma_start3A_158 = arith.constant 0 : i32
    %dma_start3A_159 = tpu.memref_slice %arg9[%dma_start3A_152, %dma_start3A_158] : memref<20x128xi32, #tpu.memory_space<vmem>> -> memref<1x128xi32, #tpu.memory_space<vmem>>
    %dma_start3A_160 = tpu.memref_squeeze %dma_start3A_159 : memref<1x128xi32, #tpu.memory_space<vmem>> -> memref<128xi32, #tpu.memory_space<vmem>>
    %dma_start3A_161 = arith.constant 0 : i32
    %dma_start3A_162 = arith.constant 0 : i32
    %dma_start3A_163 = tpu.memref_slice %arg6[%dma_start3A_161, %dma_start3A_162] : memref<125000x8xi32, #tpu.memory_space<vmem_shared>> -> memref<125000x8xi32, #tpu.memory_space<vmem_shared>>
    tpu.enqueue_indirect_dma source(%dma_start3A_163 : memref<125000x8xi32, #tpu.memory_space<vmem_shared>>) target(%dma_start3A_157 : memref<128x8xi32, #tpu.memory_space<vmem>>) offsets(%dma_start3A_160 : memref<128xi32, #tpu.memory_space<vmem>>) semaphore(%arg17 : memref<!tpu.dma_semaphore, #tpu.memory_space<semaphore_mem>>)
    %dma_start3A_164 = arith.constant 12 : i32
    %dma_start3A_165 = arith.constant 12 : i32
    %dma_start3A_166 = arith.constant 0 : i32
    %dma_start3A_167 = arith.constant 0 : i32
    %dma_start3A_168 = tpu.memref_slice %arg13[%dma_start3A_165, %dma_start3A_166, %dma_start3A_167] : memref<20x128x8xi32, #tpu.memory_space<vmem>> -> memref<1x128x8xi32, #tpu.memory_space<vmem>>
    %dma_start3A_169 = tpu.memref_squeeze %dma_start3A_168 : memref<1x128x8xi32, #tpu.memory_space<vmem>> -> memref<128x8xi32, #tpu.memory_space<vmem>>
    %dma_start3A_170 = arith.constant 0 : i32
    %dma_start3A_171 = tpu.memref_slice %arg9[%dma_start3A_164, %dma_start3A_170] : memref<20x128xi32, #tpu.memory_space<vmem>> -> memref<1x128xi32, #tpu.memory_space<vmem>>
    %dma_start3A_172 = tpu.memref_squeeze %dma_start3A_171 : memref<1x128xi32, #tpu.memory_space<vmem>> -> memref<128xi32, #tpu.memory_space<vmem>>
    %dma_start3A_173 = arith.constant 0 : i32
    %dma_start3A_174 = arith.constant 0 : i32
    %dma_start3A_175 = tpu.memref_slice %arg6[%dma_start3A_173, %dma_start3A_174] : memref<125000x8xi32, #tpu.memory_space<vmem_shared>> -> memref<125000x8xi32, #tpu.memory_space<vmem_shared>>
    tpu.enqueue_indirect_dma source(%dma_start3A_175 : memref<125000x8xi32, #tpu.memory_space<vmem_shared>>) target(%dma_start3A_169 : memref<128x8xi32, #tpu.memory_space<vmem>>) offsets(%dma_start3A_172 : memref<128xi32, #tpu.memory_space<vmem>>) semaphore(%arg17 : memref<!tpu.dma_semaphore, #tpu.memory_space<semaphore_mem>>)
    %dma_start3A_176 = arith.constant 13 : i32
    %dma_start3A_177 = arith.constant 13 : i32
    %dma_start3A_178 = arith.constant 0 : i32
    %dma_start3A_179 = arith.constant 0 : i32
    %dma_start3A_180 = tpu.memref_slice %arg13[%dma_start3A_177, %dma_start3A_178, %dma_start3A_179] : memref<20x128x8xi32, #tpu.memory_space<vmem>> -> memref<1x128x8xi32, #tpu.memory_space<vmem>>
    %dma_start3A_181 = tpu.memref_squeeze %dma_start3A_180 : memref<1x128x8xi32, #tpu.memory_space<vmem>> -> memref<128x8xi32, #tpu.memory_space<vmem>>
    %dma_start3A_182 = arith.constant 0 : i32
    %dma_start3A_183 = tpu.memref_slice %arg9[%dma_start3A_176, %dma_start3A_182] : memref<20x128xi32, #tpu.memory_space<vmem>> -> memref<1x128xi32, #tpu.memory_space<vmem>>
    %dma_start3A_184 = tpu.memref_squeeze %dma_start3A_183 : memref<1x128xi32, #tpu.memory_space<vmem>> -> memref<128xi32, #tpu.memory_space<vmem>>
    %dma_start3A_185 = arith.constant 0 : i32
    %dma_start3A_186 = arith.constant 0 : i32
    %dma_start3A_187 = tpu.memref_slice %arg6[%dma_start3A_185, %dma_start3A_186] : memref<125000x8xi32, #tpu.memory_space<vmem_shared>> -> memref<125000x8xi32, #tpu.memory_space<vmem_shared>>
    tpu.enqueue_indirect_dma source(%dma_start3A_187 : memref<125000x8xi32, #tpu.memory_space<vmem_shared>>) target(%dma_start3A_181 : memref<128x8xi32, #tpu.memory_space<vmem>>) offsets(%dma_start3A_184 : memref<128xi32, #tpu.memory_space<vmem>>) semaphore(%arg17 : memref<!tpu.dma_semaphore, #tpu.memory_space<semaphore_mem>>)
    %dma_start3A_188 = arith.constant 14 : i32
    %dma_start3A_189 = arith.constant 14 : i32
    %dma_start3A_190 = arith.constant 0 : i32
    %dma_start3A_191 = arith.constant 0 : i32
    %dma_start3A_192 = tpu.memref_slice %arg13[%dma_start3A_189, %dma_start3A_190, %dma_start3A_191] : memref<20x128x8xi32, #tpu.memory_space<vmem>> -> memref<1x128x8xi32, #tpu.memory_space<vmem>>
    %dma_start3A_193 = tpu.memref_squeeze %dma_start3A_192 : memref<1x128x8xi32, #tpu.memory_space<vmem>> -> memref<128x8xi32, #tpu.memory_space<vmem>>
    %dma_start3A_194 = arith.constant 0 : i32
    %dma_start3A_195 = tpu.memref_slice %arg9[%dma_start3A_188, %dma_start3A_194] : memref<20x128xi32, #tpu.memory_space<vmem>> -> memref<1x128xi32, #tpu.memory_space<vmem>>
    %dma_start3A_196 = tpu.memref_squeeze %dma_start3A_195 : memref<1x128xi32, #tpu.memory_space<vmem>> -> memref<128xi32, #tpu.memory_space<vmem>>
    %dma_start3A_197 = arith.constant 0 : i32
    %dma_start3A_198 = arith.constant 0 : i32
    %dma_start3A_199 = tpu.memref_slice %arg6[%dma_start3A_197, %dma_start3A_198] : memref<125000x8xi32, #tpu.memory_space<vmem_shared>> -> memref<125000x8xi32, #tpu.memory_space<vmem_shared>>
    tpu.enqueue_indirect_dma source(%dma_start3A_199 : memref<125000x8xi32, #tpu.memory_space<vmem_shared>>) target(%dma_start3A_193 : memref<128x8xi32, #tpu.memory_space<vmem>>) offsets(%dma_start3A_196 : memref<128xi32, #tpu.memory_space<vmem>>) semaphore(%arg17 : memref<!tpu.dma_semaphore, #tpu.memory_space<semaphore_mem>>)
    %dma_start3A_200 = arith.constant 15 : i32
    %dma_start3A_201 = arith.constant 15 : i32
    %dma_start3A_202 = arith.constant 0 : i32
    %dma_start3A_203 = arith.constant 0 : i32
    %dma_start3A_204 = tpu.memref_slice %arg13[%dma_start3A_201, %dma_start3A_202, %dma_start3A_203] : memref<20x128x8xi32, #tpu.memory_space<vmem>> -> memref<1x128x8xi32, #tpu.memory_space<vmem>>
    %dma_start3A_205 = tpu.memref_squeeze %dma_start3A_204 : memref<1x128x8xi32, #tpu.memory_space<vmem>> -> memref<128x8xi32, #tpu.memory_space<vmem>>
    %dma_start3A_206 = arith.constant 0 : i32
    %dma_start3A_207 = tpu.memref_slice %arg9[%dma_start3A_200, %dma_start3A_206] : memref<20x128xi32, #tpu.memory_space<vmem>> -> memref<1x128xi32, #tpu.memory_space<vmem>>
    %dma_start3A_208 = tpu.memref_squeeze %dma_start3A_207 : memref<1x128xi32, #tpu.memory_space<vmem>> -> memref<128xi32, #tpu.memory_space<vmem>>
    %dma_start3A_209 = arith.constant 0 : i32
    %dma_start3A_210 = arith.constant 0 : i32
    %dma_start3A_211 = tpu.memref_slice %arg6[%dma_start3A_209, %dma_start3A_210] : memref<125000x8xi32, #tpu.memory_space<vmem_shared>> -> memref<125000x8xi32, #tpu.memory_space<vmem_shared>>
    tpu.enqueue_indirect_dma source(%dma_start3A_211 : memref<125000x8xi32, #tpu.memory_space<vmem_shared>>) target(%dma_start3A_205 : memref<128x8xi32, #tpu.memory_space<vmem>>) offsets(%dma_start3A_208 : memref<128xi32, #tpu.memory_space<vmem>>) semaphore(%arg17 : memref<!tpu.dma_semaphore, #tpu.memory_space<semaphore_mem>>)
    %dma_start3A_212 = arith.constant 16 : i32
    %dma_start3A_213 = arith.constant 16 : i32
    %dma_start3A_214 = arith.constant 0 : i32
    %dma_start3A_215 = arith.constant 0 : i32
    %dma_start3A_216 = tpu.memref_slice %arg13[%dma_start3A_213, %dma_start3A_214, %dma_start3A_215] : memref<20x128x8xi32, #tpu.memory_space<vmem>> -> memref<1x128x8xi32, #tpu.memory_space<vmem>>
    %dma_start3A_217 = tpu.memref_squeeze %dma_start3A_216 : memref<1x128x8xi32, #tpu.memory_space<vmem>> -> memref<128x8xi32, #tpu.memory_space<vmem>>
    %dma_start3A_218 = arith.constant 0 : i32
    %dma_start3A_219 = tpu.memref_slice %arg9[%dma_start3A_212, %dma_start3A_218] : memref<20x128xi32, #tpu.memory_space<vmem>> -> memref<1x128xi32, #tpu.memory_space<vmem>>
    %dma_start3A_220 = tpu.memref_squeeze %dma_start3A_219 : memref<1x128xi32, #tpu.memory_space<vmem>> -> memref<128xi32, #tpu.memory_space<vmem>>
    %dma_start3A_221 = arith.constant 0 : i32
    %dma_start3A_222 = arith.constant 0 : i32
    %dma_start3A_223 = tpu.memref_slice %arg6[%dma_start3A_221, %dma_start3A_222] : memref<125000x8xi32, #tpu.memory_space<vmem_shared>> -> memref<125000x8xi32, #tpu.memory_space<vmem_shared>>
    tpu.enqueue_indirect_dma source(%dma_start3A_223 : memref<125000x8xi32, #tpu.memory_space<vmem_shared>>) target(%dma_start3A_217 : memref<128x8xi32, #tpu.memory_space<vmem>>) offsets(%dma_start3A_220 : memref<128xi32, #tpu.memory_space<vmem>>) semaphore(%arg17 : memref<!tpu.dma_semaphore, #tpu.memory_space<semaphore_mem>>)
    %dma_start3A_224 = arith.constant 17 : i32
    %dma_start3A_225 = arith.constant 17 : i32
    %dma_start3A_226 = arith.constant 0 : i32
    %dma_start3A_227 = arith.constant 0 : i32
    %dma_start3A_228 = tpu.memref_slice %arg13[%dma_start3A_225, %dma_start3A_226, %dma_start3A_227] : memref<20x128x8xi32, #tpu.memory_space<vmem>> -> memref<1x128x8xi32, #tpu.memory_space<vmem>>
    %dma_start3A_229 = tpu.memref_squeeze %dma_start3A_228 : memref<1x128x8xi32, #tpu.memory_space<vmem>> -> memref<128x8xi32, #tpu.memory_space<vmem>>
    %dma_start3A_230 = arith.constant 0 : i32
    %dma_start3A_231 = tpu.memref_slice %arg9[%dma_start3A_224, %dma_start3A_230] : memref<20x128xi32, #tpu.memory_space<vmem>> -> memref<1x128xi32, #tpu.memory_space<vmem>>
    %dma_start3A_232 = tpu.memref_squeeze %dma_start3A_231 : memref<1x128xi32, #tpu.memory_space<vmem>> -> memref<128xi32, #tpu.memory_space<vmem>>
    %dma_start3A_233 = arith.constant 0 : i32
    %dma_start3A_234 = arith.constant 0 : i32
    %dma_start3A_235 = tpu.memref_slice %arg6[%dma_start3A_233, %dma_start3A_234] : memref<125000x8xi32, #tpu.memory_space<vmem_shared>> -> memref<125000x8xi32, #tpu.memory_space<vmem_shared>>
    tpu.enqueue_indirect_dma source(%dma_start3A_235 : memref<125000x8xi32, #tpu.memory_space<vmem_shared>>) target(%dma_start3A_229 : memref<128x8xi32, #tpu.memory_space<vmem>>) offsets(%dma_start3A_232 : memref<128xi32, #tpu.memory_space<vmem>>) semaphore(%arg17 : memref<!tpu.dma_semaphore, #tpu.memory_space<semaphore_mem>>)
    %dma_start3A_236 = arith.constant 18 : i32
    %dma_start3A_237 = arith.constant 18 : i32
    %dma_start3A_238 = arith.constant 0 : i32
    %dma_start3A_239 = arith.constant 0 : i32
    %dma_start3A_240 = tpu.memref_slice %arg13[%dma_start3A_237, %dma_start3A_238, %dma_start3A_239] : memref<20x128x8xi32, #tpu.memory_space<vmem>> -> memref<1x128x8xi32, #tpu.memory_space<vmem>>
    %dma_start3A_241 = tpu.memref_squeeze %dma_start3A_240 : memref<1x128x8xi32, #tpu.memory_space<vmem>> -> memref<128x8xi32, #tpu.memory_space<vmem>>
    %dma_start3A_242 = arith.constant 0 : i32
    %dma_start3A_243 = tpu.memref_slice %arg9[%dma_start3A_236, %dma_start3A_242] : memref<20x128xi32, #tpu.memory_space<vmem>> -> memref<1x128xi32, #tpu.memory_space<vmem>>
    %dma_start3A_244 = tpu.memref_squeeze %dma_start3A_243 : memref<1x128xi32, #tpu.memory_space<vmem>> -> memref<128xi32, #tpu.memory_space<vmem>>
    %dma_start3A_245 = arith.constant 0 : i32
    %dma_start3A_246 = arith.constant 0 : i32
    %dma_start3A_247 = tpu.memref_slice %arg6[%dma_start3A_245, %dma_start3A_246] : memref<125000x8xi32, #tpu.memory_space<vmem_shared>> -> memref<125000x8xi32, #tpu.memory_space<vmem_shared>>
    tpu.enqueue_indirect_dma source(%dma_start3A_247 : memref<125000x8xi32, #tpu.memory_space<vmem_shared>>) target(%dma_start3A_241 : memref<128x8xi32, #tpu.memory_space<vmem>>) offsets(%dma_start3A_244 : memref<128xi32, #tpu.memory_space<vmem>>) semaphore(%arg17 : memref<!tpu.dma_semaphore, #tpu.memory_space<semaphore_mem>>)
    %dma_start3A_248 = arith.constant 19 : i32
    %dma_start3A_249 = arith.constant 19 : i32
    %dma_start3A_250 = arith.constant 0 : i32
    %dma_start3A_251 = arith.constant 0 : i32
    %dma_start3A_252 = tpu.memref_slice %arg13[%dma_start3A_249, %dma_start3A_250, %dma_start3A_251] : memref<20x128x8xi32, #tpu.memory_space<vmem>> -> memref<1x128x8xi32, #tpu.memory_space<vmem>>
    %dma_start3A_253 = tpu.memref_squeeze %dma_start3A_252 : memref<1x128x8xi32, #tpu.memory_space<vmem>> -> memref<128x8xi32, #tpu.memory_space<vmem>>
    %dma_start3A_254 = arith.constant 0 : i32
    %dma_start3A_255 = tpu.memref_slice %arg9[%dma_start3A_248, %dma_start3A_254] : memref<20x128xi32, #tpu.memory_space<vmem>> -> memref<1x128xi32, #tpu.memory_space<vmem>>
    %dma_start3A_256 = tpu.memref_squeeze %dma_start3A_255 : memref<1x128xi32, #tpu.memory_space<vmem>> -> memref<128xi32, #tpu.memory_space<vmem>>
    %dma_start3A_257 = arith.constant 0 : i32
    %dma_start3A_258 = arith.constant 0 : i32
    %dma_start3A_259 = tpu.memref_slice %arg6[%dma_start3A_257, %dma_start3A_258] : memref<125000x8xi32, #tpu.memory_space<vmem_shared>> -> memref<125000x8xi32, #tpu.memory_space<vmem_shared>>
    tpu.enqueue_indirect_dma source(%dma_start3A_259 : memref<125000x8xi32, #tpu.memory_space<vmem_shared>>) target(%dma_start3A_253 : memref<128x8xi32, #tpu.memory_space<vmem>>) offsets(%dma_start3A_256 : memref<128xi32, #tpu.memory_space<vmem>>) semaphore(%arg17 : memref<!tpu.dma_semaphore, #tpu.memory_space<semaphore_mem>>)
    %add3A_260 = arith.constant 20 : i32
    %add3A_261 = arith.addi %mul3A_2, %add3A_260 : i32
    %dma_start3A_262 = arith.constant 0 : i32
    %dma_start3A_263 = tpu.memref_slice %arg3[%add3A_261, %dma_start3A_262] : memref<25600x128xi32, #tpu.memory_space<hbm>> -> memref<20x128xi32, #tpu.memory_space<hbm>>
    %dma_start3A_264 = arith.constant 0 : i32
    %dma_start3A_265 = tpu.memref_slice %arg3[%add3A_261, %dma_start3A_264] : memref<25600x128xi32, #tpu.memory_space<hbm>> -> memref<20x128xi32, #tpu.memory_space<hbm>>
    tpu.enqueue_dma source(%dma_start3A_265 : memref<20x128xi32, #tpu.memory_space<hbm>>) target(%arg8 : memref<20x128xi32, #tpu.memory_space<vmem>>) target_semaphore(%arg20 : memref<!tpu.dma_semaphore, #tpu.memory_space<semaphore_mem>>)
    %add3A_266 = arith.constant 20 : i32
    %add3A_267 = arith.addi %mul3A_2, %add3A_266 : i32
    %dma_start3A_268 = arith.constant 0 : i32
    %dma_start3A_269 = tpu.memref_slice %arg4[%add3A_267, %dma_start3A_268] : memref<25600x128xf32, #tpu.memory_space<hbm>> -> memref<20x128xf32, #tpu.memory_space<hbm>>
    %dma_start3A_270 = arith.constant 0 : i32
    %dma_start3A_271 = tpu.memref_slice %arg4[%add3A_267, %dma_start3A_270] : memref<25600x128xf32, #tpu.memory_space<hbm>> -> memref<20x128xf32, #tpu.memory_space<hbm>>
    tpu.enqueue_dma source(%dma_start3A_271 : memref<20x128xf32, #tpu.memory_space<hbm>>) target(%arg12 : memref<20x128xf32, #tpu.memory_space<vmem>>) target_semaphore(%arg20 : memref<!tpu.dma_semaphore, #tpu.memory_space<semaphore_mem>>)
    %scan3A_272 = arith.constant 0 : i32
    %scan3A_273 = arith.constant 20 : i32
    %scan3A_274 = arith.addi %scan3A_272, %scan3A_273 : i32
    %scan3A_275 = arith.constant 1 : i32
    scf.for %scan3A_289 = %scan3A_272 to %scan3A_274 step %scan3A_275  : i32 {
      %mul3A_290 = arith.constant 2 : i32
      %mul3A_291 = arith.muli %scan3A_289, %mul3A_290 : i32
      %add3A_292 = arith.constant 0 : i32
      %add3A_293 = arith.addi %add3A_292, %mul3A_291 : i32
      %add3A_294 = arith.constant 1 : i32
      %add3A_295 = arith.addi %add3A_293, %add3A_294 : i32
      %lt3A = arith.constant 40 : i32
      %lt3A_296 = arith.cmpi slt, %add3A_295, %lt3A : i32
      %convert_element_type3A = arith.extui %lt3A_296 : i1 to i32
      %cond3A = arith.constant 0 : i32
      %cond3A_297 = arith.cmpi ne, %convert_element_type3A, %cond3A : i32
      scf.if %cond3A_297 {
        %add3A_834 = arith.constant 1 : i32
        %add3A_835 = arith.addi %add3A_293, %add3A_834 : i32
        %mul3A_836 = arith.constant 20 : i32
        %mul3A_837 = arith.muli %add3A_835, %mul3A_836 : i32
        %add3A_838 = arith.addi %mul3A_2, %mul3A_837 : i32
        %dma_wait3A_839 = arith.constant 0 : i32
        %dma_wait3A_840 = tpu.memref_slice %arg3[%add3A_838, %dma_wait3A_839] : memref<25600x128xi32, #tpu.memory_space<hbm>> -> memref<20x128xi32, #tpu.memory_space<hbm>>
        %dma_wait3A_841 = arith.constant 0 : i32
        %dma_wait3A_842 = tpu.memref_slice %arg3[%add3A_838, %dma_wait3A_841] : memref<25600x128xi32, #tpu.memory_space<hbm>> -> memref<20x128xi32, #tpu.memory_space<hbm>>
        tpu.wait_dma2 semaphore(%arg20 : memref<!tpu.dma_semaphore, #tpu.memory_space<semaphore_mem>>) src(%dma_wait3A_842 : memref<20x128xi32, #tpu.memory_space<hbm>>) dst(%arg8 : memref<20x128xi32, #tpu.memory_space<vmem>>)
        %mul3A_843 = arith.constant 20 : i32
        %mul3A_844 = arith.muli %add3A_835, %mul3A_843 : i32
        %add3A_845 = arith.addi %mul3A_2, %mul3A_844 : i32
        %dma_wait3A_846 = arith.constant 0 : i32
        %dma_wait3A_847 = tpu.memref_slice %arg4[%add3A_845, %dma_wait3A_846] : memref<25600x128xf32, #tpu.memory_space<hbm>> -> memref<20x128xf32, #tpu.memory_space<hbm>>
        %dma_wait3A_848 = arith.constant 0 : i32
        %dma_wait3A_849 = tpu.memref_slice %arg4[%add3A_845, %dma_wait3A_848] : memref<25600x128xf32, #tpu.memory_space<hbm>> -> memref<20x128xf32, #tpu.memory_space<hbm>>
        tpu.wait_dma2 semaphore(%arg20 : memref<!tpu.dma_semaphore, #tpu.memory_space<semaphore_mem>>) src(%dma_wait3A_849 : memref<20x128xf32, #tpu.memory_space<hbm>>) dst(%arg12 : memref<20x128xf32, #tpu.memory_space<vmem>>)
        %scan3A_850 = arith.constant 0 : i32
        %scan3A_851 = arith.constant 20 : i32
        %scan3A_852 = arith.addi %scan3A_850, %scan3A_851 : i32
        %scan3A_853 = arith.constant 1 : i32
        scf.for %scan3A_1095 = %scan3A_850 to %scan3A_852 step %scan3A_853  : i32 {
          %mul3A_1096 = arith.constant 1 : i32
          %mul3A_1097 = arith.muli %scan3A_1095, %mul3A_1096 : i32
          %add3A_1098 = arith.constant 0 : i32
          %add3A_1099 = arith.addi %add3A_1098, %mul3A_1097 : i32
          %get3A = arith.index_cast %add3A_1099 : i32 to index
          %get3A_1100 = arith.constant 0 : index
          %get3A_1101 = tpu.vector_load %arg8[%get3A, %get3A_1100] {strides = array<i32>} : memref<20x128xi32, #tpu.memory_space<vmem>>, vector<16xi32>,
          %shift_right_logical3A = arith.constant 3 : i32
          %shift_right_logical3A_1102 = vector.broadcast %shift_right_logical3A : i32 to vector<16xi32>
          %shift_right_logical3A_1103 = arith.shrui %get3A_1101, %shift_right_logical3A_1102 : vector<16xi32>
          %swap3A = arith.index_cast %add3A_1099 : i32 to index
          %swap3A_1104 = arith.constant 0 : index
          %swap3A_1105 = tpu.vector_load %arg10[%swap3A, %swap3A_1104] {strides = array<i32>} : memref<20x128xi32, #tpu.memory_space<vmem>>, vector<16xi32>,
          tpu.vector_store %arg10[%swap3A, %swap3A_1104], %shift_right_logical3A_1103 {strides = array<i32>} : memref<20x128xi32, #tpu.memory_space<vmem>>, vector<16xi32>,
          %get3A_1106 = arith.index_cast %add3A_1099 : i32 to index
          %get3A_1107 = arith.constant 16 : index
          %get3A_1108 = tpu.vector_load %arg8[%get3A_1106, %get3A_1107] {strides = array<i32>} : memref<20x128xi32, #tpu.memory_space<vmem>>, vector<16xi32>,
          %shift_right_logical3A_1109 = arith.constant 3 : i32
          %shift_right_logical3A_1110 = vector.broadcast %shift_right_logical3A_1109 : i32 to vector<16xi32>
          %shift_right_logical3A_1111 = arith.shrui %get3A_1108, %shift_right_logical3A_1110 : vector<16xi32>
          %swap3A_1112 = arith.index_cast %add3A_1099 : i32 to index
          %swap3A_1113 = arith.constant 16 : index
          %swap3A_1114 = tpu.vector_load %arg10[%swap3A_1112, %swap3A_1113] {strides = array<i32>} : memref<20x128xi32, #tpu.memory_space<vmem>>, vector<16xi32>,
          tpu.vector_store %arg10[%swap3A_1112, %swap3A_1113], %shift_right_logical3A_1111 {strides = array<i32>} : memref<20x128xi32, #tpu.memory_space<vmem>>, vector<16xi32>,
          %get3A_1115 = arith.index_cast %add3A_1099 : i32 to index
          %get3A_1116 = arith.constant 32 : index
          %get3A_1117 = tpu.vector_load %arg8[%get3A_1115, %get3A_1116] {strides = array<i32>} : memref<20x128xi32, #tpu.memory_space<vmem>>, vector<16xi32>,
          %shift_right_logical3A_1118 = arith.constant 3 : i32
          %shift_right_logical3A_1119 = vector.broadcast %shift_right_logical3A_1118 : i32 to vector<16xi32>
          %shift_right_logical3A_1120 = arith.shrui %get3A_1117, %shift_right_logical3A_1119 : vector<16xi32>
          %swap3A_1121 = arith.index_cast %add3A_1099 : i32 to index
          %swap3A_1122 = arith.constant 32 : index
          %swap3A_1123 = tpu.vector_load %arg10[%swap3A_1121, %swap3A_1122] {strides = array<i32>} : memref<20x128xi32, #tpu.memory_space<vmem>>, vector<16xi32>,
          tpu.vector_store %arg10[%swap3A_1121, %swap3A_1122], %shift_right_logical3A_1120 {strides = array<i32>} : memref<20x128xi32, #tpu.memory_space<vmem>>, vector<16xi32>,
          %get3A_1124 = arith.index_cast %add3A_1099 : i32 to index
          %get3A_1125 = arith.constant 48 : index
          %get3A_1126 = tpu.vector_load %arg8[%get3A_1124, %get3A_1125] {strides = array<i32>} : memref<20x128xi32, #tpu.memory_space<vmem>>, vector<16xi32>,
          %shift_right_logical3A_1127 = arith.constant 3 : i32
          %shift_right_logical3A_1128 = vector.broadcast %shift_right_logical3A_1127 : i32 to vector<16xi32>
          %shift_right_logical3A_1129 = arith.shrui %get3A_1126, %shift_right_logical3A_1128 : vector<16xi32>
          %swap3A_1130 = arith.index_cast %add3A_1099 : i32 to index
          %swap3A_1131 = arith.constant 48 : index
          %swap3A_1132 = tpu.vector_load %arg10[%swap3A_1130, %swap3A_1131] {strides = array<i32>} : memref<20x128xi32, #tpu.memory_space<vmem>>, vector<16xi32>,
          tpu.vector_store %arg10[%swap3A_1130, %swap3A_1131], %shift_right_logical3A_1129 {strides = array<i32>} : memref<20x128xi32, #tpu.memory_space<vmem>>, vector<16xi32>,
          %get3A_1133 = arith.index_cast %add3A_1099 : i32 to index
          %get3A_1134 = arith.constant 64 : index
          %get3A_1135 = tpu.vector_load %arg8[%get3A_1133, %get3A_1134] {strides = array<i32>} : memref<20x128xi32, #tpu.memory_space<vmem>>, vector<16xi32>,
          %shift_right_logical3A_1136 = arith.constant 3 : i32
          %shift_right_logical3A_1137 = vector.broadcast %shift_right_logical3A_1136 : i32 to vector<16xi32>
          %shift_right_logical3A_1138 = arith.shrui %get3A_1135, %shift_right_logical3A_1137 : vector<16xi32>
          %swap3A_1139 = arith.index_cast %add3A_1099 : i32 to index
          %swap3A_1140 = arith.constant 64 : index
          %swap3A_1141 = tpu.vector_load %arg10[%swap3A_1139, %swap3A_1140] {strides = array<i32>} : memref<20x128xi32, #tpu.memory_space<vmem>>, vector<16xi32>,
          tpu.vector_store %arg10[%swap3A_1139, %swap3A_1140], %shift_right_logical3A_1138 {strides = array<i32>} : memref<20x128xi32, #tpu.memory_space<vmem>>, vector<16xi32>,
          %get3A_1142 = arith.index_cast %add3A_1099 : i32 to index
          %get3A_1143 = arith.constant 80 : index
          %get3A_1144 = tpu.vector_load %arg8[%get3A_1142, %get3A_1143] {strides = array<i32>} : memref<20x128xi32, #tpu.memory_space<vmem>>, vector<16xi32>,
          %shift_right_logical3A_1145 = arith.constant 3 : i32
          %shift_right_logical3A_1146 = vector.broadcast %shift_right_logical3A_1145 : i32 to vector<16xi32>
          %shift_right_logical3A_1147 = arith.shrui %get3A_1144, %shift_right_logical3A_1146 : vector<16xi32>
          %swap3A_1148 = arith.index_cast %add3A_1099 : i32 to index
          %swap3A_1149 = arith.constant 80 : index
          %swap3A_1150 = tpu.vector_load %arg10[%swap3A_1148, %swap3A_1149] {strides = array<i32>} : memref<20x128xi32, #tpu.memory_space<vmem>>, vector<16xi32>,
          tpu.vector_store %arg10[%swap3A_1148, %swap3A_1149], %shift_right_logical3A_1147 {strides = array<i32>} : memref<20x128xi32, #tpu.memory_space<vmem>>, vector<16xi32>,
          %get3A_1151 = arith.index_cast %add3A_1099 : i32 to index
          %get3A_1152 = arith.constant 96 : index
          %get3A_1153 = tpu.vector_load %arg8[%get3A_1151, %get3A_1152] {strides = array<i32>} : memref<20x128xi32, #tpu.memory_space<vmem>>, vector<16xi32>,
          %shift_right_logical3A_1154 = arith.constant 3 : i32
          %shift_right_logical3A_1155 = vector.broadcast %shift_right_logical3A_1154 : i32 to vector<16xi32>
          %shift_right_logical3A_1156 = arith.shrui %get3A_1153, %shift_right_logical3A_1155 : vector<16xi32>
          %swap3A_1157 = arith.index_cast %add3A_1099 : i32 to index
          %swap3A_1158 = arith.constant 96 : index
          %swap3A_1159 = tpu.vector_load %arg10[%swap3A_1157, %swap3A_1158] {strides = array<i32>} : memref<20x128xi32, #tpu.memory_space<vmem>>, vector<16xi32>,
          tpu.vector_store %arg10[%swap3A_1157, %swap3A_1158], %shift_right_logical3A_1156 {strides = array<i32>} : memref<20x128xi32, #tpu.memory_space<vmem>>, vector<16xi32>,
          %get3A_1160 = arith.index_cast %add3A_1099 : i32 to index
          %get3A_1161 = arith.constant 112 : index
          %get3A_1162 = tpu.vector_load %arg8[%get3A_1160, %get3A_1161] {strides = array<i32>} : memref<20x128xi32, #tpu.memory_space<vmem>>, vector<16xi32>,
          %shift_right_logical3A_1163 = arith.constant 3 : i32
          %shift_right_logical3A_1164 = vector.broadcast %shift_right_logical3A_1163 : i32 to vector<16xi32>
          %shift_right_logical3A_1165 = arith.shrui %get3A_1162, %shift_right_logical3A_1164 : vector<16xi32>
          %swap3A_1166 = arith.index_cast %add3A_1099 : i32 to index
          %swap3A_1167 = arith.constant 112 : index
          %swap3A_1168 = tpu.vector_load %arg10[%swap3A_1166, %swap3A_1167] {strides = array<i32>} : memref<20x128xi32, #tpu.memory_space<vmem>>, vector<16xi32>,
          tpu.vector_store %arg10[%swap3A_1166, %swap3A_1167], %shift_right_logical3A_1165 {strides = array<i32>} : memref<20x128xi32, #tpu.memory_space<vmem>>, vector<16xi32>,
        }
        %scan3A_854 = arith.constant 20 : i32
        %dma_start3A_855 = arith.constant 0 : i32
        %dma_start3A_856 = arith.constant 0 : i32
        %dma_start3A_857 = arith.constant 0 : i32
        %dma_start3A_858 = arith.constant 0 : i32
        %dma_start3A_859 = tpu.memref_slice %arg14[%dma_start3A_856, %dma_start3A_857, %dma_start3A_858] : memref<20x128x8xi32, #tpu.memory_space<vmem>> -> memref<1x128x8xi32, #tpu.memory_space<vmem>>
        %dma_start3A_860 = tpu.memref_squeeze %dma_start3A_859 : memref<1x128x8xi32, #tpu.memory_space<vmem>> -> memref<128x8xi32, #tpu.memory_space<vmem>>
        %dma_start3A_861 = arith.constant 0 : i32
        %dma_start3A_862 = tpu.memref_slice %arg10[%dma_start3A_855, %dma_start3A_861] : memref<20x128xi32, #tpu.memory_space<vmem>> -> memref<1x128xi32, #tpu.memory_space<vmem>>
        %dma_start3A_863 = tpu.memref_squeeze %dma_start3A_862 : memref<1x128xi32, #tpu.memory_space<vmem>> -> memref<128xi32, #tpu.memory_space<vmem>>
        %dma_start3A_864 = arith.constant 0 : i32
        %dma_start3A_865 = arith.constant 0 : i32
        %dma_start3A_866 = tpu.memref_slice %arg6[%dma_start3A_864, %dma_start3A_865] : memref<125000x8xi32, #tpu.memory_space<vmem_shared>> -> memref<125000x8xi32, #tpu.memory_space<vmem_shared>>
        tpu.enqueue_indirect_dma source(%dma_start3A_866 : memref<125000x8xi32, #tpu.memory_space<vmem_shared>>) target(%dma_start3A_860 : memref<128x8xi32, #tpu.memory_space<vmem>>) offsets(%dma_start3A_863 : memref<128xi32, #tpu.memory_space<vmem>>) semaphore(%arg18 : memref<!tpu.dma_semaphore, #tpu.memory_space<semaphore_mem>>)
        %dma_start3A_867 = arith.constant 1 : i32
        %dma_start3A_868 = arith.constant 1 : i32
        %dma_start3A_869 = arith.constant 0 : i32
        %dma_start3A_870 = arith.constant 0 : i32
        %dma_start3A_871 = tpu.memref_slice %arg14[%dma_start3A_868, %dma_start3A_869, %dma_start3A_870] : memref<20x128x8xi32, #tpu.memory_space<vmem>> -> memref<1x128x8xi32, #tpu.memory_space<vmem>>
        %dma_start3A_872 = tpu.memref_squeeze %dma_start3A_871 : memref<1x128x8xi32, #tpu.memory_space<vmem>> -> memref<128x8xi32, #tpu.memory_space<vmem>>
        %dma_start3A_873 = arith.constant 0 : i32
        %dma_start3A_874 = tpu.memref_slice %arg10[%dma_start3A_867, %dma_start3A_873] : memref<20x128xi32, #tpu.memory_space<vmem>> -> memref<1x128xi32, #tpu.memory_space<vmem>>
        %dma_start3A_875 = tpu.memref_squeeze %dma_start3A_874 : memref<1x128xi32, #tpu.memory_space<vmem>> -> memref<128xi32, #tpu.memory_space<vmem>>
        %dma_start3A_876 = arith.constant 0 : i32
        %dma_start3A_877 = arith.constant 0 : i32
        %dma_start3A_878 = tpu.memref_slice %arg6[%dma_start3A_876, %dma_start3A_877] : memref<125000x8xi32, #tpu.memory_space<vmem_shared>> -> memref<125000x8xi32, #tpu.memory_space<vmem_shared>>
        tpu.enqueue_indirect_dma source(%dma_start3A_878 : memref<125000x8xi32, #tpu.memory_space<vmem_shared>>) target(%dma_start3A_872 : memref<128x8xi32, #tpu.memory_space<vmem>>) offsets(%dma_start3A_875 : memref<128xi32, #tpu.memory_space<vmem>>) semaphore(%arg18 : memref<!tpu.dma_semaphore, #tpu.memory_space<semaphore_mem>>)
        %dma_start3A_879 = arith.constant 2 : i32
        %dma_start3A_880 = arith.constant 2 : i32
        %dma_start3A_881 = arith.constant 0 : i32
        %dma_start3A_882 = arith.constant 0 : i32
        %dma_start3A_883 = tpu.memref_slice %arg14[%dma_start3A_880, %dma_start3A_881, %dma_start3A_882] : memref<20x128x8xi32, #tpu.memory_space<vmem>> -> memref<1x128x8xi32, #tpu.memory_space<vmem>>
        %dma_start3A_884 = tpu.memref_squeeze %dma_start3A_883 : memref<1x128x8xi32, #tpu.memory_space<vmem>> -> memref<128x8xi32, #tpu.memory_space<vmem>>
        %dma_start3A_885 = arith.constant 0 : i32
        %dma_start3A_886 = tpu.memref_slice %arg10[%dma_start3A_879, %dma_start3A_885] : memref<20x128xi32, #tpu.memory_space<vmem>> -> memref<1x128xi32, #tpu.memory_space<vmem>>
        %dma_start3A_887 = tpu.memref_squeeze %dma_start3A_886 : memref<1x128xi32, #tpu.memory_space<vmem>> -> memref<128xi32, #tpu.memory_space<vmem>>
        %dma_start3A_888 = arith.constant 0 : i32
        %dma_start3A_889 = arith.constant 0 : i32
        %dma_start3A_890 = tpu.memref_slice %arg6[%dma_start3A_888, %dma_start3A_889] : memref<125000x8xi32, #tpu.memory_space<vmem_shared>> -> memref<125000x8xi32, #tpu.memory_space<vmem_shared>>
        tpu.enqueue_indirect_dma source(%dma_start3A_890 : memref<125000x8xi32, #tpu.memory_space<vmem_shared>>) target(%dma_start3A_884 : memref<128x8xi32, #tpu.memory_space<vmem>>) offsets(%dma_start3A_887 : memref<128xi32, #tpu.memory_space<vmem>>) semaphore(%arg18 : memref<!tpu.dma_semaphore, #tpu.memory_space<semaphore_mem>>)
        %dma_start3A_891 = arith.constant 3 : i32
        %dma_start3A_892 = arith.constant 3 : i32
        %dma_start3A_893 = arith.constant 0 : i32
        %dma_start3A_894 = arith.constant 0 : i32
        %dma_start3A_895 = tpu.memref_slice %arg14[%dma_start3A_892, %dma_start3A_893, %dma_start3A_894] : memref<20x128x8xi32, #tpu.memory_space<vmem>> -> memref<1x128x8xi32, #tpu.memory_space<vmem>>
        %dma_start3A_896 = tpu.memref_squeeze %dma_start3A_895 : memref<1x128x8xi32, #tpu.memory_space<vmem>> -> memref<128x8xi32, #tpu.memory_space<vmem>>
        %dma_start3A_897 = arith.constant 0 : i32
        %dma_start3A_898 = tpu.memref_slice %arg10[%dma_start3A_891, %dma_start3A_897] : memref<20x128xi32, #tpu.memory_space<vmem>> -> memref<1x128xi32, #tpu.memory_space<vmem>>
        %dma_start3A_899 = tpu.memref_squeeze %dma_start3A_898 : memref<1x128xi32, #tpu.memory_space<vmem>> -> memref<128xi32, #tpu.memory_space<vmem>>
        %dma_start3A_900 = arith.constant 0 : i32
        %dma_start3A_901 = arith.constant 0 : i32
        %dma_start3A_902 = tpu.memref_slice %arg6[%dma_start3A_900, %dma_start3A_901] : memref<125000x8xi32, #tpu.memory_space<vmem_shared>> -> memref<125000x8xi32, #tpu.memory_space<vmem_shared>>
        tpu.enqueue_indirect_dma source(%dma_start3A_902 : memref<125000x8xi32, #tpu.memory_space<vmem_shared>>) target(%dma_start3A_896 : memref<128x8xi32, #tpu.memory_space<vmem>>) offsets(%dma_start3A_899 : memref<128xi32, #tpu.memory_space<vmem>>) semaphore(%arg18 : memref<!tpu.dma_semaphore, #tpu.memory_space<semaphore_mem>>)
        %dma_start3A_903 = arith.constant 4 : i32
        %dma_start3A_904 = arith.constant 4 : i32
        %dma_start3A_905 = arith.constant 0 : i32
        %dma_start3A_906 = arith.constant 0 : i32
        %dma_start3A_907 = tpu.memref_slice %arg14[%dma_start3A_904, %dma_start3A_905, %dma_start3A_906] : memref<20x128x8xi32, #tpu.memory_space<vmem>> -> memref<1x128x8xi32, #tpu.memory_space<vmem>>
        %dma_start3A_908 = tpu.memref_squeeze %dma_start3A_907 : memref<1x128x8xi32, #tpu.memory_space<vmem>> -> memref<128x8xi32, #tpu.memory_space<vmem>>
        %dma_start3A_909 = arith.constant 0 : i32
        %dma_start3A_910 = tpu.memref_slice %arg10[%dma_start3A_903, %dma_start3A_909] : memref<20x128xi32, #tpu.memory_space<vmem>> -> memref<1x128xi32, #tpu.memory_space<vmem>>
        %dma_start3A_911 = tpu.memref_squeeze %dma_start3A_910 : memref<1x128xi32, #tpu.memory_space<vmem>> -> memref<128xi32, #tpu.memory_space<vmem>>
        %dma_start3A_912 = arith.constant 0 : i32
        %dma_start3A_913 = arith.constant 0 : i32
        %dma_start3A_914 = tpu.memref_slice %arg6[%dma_start3A_912, %dma_start3A_913] : memref<125000x8xi32, #tpu.memory_space<vmem_shared>> -> memref<125000x8xi32, #tpu.memory_space<vmem_shared>>
        tpu.enqueue_indirect_dma source(%dma_start3A_914 : memref<125000x8xi32, #tpu.memory_space<vmem_shared>>) target(%dma_start3A_908 : memref<128x8xi32, #tpu.memory_space<vmem>>) offsets(%dma_start3A_911 : memref<128xi32, #tpu.memory_space<vmem>>) semaphore(%arg18 : memref<!tpu.dma_semaphore, #tpu.memory_space<semaphore_mem>>)
        %dma_start3A_915 = arith.constant 5 : i32
        %dma_start3A_916 = arith.constant 5 : i32
        %dma_start3A_917 = arith.constant 0 : i32
        %dma_start3A_918 = arith.constant 0 : i32
        %dma_start3A_919 = tpu.memref_slice %arg14[%dma_start3A_916, %dma_start3A_917, %dma_start3A_918] : memref<20x128x8xi32, #tpu.memory_space<vmem>> -> memref<1x128x8xi32, #tpu.memory_space<vmem>>
        %dma_start3A_920 = tpu.memref_squeeze %dma_start3A_919 : memref<1x128x8xi32, #tpu.memory_space<vmem>> -> memref<128x8xi32, #tpu.memory_space<vmem>>
        %dma_start3A_921 = arith.constant 0 : i32
        %dma_start3A_922 = tpu.memref_slice %arg10[%dma_start3A_915, %dma_start3A_921] : memref<20x128xi32, #tpu.memory_space<vmem>> -> memref<1x128xi32, #tpu.memory_space<vmem>>
        %dma_start3A_923 = tpu.memref_squeeze %dma_start3A_922 : memref<1x128xi32, #tpu.memory_space<vmem>> -> memref<128xi32, #tpu.memory_space<vmem>>
        %dma_start3A_924 = arith.constant 0 : i32
        %dma_start3A_925 = arith.constant 0 : i32
        %dma_start3A_926 = tpu.memref_slice %arg6[%dma_start3A_924, %dma_start3A_925] : memref<125000x8xi32, #tpu.memory_space<vmem_shared>> -> memref<125000x8xi32, #tpu.memory_space<vmem_shared>>
        tpu.enqueue_indirect_dma source(%dma_start3A_926 : memref<125000x8xi32, #tpu.memory_space<vmem_shared>>) target(%dma_start3A_920 : memref<128x8xi32, #tpu.memory_space<vmem>>) offsets(%dma_start3A_923 : memref<128xi32, #tpu.memory_space<vmem>>) semaphore(%arg18 : memref<!tpu.dma_semaphore, #tpu.memory_space<semaphore_mem>>)
        %dma_start3A_927 = arith.constant 6 : i32
        %dma_start3A_928 = arith.constant 6 : i32
        %dma_start3A_929 = arith.constant 0 : i32
        %dma_start3A_930 = arith.constant 0 : i32
        %dma_start3A_931 = tpu.memref_slice %arg14[%dma_start3A_928, %dma_start3A_929, %dma_start3A_930] : memref<20x128x8xi32, #tpu.memory_space<vmem>> -> memref<1x128x8xi32, #tpu.memory_space<vmem>>
        %dma_start3A_932 = tpu.memref_squeeze %dma_start3A_931 : memref<1x128x8xi32, #tpu.memory_space<vmem>> -> memref<128x8xi32, #tpu.memory_space<vmem>>
        %dma_start3A_933 = arith.constant 0 : i32
        %dma_start3A_934 = tpu.memref_slice %arg10[%dma_start3A_927, %dma_start3A_933] : memref<20x128xi32, #tpu.memory_space<vmem>> -> memref<1x128xi32, #tpu.memory_space<vmem>>
        %dma_start3A_935 = tpu.memref_squeeze %dma_start3A_934 : memref<1x128xi32, #tpu.memory_space<vmem>> -> memref<128xi32, #tpu.memory_space<vmem>>
        %dma_start3A_936 = arith.constant 0 : i32
        %dma_start3A_937 = arith.constant 0 : i32
        %dma_start3A_938 = tpu.memref_slice %arg6[%dma_start3A_936, %dma_start3A_937] : memref<125000x8xi32, #tpu.memory_space<vmem_shared>> -> memref<125000x8xi32, #tpu.memory_space<vmem_shared>>
        tpu.enqueue_indirect_dma source(%dma_start3A_938 : memref<125000x8xi32, #tpu.memory_space<vmem_shared>>) target(%dma_start3A_932 : memref<128x8xi32, #tpu.memory_space<vmem>>) offsets(%dma_start3A_935 : memref<128xi32, #tpu.memory_space<vmem>>) semaphore(%arg18 : memref<!tpu.dma_semaphore, #tpu.memory_space<semaphore_mem>>)
        %dma_start3A_939 = arith.constant 7 : i32
        %dma_start3A_940 = arith.constant 7 : i32
        %dma_start3A_941 = arith.constant 0 : i32
        %dma_start3A_942 = arith.constant 0 : i32
        %dma_start3A_943 = tpu.memref_slice %arg14[%dma_start3A_940, %dma_start3A_941, %dma_start3A_942] : memref<20x128x8xi32, #tpu.memory_space<vmem>> -> memref<1x128x8xi32, #tpu.memory_space<vmem>>
        %dma_start3A_944 = tpu.memref_squeeze %dma_start3A_943 : memref<1x128x8xi32, #tpu.memory_space<vmem>> -> memref<128x8xi32, #tpu.memory_space<vmem>>
        %dma_start3A_945 = arith.constant 0 : i32
        %dma_start3A_946 = tpu.memref_slice %arg10[%dma_start3A_939, %dma_start3A_945] : memref<20x128xi32, #tpu.memory_space<vmem>> -> memref<1x128xi32, #tpu.memory_space<vmem>>
        %dma_start3A_947 = tpu.memref_squeeze %dma_start3A_946 : memref<1x128xi32, #tpu.memory_space<vmem>> -> memref<128xi32, #tpu.memory_space<vmem>>
        %dma_start3A_948 = arith.constant 0 : i32
        %dma_start3A_949 = arith.constant 0 : i32
        %dma_start3A_950 = tpu.memref_slice %arg6[%dma_start3A_948, %dma_start3A_949] : memref<125000x8xi32, #tpu.memory_space<vmem_shared>> -> memref<125000x8xi32, #tpu.memory_space<vmem_shared>>
        tpu.enqueue_indirect_dma source(%dma_start3A_950 : memref<125000x8xi32, #tpu.memory_space<vmem_shared>>) target(%dma_start3A_944 : memref<128x8xi32, #tpu.memory_space<vmem>>) offsets(%dma_start3A_947 : memref<128xi32, #tpu.memory_space<vmem>>) semaphore(%arg18 : memref<!tpu.dma_semaphore, #tpu.memory_space<semaphore_mem>>)
        %dma_start3A_951 = arith.constant 8 : i32
        %dma_start3A_952 = arith.constant 8 : i32
        %dma_start3A_953 = arith.constant 0 : i32
        %dma_start3A_954 = arith.constant 0 : i32
        %dma_start3A_955 = tpu.memref_slice %arg14[%dma_start3A_952, %dma_start3A_953, %dma_start3A_954] : memref<20x128x8xi32, #tpu.memory_space<vmem>> -> memref<1x128x8xi32, #tpu.memory_space<vmem>>
        %dma_start3A_956 = tpu.memref_squeeze %dma_start3A_955 : memref<1x128x8xi32, #tpu.memory_space<vmem>> -> memref<128x8xi32, #tpu.memory_space<vmem>>
        %dma_start3A_957 = arith.constant 0 : i32
        %dma_start3A_958 = tpu.memref_slice %arg10[%dma_start3A_951, %dma_start3A_957] : memref<20x128xi32, #tpu.memory_space<vmem>> -> memref<1x128xi32, #tpu.memory_space<vmem>>
        %dma_start3A_959 = tpu.memref_squeeze %dma_start3A_958 : memref<1x128xi32, #tpu.memory_space<vmem>> -> memref<128xi32, #tpu.memory_space<vmem>>
        %dma_start3A_960 = arith.constant 0 : i32
        %dma_start3A_961 = arith.constant 0 : i32
        %dma_start3A_962 = tpu.memref_slice %arg6[%dma_start3A_960, %dma_start3A_961] : memref<125000x8xi32, #tpu.memory_space<vmem_shared>> -> memref<125000x8xi32, #tpu.memory_space<vmem_shared>>
        tpu.enqueue_indirect_dma source(%dma_start3A_962 : memref<125000x8xi32, #tpu.memory_space<vmem_shared>>) target(%dma_start3A_956 : memref<128x8xi32, #tpu.memory_space<vmem>>) offsets(%dma_start3A_959 : memref<128xi32, #tpu.memory_space<vmem>>) semaphore(%arg18 : memref<!tpu.dma_semaphore, #tpu.memory_space<semaphore_mem>>)
        %dma_start3A_963 = arith.constant 9 : i32
        %dma_start3A_964 = arith.constant 9 : i32
        %dma_start3A_965 = arith.constant 0 : i32
        %dma_start3A_966 = arith.constant 0 : i32
        %dma_start3A_967 = tpu.memref_slice %arg14[%dma_start3A_964, %dma_start3A_965, %dma_start3A_966] : memref<20x128x8xi32, #tpu.memory_space<vmem>> -> memref<1x128x8xi32, #tpu.memory_space<vmem>>
        %dma_start3A_968 = tpu.memref_squeeze %dma_start3A_967 : memref<1x128x8xi32, #tpu.memory_space<vmem>> -> memref<128x8xi32, #tpu.memory_space<vmem>>
        %dma_start3A_969 = arith.constant 0 : i32
        %dma_start3A_970 = tpu.memref_slice %arg10[%dma_start3A_963, %dma_start3A_969] : memref<20x128xi32, #tpu.memory_space<vmem>> -> memref<1x128xi32, #tpu.memory_space<vmem>>
        %dma_start3A_971 = tpu.memref_squeeze %dma_start3A_970 : memref<1x128xi32, #tpu.memory_space<vmem>> -> memref<128xi32, #tpu.memory_space<vmem>>
        %dma_start3A_972 = arith.constant 0 : i32
        %dma_start3A_973 = arith.constant 0 : i32
        %dma_start3A_974 = tpu.memref_slice %arg6[%dma_start3A_972, %dma_start3A_973] : memref<125000x8xi32, #tpu.memory_space<vmem_shared>> -> memref<125000x8xi32, #tpu.memory_space<vmem_shared>>
        tpu.enqueue_indirect_dma source(%dma_start3A_974 : memref<125000x8xi32, #tpu.memory_space<vmem_shared>>) target(%dma_start3A_968 : memref<128x8xi32, #tpu.memory_space<vmem>>) offsets(%dma_start3A_971 : memref<128xi32, #tpu.memory_space<vmem>>) semaphore(%arg18 : memref<!tpu.dma_semaphore, #tpu.memory_space<semaphore_mem>>)
        %dma_start3A_975 = arith.constant 10 : i32
        %dma_start3A_976 = arith.constant 10 : i32
        %dma_start3A_977 = arith.constant 0 : i32
        %dma_start3A_978 = arith.constant 0 : i32
        %dma_start3A_979 = tpu.memref_slice %arg14[%dma_start3A_976, %dma_start3A_977, %dma_start3A_978] : memref<20x128x8xi32, #tpu.memory_space<vmem>> -> memref<1x128x8xi32, #tpu.memory_space<vmem>>
        %dma_start3A_980 = tpu.memref_squeeze %dma_start3A_979 : memref<1x128x8xi32, #tpu.memory_space<vmem>> -> memref<128x8xi32, #tpu.memory_space<vmem>>
        %dma_start3A_981 = arith.constant 0 : i32
        %dma_start3A_982 = tpu.memref_slice %arg10[%dma_start3A_975, %dma_start3A_981] : memref<20x128xi32, #tpu.memory_space<vmem>> -> memref<1x128xi32, #tpu.memory_space<vmem>>
        %dma_start3A_983 = tpu.memref_squeeze %dma_start3A_982 : memref<1x128xi32, #tpu.memory_space<vmem>> -> memref<128xi32, #tpu.memory_space<vmem>>
        %dma_start3A_984 = arith.constant 0 : i32
        %dma_start3A_985 = arith.constant 0 : i32
        %dma_start3A_986 = tpu.memref_slice %arg6[%dma_start3A_984, %dma_start3A_985] : memref<125000x8xi32, #tpu.memory_space<vmem_shared>> -> memref<125000x8xi32, #tpu.memory_space<vmem_shared>>
        tpu.enqueue_indirect_dma source(%dma_start3A_986 : memref<125000x8xi32, #tpu.memory_space<vmem_shared>>) target(%dma_start3A_980 : memref<128x8xi32, #tpu.memory_space<vmem>>) offsets(%dma_start3A_983 : memref<128xi32, #tpu.memory_space<vmem>>) semaphore(%arg18 : memref<!tpu.dma_semaphore, #tpu.memory_space<semaphore_mem>>)
        %dma_start3A_987 = arith.constant 11 : i32
        %dma_start3A_988 = arith.constant 11 : i32
        %dma_start3A_989 = arith.constant 0 : i32
        %dma_start3A_990 = arith.constant 0 : i32
        %dma_start3A_991 = tpu.memref_slice %arg14[%dma_start3A_988, %dma_start3A_989, %dma_start3A_990] : memref<20x128x8xi32, #tpu.memory_space<vmem>> -> memref<1x128x8xi32, #tpu.memory_space<vmem>>
        %dma_start3A_992 = tpu.memref_squeeze %dma_start3A_991 : memref<1x128x8xi32, #tpu.memory_space<vmem>> -> memref<128x8xi32, #tpu.memory_space<vmem>>
        %dma_start3A_993 = arith.constant 0 : i32
        %dma_start3A_994 = tpu.memref_slice %arg10[%dma_start3A_987, %dma_start3A_993] : memref<20x128xi32, #tpu.memory_space<vmem>> -> memref<1x128xi32, #tpu.memory_space<vmem>>
        %dma_start3A_995 = tpu.memref_squeeze %dma_start3A_994 : memref<1x128xi32, #tpu.memory_space<vmem>> -> memref<128xi32, #tpu.memory_space<vmem>>
        %dma_start3A_996 = arith.constant 0 : i32
        %dma_start3A_997 = arith.constant 0 : i32
        %dma_start3A_998 = tpu.memref_slice %arg6[%dma_start3A_996, %dma_start3A_997] : memref<125000x8xi32, #tpu.memory_space<vmem_shared>> -> memref<125000x8xi32, #tpu.memory_space<vmem_shared>>
        tpu.enqueue_indirect_dma source(%dma_start3A_998 : memref<125000x8xi32, #tpu.memory_space<vmem_shared>>) target(%dma_start3A_992 : memref<128x8xi32, #tpu.memory_space<vmem>>) offsets(%dma_start3A_995 : memref<128xi32, #tpu.memory_space<vmem>>) semaphore(%arg18 : memref<!tpu.dma_semaphore, #tpu.memory_space<semaphore_mem>>)
        %dma_start3A_999 = arith.constant 12 : i32
        %dma_start3A_1000 = arith.constant 12 : i32
        %dma_start3A_1001 = arith.constant 0 : i32
        %dma_start3A_1002 = arith.constant 0 : i32
        %dma_start3A_1003 = tpu.memref_slice %arg14[%dma_start3A_1000, %dma_start3A_1001, %dma_start3A_1002] : memref<20x128x8xi32, #tpu.memory_space<vmem>> -> memref<1x128x8xi32, #tpu.memory_space<vmem>>
        %dma_start3A_1004 = tpu.memref_squeeze %dma_start3A_1003 : memref<1x128x8xi32, #tpu.memory_space<vmem>> -> memref<128x8xi32, #tpu.memory_space<vmem>>
        %dma_start3A_1005 = arith.constant 0 : i32
        %dma_start3A_1006 = tpu.memref_slice %arg10[%dma_start3A_999, %dma_start3A_1005] : memref<20x128xi32, #tpu.memory_space<vmem>> -> memref<1x128xi32, #tpu.memory_space<vmem>>
        %dma_start3A_1007 = tpu.memref_squeeze %dma_start3A_1006 : memref<1x128xi32, #tpu.memory_space<vmem>> -> memref<128xi32, #tpu.memory_space<vmem>>
        %dma_start3A_1008 = arith.constant 0 : i32
        %dma_start3A_1009 = arith.constant 0 : i32
        %dma_start3A_1010 = tpu.memref_slice %arg6[%dma_start3A_1008, %dma_start3A_1009] : memref<125000x8xi32, #tpu.memory_space<vmem_shared>> -> memref<125000x8xi32, #tpu.memory_space<vmem_shared>>
        tpu.enqueue_indirect_dma source(%dma_start3A_1010 : memref<125000x8xi32, #tpu.memory_space<vmem_shared>>) target(%dma_start3A_1004 : memref<128x8xi32, #tpu.memory_space<vmem>>) offsets(%dma_start3A_1007 : memref<128xi32, #tpu.memory_space<vmem>>) semaphore(%arg18 : memref<!tpu.dma_semaphore, #tpu.memory_space<semaphore_mem>>)
        %dma_start3A_1011 = arith.constant 13 : i32
        %dma_start3A_1012 = arith.constant 13 : i32
        %dma_start3A_1013 = arith.constant 0 : i32
        %dma_start3A_1014 = arith.constant 0 : i32
        %dma_start3A_1015 = tpu.memref_slice %arg14[%dma_start3A_1012, %dma_start3A_1013, %dma_start3A_1014] : memref<20x128x8xi32, #tpu.memory_space<vmem>> -> memref<1x128x8xi32, #tpu.memory_space<vmem>>
        %dma_start3A_1016 = tpu.memref_squeeze %dma_start3A_1015 : memref<1x128x8xi32, #tpu.memory_space<vmem>> -> memref<128x8xi32, #tpu.memory_space<vmem>>
        %dma_start3A_1017 = arith.constant 0 : i32
        %dma_start3A_1018 = tpu.memref_slice %arg10[%dma_start3A_1011, %dma_start3A_1017] : memref<20x128xi32, #tpu.memory_space<vmem>> -> memref<1x128xi32, #tpu.memory_space<vmem>>
        %dma_start3A_1019 = tpu.memref_squeeze %dma_start3A_1018 : memref<1x128xi32, #tpu.memory_space<vmem>> -> memref<128xi32, #tpu.memory_space<vmem>>
        %dma_start3A_1020 = arith.constant 0 : i32
        %dma_start3A_1021 = arith.constant 0 : i32
        %dma_start3A_1022 = tpu.memref_slice %arg6[%dma_start3A_1020, %dma_start3A_1021] : memref<125000x8xi32, #tpu.memory_space<vmem_shared>> -> memref<125000x8xi32, #tpu.memory_space<vmem_shared>>
        tpu.enqueue_indirect_dma source(%dma_start3A_1022 : memref<125000x8xi32, #tpu.memory_space<vmem_shared>>) target(%dma_start3A_1016 : memref<128x8xi32, #tpu.memory_space<vmem>>) offsets(%dma_start3A_1019 : memref<128xi32, #tpu.memory_space<vmem>>) semaphore(%arg18 : memref<!tpu.dma_semaphore, #tpu.memory_space<semaphore_mem>>)
        %dma_start3A_1023 = arith.constant 14 : i32
        %dma_start3A_1024 = arith.constant 14 : i32
        %dma_start3A_1025 = arith.constant 0 : i32
        %dma_start3A_1026 = arith.constant 0 : i32
        %dma_start3A_1027 = tpu.memref_slice %arg14[%dma_start3A_1024, %dma_start3A_1025, %dma_start3A_1026] : memref<20x128x8xi32, #tpu.memory_space<vmem>> -> memref<1x128x8xi32, #tpu.memory_space<vmem>>
        %dma_start3A_1028 = tpu.memref_squeeze %dma_start3A_1027 : memref<1x128x8xi32, #tpu.memory_space<vmem>> -> memref<128x8xi32, #tpu.memory_space<vmem>>
        %dma_start3A_1029 = arith.constant 0 : i32
        %dma_start3A_1030 = tpu.memref_slice %arg10[%dma_start3A_1023, %dma_start3A_1029] : memref<20x128xi32, #tpu.memory_space<vmem>> -> memref<1x128xi32, #tpu.memory_space<vmem>>
        %dma_start3A_1031 = tpu.memref_squeeze %dma_start3A_1030 : memref<1x128xi32, #tpu.memory_space<vmem>> -> memref<128xi32, #tpu.memory_space<vmem>>
        %dma_start3A_1032 = arith.constant 0 : i32
        %dma_start3A_1033 = arith.constant 0 : i32
        %dma_start3A_1034 = tpu.memref_slice %arg6[%dma_start3A_1032, %dma_start3A_1033] : memref<125000x8xi32, #tpu.memory_space<vmem_shared>> -> memref<125000x8xi32, #tpu.memory_space<vmem_shared>>
        tpu.enqueue_indirect_dma source(%dma_start3A_1034 : memref<125000x8xi32, #tpu.memory_space<vmem_shared>>) target(%dma_start3A_1028 : memref<128x8xi32, #tpu.memory_space<vmem>>) offsets(%dma_start3A_1031 : memref<128xi32, #tpu.memory_space<vmem>>) semaphore(%arg18 : memref<!tpu.dma_semaphore, #tpu.memory_space<semaphore_mem>>)
        %dma_start3A_1035 = arith.constant 15 : i32
        %dma_start3A_1036 = arith.constant 15 : i32
        %dma_start3A_1037 = arith.constant 0 : i32
        %dma_start3A_1038 = arith.constant 0 : i32
        %dma_start3A_1039 = tpu.memref_slice %arg14[%dma_start3A_1036, %dma_start3A_1037, %dma_start3A_1038] : memref<20x128x8xi32, #tpu.memory_space<vmem>> -> memref<1x128x8xi32, #tpu.memory_space<vmem>>
        %dma_start3A_1040 = tpu.memref_squeeze %dma_start3A_1039 : memref<1x128x8xi32, #tpu.memory_space<vmem>> -> memref<128x8xi32, #tpu.memory_space<vmem>>
        %dma_start3A_1041 = arith.constant 0 : i32
        %dma_start3A_1042 = tpu.memref_slice %arg10[%dma_start3A_1035, %dma_start3A_1041] : memref<20x128xi32, #tpu.memory_space<vmem>> -> memref<1x128xi32, #tpu.memory_space<vmem>>
        %dma_start3A_1043 = tpu.memref_squeeze %dma_start3A_1042 : memref<1x128xi32, #tpu.memory_space<vmem>> -> memref<128xi32, #tpu.memory_space<vmem>>
        %dma_start3A_1044 = arith.constant 0 : i32
        %dma_start3A_1045 = arith.constant 0 : i32
        %dma_start3A_1046 = tpu.memref_slice %arg6[%dma_start3A_1044, %dma_start3A_1045] : memref<125000x8xi32, #tpu.memory_space<vmem_shared>> -> memref<125000x8xi32, #tpu.memory_space<vmem_shared>>
        tpu.enqueue_indirect_dma source(%dma_start3A_1046 : memref<125000x8xi32, #tpu.memory_space<vmem_shared>>) target(%dma_start3A_1040 : memref<128x8xi32, #tpu.memory_space<vmem>>) offsets(%dma_start3A_1043 : memref<128xi32, #tpu.memory_space<vmem>>) semaphore(%arg18 : memref<!tpu.dma_semaphore, #tpu.memory_space<semaphore_mem>>)
        %dma_start3A_1047 = arith.constant 16 : i32
        %dma_start3A_1048 = arith.constant 16 : i32
        %dma_start3A_1049 = arith.constant 0 : i32
        %dma_start3A_1050 = arith.constant 0 : i32
        %dma_start3A_1051 = tpu.memref_slice %arg14[%dma_start3A_1048, %dma_start3A_1049, %dma_start3A_1050] : memref<20x128x8xi32, #tpu.memory_space<vmem>> -> memref<1x128x8xi32, #tpu.memory_space<vmem>>
        %dma_start3A_1052 = tpu.memref_squeeze %dma_start3A_1051 : memref<1x128x8xi32, #tpu.memory_space<vmem>> -> memref<128x8xi32, #tpu.memory_space<vmem>>
        %dma_start3A_1053 = arith.constant 0 : i32
        %dma_start3A_1054 = tpu.memref_slice %arg10[%dma_start3A_1047, %dma_start3A_1053] : memref<20x128xi32, #tpu.memory_space<vmem>> -> memref<1x128xi32, #tpu.memory_space<vmem>>
        %dma_start3A_1055 = tpu.memref_squeeze %dma_start3A_1054 : memref<1x128xi32, #tpu.memory_space<vmem>> -> memref<128xi32, #tpu.memory_space<vmem>>
        %dma_start3A_1056 = arith.constant 0 : i32
        %dma_start3A_1057 = arith.constant 0 : i32
        %dma_start3A_1058 = tpu.memref_slice %arg6[%dma_start3A_1056, %dma_start3A_1057] : memref<125000x8xi32, #tpu.memory_space<vmem_shared>> -> memref<125000x8xi32, #tpu.memory_space<vmem_shared>>
        tpu.enqueue_indirect_dma source(%dma_start3A_1058 : memref<125000x8xi32, #tpu.memory_space<vmem_shared>>) target(%dma_start3A_1052 : memref<128x8xi32, #tpu.memory_space<vmem>>) offsets(%dma_start3A_1055 : memref<128xi32, #tpu.memory_space<vmem>>) semaphore(%arg18 : memref<!tpu.dma_semaphore, #tpu.memory_space<semaphore_mem>>)
        %dma_start3A_1059 = arith.constant 17 : i32
        %dma_start3A_1060 = arith.constant 17 : i32
        %dma_start3A_1061 = arith.constant 0 : i32
        %dma_start3A_1062 = arith.constant 0 : i32
        %dma_start3A_1063 = tpu.memref_slice %arg14[%dma_start3A_1060, %dma_start3A_1061, %dma_start3A_1062] : memref<20x128x8xi32, #tpu.memory_space<vmem>> -> memref<1x128x8xi32, #tpu.memory_space<vmem>>
        %dma_start3A_1064 = tpu.memref_squeeze %dma_start3A_1063 : memref<1x128x8xi32, #tpu.memory_space<vmem>> -> memref<128x8xi32, #tpu.memory_space<vmem>>
        %dma_start3A_1065 = arith.constant 0 : i32
        %dma_start3A_1066 = tpu.memref_slice %arg10[%dma_start3A_1059, %dma_start3A_1065] : memref<20x128xi32, #tpu.memory_space<vmem>> -> memref<1x128xi32, #tpu.memory_space<vmem>>
        %dma_start3A_1067 = tpu.memref_squeeze %dma_start3A_1066 : memref<1x128xi32, #tpu.memory_space<vmem>> -> memref<128xi32, #tpu.memory_space<vmem>>
        %dma_start3A_1068 = arith.constant 0 : i32
        %dma_start3A_1069 = arith.constant 0 : i32
        %dma_start3A_1070 = tpu.memref_slice %arg6[%dma_start3A_1068, %dma_start3A_1069] : memref<125000x8xi32, #tpu.memory_space<vmem_shared>> -> memref<125000x8xi32, #tpu.memory_space<vmem_shared>>
        tpu.enqueue_indirect_dma source(%dma_start3A_1070 : memref<125000x8xi32, #tpu.memory_space<vmem_shared>>) target(%dma_start3A_1064 : memref<128x8xi32, #tpu.memory_space<vmem>>) offsets(%dma_start3A_1067 : memref<128xi32, #tpu.memory_space<vmem>>) semaphore(%arg18 : memref<!tpu.dma_semaphore, #tpu.memory_space<semaphore_mem>>)
        %dma_start3A_1071 = arith.constant 18 : i32
        %dma_start3A_1072 = arith.constant 18 : i32
        %dma_start3A_1073 = arith.constant 0 : i32
        %dma_start3A_1074 = arith.constant 0 : i32
        %dma_start3A_1075 = tpu.memref_slice %arg14[%dma_start3A_1072, %dma_start3A_1073, %dma_start3A_1074] : memref<20x128x8xi32, #tpu.memory_space<vmem>> -> memref<1x128x8xi32, #tpu.memory_space<vmem>>
        %dma_start3A_1076 = tpu.memref_squeeze %dma_start3A_1075 : memref<1x128x8xi32, #tpu.memory_space<vmem>> -> memref<128x8xi32, #tpu.memory_space<vmem>>
        %dma_start3A_1077 = arith.constant 0 : i32
        %dma_start3A_1078 = tpu.memref_slice %arg10[%dma_start3A_1071, %dma_start3A_1077] : memref<20x128xi32, #tpu.memory_space<vmem>> -> memref<1x128xi32, #tpu.memory_space<vmem>>
        %dma_start3A_1079 = tpu.memref_squeeze %dma_start3A_1078 : memref<1x128xi32, #tpu.memory_space<vmem>> -> memref<128xi32, #tpu.memory_space<vmem>>
        %dma_start3A_1080 = arith.constant 0 : i32
        %dma_start3A_1081 = arith.constant 0 : i32
        %dma_start3A_1082 = tpu.memref_slice %arg6[%dma_start3A_1080, %dma_start3A_1081] : memref<125000x8xi32, #tpu.memory_space<vmem_shared>> -> memref<125000x8xi32, #tpu.memory_space<vmem_shared>>
        tpu.enqueue_indirect_dma source(%dma_start3A_1082 : memref<125000x8xi32, #tpu.memory_space<vmem_shared>>) target(%dma_start3A_1076 : memref<128x8xi32, #tpu.memory_space<vmem>>) offsets(%dma_start3A_1079 : memref<128xi32, #tpu.memory_space<vmem>>) semaphore(%arg18 : memref<!tpu.dma_semaphore, #tpu.memory_space<semaphore_mem>>)
        %dma_start3A_1083 = arith.constant 19 : i32
        %dma_start3A_1084 = arith.constant 19 : i32
        %dma_start3A_1085 = arith.constant 0 : i32
        %dma_start3A_1086 = arith.constant 0 : i32
        %dma_start3A_1087 = tpu.memref_slice %arg14[%dma_start3A_1084, %dma_start3A_1085, %dma_start3A_1086] : memref<20x128x8xi32, #tpu.memory_space<vmem>> -> memref<1x128x8xi32, #tpu.memory_space<vmem>>
        %dma_start3A_1088 = tpu.memref_squeeze %dma_start3A_1087 : memref<1x128x8xi32, #tpu.memory_space<vmem>> -> memref<128x8xi32, #tpu.memory_space<vmem>>
        %dma_start3A_1089 = arith.constant 0 : i32
        %dma_start3A_1090 = tpu.memref_slice %arg10[%dma_start3A_1083, %dma_start3A_1089] : memref<20x128xi32, #tpu.memory_space<vmem>> -> memref<1x128xi32, #tpu.memory_space<vmem>>
        %dma_start3A_1091 = tpu.memref_squeeze %dma_start3A_1090 : memref<1x128xi32, #tpu.memory_space<vmem>> -> memref<128xi32, #tpu.memory_space<vmem>>
        %dma_start3A_1092 = arith.constant 0 : i32
        %dma_start3A_1093 = arith.constant 0 : i32
        %dma_start3A_1094 = tpu.memref_slice %arg6[%dma_start3A_1092, %dma_start3A_1093] : memref<125000x8xi32, #tpu.memory_space<vmem_shared>> -> memref<125000x8xi32, #tpu.memory_space<vmem_shared>>
        tpu.enqueue_indirect_dma source(%dma_start3A_1094 : memref<125000x8xi32, #tpu.memory_space<vmem_shared>>) target(%dma_start3A_1088 : memref<128x8xi32, #tpu.memory_space<vmem>>) offsets(%dma_start3A_1091 : memref<128xi32, #tpu.memory_space<vmem>>) semaphore(%arg18 : memref<!tpu.dma_semaphore, #tpu.memory_space<semaphore_mem>>)
      } else {
      }
      %dma_wait3A_298 = arith.constant 0 : i32
      %dma_wait3A_299 = arith.constant 0 : i32
      %dma_wait3A_300 = arith.constant 0 : i32
      %dma_wait3A_301 = arith.constant 0 : i32
      %dma_wait3A_302 = tpu.memref_slice %arg13[%dma_wait3A_299, %dma_wait3A_300, %dma_wait3A_301] : memref<20x128x8xi32, #tpu.memory_space<vmem>> -> memref<1x128x8xi32, #tpu.memory_space<vmem>>
      %dma_wait3A_303 = tpu.memref_squeeze %dma_wait3A_302 : memref<1x128x8xi32, #tpu.memory_space<vmem>> -> memref<128x8xi32, #tpu.memory_space<vmem>>
      %dma_wait3A_304 = arith.constant 0 : i32
      %dma_wait3A_305 = tpu.memref_slice %arg9[%dma_wait3A_298, %dma_wait3A_304] : memref<20x128xi32, #tpu.memory_space<vmem>> -> memref<1x128xi32, #tpu.memory_space<vmem>>
      %dma_wait3A_306 = tpu.memref_squeeze %dma_wait3A_305 : memref<1x128xi32, #tpu.memory_space<vmem>> -> memref<128xi32, #tpu.memory_space<vmem>>
      %dma_wait3A_307 = arith.constant 0 : i32
      %dma_wait3A_308 = arith.constant 0 : i32
      %dma_wait3A_309 = tpu.memref_slice %arg6[%dma_wait3A_307, %dma_wait3A_308] : memref<125000x8xi32, #tpu.memory_space<vmem_shared>> -> memref<125000x8xi32, #tpu.memory_space<vmem_shared>>
      tpu.wait_indirect_dma semaphore(%arg17 : memref<!tpu.dma_semaphore, #tpu.memory_space<semaphore_mem>>) src(%dma_wait3A_309 : memref<125000x8xi32, #tpu.memory_space<vmem_shared>>) dst(%dma_wait3A_303 : memref<128x8xi32, #tpu.memory_space<vmem>>)
      %dma_wait3A_310 = arith.constant 1 : i32
      %dma_wait3A_311 = arith.constant 1 : i32
      %dma_wait3A_312 = arith.constant 0 : i32
      %dma_wait3A_313 = arith.constant 0 : i32
      %dma_wait3A_314 = tpu.memref_slice %arg13[%dma_wait3A_311, %dma_wait3A_312, %dma_wait3A_313] : memref<20x128x8xi32, #tpu.memory_space<vmem>> -> memref<1x128x8xi32, #tpu.memory_space<vmem>>
      %dma_wait3A_315 = tpu.memref_squeeze %dma_wait3A_314 : memref<1x128x8xi32, #tpu.memory_space<vmem>> -> memref<128x8xi32, #tpu.memory_space<vmem>>
      %dma_wait3A_316 = arith.constant 0 : i32
      %dma_wait3A_317 = tpu.memref_slice %arg9[%dma_wait3A_310, %dma_wait3A_316] : memref<20x128xi32, #tpu.memory_space<vmem>> -> memref<1x128xi32, #tpu.memory_space<vmem>>
      %dma_wait3A_318 = tpu.memref_squeeze %dma_wait3A_317 : memref<1x128xi32, #tpu.memory_space<vmem>> -> memref<128xi32, #tpu.memory_space<vmem>>
      %dma_wait3A_319 = arith.constant 0 : i32
      %dma_wait3A_320 = arith.constant 0 : i32
      %dma_wait3A_321 = tpu.memref_slice %arg6[%dma_wait3A_319, %dma_wait3A_320] : memref<125000x8xi32, #tpu.memory_space<vmem_shared>> -> memref<125000x8xi32, #tpu.memory_space<vmem_shared>>
      tpu.wait_indirect_dma semaphore(%arg17 : memref<!tpu.dma_semaphore, #tpu.memory_space<semaphore_mem>>) src(%dma_wait3A_321 : memref<125000x8xi32, #tpu.memory_space<vmem_shared>>) dst(%dma_wait3A_315 : memref<128x8xi32, #tpu.memory_space<vmem>>)
      %dma_wait3A_322 = arith.constant 2 : i32
      %dma_wait3A_323 = arith.constant 2 : i32
      %dma_wait3A_324 = arith.constant 0 : i32
      %dma_wait3A_325 = arith.constant 0 : i32
      %dma_wait3A_326 = tpu.memref_slice %arg13[%dma_wait3A_323, %dma_wait3A_324, %dma_wait3A_325] : memref<20x128x8xi32, #tpu.memory_space<vmem>> -> memref<1x128x8xi32, #tpu.memory_space<vmem>>
      %dma_wait3A_327 = tpu.memref_squeeze %dma_wait3A_326 : memref<1x128x8xi32, #tpu.memory_space<vmem>> -> memref<128x8xi32, #tpu.memory_space<vmem>>
      %dma_wait3A_328 = arith.constant 0 : i32
      %dma_wait3A_329 = tpu.memref_slice %arg9[%dma_wait3A_322, %dma_wait3A_328] : memref<20x128xi32, #tpu.memory_space<vmem>> -> memref<1x128xi32, #tpu.memory_space<vmem>>
      %dma_wait3A_330 = tpu.memref_squeeze %dma_wait3A_329 : memref<1x128xi32, #tpu.memory_space<vmem>> -> memref<128xi32, #tpu.memory_space<vmem>>
      %dma_wait3A_331 = arith.constant 0 : i32
      %dma_wait3A_332 = arith.constant 0 : i32
      %dma_wait3A_333 = tpu.memref_slice %arg6[%dma_wait3A_331, %dma_wait3A_332] : memref<125000x8xi32, #tpu.memory_space<vmem_shared>> -> memref<125000x8xi32, #tpu.memory_space<vmem_shared>>
      tpu.wait_indirect_dma semaphore(%arg17 : memref<!tpu.dma_semaphore, #tpu.memory_space<semaphore_mem>>) src(%dma_wait3A_333 : memref<125000x8xi32, #tpu.memory_space<vmem_shared>>) dst(%dma_wait3A_327 : memref<128x8xi32, #tpu.memory_space<vmem>>)
      %dma_wait3A_334 = arith.constant 3 : i32
      %dma_wait3A_335 = arith.constant 3 : i32
      %dma_wait3A_336 = arith.constant 0 : i32
      %dma_wait3A_337 = arith.constant 0 : i32
      %dma_wait3A_338 = tpu.memref_slice %arg13[%dma_wait3A_335, %dma_wait3A_336, %dma_wait3A_337] : memref<20x128x8xi32, #tpu.memory_space<vmem>> -> memref<1x128x8xi32, #tpu.memory_space<vmem>>
      %dma_wait3A_339 = tpu.memref_squeeze %dma_wait3A_338 : memref<1x128x8xi32, #tpu.memory_space<vmem>> -> memref<128x8xi32, #tpu.memory_space<vmem>>
      %dma_wait3A_340 = arith.constant 0 : i32
      %dma_wait3A_341 = tpu.memref_slice %arg9[%dma_wait3A_334, %dma_wait3A_340] : memref<20x128xi32, #tpu.memory_space<vmem>> -> memref<1x128xi32, #tpu.memory_space<vmem>>
      %dma_wait3A_342 = tpu.memref_squeeze %dma_wait3A_341 : memref<1x128xi32, #tpu.memory_space<vmem>> -> memref<128xi32, #tpu.memory_space<vmem>>
      %dma_wait3A_343 = arith.constant 0 : i32
      %dma_wait3A_344 = arith.constant 0 : i32
      %dma_wait3A_345 = tpu.memref_slice %arg6[%dma_wait3A_343, %dma_wait3A_344] : memref<125000x8xi32, #tpu.memory_space<vmem_shared>> -> memref<125000x8xi32, #tpu.memory_space<vmem_shared>>
      tpu.wait_indirect_dma semaphore(%arg17 : memref<!tpu.dma_semaphore, #tpu.memory_space<semaphore_mem>>) src(%dma_wait3A_345 : memref<125000x8xi32, #tpu.memory_space<vmem_shared>>) dst(%dma_wait3A_339 : memref<128x8xi32, #tpu.memory_space<vmem>>)
      %dma_wait3A_346 = arith.constant 4 : i32
      %dma_wait3A_347 = arith.constant 4 : i32
      %dma_wait3A_348 = arith.constant 0 : i32
      %dma_wait3A_349 = arith.constant 0 : i32
      %dma_wait3A_350 = tpu.memref_slice %arg13[%dma_wait3A_347, %dma_wait3A_348, %dma_wait3A_349] : memref<20x128x8xi32, #tpu.memory_space<vmem>> -> memref<1x128x8xi32, #tpu.memory_space<vmem>>
      %dma_wait3A_351 = tpu.memref_squeeze %dma_wait3A_350 : memref<1x128x8xi32, #tpu.memory_space<vmem>> -> memref<128x8xi32, #tpu.memory_space<vmem>>
      %dma_wait3A_352 = arith.constant 0 : i32
      %dma_wait3A_353 = tpu.memref_slice %arg9[%dma_wait3A_346, %dma_wait3A_352] : memref<20x128xi32, #tpu.memory_space<vmem>> -> memref<1x128xi32, #tpu.memory_space<vmem>>
      %dma_wait3A_354 = tpu.memref_squeeze %dma_wait3A_353 : memref<1x128xi32, #tpu.memory_space<vmem>> -> memref<128xi32, #tpu.memory_space<vmem>>
      %dma_wait3A_355 = arith.constant 0 : i32
      %dma_wait3A_356 = arith.constant 0 : i32
      %dma_wait3A_357 = tpu.memref_slice %arg6[%dma_wait3A_355, %dma_wait3A_356] : memref<125000x8xi32, #tpu.memory_space<vmem_shared>> -> memref<125000x8xi32, #tpu.memory_space<vmem_shared>>
      tpu.wait_indirect_dma semaphore(%arg17 : memref<!tpu.dma_semaphore, #tpu.memory_space<semaphore_mem>>) src(%dma_wait3A_357 : memref<125000x8xi32, #tpu.memory_space<vmem_shared>>) dst(%dma_wait3A_351 : memref<128x8xi32, #tpu.memory_space<vmem>>)
      %dma_wait3A_358 = arith.constant 5 : i32
      %dma_wait3A_359 = arith.constant 5 : i32
      %dma_wait3A_360 = arith.constant 0 : i32
      %dma_wait3A_361 = arith.constant 0 : i32
      %dma_wait3A_362 = tpu.memref_slice %arg13[%dma_wait3A_359, %dma_wait3A_360, %dma_wait3A_361] : memref<20x128x8xi32, #tpu.memory_space<vmem>> -> memref<1x128x8xi32, #tpu.memory_space<vmem>>
      %dma_wait3A_363 = tpu.memref_squeeze %dma_wait3A_362 : memref<1x128x8xi32, #tpu.memory_space<vmem>> -> memref<128x8xi32, #tpu.memory_space<vmem>>
      %dma_wait3A_364 = arith.constant 0 : i32
      %dma_wait3A_365 = tpu.memref_slice %arg9[%dma_wait3A_358, %dma_wait3A_364] : memref<20x128xi32, #tpu.memory_space<vmem>> -> memref<1x128xi32, #tpu.memory_space<vmem>>
      %dma_wait3A_366 = tpu.memref_squeeze %dma_wait3A_365 : memref<1x128xi32, #tpu.memory_space<vmem>> -> memref<128xi32, #tpu.memory_space<vmem>>
      %dma_wait3A_367 = arith.constant 0 : i32
      %dma_wait3A_368 = arith.constant 0 : i32
      %dma_wait3A_369 = tpu.memref_slice %arg6[%dma_wait3A_367, %dma_wait3A_368] : memref<125000x8xi32, #tpu.memory_space<vmem_shared>> -> memref<125000x8xi32, #tpu.memory_space<vmem_shared>>
      tpu.wait_indirect_dma semaphore(%arg17 : memref<!tpu.dma_semaphore, #tpu.memory_space<semaphore_mem>>) src(%dma_wait3A_369 : memref<125000x8xi32, #tpu.memory_space<vmem_shared>>) dst(%dma_wait3A_363 : memref<128x8xi32, #tpu.memory_space<vmem>>)
      %dma_wait3A_370 = arith.constant 6 : i32
      %dma_wait3A_371 = arith.constant 6 : i32
      %dma_wait3A_372 = arith.constant 0 : i32
      %dma_wait3A_373 = arith.constant 0 : i32
      %dma_wait3A_374 = tpu.memref_slice %arg13[%dma_wait3A_371, %dma_wait3A_372, %dma_wait3A_373] : memref<20x128x8xi32, #tpu.memory_space<vmem>> -> memref<1x128x8xi32, #tpu.memory_space<vmem>>
      %dma_wait3A_375 = tpu.memref_squeeze %dma_wait3A_374 : memref<1x128x8xi32, #tpu.memory_space<vmem>> -> memref<128x8xi32, #tpu.memory_space<vmem>>
      %dma_wait3A_376 = arith.constant 0 : i32
      %dma_wait3A_377 = tpu.memref_slice %arg9[%dma_wait3A_370, %dma_wait3A_376] : memref<20x128xi32, #tpu.memory_space<vmem>> -> memref<1x128xi32, #tpu.memory_space<vmem>>
      %dma_wait3A_378 = tpu.memref_squeeze %dma_wait3A_377 : memref<1x128xi32, #tpu.memory_space<vmem>> -> memref<128xi32, #tpu.memory_space<vmem>>
      %dma_wait3A_379 = arith.constant 0 : i32
      %dma_wait3A_380 = arith.constant 0 : i32
      %dma_wait3A_381 = tpu.memref_slice %arg6[%dma_wait3A_379, %dma_wait3A_380] : memref<125000x8xi32, #tpu.memory_space<vmem_shared>> -> memref<125000x8xi32, #tpu.memory_space<vmem_shared>>
      tpu.wait_indirect_dma semaphore(%arg17 : memref<!tpu.dma_semaphore, #tpu.memory_space<semaphore_mem>>) src(%dma_wait3A_381 : memref<125000x8xi32, #tpu.memory_space<vmem_shared>>) dst(%dma_wait3A_375 : memref<128x8xi32, #tpu.memory_space<vmem>>)
      %dma_wait3A_382 = arith.constant 7 : i32
      %dma_wait3A_383 = arith.constant 7 : i32
      %dma_wait3A_384 = arith.constant 0 : i32
      %dma_wait3A_385 = arith.constant 0 : i32
      %dma_wait3A_386 = tpu.memref_slice %arg13[%dma_wait3A_383, %dma_wait3A_384, %dma_wait3A_385] : memref<20x128x8xi32, #tpu.memory_space<vmem>> -> memref<1x128x8xi32, #tpu.memory_space<vmem>>
      %dma_wait3A_387 = tpu.memref_squeeze %dma_wait3A_386 : memref<1x128x8xi32, #tpu.memory_space<vmem>> -> memref<128x8xi32, #tpu.memory_space<vmem>>
      %dma_wait3A_388 = arith.constant 0 : i32
      %dma_wait3A_389 = tpu.memref_slice %arg9[%dma_wait3A_382, %dma_wait3A_388] : memref<20x128xi32, #tpu.memory_space<vmem>> -> memref<1x128xi32, #tpu.memory_space<vmem>>
      %dma_wait3A_390 = tpu.memref_squeeze %dma_wait3A_389 : memref<1x128xi32, #tpu.memory_space<vmem>> -> memref<128xi32, #tpu.memory_space<vmem>>
      %dma_wait3A_391 = arith.constant 0 : i32
      %dma_wait3A_392 = arith.constant 0 : i32
      %dma_wait3A_393 = tpu.memref_slice %arg6[%dma_wait3A_391, %dma_wait3A_392] : memref<125000x8xi32, #tpu.memory_space<vmem_shared>> -> memref<125000x8xi32, #tpu.memory_space<vmem_shared>>
      tpu.wait_indirect_dma semaphore(%arg17 : memref<!tpu.dma_semaphore, #tpu.memory_space<semaphore_mem>>) src(%dma_wait3A_393 : memref<125000x8xi32, #tpu.memory_space<vmem_shared>>) dst(%dma_wait3A_387 : memref<128x8xi32, #tpu.memory_space<vmem>>)
      %dma_wait3A_394 = arith.constant 8 : i32
      %dma_wait3A_395 = arith.constant 8 : i32
      %dma_wait3A_396 = arith.constant 0 : i32
      %dma_wait3A_397 = arith.constant 0 : i32
      %dma_wait3A_398 = tpu.memref_slice %arg13[%dma_wait3A_395, %dma_wait3A_396, %dma_wait3A_397] : memref<20x128x8xi32, #tpu.memory_space<vmem>> -> memref<1x128x8xi32, #tpu.memory_space<vmem>>
      %dma_wait3A_399 = tpu.memref_squeeze %dma_wait3A_398 : memref<1x128x8xi32, #tpu.memory_space<vmem>> -> memref<128x8xi32, #tpu.memory_space<vmem>>
      %dma_wait3A_400 = arith.constant 0 : i32
      %dma_wait3A_401 = tpu.memref_slice %arg9[%dma_wait3A_394, %dma_wait3A_400] : memref<20x128xi32, #tpu.memory_space<vmem>> -> memref<1x128xi32, #tpu.memory_space<vmem>>
      %dma_wait3A_402 = tpu.memref_squeeze %dma_wait3A_401 : memref<1x128xi32, #tpu.memory_space<vmem>> -> memref<128xi32, #tpu.memory_space<vmem>>
      %dma_wait3A_403 = arith.constant 0 : i32
      %dma_wait3A_404 = arith.constant 0 : i32
      %dma_wait3A_405 = tpu.memref_slice %arg6[%dma_wait3A_403, %dma_wait3A_404] : memref<125000x8xi32, #tpu.memory_space<vmem_shared>> -> memref<125000x8xi32, #tpu.memory_space<vmem_shared>>
      tpu.wait_indirect_dma semaphore(%arg17 : memref<!tpu.dma_semaphore, #tpu.memory_space<semaphore_mem>>) src(%dma_wait3A_405 : memref<125000x8xi32, #tpu.memory_space<vmem_shared>>) dst(%dma_wait3A_399 : memref<128x8xi32, #tpu.memory_space<vmem>>)
      %dma_wait3A_406 = arith.constant 9 : i32
      %dma_wait3A_407 = arith.constant 9 : i32
      %dma_wait3A_408 = arith.constant 0 : i32
      %dma_wait3A_409 = arith.constant 0 : i32
      %dma_wait3A_410 = tpu.memref_slice %arg13[%dma_wait3A_407, %dma_wait3A_408, %dma_wait3A_409] : memref<20x128x8xi32, #tpu.memory_space<vmem>> -> memref<1x128x8xi32, #tpu.memory_space<vmem>>
      %dma_wait3A_411 = tpu.memref_squeeze %dma_wait3A_410 : memref<1x128x8xi32, #tpu.memory_space<vmem>> -> memref<128x8xi32, #tpu.memory_space<vmem>>
      %dma_wait3A_412 = arith.constant 0 : i32
      %dma_wait3A_413 = tpu.memref_slice %arg9[%dma_wait3A_406, %dma_wait3A_412] : memref<20x128xi32, #tpu.memory_space<vmem>> -> memref<1x128xi32, #tpu.memory_space<vmem>>
      %dma_wait3A_414 = tpu.memref_squeeze %dma_wait3A_413 : memref<1x128xi32, #tpu.memory_space<vmem>> -> memref<128xi32, #tpu.memory_space<vmem>>
      %dma_wait3A_415 = arith.constant 0 : i32
      %dma_wait3A_416 = arith.constant 0 : i32
      %dma_wait3A_417 = tpu.memref_slice %arg6[%dma_wait3A_415, %dma_wait3A_416] : memref<125000x8xi32, #tpu.memory_space<vmem_shared>> -> memref<125000x8xi32, #tpu.memory_space<vmem_shared>>
      tpu.wait_indirect_dma semaphore(%arg17 : memref<!tpu.dma_semaphore, #tpu.memory_space<semaphore_mem>>) src(%dma_wait3A_417 : memref<125000x8xi32, #tpu.memory_space<vmem_shared>>) dst(%dma_wait3A_411 : memref<128x8xi32, #tpu.memory_space<vmem>>)
      %dma_wait3A_418 = arith.constant 10 : i32
      %dma_wait3A_419 = arith.constant 10 : i32
      %dma_wait3A_420 = arith.constant 0 : i32
      %dma_wait3A_421 = arith.constant 0 : i32
      %dma_wait3A_422 = tpu.memref_slice %arg13[%dma_wait3A_419, %dma_wait3A_420, %dma_wait3A_421] : memref<20x128x8xi32, #tpu.memory_space<vmem>> -> memref<1x128x8xi32, #tpu.memory_space<vmem>>
      %dma_wait3A_423 = tpu.memref_squeeze %dma_wait3A_422 : memref<1x128x8xi32, #tpu.memory_space<vmem>> -> memref<128x8xi32, #tpu.memory_space<vmem>>
      %dma_wait3A_424 = arith.constant 0 : i32
      %dma_wait3A_425 = tpu.memref_slice %arg9[%dma_wait3A_418, %dma_wait3A_424] : memref<20x128xi32, #tpu.memory_space<vmem>> -> memref<1x128xi32, #tpu.memory_space<vmem>>
      %dma_wait3A_426 = tpu.memref_squeeze %dma_wait3A_425 : memref<1x128xi32, #tpu.memory_space<vmem>> -> memref<128xi32, #tpu.memory_space<vmem>>
      %dma_wait3A_427 = arith.constant 0 : i32
      %dma_wait3A_428 = arith.constant 0 : i32
      %dma_wait3A_429 = tpu.memref_slice %arg6[%dma_wait3A_427, %dma_wait3A_428] : memref<125000x8xi32, #tpu.memory_space<vmem_shared>> -> memref<125000x8xi32, #tpu.memory_space<vmem_shared>>
      tpu.wait_indirect_dma semaphore(%arg17 : memref<!tpu.dma_semaphore, #tpu.memory_space<semaphore_mem>>) src(%dma_wait3A_429 : memref<125000x8xi32, #tpu.memory_space<vmem_shared>>) dst(%dma_wait3A_423 : memref<128x8xi32, #tpu.memory_space<vmem>>)
      %dma_wait3A_430 = arith.constant 11 : i32
      %dma_wait3A_431 = arith.constant 11 : i32
      %dma_wait3A_432 = arith.constant 0 : i32
      %dma_wait3A_433 = arith.constant 0 : i32
      %dma_wait3A_434 = tpu.memref_slice %arg13[%dma_wait3A_431, %dma_wait3A_432, %dma_wait3A_433] : memref<20x128x8xi32, #tpu.memory_space<vmem>> -> memref<1x128x8xi32, #tpu.memory_space<vmem>>
      %dma_wait3A_435 = tpu.memref_squeeze %dma_wait3A_434 : memref<1x128x8xi32, #tpu.memory_space<vmem>> -> memref<128x8xi32, #tpu.memory_space<vmem>>
      %dma_wait3A_436 = arith.constant 0 : i32
      %dma_wait3A_437 = tpu.memref_slice %arg9[%dma_wait3A_430, %dma_wait3A_436] : memref<20x128xi32, #tpu.memory_space<vmem>> -> memref<1x128xi32, #tpu.memory_space<vmem>>
      %dma_wait3A_438 = tpu.memref_squeeze %dma_wait3A_437 : memref<1x128xi32, #tpu.memory_space<vmem>> -> memref<128xi32, #tpu.memory_space<vmem>>
      %dma_wait3A_439 = arith.constant 0 : i32
      %dma_wait3A_440 = arith.constant 0 : i32
      %dma_wait3A_441 = tpu.memref_slice %arg6[%dma_wait3A_439, %dma_wait3A_440] : memref<125000x8xi32, #tpu.memory_space<vmem_shared>> -> memref<125000x8xi32, #tpu.memory_space<vmem_shared>>
      tpu.wait_indirect_dma semaphore(%arg17 : memref<!tpu.dma_semaphore, #tpu.memory_space<semaphore_mem>>) src(%dma_wait3A_441 : memref<125000x8xi32, #tpu.memory_space<vmem_shared>>) dst(%dma_wait3A_435 : memref<128x8xi32, #tpu.memory_space<vmem>>)
      %dma_wait3A_442 = arith.constant 12 : i32
      %dma_wait3A_443 = arith.constant 12 : i32
      %dma_wait3A_444 = arith.constant 0 : i32
      %dma_wait3A_445 = arith.constant 0 : i32
      %dma_wait3A_446 = tpu.memref_slice %arg13[%dma_wait3A_443, %dma_wait3A_444, %dma_wait3A_445] : memref<20x128x8xi32, #tpu.memory_space<vmem>> -> memref<1x128x8xi32, #tpu.memory_space<vmem>>
      %dma_wait3A_447 = tpu.memref_squeeze %dma_wait3A_446 : memref<1x128x8xi32, #tpu.memory_space<vmem>> -> memref<128x8xi32, #tpu.memory_space<vmem>>
      %dma_wait3A_448 = arith.constant 0 : i32
      %dma_wait3A_449 = tpu.memref_slice %arg9[%dma_wait3A_442, %dma_wait3A_448] : memref<20x128xi32, #tpu.memory_space<vmem>> -> memref<1x128xi32, #tpu.memory_space<vmem>>
      %dma_wait3A_450 = tpu.memref_squeeze %dma_wait3A_449 : memref<1x128xi32, #tpu.memory_space<vmem>> -> memref<128xi32, #tpu.memory_space<vmem>>
      %dma_wait3A_451 = arith.constant 0 : i32
      %dma_wait3A_452 = arith.constant 0 : i32
      %dma_wait3A_453 = tpu.memref_slice %arg6[%dma_wait3A_451, %dma_wait3A_452] : memref<125000x8xi32, #tpu.memory_space<vmem_shared>> -> memref<125000x8xi32, #tpu.memory_space<vmem_shared>>
      tpu.wait_indirect_dma semaphore(%arg17 : memref<!tpu.dma_semaphore, #tpu.memory_space<semaphore_mem>>) src(%dma_wait3A_453 : memref<125000x8xi32, #tpu.memory_space<vmem_shared>>) dst(%dma_wait3A_447 : memref<128x8xi32, #tpu.memory_space<vmem>>)
      %dma_wait3A_454 = arith.constant 13 : i32
      %dma_wait3A_455 = arith.constant 13 : i32
      %dma_wait3A_456 = arith.constant 0 : i32
      %dma_wait3A_457 = arith.constant 0 : i32
      %dma_wait3A_458 = tpu.memref_slice %arg13[%dma_wait3A_455, %dma_wait3A_456, %dma_wait3A_457] : memref<20x128x8xi32, #tpu.memory_space<vmem>> -> memref<1x128x8xi32, #tpu.memory_space<vmem>>
      %dma_wait3A_459 = tpu.memref_squeeze %dma_wait3A_458 : memref<1x128x8xi32, #tpu.memory_space<vmem>> -> memref<128x8xi32, #tpu.memory_space<vmem>>
      %dma_wait3A_460 = arith.constant 0 : i32
      %dma_wait3A_461 = tpu.memref_slice %arg9[%dma_wait3A_454, %dma_wait3A_460] : memref<20x128xi32, #tpu.memory_space<vmem>> -> memref<1x128xi32, #tpu.memory_space<vmem>>
      %dma_wait3A_462 = tpu.memref_squeeze %dma_wait3A_461 : memref<1x128xi32, #tpu.memory_space<vmem>> -> memref<128xi32, #tpu.memory_space<vmem>>
      %dma_wait3A_463 = arith.constant 0 : i32
      %dma_wait3A_464 = arith.constant 0 : i32
      %dma_wait3A_465 = tpu.memref_slice %arg6[%dma_wait3A_463, %dma_wait3A_464] : memref<125000x8xi32, #tpu.memory_space<vmem_shared>> -> memref<125000x8xi32, #tpu.memory_space<vmem_shared>>
      tpu.wait_indirect_dma semaphore(%arg17 : memref<!tpu.dma_semaphore, #tpu.memory_space<semaphore_mem>>) src(%dma_wait3A_465 : memref<125000x8xi32, #tpu.memory_space<vmem_shared>>) dst(%dma_wait3A_459 : memref<128x8xi32, #tpu.memory_space<vmem>>)
      %dma_wait3A_466 = arith.constant 14 : i32
      %dma_wait3A_467 = arith.constant 14 : i32
      %dma_wait3A_468 = arith.constant 0 : i32
      %dma_wait3A_469 = arith.constant 0 : i32
      %dma_wait3A_470 = tpu.memref_slice %arg13[%dma_wait3A_467, %dma_wait3A_468, %dma_wait3A_469] : memref<20x128x8xi32, #tpu.memory_space<vmem>> -> memref<1x128x8xi32, #tpu.memory_space<vmem>>
      %dma_wait3A_471 = tpu.memref_squeeze %dma_wait3A_470 : memref<1x128x8xi32, #tpu.memory_space<vmem>> -> memref<128x8xi32, #tpu.memory_space<vmem>>
      %dma_wait3A_472 = arith.constant 0 : i32
      %dma_wait3A_473 = tpu.memref_slice %arg9[%dma_wait3A_466, %dma_wait3A_472] : memref<20x128xi32, #tpu.memory_space<vmem>> -> memref<1x128xi32, #tpu.memory_space<vmem>>
      %dma_wait3A_474 = tpu.memref_squeeze %dma_wait3A_473 : memref<1x128xi32, #tpu.memory_space<vmem>> -> memref<128xi32, #tpu.memory_space<vmem>>
      %dma_wait3A_475 = arith.constant 0 : i32
      %dma_wait3A_476 = arith.constant 0 : i32
      %dma_wait3A_477 = tpu.memref_slice %arg6[%dma_wait3A_475, %dma_wait3A_476] : memref<125000x8xi32, #tpu.memory_space<vmem_shared>> -> memref<125000x8xi32, #tpu.memory_space<vmem_shared>>
      tpu.wait_indirect_dma semaphore(%arg17 : memref<!tpu.dma_semaphore, #tpu.memory_space<semaphore_mem>>) src(%dma_wait3A_477 : memref<125000x8xi32, #tpu.memory_space<vmem_shared>>) dst(%dma_wait3A_471 : memref<128x8xi32, #tpu.memory_space<vmem>>)
      %dma_wait3A_478 = arith.constant 15 : i32
      %dma_wait3A_479 = arith.constant 15 : i32
      %dma_wait3A_480 = arith.constant 0 : i32
      %dma_wait3A_481 = arith.constant 0 : i32
      %dma_wait3A_482 = tpu.memref_slice %arg13[%dma_wait3A_479, %dma_wait3A_480, %dma_wait3A_481] : memref<20x128x8xi32, #tpu.memory_space<vmem>> -> memref<1x128x8xi32, #tpu.memory_space<vmem>>
      %dma_wait3A_483 = tpu.memref_squeeze %dma_wait3A_482 : memref<1x128x8xi32, #tpu.memory_space<vmem>> -> memref<128x8xi32, #tpu.memory_space<vmem>>
      %dma_wait3A_484 = arith.constant 0 : i32
      %dma_wait3A_485 = tpu.memref_slice %arg9[%dma_wait3A_478, %dma_wait3A_484] : memref<20x128xi32, #tpu.memory_space<vmem>> -> memref<1x128xi32, #tpu.memory_space<vmem>>
      %dma_wait3A_486 = tpu.memref_squeeze %dma_wait3A_485 : memref<1x128xi32, #tpu.memory_space<vmem>> -> memref<128xi32, #tpu.memory_space<vmem>>
      %dma_wait3A_487 = arith.constant 0 : i32
      %dma_wait3A_488 = arith.constant 0 : i32
      %dma_wait3A_489 = tpu.memref_slice %arg6[%dma_wait3A_487, %dma_wait3A_488] : memref<125000x8xi32, #tpu.memory_space<vmem_shared>> -> memref<125000x8xi32, #tpu.memory_space<vmem_shared>>
      tpu.wait_indirect_dma semaphore(%arg17 : memref<!tpu.dma_semaphore, #tpu.memory_space<semaphore_mem>>) src(%dma_wait3A_489 : memref<125000x8xi32, #tpu.memory_space<vmem_shared>>) dst(%dma_wait3A_483 : memref<128x8xi32, #tpu.memory_space<vmem>>)
      %dma_wait3A_490 = arith.constant 16 : i32
      %dma_wait3A_491 = arith.constant 16 : i32
      %dma_wait3A_492 = arith.constant 0 : i32
      %dma_wait3A_493 = arith.constant 0 : i32
      %dma_wait3A_494 = tpu.memref_slice %arg13[%dma_wait3A_491, %dma_wait3A_492, %dma_wait3A_493] : memref<20x128x8xi32, #tpu.memory_space<vmem>> -> memref<1x128x8xi32, #tpu.memory_space<vmem>>
      %dma_wait3A_495 = tpu.memref_squeeze %dma_wait3A_494 : memref<1x128x8xi32, #tpu.memory_space<vmem>> -> memref<128x8xi32, #tpu.memory_space<vmem>>
      %dma_wait3A_496 = arith.constant 0 : i32
      %dma_wait3A_497 = tpu.memref_slice %arg9[%dma_wait3A_490, %dma_wait3A_496] : memref<20x128xi32, #tpu.memory_space<vmem>> -> memref<1x128xi32, #tpu.memory_space<vmem>>
      %dma_wait3A_498 = tpu.memref_squeeze %dma_wait3A_497 : memref<1x128xi32, #tpu.memory_space<vmem>> -> memref<128xi32, #tpu.memory_space<vmem>>
      %dma_wait3A_499 = arith.constant 0 : i32
      %dma_wait3A_500 = arith.constant 0 : i32
      %dma_wait3A_501 = tpu.memref_slice %arg6[%dma_wait3A_499, %dma_wait3A_500] : memref<125000x8xi32, #tpu.memory_space<vmem_shared>> -> memref<125000x8xi32, #tpu.memory_space<vmem_shared>>
      tpu.wait_indirect_dma semaphore(%arg17 : memref<!tpu.dma_semaphore, #tpu.memory_space<semaphore_mem>>) src(%dma_wait3A_501 : memref<125000x8xi32, #tpu.memory_space<vmem_shared>>) dst(%dma_wait3A_495 : memref<128x8xi32, #tpu.memory_space<vmem>>)
      %dma_wait3A_502 = arith.constant 17 : i32
      %dma_wait3A_503 = arith.constant 17 : i32
      %dma_wait3A_504 = arith.constant 0 : i32
      %dma_wait3A_505 = arith.constant 0 : i32
      %dma_wait3A_506 = tpu.memref_slice %arg13[%dma_wait3A_503, %dma_wait3A_504, %dma_wait3A_505] : memref<20x128x8xi32, #tpu.memory_space<vmem>> -> memref<1x128x8xi32, #tpu.memory_space<vmem>>
      %dma_wait3A_507 = tpu.memref_squeeze %dma_wait3A_506 : memref<1x128x8xi32, #tpu.memory_space<vmem>> -> memref<128x8xi32, #tpu.memory_space<vmem>>
      %dma_wait3A_508 = arith.constant 0 : i32
      %dma_wait3A_509 = tpu.memref_slice %arg9[%dma_wait3A_502, %dma_wait3A_508] : memref<20x128xi32, #tpu.memory_space<vmem>> -> memref<1x128xi32, #tpu.memory_space<vmem>>
      %dma_wait3A_510 = tpu.memref_squeeze %dma_wait3A_509 : memref<1x128xi32, #tpu.memory_space<vmem>> -> memref<128xi32, #tpu.memory_space<vmem>>
      %dma_wait3A_511 = arith.constant 0 : i32
      %dma_wait3A_512 = arith.constant 0 : i32
      %dma_wait3A_513 = tpu.memref_slice %arg6[%dma_wait3A_511, %dma_wait3A_512] : memref<125000x8xi32, #tpu.memory_space<vmem_shared>> -> memref<125000x8xi32, #tpu.memory_space<vmem_shared>>
      tpu.wait_indirect_dma semaphore(%arg17 : memref<!tpu.dma_semaphore, #tpu.memory_space<semaphore_mem>>) src(%dma_wait3A_513 : memref<125000x8xi32, #tpu.memory_space<vmem_shared>>) dst(%dma_wait3A_507 : memref<128x8xi32, #tpu.memory_space<vmem>>)
      %dma_wait3A_514 = arith.constant 18 : i32
      %dma_wait3A_515 = arith.constant 18 : i32
      %dma_wait3A_516 = arith.constant 0 : i32
      %dma_wait3A_517 = arith.constant 0 : i32
      %dma_wait3A_518 = tpu.memref_slice %arg13[%dma_wait3A_515, %dma_wait3A_516, %dma_wait3A_517] : memref<20x128x8xi32, #tpu.memory_space<vmem>> -> memref<1x128x8xi32, #tpu.memory_space<vmem>>
      %dma_wait3A_519 = tpu.memref_squeeze %dma_wait3A_518 : memref<1x128x8xi32, #tpu.memory_space<vmem>> -> memref<128x8xi32, #tpu.memory_space<vmem>>
      %dma_wait3A_520 = arith.constant 0 : i32
      %dma_wait3A_521 = tpu.memref_slice %arg9[%dma_wait3A_514, %dma_wait3A_520] : memref<20x128xi32, #tpu.memory_space<vmem>> -> memref<1x128xi32, #tpu.memory_space<vmem>>
      %dma_wait3A_522 = tpu.memref_squeeze %dma_wait3A_521 : memref<1x128xi32, #tpu.memory_space<vmem>> -> memref<128xi32, #tpu.memory_space<vmem>>
      %dma_wait3A_523 = arith.constant 0 : i32
      %dma_wait3A_524 = arith.constant 0 : i32
      %dma_wait3A_525 = tpu.memref_slice %arg6[%dma_wait3A_523, %dma_wait3A_524] : memref<125000x8xi32, #tpu.memory_space<vmem_shared>> -> memref<125000x8xi32, #tpu.memory_space<vmem_shared>>
      tpu.wait_indirect_dma semaphore(%arg17 : memref<!tpu.dma_semaphore, #tpu.memory_space<semaphore_mem>>) src(%dma_wait3A_525 : memref<125000x8xi32, #tpu.memory_space<vmem_shared>>) dst(%dma_wait3A_519 : memref<128x8xi32, #tpu.memory_space<vmem>>)
      %dma_wait3A_526 = arith.constant 19 : i32
      %dma_wait3A_527 = arith.constant 19 : i32
      %dma_wait3A_528 = arith.constant 0 : i32
      %dma_wait3A_529 = arith.constant 0 : i32
      %dma_wait3A_530 = tpu.memref_slice %arg13[%dma_wait3A_527, %dma_wait3A_528, %dma_wait3A_529] : memref<20x128x8xi32, #tpu.memory_space<vmem>> -> memref<1x128x8xi32, #tpu.memory_space<vmem>>
      %dma_wait3A_531 = tpu.memref_squeeze %dma_wait3A_530 : memref<1x128x8xi32, #tpu.memory_space<vmem>> -> memref<128x8xi32, #tpu.memory_space<vmem>>
      %dma_wait3A_532 = arith.constant 0 : i32
      %dma_wait3A_533 = tpu.memref_slice %arg9[%dma_wait3A_526, %dma_wait3A_532] : memref<20x128xi32, #tpu.memory_space<vmem>> -> memref<1x128xi32, #tpu.memory_space<vmem>>
      %dma_wait3A_534 = tpu.memref_squeeze %dma_wait3A_533 : memref<1x128xi32, #tpu.memory_space<vmem>> -> memref<128xi32, #tpu.memory_space<vmem>>
      %dma_wait3A_535 = arith.constant 0 : i32
      %dma_wait3A_536 = arith.constant 0 : i32
      %dma_wait3A_537 = tpu.memref_slice %arg6[%dma_wait3A_535, %dma_wait3A_536] : memref<125000x8xi32, #tpu.memory_space<vmem_shared>> -> memref<125000x8xi32, #tpu.memory_space<vmem_shared>>
      tpu.wait_indirect_dma semaphore(%arg17 : memref<!tpu.dma_semaphore, #tpu.memory_space<semaphore_mem>>) src(%dma_wait3A_537 : memref<125000x8xi32, #tpu.memory_space<vmem_shared>>) dst(%dma_wait3A_531 : memref<128x8xi32, #tpu.memory_space<vmem>>)
      %ge3A = arith.constant 2 : i32
      %ge3A_538 = arith.cmpi sge, %add3A_293, %ge3A : i32
      %convert_element_type3A_539 = arith.extui %ge3A_538 : i1 to i32
      %cond3A_540 = arith.constant 0 : i32
      %cond3A_541 = arith.cmpi ne, %convert_element_type3A_539, %cond3A_540 : i32
      scf.if %cond3A_541 {
        %sub3A = arith.constant 2 : i32
        %sub3A_834 = arith.subi %add3A_293, %sub3A : i32
        %mul3A_835 = arith.constant 20 : i32
        %mul3A_836 = arith.muli %sub3A_834, %mul3A_835 : i32
        %add3A_837 = arith.addi %mul3A_2, %mul3A_836 : i32
        %dma_wait3A_838 = arith.constant 0 : i32
        %dma_wait3A_839 = tpu.memref_slice %arg5[%add3A_837, %dma_wait3A_838] : memref<25600x128xf32, #tpu.memory_space<hbm>> -> memref<20x128xf32, #tpu.memory_space<hbm>>
        %dma_wait3A_840 = arith.constant 0 : i32
        %dma_wait3A_841 = tpu.memref_slice %arg5[%add3A_837, %dma_wait3A_840] : memref<25600x128xf32, #tpu.memory_space<hbm>> -> memref<20x128xf32, #tpu.memory_space<hbm>>
        tpu.wait_dma2 semaphore(%arg21 : memref<!tpu.dma_semaphore, #tpu.memory_space<semaphore_mem>>) src(%arg15 : memref<20x128xf32, #tpu.memory_space<vmem>>) dst(%dma_wait3A_841 : memref<20x128xf32, #tpu.memory_space<hbm>>)
      } else {
      }
      %scan3A_542 = arith.constant 0 : i32
      %scan3A_543 = arith.constant 20 : i32
      %scan3A_544 = arith.addi %scan3A_542, %scan3A_543 : i32
      %scan3A_545 = arith.constant 1 : i32
      scf.for %scan3A_834 = %scan3A_542 to %scan3A_544 step %scan3A_545  : i32 {
        %mul3A_835 = arith.constant 1 : i32
        %mul3A_836 = arith.muli %scan3A_834, %mul3A_835 : i32
        %add3A_837 = arith.constant 0 : i32
        %add3A_838 = arith.addi %add3A_837, %mul3A_836 : i32
        %broadcast_in_dim3A = arith.constant 0 : i32
        %broadcast_in_dim3A_839 = vector.broadcast %broadcast_in_dim3A : i32 to vector<16xi32>
        %add3A_840 = vector.broadcast %add3A_838 : i32 to vector<16xi32>
        %add3A_841 = arith.addi %broadcast_in_dim3A_839, %add3A_840 : vector<16xi32>
        %add3A_842 = arith.constant 0 : i32
        %add3A_843 = vector.broadcast %add3A_842 : i32 to vector<16xi32>
        %add3A_844 = arith.addi %add3A_843, %iota3A : vector<16xi32>
        %get3A = arith.index_cast %add3A_838 : i32 to index
        %get3A_845 = arith.constant 0 : index
        %get3A_846 = tpu.vector_load %arg7[%get3A, %get3A_845] {strides = array<i32>} : memref<20x128xi32, #tpu.memory_space<vmem>>, vector<16xi32>,
        %and3A = arith.constant 7 : i32
        %and3A_847 = vector.broadcast %and3A : i32 to vector<16xi32>
        %and3A_848 = arith.andi %get3A_846, %and3A_847 : vector<16xi32>
        %gather3A = tpu.vector_load_idx %arg13[%add3A_841, %add3A_844, %and3A_848] : memref<20x128x8xi32, #tpu.memory_space<vmem>>[vector<16xi32>, vector<16xi32>, vector<16xi32>], vector<16xi32>,
        %bitcast3A = vector.bitcast %gather3A : vector<16xi32> to vector<32xbf16>
        %unpack3A = tpu.unpack_subelements %bitcast3A, 0 {pack_format = #tpu.pack_format<interleaved>} : vector<32xbf16> -> vector<16xf32>
        %unpack3A_849 = tpu.unpack_subelements %bitcast3A, 1 {pack_format = #tpu.pack_format<interleaved>} : vector<32xbf16> -> vector<16xf32>
        %get3A_850 = arith.index_cast %add3A_838 : i32 to index
        %get3A_851 = arith.constant 0 : index
        %get3A_852 = tpu.vector_load %arg11[%get3A_850, %get3A_851] {strides = array<i32>} : memref<20x128xf32, #tpu.memory_space<vmem>>, vector<16xf32>,
        %mul3A_853 = arith.mulf %get3A_852, %unpack3A : vector<16xf32>
        %sub3A = arith.subf %mul3A_853, %unpack3A_849 : vector<16xf32>
        %swap3A = arith.index_cast %add3A_838 : i32 to index
        %swap3A_854 = arith.constant 0 : index
        %swap3A_855 = tpu.vector_load %arg15[%swap3A, %swap3A_854] {strides = array<i32>} : memref<20x128xf32, #tpu.memory_space<vmem>>, vector<16xf32>,
        tpu.vector_store %arg15[%swap3A, %swap3A_854], %sub3A {strides = array<i32>} : memref<20x128xf32, #tpu.memory_space<vmem>>, vector<16xf32>,
        %add3A_856 = arith.constant 16 : i32
        %add3A_857 = vector.broadcast %add3A_856 : i32 to vector<16xi32>
        %add3A_858 = arith.addi %add3A_857, %iota3A : vector<16xi32>
        %get3A_859 = arith.index_cast %add3A_838 : i32 to index
        %get3A_860 = arith.constant 16 : index
        %get3A_861 = tpu.vector_load %arg7[%get3A_859, %get3A_860] {strides = array<i32>} : memref<20x128xi32, #tpu.memory_space<vmem>>, vector<16xi32>,
        %and3A_862 = arith.constant 7 : i32
        %and3A_863 = vector.broadcast %and3A_862 : i32 to vector<16xi32>
        %and3A_864 = arith.andi %get3A_861, %and3A_863 : vector<16xi32>
        %gather3A_865 = tpu.vector_load_idx %arg13[%add3A_841, %add3A_858, %and3A_864] : memref<20x128x8xi32, #tpu.memory_space<vmem>>[vector<16xi32>, vector<16xi32>, vector<16xi32>], vector<16xi32>,
        %bitcast3A_866 = vector.bitcast %gather3A_865 : vector<16xi32> to vector<32xbf16>
        %unpack3A_867 = tpu.unpack_subelements %bitcast3A_866, 0 {pack_format = #tpu.pack_format<interleaved>} : vector<32xbf16> -> vector<16xf32>
        %unpack3A_868 = tpu.unpack_subelements %bitcast3A_866, 1 {pack_format = #tpu.pack_format<interleaved>} : vector<32xbf16> -> vector<16xf32>
        %get3A_869 = arith.index_cast %add3A_838 : i32 to index
        %get3A_870 = arith.constant 16 : index
        %get3A_871 = tpu.vector_load %arg11[%get3A_869, %get3A_870] {strides = array<i32>} : memref<20x128xf32, #tpu.memory_space<vmem>>, vector<16xf32>,
        %mul3A_872 = arith.mulf %get3A_871, %unpack3A_867 : vector<16xf32>
        %sub3A_873 = arith.subf %mul3A_872, %unpack3A_868 : vector<16xf32>
        %swap3A_874 = arith.index_cast %add3A_838 : i32 to index
        %swap3A_875 = arith.constant 16 : index
        %swap3A_876 = tpu.vector_load %arg15[%swap3A_874, %swap3A_875] {strides = array<i32>} : memref<20x128xf32, #tpu.memory_space<vmem>>, vector<16xf32>,
        tpu.vector_store %arg15[%swap3A_874, %swap3A_875], %sub3A_873 {strides = array<i32>} : memref<20x128xf32, #tpu.memory_space<vmem>>, vector<16xf32>,
        %add3A_877 = arith.constant 32 : i32
        %add3A_878 = vector.broadcast %add3A_877 : i32 to vector<16xi32>
        %add3A_879 = arith.addi %add3A_878, %iota3A : vector<16xi32>
        %get3A_880 = arith.index_cast %add3A_838 : i32 to index
        %get3A_881 = arith.constant 32 : index
        %get3A_882 = tpu.vector_load %arg7[%get3A_880, %get3A_881] {strides = array<i32>} : memref<20x128xi32, #tpu.memory_space<vmem>>, vector<16xi32>,
        %and3A_883 = arith.constant 7 : i32
        %and3A_884 = vector.broadcast %and3A_883 : i32 to vector<16xi32>
        %and3A_885 = arith.andi %get3A_882, %and3A_884 : vector<16xi32>
        %gather3A_886 = tpu.vector_load_idx %arg13[%add3A_841, %add3A_879, %and3A_885] : memref<20x128x8xi32, #tpu.memory_space<vmem>>[vector<16xi32>, vector<16xi32>, vector<16xi32>], vector<16xi32>,
        %bitcast3A_887 = vector.bitcast %gather3A_886 : vector<16xi32> to vector<32xbf16>
        %unpack3A_888 = tpu.unpack_subelements %bitcast3A_887, 0 {pack_format = #tpu.pack_format<interleaved>} : vector<32xbf16> -> vector<16xf32>
        %unpack3A_889 = tpu.unpack_subelements %bitcast3A_887, 1 {pack_format = #tpu.pack_format<interleaved>} : vector<32xbf16> -> vector<16xf32>
        %get3A_890 = arith.index_cast %add3A_838 : i32 to index
        %get3A_891 = arith.constant 32 : index
        %get3A_892 = tpu.vector_load %arg11[%get3A_890, %get3A_891] {strides = array<i32>} : memref<20x128xf32, #tpu.memory_space<vmem>>, vector<16xf32>,
        %mul3A_893 = arith.mulf %get3A_892, %unpack3A_888 : vector<16xf32>
        %sub3A_894 = arith.subf %mul3A_893, %unpack3A_889 : vector<16xf32>
        %swap3A_895 = arith.index_cast %add3A_838 : i32 to index
        %swap3A_896 = arith.constant 32 : index
        %swap3A_897 = tpu.vector_load %arg15[%swap3A_895, %swap3A_896] {strides = array<i32>} : memref<20x128xf32, #tpu.memory_space<vmem>>, vector<16xf32>,
        tpu.vector_store %arg15[%swap3A_895, %swap3A_896], %sub3A_894 {strides = array<i32>} : memref<20x128xf32, #tpu.memory_space<vmem>>, vector<16xf32>,
        %add3A_898 = arith.constant 48 : i32
        %add3A_899 = vector.broadcast %add3A_898 : i32 to vector<16xi32>
        %add3A_900 = arith.addi %add3A_899, %iota3A : vector<16xi32>
        %get3A_901 = arith.index_cast %add3A_838 : i32 to index
        %get3A_902 = arith.constant 48 : index
        %get3A_903 = tpu.vector_load %arg7[%get3A_901, %get3A_902] {strides = array<i32>} : memref<20x128xi32, #tpu.memory_space<vmem>>, vector<16xi32>,
        %and3A_904 = arith.constant 7 : i32
        %and3A_905 = vector.broadcast %and3A_904 : i32 to vector<16xi32>
        %and3A_906 = arith.andi %get3A_903, %and3A_905 : vector<16xi32>
        %gather3A_907 = tpu.vector_load_idx %arg13[%add3A_841, %add3A_900, %and3A_906] : memref<20x128x8xi32, #tpu.memory_space<vmem>>[vector<16xi32>, vector<16xi32>, vector<16xi32>], vector<16xi32>,
        %bitcast3A_908 = vector.bitcast %gather3A_907 : vector<16xi32> to vector<32xbf16>
        %unpack3A_909 = tpu.unpack_subelements %bitcast3A_908, 0 {pack_format = #tpu.pack_format<interleaved>} : vector<32xbf16> -> vector<16xf32>
        %unpack3A_910 = tpu.unpack_subelements %bitcast3A_908, 1 {pack_format = #tpu.pack_format<interleaved>} : vector<32xbf16> -> vector<16xf32>
        %get3A_911 = arith.index_cast %add3A_838 : i32 to index
        %get3A_912 = arith.constant 48 : index
        %get3A_913 = tpu.vector_load %arg11[%get3A_911, %get3A_912] {strides = array<i32>} : memref<20x128xf32, #tpu.memory_space<vmem>>, vector<16xf32>,
        %mul3A_914 = arith.mulf %get3A_913, %unpack3A_909 : vector<16xf32>
        %sub3A_915 = arith.subf %mul3A_914, %unpack3A_910 : vector<16xf32>
        %swap3A_916 = arith.index_cast %add3A_838 : i32 to index
        %swap3A_917 = arith.constant 48 : index
        %swap3A_918 = tpu.vector_load %arg15[%swap3A_916, %swap3A_917] {strides = array<i32>} : memref<20x128xf32, #tpu.memory_space<vmem>>, vector<16xf32>,
        tpu.vector_store %arg15[%swap3A_916, %swap3A_917], %sub3A_915 {strides = array<i32>} : memref<20x128xf32, #tpu.memory_space<vmem>>, vector<16xf32>,
        %add3A_919 = arith.constant 64 : i32
        %add3A_920 = vector.broadcast %add3A_919 : i32 to vector<16xi32>
        %add3A_921 = arith.addi %add3A_920, %iota3A : vector<16xi32>
        %get3A_922 = arith.index_cast %add3A_838 : i32 to index
        %get3A_923 = arith.constant 64 : index
        %get3A_924 = tpu.vector_load %arg7[%get3A_922, %get3A_923] {strides = array<i32>} : memref<20x128xi32, #tpu.memory_space<vmem>>, vector<16xi32>,
        %and3A_925 = arith.constant 7 : i32
        %and3A_926 = vector.broadcast %and3A_925 : i32 to vector<16xi32>
        %and3A_927 = arith.andi %get3A_924, %and3A_926 : vector<16xi32>
        %gather3A_928 = tpu.vector_load_idx %arg13[%add3A_841, %add3A_921, %and3A_927] : memref<20x128x8xi32, #tpu.memory_space<vmem>>[vector<16xi32>, vector<16xi32>, vector<16xi32>], vector<16xi32>,
        %bitcast3A_929 = vector.bitcast %gather3A_928 : vector<16xi32> to vector<32xbf16>
        %unpack3A_930 = tpu.unpack_subelements %bitcast3A_929, 0 {pack_format = #tpu.pack_format<interleaved>} : vector<32xbf16> -> vector<16xf32>
        %unpack3A_931 = tpu.unpack_subelements %bitcast3A_929, 1 {pack_format = #tpu.pack_format<interleaved>} : vector<32xbf16> -> vector<16xf32>
        %get3A_932 = arith.index_cast %add3A_838 : i32 to index
        %get3A_933 = arith.constant 64 : index
        %get3A_934 = tpu.vector_load %arg11[%get3A_932, %get3A_933] {strides = array<i32>} : memref<20x128xf32, #tpu.memory_space<vmem>>, vector<16xf32>,
        %mul3A_935 = arith.mulf %get3A_934, %unpack3A_930 : vector<16xf32>
        %sub3A_936 = arith.subf %mul3A_935, %unpack3A_931 : vector<16xf32>
        %swap3A_937 = arith.index_cast %add3A_838 : i32 to index
        %swap3A_938 = arith.constant 64 : index
        %swap3A_939 = tpu.vector_load %arg15[%swap3A_937, %swap3A_938] {strides = array<i32>} : memref<20x128xf32, #tpu.memory_space<vmem>>, vector<16xf32>,
        tpu.vector_store %arg15[%swap3A_937, %swap3A_938], %sub3A_936 {strides = array<i32>} : memref<20x128xf32, #tpu.memory_space<vmem>>, vector<16xf32>,
        %add3A_940 = arith.constant 80 : i32
        %add3A_941 = vector.broadcast %add3A_940 : i32 to vector<16xi32>
        %add3A_942 = arith.addi %add3A_941, %iota3A : vector<16xi32>
        %get3A_943 = arith.index_cast %add3A_838 : i32 to index
        %get3A_944 = arith.constant 80 : index
        %get3A_945 = tpu.vector_load %arg7[%get3A_943, %get3A_944] {strides = array<i32>} : memref<20x128xi32, #tpu.memory_space<vmem>>, vector<16xi32>,
        %and3A_946 = arith.constant 7 : i32
        %and3A_947 = vector.broadcast %and3A_946 : i32 to vector<16xi32>
        %and3A_948 = arith.andi %get3A_945, %and3A_947 : vector<16xi32>
        %gather3A_949 = tpu.vector_load_idx %arg13[%add3A_841, %add3A_942, %and3A_948] : memref<20x128x8xi32, #tpu.memory_space<vmem>>[vector<16xi32>, vector<16xi32>, vector<16xi32>], vector<16xi32>,
        %bitcast3A_950 = vector.bitcast %gather3A_949 : vector<16xi32> to vector<32xbf16>
        %unpack3A_951 = tpu.unpack_subelements %bitcast3A_950, 0 {pack_format = #tpu.pack_format<interleaved>} : vector<32xbf16> -> vector<16xf32>
        %unpack3A_952 = tpu.unpack_subelements %bitcast3A_950, 1 {pack_format = #tpu.pack_format<interleaved>} : vector<32xbf16> -> vector<16xf32>
        %get3A_953 = arith.index_cast %add3A_838 : i32 to index
        %get3A_954 = arith.constant 80 : index
        %get3A_955 = tpu.vector_load %arg11[%get3A_953, %get3A_954] {strides = array<i32>} : memref<20x128xf32, #tpu.memory_space<vmem>>, vector<16xf32>,
        %mul3A_956 = arith.mulf %get3A_955, %unpack3A_951 : vector<16xf32>
        %sub3A_957 = arith.subf %mul3A_956, %unpack3A_952 : vector<16xf32>
        %swap3A_958 = arith.index_cast %add3A_838 : i32 to index
        %swap3A_959 = arith.constant 80 : index
        %swap3A_960 = tpu.vector_load %arg15[%swap3A_958, %swap3A_959] {strides = array<i32>} : memref<20x128xf32, #tpu.memory_space<vmem>>, vector<16xf32>,
        tpu.vector_store %arg15[%swap3A_958, %swap3A_959], %sub3A_957 {strides = array<i32>} : memref<20x128xf32, #tpu.memory_space<vmem>>, vector<16xf32>,
        %add3A_961 = arith.constant 96 : i32
        %add3A_962 = vector.broadcast %add3A_961 : i32 to vector<16xi32>
        %add3A_963 = arith.addi %add3A_962, %iota3A : vector<16xi32>
        %get3A_964 = arith.index_cast %add3A_838 : i32 to index
        %get3A_965 = arith.constant 96 : index
        %get3A_966 = tpu.vector_load %arg7[%get3A_964, %get3A_965] {strides = array<i32>} : memref<20x128xi32, #tpu.memory_space<vmem>>, vector<16xi32>,
        %and3A_967 = arith.constant 7 : i32
        %and3A_968 = vector.broadcast %and3A_967 : i32 to vector<16xi32>
        %and3A_969 = arith.andi %get3A_966, %and3A_968 : vector<16xi32>
        %gather3A_970 = tpu.vector_load_idx %arg13[%add3A_841, %add3A_963, %and3A_969] : memref<20x128x8xi32, #tpu.memory_space<vmem>>[vector<16xi32>, vector<16xi32>, vector<16xi32>], vector<16xi32>,
        %bitcast3A_971 = vector.bitcast %gather3A_970 : vector<16xi32> to vector<32xbf16>
        %unpack3A_972 = tpu.unpack_subelements %bitcast3A_971, 0 {pack_format = #tpu.pack_format<interleaved>} : vector<32xbf16> -> vector<16xf32>
        %unpack3A_973 = tpu.unpack_subelements %bitcast3A_971, 1 {pack_format = #tpu.pack_format<interleaved>} : vector<32xbf16> -> vector<16xf32>
        %get3A_974 = arith.index_cast %add3A_838 : i32 to index
        %get3A_975 = arith.constant 96 : index
        %get3A_976 = tpu.vector_load %arg11[%get3A_974, %get3A_975] {strides = array<i32>} : memref<20x128xf32, #tpu.memory_space<vmem>>, vector<16xf32>,
        %mul3A_977 = arith.mulf %get3A_976, %unpack3A_972 : vector<16xf32>
        %sub3A_978 = arith.subf %mul3A_977, %unpack3A_973 : vector<16xf32>
        %swap3A_979 = arith.index_cast %add3A_838 : i32 to index
        %swap3A_980 = arith.constant 96 : index
        %swap3A_981 = tpu.vector_load %arg15[%swap3A_979, %swap3A_980] {strides = array<i32>} : memref<20x128xf32, #tpu.memory_space<vmem>>, vector<16xf32>,
        tpu.vector_store %arg15[%swap3A_979, %swap3A_980], %sub3A_978 {strides = array<i32>} : memref<20x128xf32, #tpu.memory_space<vmem>>, vector<16xf32>,
        %add3A_982 = arith.constant 112 : i32
        %add3A_983 = vector.broadcast %add3A_982 : i32 to vector<16xi32>
        %add3A_984 = arith.addi %add3A_983, %iota3A : vector<16xi32>
        %get3A_985 = arith.index_cast %add3A_838 : i32 to index
        %get3A_986 = arith.constant 112 : index
        %get3A_987 = tpu.vector_load %arg7[%get3A_985, %get3A_986] {strides = array<i32>} : memref<20x128xi32, #tpu.memory_space<vmem>>, vector<16xi32>,
        %and3A_988 = arith.constant 7 : i32
        %and3A_989 = vector.broadcast %and3A_988 : i32 to vector<16xi32>
        %and3A_990 = arith.andi %get3A_987, %and3A_989 : vector<16xi32>
        %gather3A_991 = tpu.vector_load_idx %arg13[%add3A_841, %add3A_984, %and3A_990] : memref<20x128x8xi32, #tpu.memory_space<vmem>>[vector<16xi32>, vector<16xi32>, vector<16xi32>], vector<16xi32>,
        %bitcast3A_992 = vector.bitcast %gather3A_991 : vector<16xi32> to vector<32xbf16>
        %unpack3A_993 = tpu.unpack_subelements %bitcast3A_992, 0 {pack_format = #tpu.pack_format<interleaved>} : vector<32xbf16> -> vector<16xf32>
        %unpack3A_994 = tpu.unpack_subelements %bitcast3A_992, 1 {pack_format = #tpu.pack_format<interleaved>} : vector<32xbf16> -> vector<16xf32>
        %get3A_995 = arith.index_cast %add3A_838 : i32 to index
        %get3A_996 = arith.constant 112 : index
        %get3A_997 = tpu.vector_load %arg11[%get3A_995, %get3A_996] {strides = array<i32>} : memref<20x128xf32, #tpu.memory_space<vmem>>, vector<16xf32>,
        %mul3A_998 = arith.mulf %get3A_997, %unpack3A_993 : vector<16xf32>
        %sub3A_999 = arith.subf %mul3A_998, %unpack3A_994 : vector<16xf32>
        %swap3A_1000 = arith.index_cast %add3A_838 : i32 to index
        %swap3A_1001 = arith.constant 112 : index
        %swap3A_1002 = tpu.vector_load %arg15[%swap3A_1000, %swap3A_1001] {strides = array<i32>} : memref<20x128xf32, #tpu.memory_space<vmem>>, vector<16xf32>,
        tpu.vector_store %arg15[%swap3A_1000, %swap3A_1001], %sub3A_999 {strides = array<i32>} : memref<20x128xf32, #tpu.memory_space<vmem>>, vector<16xf32>,
      }
      %scan3A_546 = arith.constant 20 : i32
      %mul3A_547 = arith.constant 20 : i32
      %mul3A_548 = arith.muli %add3A_293, %mul3A_547 : i32
      %add3A_549 = arith.addi %mul3A_2, %mul3A_548 : i32
      %dma_start3A_550 = arith.constant 0 : i32
      %dma_start3A_551 = tpu.memref_slice %arg5[%add3A_549, %dma_start3A_550] : memref<25600x128xf32, #tpu.memory_space<hbm>> -> memref<20x128xf32, #tpu.memory_space<hbm>>
      %dma_start3A_552 = arith.constant 0 : i32
      %dma_start3A_553 = tpu.memref_slice %arg5[%add3A_549, %dma_start3A_552] : memref<25600x128xf32, #tpu.memory_space<hbm>> -> memref<20x128xf32, #tpu.memory_space<hbm>>
      tpu.enqueue_dma source(%arg15 : memref<20x128xf32, #tpu.memory_space<vmem>>) target(%dma_start3A_553 : memref<20x128xf32, #tpu.memory_space<hbm>>) target_semaphore(%arg21 : memref<!tpu.dma_semaphore, #tpu.memory_space<semaphore_mem>>)
      %add3A_554 = arith.constant 2 : i32
      %add3A_555 = arith.addi %add3A_293, %add3A_554 : i32
      %lt3A_556 = arith.constant 40 : i32
      %lt3A_557 = arith.cmpi slt, %add3A_555, %lt3A_556 : i32
      %convert_element_type3A_558 = arith.extui %lt3A_557 : i1 to i32
      %cond3A_559 = arith.constant 0 : i32
      %cond3A_560 = arith.cmpi ne, %convert_element_type3A_558, %cond3A_559 : i32
      scf.if %cond3A_560 {
        %add3A_834 = arith.constant 2 : i32
        %add3A_835 = arith.addi %add3A_293, %add3A_834 : i32
        %mul3A_836 = arith.constant 20 : i32
        %mul3A_837 = arith.muli %add3A_835, %mul3A_836 : i32
        %add3A_838 = arith.addi %mul3A_2, %mul3A_837 : i32
        %dma_start3A_839 = arith.constant 0 : i32
        %dma_start3A_840 = tpu.memref_slice %arg3[%add3A_838, %dma_start3A_839] : memref<25600x128xi32, #tpu.memory_space<hbm>> -> memref<20x128xi32, #tpu.memory_space<hbm>>
        %dma_start3A_841 = arith.constant 0 : i32
        %dma_start3A_842 = tpu.memref_slice %arg3[%add3A_838, %dma_start3A_841] : memref<25600x128xi32, #tpu.memory_space<hbm>> -> memref<20x128xi32, #tpu.memory_space<hbm>>
        tpu.enqueue_dma source(%dma_start3A_842 : memref<20x128xi32, #tpu.memory_space<hbm>>) target(%arg7 : memref<20x128xi32, #tpu.memory_space<vmem>>) target_semaphore(%arg19 : memref<!tpu.dma_semaphore, #tpu.memory_space<semaphore_mem>>)
        %mul3A_843 = arith.constant 20 : i32
        %mul3A_844 = arith.muli %add3A_835, %mul3A_843 : i32
        %add3A_845 = arith.addi %mul3A_2, %mul3A_844 : i32
        %dma_start3A_846 = arith.constant 0 : i32
        %dma_start3A_847 = tpu.memref_slice %arg4[%add3A_845, %dma_start3A_846] : memref<25600x128xf32, #tpu.memory_space<hbm>> -> memref<20x128xf32, #tpu.memory_space<hbm>>
        %dma_start3A_848 = arith.constant 0 : i32
        %dma_start3A_849 = tpu.memref_slice %arg4[%add3A_845, %dma_start3A_848] : memref<25600x128xf32, #tpu.memory_space<hbm>> -> memref<20x128xf32, #tpu.memory_space<hbm>>
        tpu.enqueue_dma source(%dma_start3A_849 : memref<20x128xf32, #tpu.memory_space<hbm>>) target(%arg11 : memref<20x128xf32, #tpu.memory_space<vmem>>) target_semaphore(%arg19 : memref<!tpu.dma_semaphore, #tpu.memory_space<semaphore_mem>>)
      } else {
      }
      %add3A_561 = arith.constant 1 : i32
      %add3A_562 = arith.addi %add3A_293, %add3A_561 : i32
      %add3A_563 = arith.constant 1 : i32
      %add3A_564 = arith.addi %add3A_562, %add3A_563 : i32
      %lt3A_565 = arith.constant 40 : i32
      %lt3A_566 = arith.cmpi slt, %add3A_564, %lt3A_565 : i32
      %convert_element_type3A_567 = arith.extui %lt3A_566 : i1 to i32
      %cond3A_568 = arith.constant 0 : i32
      %cond3A_569 = arith.cmpi ne, %convert_element_type3A_567, %cond3A_568 : i32
      scf.if %cond3A_569 {
        %add3A_834 = arith.constant 1 : i32
        %add3A_835 = arith.addi %add3A_562, %add3A_834 : i32
        %mul3A_836 = arith.constant 20 : i32
        %mul3A_837 = arith.muli %add3A_835, %mul3A_836 : i32
        %add3A_838 = arith.addi %mul3A_2, %mul3A_837 : i32
        %dma_wait3A_839 = arith.constant 0 : i32
        %dma_wait3A_840 = tpu.memref_slice %arg3[%add3A_838, %dma_wait3A_839] : memref<25600x128xi32, #tpu.memory_space<hbm>> -> memref<20x128xi32, #tpu.memory_space<hbm>>
        %dma_wait3A_841 = arith.constant 0 : i32
        %dma_wait3A_842 = tpu.memref_slice %arg3[%add3A_838, %dma_wait3A_841] : memref<25600x128xi32, #tpu.memory_space<hbm>> -> memref<20x128xi32, #tpu.memory_space<hbm>>
        tpu.wait_dma2 semaphore(%arg19 : memref<!tpu.dma_semaphore, #tpu.memory_space<semaphore_mem>>) src(%dma_wait3A_842 : memref<20x128xi32, #tpu.memory_space<hbm>>) dst(%arg7 : memref<20x128xi32, #tpu.memory_space<vmem>>)
        %mul3A_843 = arith.constant 20 : i32
        %mul3A_844 = arith.muli %add3A_835, %mul3A_843 : i32
        %add3A_845 = arith.addi %mul3A_2, %mul3A_844 : i32
        %dma_wait3A_846 = arith.constant 0 : i32
        %dma_wait3A_847 = tpu.memref_slice %arg4[%add3A_845, %dma_wait3A_846] : memref<25600x128xf32, #tpu.memory_space<hbm>> -> memref<20x128xf32, #tpu.memory_space<hbm>>
        %dma_wait3A_848 = arith.constant 0 : i32
        %dma_wait3A_849 = tpu.memref_slice %arg4[%add3A_845, %dma_wait3A_848] : memref<25600x128xf32, #tpu.memory_space<hbm>> -> memref<20x128xf32, #tpu.memory_space<hbm>>
        tpu.wait_dma2 semaphore(%arg19 : memref<!tpu.dma_semaphore, #tpu.memory_space<semaphore_mem>>) src(%dma_wait3A_849 : memref<20x128xf32, #tpu.memory_space<hbm>>) dst(%arg11 : memref<20x128xf32, #tpu.memory_space<vmem>>)
        %scan3A_850 = arith.constant 0 : i32
        %scan3A_851 = arith.constant 20 : i32
        %scan3A_852 = arith.addi %scan3A_850, %scan3A_851 : i32
        %scan3A_853 = arith.constant 1 : i32
        scf.for %scan3A_1095 = %scan3A_850 to %scan3A_852 step %scan3A_853  : i32 {
          %mul3A_1096 = arith.constant 1 : i32
          %mul3A_1097 = arith.muli %scan3A_1095, %mul3A_1096 : i32
          %add3A_1098 = arith.constant 0 : i32
          %add3A_1099 = arith.addi %add3A_1098, %mul3A_1097 : i32
          %get3A = arith.index_cast %add3A_1099 : i32 to index
          %get3A_1100 = arith.constant 0 : index
          %get3A_1101 = tpu.vector_load %arg7[%get3A, %get3A_1100] {strides = array<i32>} : memref<20x128xi32, #tpu.memory_space<vmem>>, vector<16xi32>,
          %shift_right_logical3A = arith.constant 3 : i32
          %shift_right_logical3A_1102 = vector.broadcast %shift_right_logical3A : i32 to vector<16xi32>
          %shift_right_logical3A_1103 = arith.shrui %get3A_1101, %shift_right_logical3A_1102 : vector<16xi32>
          %swap3A = arith.index_cast %add3A_1099 : i32 to index
          %swap3A_1104 = arith.constant 0 : index
          %swap3A_1105 = tpu.vector_load %arg9[%swap3A, %swap3A_1104] {strides = array<i32>} : memref<20x128xi32, #tpu.memory_space<vmem>>, vector<16xi32>,
          tpu.vector_store %arg9[%swap3A, %swap3A_1104], %shift_right_logical3A_1103 {strides = array<i32>} : memref<20x128xi32, #tpu.memory_space<vmem>>, vector<16xi32>,
          %get3A_1106 = arith.index_cast %add3A_1099 : i32 to index
          %get3A_1107 = arith.constant 16 : index
          %get3A_1108 = tpu.vector_load %arg7[%get3A_1106, %get3A_1107] {strides = array<i32>} : memref<20x128xi32, #tpu.memory_space<vmem>>, vector<16xi32>,
          %shift_right_logical3A_1109 = arith.constant 3 : i32
          %shift_right_logical3A_1110 = vector.broadcast %shift_right_logical3A_1109 : i32 to vector<16xi32>
          %shift_right_logical3A_1111 = arith.shrui %get3A_1108, %shift_right_logical3A_1110 : vector<16xi32>
          %swap3A_1112 = arith.index_cast %add3A_1099 : i32 to index
          %swap3A_1113 = arith.constant 16 : index
          %swap3A_1114 = tpu.vector_load %arg9[%swap3A_1112, %swap3A_1113] {strides = array<i32>} : memref<20x128xi32, #tpu.memory_space<vmem>>, vector<16xi32>,
          tpu.vector_store %arg9[%swap3A_1112, %swap3A_1113], %shift_right_logical3A_1111 {strides = array<i32>} : memref<20x128xi32, #tpu.memory_space<vmem>>, vector<16xi32>,
          %get3A_1115 = arith.index_cast %add3A_1099 : i32 to index
          %get3A_1116 = arith.constant 32 : index
          %get3A_1117 = tpu.vector_load %arg7[%get3A_1115, %get3A_1116] {strides = array<i32>} : memref<20x128xi32, #tpu.memory_space<vmem>>, vector<16xi32>,
          %shift_right_logical3A_1118 = arith.constant 3 : i32
          %shift_right_logical3A_1119 = vector.broadcast %shift_right_logical3A_1118 : i32 to vector<16xi32>
          %shift_right_logical3A_1120 = arith.shrui %get3A_1117, %shift_right_logical3A_1119 : vector<16xi32>
          %swap3A_1121 = arith.index_cast %add3A_1099 : i32 to index
          %swap3A_1122 = arith.constant 32 : index
          %swap3A_1123 = tpu.vector_load %arg9[%swap3A_1121, %swap3A_1122] {strides = array<i32>} : memref<20x128xi32, #tpu.memory_space<vmem>>, vector<16xi32>,
          tpu.vector_store %arg9[%swap3A_1121, %swap3A_1122], %shift_right_logical3A_1120 {strides = array<i32>} : memref<20x128xi32, #tpu.memory_space<vmem>>, vector<16xi32>,
          %get3A_1124 = arith.index_cast %add3A_1099 : i32 to index
          %get3A_1125 = arith.constant 48 : index
          %get3A_1126 = tpu.vector_load %arg7[%get3A_1124, %get3A_1125] {strides = array<i32>} : memref<20x128xi32, #tpu.memory_space<vmem>>, vector<16xi32>,
          %shift_right_logical3A_1127 = arith.constant 3 : i32
          %shift_right_logical3A_1128 = vector.broadcast %shift_right_logical3A_1127 : i32 to vector<16xi32>
          %shift_right_logical3A_1129 = arith.shrui %get3A_1126, %shift_right_logical3A_1128 : vector<16xi32>
          %swap3A_1130 = arith.index_cast %add3A_1099 : i32 to index
          %swap3A_1131 = arith.constant 48 : index
          %swap3A_1132 = tpu.vector_load %arg9[%swap3A_1130, %swap3A_1131] {strides = array<i32>} : memref<20x128xi32, #tpu.memory_space<vmem>>, vector<16xi32>,
          tpu.vector_store %arg9[%swap3A_1130, %swap3A_1131], %shift_right_logical3A_1129 {strides = array<i32>} : memref<20x128xi32, #tpu.memory_space<vmem>>, vector<16xi32>,
          %get3A_1133 = arith.index_cast %add3A_1099 : i32 to index
          %get3A_1134 = arith.constant 64 : index
          %get3A_1135 = tpu.vector_load %arg7[%get3A_1133, %get3A_1134] {strides = array<i32>} : memref<20x128xi32, #tpu.memory_space<vmem>>, vector<16xi32>,
          %shift_right_logical3A_1136 = arith.constant 3 : i32
          %shift_right_logical3A_1137 = vector.broadcast %shift_right_logical3A_1136 : i32 to vector<16xi32>
          %shift_right_logical3A_1138 = arith.shrui %get3A_1135, %shift_right_logical3A_1137 : vector<16xi32>
          %swap3A_1139 = arith.index_cast %add3A_1099 : i32 to index
          %swap3A_1140 = arith.constant 64 : index
          %swap3A_1141 = tpu.vector_load %arg9[%swap3A_1139, %swap3A_1140] {strides = array<i32>} : memref<20x128xi32, #tpu.memory_space<vmem>>, vector<16xi32>,
          tpu.vector_store %arg9[%swap3A_1139, %swap3A_1140], %shift_right_logical3A_1138 {strides = array<i32>} : memref<20x128xi32, #tpu.memory_space<vmem>>, vector<16xi32>,
          %get3A_1142 = arith.index_cast %add3A_1099 : i32 to index
          %get3A_1143 = arith.constant 80 : index
          %get3A_1144 = tpu.vector_load %arg7[%get3A_1142, %get3A_1143] {strides = array<i32>} : memref<20x128xi32, #tpu.memory_space<vmem>>, vector<16xi32>,
          %shift_right_logical3A_1145 = arith.constant 3 : i32
          %shift_right_logical3A_1146 = vector.broadcast %shift_right_logical3A_1145 : i32 to vector<16xi32>
          %shift_right_logical3A_1147 = arith.shrui %get3A_1144, %shift_right_logical3A_1146 : vector<16xi32>
          %swap3A_1148 = arith.index_cast %add3A_1099 : i32 to index
          %swap3A_1149 = arith.constant 80 : index
          %swap3A_1150 = tpu.vector_load %arg9[%swap3A_1148, %swap3A_1149] {strides = array<i32>} : memref<20x128xi32, #tpu.memory_space<vmem>>, vector<16xi32>,
          tpu.vector_store %arg9[%swap3A_1148, %swap3A_1149], %shift_right_logical3A_1147 {strides = array<i32>} : memref<20x128xi32, #tpu.memory_space<vmem>>, vector<16xi32>,
          %get3A_1151 = arith.index_cast %add3A_1099 : i32 to index
          %get3A_1152 = arith.constant 96 : index
          %get3A_1153 = tpu.vector_load %arg7[%get3A_1151, %get3A_1152] {strides = array<i32>} : memref<20x128xi32, #tpu.memory_space<vmem>>, vector<16xi32>,
          %shift_right_logical3A_1154 = arith.constant 3 : i32
          %shift_right_logical3A_1155 = vector.broadcast %shift_right_logical3A_1154 : i32 to vector<16xi32>
          %shift_right_logical3A_1156 = arith.shrui %get3A_1153, %shift_right_logical3A_1155 : vector<16xi32>
          %swap3A_1157 = arith.index_cast %add3A_1099 : i32 to index
          %swap3A_1158 = arith.constant 96 : index
          %swap3A_1159 = tpu.vector_load %arg9[%swap3A_1157, %swap3A_1158] {strides = array<i32>} : memref<20x128xi32, #tpu.memory_space<vmem>>, vector<16xi32>,
          tpu.vector_store %arg9[%swap3A_1157, %swap3A_1158], %shift_right_logical3A_1156 {strides = array<i32>} : memref<20x128xi32, #tpu.memory_space<vmem>>, vector<16xi32>,
          %get3A_1160 = arith.index_cast %add3A_1099 : i32 to index
          %get3A_1161 = arith.constant 112 : index
          %get3A_1162 = tpu.vector_load %arg7[%get3A_1160, %get3A_1161] {strides = array<i32>} : memref<20x128xi32, #tpu.memory_space<vmem>>, vector<16xi32>,
          %shift_right_logical3A_1163 = arith.constant 3 : i32
          %shift_right_logical3A_1164 = vector.broadcast %shift_right_logical3A_1163 : i32 to vector<16xi32>
          %shift_right_logical3A_1165 = arith.shrui %get3A_1162, %shift_right_logical3A_1164 : vector<16xi32>
          %swap3A_1166 = arith.index_cast %add3A_1099 : i32 to index
          %swap3A_1167 = arith.constant 112 : index
          %swap3A_1168 = tpu.vector_load %arg9[%swap3A_1166, %swap3A_1167] {strides = array<i32>} : memref<20x128xi32, #tpu.memory_space<vmem>>, vector<16xi32>,
          tpu.vector_store %arg9[%swap3A_1166, %swap3A_1167], %shift_right_logical3A_1165 {strides = array<i32>} : memref<20x128xi32, #tpu.memory_space<vmem>>, vector<16xi32>,
        }
        %scan3A_854 = arith.constant 20 : i32
        %dma_start3A_855 = arith.constant 0 : i32
        %dma_start3A_856 = arith.constant 0 : i32
        %dma_start3A_857 = arith.constant 0 : i32
        %dma_start3A_858 = arith.constant 0 : i32
        %dma_start3A_859 = tpu.memref_slice %arg13[%dma_start3A_856, %dma_start3A_857, %dma_start3A_858] : memref<20x128x8xi32, #tpu.memory_space<vmem>> -> memref<1x128x8xi32, #tpu.memory_space<vmem>>
        %dma_start3A_860 = tpu.memref_squeeze %dma_start3A_859 : memref<1x128x8xi32, #tpu.memory_space<vmem>> -> memref<128x8xi32, #tpu.memory_space<vmem>>
        %dma_start3A_861 = arith.constant 0 : i32
        %dma_start3A_862 = tpu.memref_slice %arg9[%dma_start3A_855, %dma_start3A_861] : memref<20x128xi32, #tpu.memory_space<vmem>> -> memref<1x128xi32, #tpu.memory_space<vmem>>
        %dma_start3A_863 = tpu.memref_squeeze %dma_start3A_862 : memref<1x128xi32, #tpu.memory_space<vmem>> -> memref<128xi32, #tpu.memory_space<vmem>>
        %dma_start3A_864 = arith.constant 0 : i32
        %dma_start3A_865 = arith.constant 0 : i32
        %dma_start3A_866 = tpu.memref_slice %arg6[%dma_start3A_864, %dma_start3A_865] : memref<125000x8xi32, #tpu.memory_space<vmem_shared>> -> memref<125000x8xi32, #tpu.memory_space<vmem_shared>>
        tpu.enqueue_indirect_dma source(%dma_start3A_866 : memref<125000x8xi32, #tpu.memory_space<vmem_shared>>) target(%dma_start3A_860 : memref<128x8xi32, #tpu.memory_space<vmem>>) offsets(%dma_start3A_863 : memref<128xi32, #tpu.memory_space<vmem>>) semaphore(%arg17 : memref<!tpu.dma_semaphore, #tpu.memory_space<semaphore_mem>>)
        %dma_start3A_867 = arith.constant 1 : i32
        %dma_start3A_868 = arith.constant 1 : i32
        %dma_start3A_869 = arith.constant 0 : i32
        %dma_start3A_870 = arith.constant 0 : i32
        %dma_start3A_871 = tpu.memref_slice %arg13[%dma_start3A_868, %dma_start3A_869, %dma_start3A_870] : memref<20x128x8xi32, #tpu.memory_space<vmem>> -> memref<1x128x8xi32, #tpu.memory_space<vmem>>
        %dma_start3A_872 = tpu.memref_squeeze %dma_start3A_871 : memref<1x128x8xi32, #tpu.memory_space<vmem>> -> memref<128x8xi32, #tpu.memory_space<vmem>>
        %dma_start3A_873 = arith.constant 0 : i32
        %dma_start3A_874 = tpu.memref_slice %arg9[%dma_start3A_867, %dma_start3A_873] : memref<20x128xi32, #tpu.memory_space<vmem>> -> memref<1x128xi32, #tpu.memory_space<vmem>>
        %dma_start3A_875 = tpu.memref_squeeze %dma_start3A_874 : memref<1x128xi32, #tpu.memory_space<vmem>> -> memref<128xi32, #tpu.memory_space<vmem>>
        %dma_start3A_876 = arith.constant 0 : i32
        %dma_start3A_877 = arith.constant 0 : i32
        %dma_start3A_878 = tpu.memref_slice %arg6[%dma_start3A_876, %dma_start3A_877] : memref<125000x8xi32, #tpu.memory_space<vmem_shared>> -> memref<125000x8xi32, #tpu.memory_space<vmem_shared>>
        tpu.enqueue_indirect_dma source(%dma_start3A_878 : memref<125000x8xi32, #tpu.memory_space<vmem_shared>>) target(%dma_start3A_872 : memref<128x8xi32, #tpu.memory_space<vmem>>) offsets(%dma_start3A_875 : memref<128xi32, #tpu.memory_space<vmem>>) semaphore(%arg17 : memref<!tpu.dma_semaphore, #tpu.memory_space<semaphore_mem>>)
        %dma_start3A_879 = arith.constant 2 : i32
        %dma_start3A_880 = arith.constant 2 : i32
        %dma_start3A_881 = arith.constant 0 : i32
        %dma_start3A_882 = arith.constant 0 : i32
        %dma_start3A_883 = tpu.memref_slice %arg13[%dma_start3A_880, %dma_start3A_881, %dma_start3A_882] : memref<20x128x8xi32, #tpu.memory_space<vmem>> -> memref<1x128x8xi32, #tpu.memory_space<vmem>>
        %dma_start3A_884 = tpu.memref_squeeze %dma_start3A_883 : memref<1x128x8xi32, #tpu.memory_space<vmem>> -> memref<128x8xi32, #tpu.memory_space<vmem>>
        %dma_start3A_885 = arith.constant 0 : i32
        %dma_start3A_886 = tpu.memref_slice %arg9[%dma_start3A_879, %dma_start3A_885] : memref<20x128xi32, #tpu.memory_space<vmem>> -> memref<1x128xi32, #tpu.memory_space<vmem>>
        %dma_start3A_887 = tpu.memref_squeeze %dma_start3A_886 : memref<1x128xi32, #tpu.memory_space<vmem>> -> memref<128xi32, #tpu.memory_space<vmem>>
        %dma_start3A_888 = arith.constant 0 : i32
        %dma_start3A_889 = arith.constant 0 : i32
        %dma_start3A_890 = tpu.memref_slice %arg6[%dma_start3A_888, %dma_start3A_889] : memref<125000x8xi32, #tpu.memory_space<vmem_shared>> -> memref<125000x8xi32, #tpu.memory_space<vmem_shared>>
        tpu.enqueue_indirect_dma source(%dma_start3A_890 : memref<125000x8xi32, #tpu.memory_space<vmem_shared>>) target(%dma_start3A_884 : memref<128x8xi32, #tpu.memory_space<vmem>>) offsets(%dma_start3A_887 : memref<128xi32, #tpu.memory_space<vmem>>) semaphore(%arg17 : memref<!tpu.dma_semaphore, #tpu.memory_space<semaphore_mem>>)
        %dma_start3A_891 = arith.constant 3 : i32
        %dma_start3A_892 = arith.constant 3 : i32
        %dma_start3A_893 = arith.constant 0 : i32
        %dma_start3A_894 = arith.constant 0 : i32
        %dma_start3A_895 = tpu.memref_slice %arg13[%dma_start3A_892, %dma_start3A_893, %dma_start3A_894] : memref<20x128x8xi32, #tpu.memory_space<vmem>> -> memref<1x128x8xi32, #tpu.memory_space<vmem>>
        %dma_start3A_896 = tpu.memref_squeeze %dma_start3A_895 : memref<1x128x8xi32, #tpu.memory_space<vmem>> -> memref<128x8xi32, #tpu.memory_space<vmem>>
        %dma_start3A_897 = arith.constant 0 : i32
        %dma_start3A_898 = tpu.memref_slice %arg9[%dma_start3A_891, %dma_start3A_897] : memref<20x128xi32, #tpu.memory_space<vmem>> -> memref<1x128xi32, #tpu.memory_space<vmem>>
        %dma_start3A_899 = tpu.memref_squeeze %dma_start3A_898 : memref<1x128xi32, #tpu.memory_space<vmem>> -> memref<128xi32, #tpu.memory_space<vmem>>
        %dma_start3A_900 = arith.constant 0 : i32
        %dma_start3A_901 = arith.constant 0 : i32
        %dma_start3A_902 = tpu.memref_slice %arg6[%dma_start3A_900, %dma_start3A_901] : memref<125000x8xi32, #tpu.memory_space<vmem_shared>> -> memref<125000x8xi32, #tpu.memory_space<vmem_shared>>
        tpu.enqueue_indirect_dma source(%dma_start3A_902 : memref<125000x8xi32, #tpu.memory_space<vmem_shared>>) target(%dma_start3A_896 : memref<128x8xi32, #tpu.memory_space<vmem>>) offsets(%dma_start3A_899 : memref<128xi32, #tpu.memory_space<vmem>>) semaphore(%arg17 : memref<!tpu.dma_semaphore, #tpu.memory_space<semaphore_mem>>)
        %dma_start3A_903 = arith.constant 4 : i32
        %dma_start3A_904 = arith.constant 4 : i32
        %dma_start3A_905 = arith.constant 0 : i32
        %dma_start3A_906 = arith.constant 0 : i32
        %dma_start3A_907 = tpu.memref_slice %arg13[%dma_start3A_904, %dma_start3A_905, %dma_start3A_906] : memref<20x128x8xi32, #tpu.memory_space<vmem>> -> memref<1x128x8xi32, #tpu.memory_space<vmem>>
        %dma_start3A_908 = tpu.memref_squeeze %dma_start3A_907 : memref<1x128x8xi32, #tpu.memory_space<vmem>> -> memref<128x8xi32, #tpu.memory_space<vmem>>
        %dma_start3A_909 = arith.constant 0 : i32
        %dma_start3A_910 = tpu.memref_slice %arg9[%dma_start3A_903, %dma_start3A_909] : memref<20x128xi32, #tpu.memory_space<vmem>> -> memref<1x128xi32, #tpu.memory_space<vmem>>
        %dma_start3A_911 = tpu.memref_squeeze %dma_start3A_910 : memref<1x128xi32, #tpu.memory_space<vmem>> -> memref<128xi32, #tpu.memory_space<vmem>>
        %dma_start3A_912 = arith.constant 0 : i32
        %dma_start3A_913 = arith.constant 0 : i32
        %dma_start3A_914 = tpu.memref_slice %arg6[%dma_start3A_912, %dma_start3A_913] : memref<125000x8xi32, #tpu.memory_space<vmem_shared>> -> memref<125000x8xi32, #tpu.memory_space<vmem_shared>>
        tpu.enqueue_indirect_dma source(%dma_start3A_914 : memref<125000x8xi32, #tpu.memory_space<vmem_shared>>) target(%dma_start3A_908 : memref<128x8xi32, #tpu.memory_space<vmem>>) offsets(%dma_start3A_911 : memref<128xi32, #tpu.memory_space<vmem>>) semaphore(%arg17 : memref<!tpu.dma_semaphore, #tpu.memory_space<semaphore_mem>>)
        %dma_start3A_915 = arith.constant 5 : i32
        %dma_start3A_916 = arith.constant 5 : i32
        %dma_start3A_917 = arith.constant 0 : i32
        %dma_start3A_918 = arith.constant 0 : i32
        %dma_start3A_919 = tpu.memref_slice %arg13[%dma_start3A_916, %dma_start3A_917, %dma_start3A_918] : memref<20x128x8xi32, #tpu.memory_space<vmem>> -> memref<1x128x8xi32, #tpu.memory_space<vmem>>
        %dma_start3A_920 = tpu.memref_squeeze %dma_start3A_919 : memref<1x128x8xi32, #tpu.memory_space<vmem>> -> memref<128x8xi32, #tpu.memory_space<vmem>>
        %dma_start3A_921 = arith.constant 0 : i32
        %dma_start3A_922 = tpu.memref_slice %arg9[%dma_start3A_915, %dma_start3A_921] : memref<20x128xi32, #tpu.memory_space<vmem>> -> memref<1x128xi32, #tpu.memory_space<vmem>>
        %dma_start3A_923 = tpu.memref_squeeze %dma_start3A_922 : memref<1x128xi32, #tpu.memory_space<vmem>> -> memref<128xi32, #tpu.memory_space<vmem>>
        %dma_start3A_924 = arith.constant 0 : i32
        %dma_start3A_925 = arith.constant 0 : i32
        %dma_start3A_926 = tpu.memref_slice %arg6[%dma_start3A_924, %dma_start3A_925] : memref<125000x8xi32, #tpu.memory_space<vmem_shared>> -> memref<125000x8xi32, #tpu.memory_space<vmem_shared>>
        tpu.enqueue_indirect_dma source(%dma_start3A_926 : memref<125000x8xi32, #tpu.memory_space<vmem_shared>>) target(%dma_start3A_920 : memref<128x8xi32, #tpu.memory_space<vmem>>) offsets(%dma_start3A_923 : memref<128xi32, #tpu.memory_space<vmem>>) semaphore(%arg17 : memref<!tpu.dma_semaphore, #tpu.memory_space<semaphore_mem>>)
        %dma_start3A_927 = arith.constant 6 : i32
        %dma_start3A_928 = arith.constant 6 : i32
        %dma_start3A_929 = arith.constant 0 : i32
        %dma_start3A_930 = arith.constant 0 : i32
        %dma_start3A_931 = tpu.memref_slice %arg13[%dma_start3A_928, %dma_start3A_929, %dma_start3A_930] : memref<20x128x8xi32, #tpu.memory_space<vmem>> -> memref<1x128x8xi32, #tpu.memory_space<vmem>>
        %dma_start3A_932 = tpu.memref_squeeze %dma_start3A_931 : memref<1x128x8xi32, #tpu.memory_space<vmem>> -> memref<128x8xi32, #tpu.memory_space<vmem>>
        %dma_start3A_933 = arith.constant 0 : i32
        %dma_start3A_934 = tpu.memref_slice %arg9[%dma_start3A_927, %dma_start3A_933] : memref<20x128xi32, #tpu.memory_space<vmem>> -> memref<1x128xi32, #tpu.memory_space<vmem>>
        %dma_start3A_935 = tpu.memref_squeeze %dma_start3A_934 : memref<1x128xi32, #tpu.memory_space<vmem>> -> memref<128xi32, #tpu.memory_space<vmem>>
        %dma_start3A_936 = arith.constant 0 : i32
        %dma_start3A_937 = arith.constant 0 : i32
        %dma_start3A_938 = tpu.memref_slice %arg6[%dma_start3A_936, %dma_start3A_937] : memref<125000x8xi32, #tpu.memory_space<vmem_shared>> -> memref<125000x8xi32, #tpu.memory_space<vmem_shared>>
        tpu.enqueue_indirect_dma source(%dma_start3A_938 : memref<125000x8xi32, #tpu.memory_space<vmem_shared>>) target(%dma_start3A_932 : memref<128x8xi32, #tpu.memory_space<vmem>>) offsets(%dma_start3A_935 : memref<128xi32, #tpu.memory_space<vmem>>) semaphore(%arg17 : memref<!tpu.dma_semaphore, #tpu.memory_space<semaphore_mem>>)
        %dma_start3A_939 = arith.constant 7 : i32
        %dma_start3A_940 = arith.constant 7 : i32
        %dma_start3A_941 = arith.constant 0 : i32
        %dma_start3A_942 = arith.constant 0 : i32
        %dma_start3A_943 = tpu.memref_slice %arg13[%dma_start3A_940, %dma_start3A_941, %dma_start3A_942] : memref<20x128x8xi32, #tpu.memory_space<vmem>> -> memref<1x128x8xi32, #tpu.memory_space<vmem>>
        %dma_start3A_944 = tpu.memref_squeeze %dma_start3A_943 : memref<1x128x8xi32, #tpu.memory_space<vmem>> -> memref<128x8xi32, #tpu.memory_space<vmem>>
        %dma_start3A_945 = arith.constant 0 : i32
        %dma_start3A_946 = tpu.memref_slice %arg9[%dma_start3A_939, %dma_start3A_945] : memref<20x128xi32, #tpu.memory_space<vmem>> -> memref<1x128xi32, #tpu.memory_space<vmem>>
        %dma_start3A_947 = tpu.memref_squeeze %dma_start3A_946 : memref<1x128xi32, #tpu.memory_space<vmem>> -> memref<128xi32, #tpu.memory_space<vmem>>
        %dma_start3A_948 = arith.constant 0 : i32
        %dma_start3A_949 = arith.constant 0 : i32
        %dma_start3A_950 = tpu.memref_slice %arg6[%dma_start3A_948, %dma_start3A_949] : memref<125000x8xi32, #tpu.memory_space<vmem_shared>> -> memref<125000x8xi32, #tpu.memory_space<vmem_shared>>
        tpu.enqueue_indirect_dma source(%dma_start3A_950 : memref<125000x8xi32, #tpu.memory_space<vmem_shared>>) target(%dma_start3A_944 : memref<128x8xi32, #tpu.memory_space<vmem>>) offsets(%dma_start3A_947 : memref<128xi32, #tpu.memory_space<vmem>>) semaphore(%arg17 : memref<!tpu.dma_semaphore, #tpu.memory_space<semaphore_mem>>)
        %dma_start3A_951 = arith.constant 8 : i32
        %dma_start3A_952 = arith.constant 8 : i32
        %dma_start3A_953 = arith.constant 0 : i32
        %dma_start3A_954 = arith.constant 0 : i32
        %dma_start3A_955 = tpu.memref_slice %arg13[%dma_start3A_952, %dma_start3A_953, %dma_start3A_954] : memref<20x128x8xi32, #tpu.memory_space<vmem>> -> memref<1x128x8xi32, #tpu.memory_space<vmem>>
        %dma_start3A_956 = tpu.memref_squeeze %dma_start3A_955 : memref<1x128x8xi32, #tpu.memory_space<vmem>> -> memref<128x8xi32, #tpu.memory_space<vmem>>
        %dma_start3A_957 = arith.constant 0 : i32
        %dma_start3A_958 = tpu.memref_slice %arg9[%dma_start3A_951, %dma_start3A_957] : memref<20x128xi32, #tpu.memory_space<vmem>> -> memref<1x128xi32, #tpu.memory_space<vmem>>
        %dma_start3A_959 = tpu.memref_squeeze %dma_start3A_958 : memref<1x128xi32, #tpu.memory_space<vmem>> -> memref<128xi32, #tpu.memory_space<vmem>>
        %dma_start3A_960 = arith.constant 0 : i32
        %dma_start3A_961 = arith.constant 0 : i32
        %dma_start3A_962 = tpu.memref_slice %arg6[%dma_start3A_960, %dma_start3A_961] : memref<125000x8xi32, #tpu.memory_space<vmem_shared>> -> memref<125000x8xi32, #tpu.memory_space<vmem_shared>>
        tpu.enqueue_indirect_dma source(%dma_start3A_962 : memref<125000x8xi32, #tpu.memory_space<vmem_shared>>) target(%dma_start3A_956 : memref<128x8xi32, #tpu.memory_space<vmem>>) offsets(%dma_start3A_959 : memref<128xi32, #tpu.memory_space<vmem>>) semaphore(%arg17 : memref<!tpu.dma_semaphore, #tpu.memory_space<semaphore_mem>>)
        %dma_start3A_963 = arith.constant 9 : i32
        %dma_start3A_964 = arith.constant 9 : i32
        %dma_start3A_965 = arith.constant 0 : i32
        %dma_start3A_966 = arith.constant 0 : i32
        %dma_start3A_967 = tpu.memref_slice %arg13[%dma_start3A_964, %dma_start3A_965, %dma_start3A_966] : memref<20x128x8xi32, #tpu.memory_space<vmem>> -> memref<1x128x8xi32, #tpu.memory_space<vmem>>
        %dma_start3A_968 = tpu.memref_squeeze %dma_start3A_967 : memref<1x128x8xi32, #tpu.memory_space<vmem>> -> memref<128x8xi32, #tpu.memory_space<vmem>>
        %dma_start3A_969 = arith.constant 0 : i32
        %dma_start3A_970 = tpu.memref_slice %arg9[%dma_start3A_963, %dma_start3A_969] : memref<20x128xi32, #tpu.memory_space<vmem>> -> memref<1x128xi32, #tpu.memory_space<vmem>>
        %dma_start3A_971 = tpu.memref_squeeze %dma_start3A_970 : memref<1x128xi32, #tpu.memory_space<vmem>> -> memref<128xi32, #tpu.memory_space<vmem>>
        %dma_start3A_972 = arith.constant 0 : i32
        %dma_start3A_973 = arith.constant 0 : i32
        %dma_start3A_974 = tpu.memref_slice %arg6[%dma_start3A_972, %dma_start3A_973] : memref<125000x8xi32, #tpu.memory_space<vmem_shared>> -> memref<125000x8xi32, #tpu.memory_space<vmem_shared>>
        tpu.enqueue_indirect_dma source(%dma_start3A_974 : memref<125000x8xi32, #tpu.memory_space<vmem_shared>>) target(%dma_start3A_968 : memref<128x8xi32, #tpu.memory_space<vmem>>) offsets(%dma_start3A_971 : memref<128xi32, #tpu.memory_space<vmem>>) semaphore(%arg17 : memref<!tpu.dma_semaphore, #tpu.memory_space<semaphore_mem>>)
        %dma_start3A_975 = arith.constant 10 : i32
        %dma_start3A_976 = arith.constant 10 : i32
        %dma_start3A_977 = arith.constant 0 : i32
        %dma_start3A_978 = arith.constant 0 : i32
        %dma_start3A_979 = tpu.memref_slice %arg13[%dma_start3A_976, %dma_start3A_977, %dma_start3A_978] : memref<20x128x8xi32, #tpu.memory_space<vmem>> -> memref<1x128x8xi32, #tpu.memory_space<vmem>>
        %dma_start3A_980 = tpu.memref_squeeze %dma_start3A_979 : memref<1x128x8xi32, #tpu.memory_space<vmem>> -> memref<128x8xi32, #tpu.memory_space<vmem>>
        %dma_start3A_981 = arith.constant 0 : i32
        %dma_start3A_982 = tpu.memref_slice %arg9[%dma_start3A_975, %dma_start3A_981] : memref<20x128xi32, #tpu.memory_space<vmem>> -> memref<1x128xi32, #tpu.memory_space<vmem>>
        %dma_start3A_983 = tpu.memref_squeeze %dma_start3A_982 : memref<1x128xi32, #tpu.memory_space<vmem>> -> memref<128xi32, #tpu.memory_space<vmem>>
        %dma_start3A_984 = arith.constant 0 : i32
        %dma_start3A_985 = arith.constant 0 : i32
        %dma_start3A_986 = tpu.memref_slice %arg6[%dma_start3A_984, %dma_start3A_985] : memref<125000x8xi32, #tpu.memory_space<vmem_shared>> -> memref<125000x8xi32, #tpu.memory_space<vmem_shared>>
        tpu.enqueue_indirect_dma source(%dma_start3A_986 : memref<125000x8xi32, #tpu.memory_space<vmem_shared>>) target(%dma_start3A_980 : memref<128x8xi32, #tpu.memory_space<vmem>>) offsets(%dma_start3A_983 : memref<128xi32, #tpu.memory_space<vmem>>) semaphore(%arg17 : memref<!tpu.dma_semaphore, #tpu.memory_space<semaphore_mem>>)
        %dma_start3A_987 = arith.constant 11 : i32
        %dma_start3A_988 = arith.constant 11 : i32
        %dma_start3A_989 = arith.constant 0 : i32
        %dma_start3A_990 = arith.constant 0 : i32
        %dma_start3A_991 = tpu.memref_slice %arg13[%dma_start3A_988, %dma_start3A_989, %dma_start3A_990] : memref<20x128x8xi32, #tpu.memory_space<vmem>> -> memref<1x128x8xi32, #tpu.memory_space<vmem>>
        %dma_start3A_992 = tpu.memref_squeeze %dma_start3A_991 : memref<1x128x8xi32, #tpu.memory_space<vmem>> -> memref<128x8xi32, #tpu.memory_space<vmem>>
        %dma_start3A_993 = arith.constant 0 : i32
        %dma_start3A_994 = tpu.memref_slice %arg9[%dma_start3A_987, %dma_start3A_993] : memref<20x128xi32, #tpu.memory_space<vmem>> -> memref<1x128xi32, #tpu.memory_space<vmem>>
        %dma_start3A_995 = tpu.memref_squeeze %dma_start3A_994 : memref<1x128xi32, #tpu.memory_space<vmem>> -> memref<128xi32, #tpu.memory_space<vmem>>
        %dma_start3A_996 = arith.constant 0 : i32
        %dma_start3A_997 = arith.constant 0 : i32
        %dma_start3A_998 = tpu.memref_slice %arg6[%dma_start3A_996, %dma_start3A_997] : memref<125000x8xi32, #tpu.memory_space<vmem_shared>> -> memref<125000x8xi32, #tpu.memory_space<vmem_shared>>
        tpu.enqueue_indirect_dma source(%dma_start3A_998 : memref<125000x8xi32, #tpu.memory_space<vmem_shared>>) target(%dma_start3A_992 : memref<128x8xi32, #tpu.memory_space<vmem>>) offsets(%dma_start3A_995 : memref<128xi32, #tpu.memory_space<vmem>>) semaphore(%arg17 : memref<!tpu.dma_semaphore, #tpu.memory_space<semaphore_mem>>)
        %dma_start3A_999 = arith.constant 12 : i32
        %dma_start3A_1000 = arith.constant 12 : i32
        %dma_start3A_1001 = arith.constant 0 : i32
        %dma_start3A_1002 = arith.constant 0 : i32
        %dma_start3A_1003 = tpu.memref_slice %arg13[%dma_start3A_1000, %dma_start3A_1001, %dma_start3A_1002] : memref<20x128x8xi32, #tpu.memory_space<vmem>> -> memref<1x128x8xi32, #tpu.memory_space<vmem>>
        %dma_start3A_1004 = tpu.memref_squeeze %dma_start3A_1003 : memref<1x128x8xi32, #tpu.memory_space<vmem>> -> memref<128x8xi32, #tpu.memory_space<vmem>>
        %dma_start3A_1005 = arith.constant 0 : i32
        %dma_start3A_1006 = tpu.memref_slice %arg9[%dma_start3A_999, %dma_start3A_1005] : memref<20x128xi32, #tpu.memory_space<vmem>> -> memref<1x128xi32, #tpu.memory_space<vmem>>
        %dma_start3A_1007 = tpu.memref_squeeze %dma_start3A_1006 : memref<1x128xi32, #tpu.memory_space<vmem>> -> memref<128xi32, #tpu.memory_space<vmem>>
        %dma_start3A_1008 = arith.constant 0 : i32
        %dma_start3A_1009 = arith.constant 0 : i32
        %dma_start3A_1010 = tpu.memref_slice %arg6[%dma_start3A_1008, %dma_start3A_1009] : memref<125000x8xi32, #tpu.memory_space<vmem_shared>> -> memref<125000x8xi32, #tpu.memory_space<vmem_shared>>
        tpu.enqueue_indirect_dma source(%dma_start3A_1010 : memref<125000x8xi32, #tpu.memory_space<vmem_shared>>) target(%dma_start3A_1004 : memref<128x8xi32, #tpu.memory_space<vmem>>) offsets(%dma_start3A_1007 : memref<128xi32, #tpu.memory_space<vmem>>) semaphore(%arg17 : memref<!tpu.dma_semaphore, #tpu.memory_space<semaphore_mem>>)
        %dma_start3A_1011 = arith.constant 13 : i32
        %dma_start3A_1012 = arith.constant 13 : i32
        %dma_start3A_1013 = arith.constant 0 : i32
        %dma_start3A_1014 = arith.constant 0 : i32
        %dma_start3A_1015 = tpu.memref_slice %arg13[%dma_start3A_1012, %dma_start3A_1013, %dma_start3A_1014] : memref<20x128x8xi32, #tpu.memory_space<vmem>> -> memref<1x128x8xi32, #tpu.memory_space<vmem>>
        %dma_start3A_1016 = tpu.memref_squeeze %dma_start3A_1015 : memref<1x128x8xi32, #tpu.memory_space<vmem>> -> memref<128x8xi32, #tpu.memory_space<vmem>>
        %dma_start3A_1017 = arith.constant 0 : i32
        %dma_start3A_1018 = tpu.memref_slice %arg9[%dma_start3A_1011, %dma_start3A_1017] : memref<20x128xi32, #tpu.memory_space<vmem>> -> memref<1x128xi32, #tpu.memory_space<vmem>>
        %dma_start3A_1019 = tpu.memref_squeeze %dma_start3A_1018 : memref<1x128xi32, #tpu.memory_space<vmem>> -> memref<128xi32, #tpu.memory_space<vmem>>
        %dma_start3A_1020 = arith.constant 0 : i32
        %dma_start3A_1021 = arith.constant 0 : i32
        %dma_start3A_1022 = tpu.memref_slice %arg6[%dma_start3A_1020, %dma_start3A_1021] : memref<125000x8xi32, #tpu.memory_space<vmem_shared>> -> memref<125000x8xi32, #tpu.memory_space<vmem_shared>>
        tpu.enqueue_indirect_dma source(%dma_start3A_1022 : memref<125000x8xi32, #tpu.memory_space<vmem_shared>>) target(%dma_start3A_1016 : memref<128x8xi32, #tpu.memory_space<vmem>>) offsets(%dma_start3A_1019 : memref<128xi32, #tpu.memory_space<vmem>>) semaphore(%arg17 : memref<!tpu.dma_semaphore, #tpu.memory_space<semaphore_mem>>)
        %dma_start3A_1023 = arith.constant 14 : i32
        %dma_start3A_1024 = arith.constant 14 : i32
        %dma_start3A_1025 = arith.constant 0 : i32
        %dma_start3A_1026 = arith.constant 0 : i32
        %dma_start3A_1027 = tpu.memref_slice %arg13[%dma_start3A_1024, %dma_start3A_1025, %dma_start3A_1026] : memref<20x128x8xi32, #tpu.memory_space<vmem>> -> memref<1x128x8xi32, #tpu.memory_space<vmem>>
        %dma_start3A_1028 = tpu.memref_squeeze %dma_start3A_1027 : memref<1x128x8xi32, #tpu.memory_space<vmem>> -> memref<128x8xi32, #tpu.memory_space<vmem>>
        %dma_start3A_1029 = arith.constant 0 : i32
        %dma_start3A_1030 = tpu.memref_slice %arg9[%dma_start3A_1023, %dma_start3A_1029] : memref<20x128xi32, #tpu.memory_space<vmem>> -> memref<1x128xi32, #tpu.memory_space<vmem>>
        %dma_start3A_1031 = tpu.memref_squeeze %dma_start3A_1030 : memref<1x128xi32, #tpu.memory_space<vmem>> -> memref<128xi32, #tpu.memory_space<vmem>>
        %dma_start3A_1032 = arith.constant 0 : i32
        %dma_start3A_1033 = arith.constant 0 : i32
        %dma_start3A_1034 = tpu.memref_slice %arg6[%dma_start3A_1032, %dma_start3A_1033] : memref<125000x8xi32, #tpu.memory_space<vmem_shared>> -> memref<125000x8xi32, #tpu.memory_space<vmem_shared>>
        tpu.enqueue_indirect_dma source(%dma_start3A_1034 : memref<125000x8xi32, #tpu.memory_space<vmem_shared>>) target(%dma_start3A_1028 : memref<128x8xi32, #tpu.memory_space<vmem>>) offsets(%dma_start3A_1031 : memref<128xi32, #tpu.memory_space<vmem>>) semaphore(%arg17 : memref<!tpu.dma_semaphore, #tpu.memory_space<semaphore_mem>>)
        %dma_start3A_1035 = arith.constant 15 : i32
        %dma_start3A_1036 = arith.constant 15 : i32
        %dma_start3A_1037 = arith.constant 0 : i32
        %dma_start3A_1038 = arith.constant 0 : i32
        %dma_start3A_1039 = tpu.memref_slice %arg13[%dma_start3A_1036, %dma_start3A_1037, %dma_start3A_1038] : memref<20x128x8xi32, #tpu.memory_space<vmem>> -> memref<1x128x8xi32, #tpu.memory_space<vmem>>
        %dma_start3A_1040 = tpu.memref_squeeze %dma_start3A_1039 : memref<1x128x8xi32, #tpu.memory_space<vmem>> -> memref<128x8xi32, #tpu.memory_space<vmem>>
        %dma_start3A_1041 = arith.constant 0 : i32
        %dma_start3A_1042 = tpu.memref_slice %arg9[%dma_start3A_1035, %dma_start3A_1041] : memref<20x128xi32, #tpu.memory_space<vmem>> -> memref<1x128xi32, #tpu.memory_space<vmem>>
        %dma_start3A_1043 = tpu.memref_squeeze %dma_start3A_1042 : memref<1x128xi32, #tpu.memory_space<vmem>> -> memref<128xi32, #tpu.memory_space<vmem>>
        %dma_start3A_1044 = arith.constant 0 : i32
        %dma_start3A_1045 = arith.constant 0 : i32
        %dma_start3A_1046 = tpu.memref_slice %arg6[%dma_start3A_1044, %dma_start3A_1045] : memref<125000x8xi32, #tpu.memory_space<vmem_shared>> -> memref<125000x8xi32, #tpu.memory_space<vmem_shared>>
        tpu.enqueue_indirect_dma source(%dma_start3A_1046 : memref<125000x8xi32, #tpu.memory_space<vmem_shared>>) target(%dma_start3A_1040 : memref<128x8xi32, #tpu.memory_space<vmem>>) offsets(%dma_start3A_1043 : memref<128xi32, #tpu.memory_space<vmem>>) semaphore(%arg17 : memref<!tpu.dma_semaphore, #tpu.memory_space<semaphore_mem>>)
        %dma_start3A_1047 = arith.constant 16 : i32
        %dma_start3A_1048 = arith.constant 16 : i32
        %dma_start3A_1049 = arith.constant 0 : i32
        %dma_start3A_1050 = arith.constant 0 : i32
        %dma_start3A_1051 = tpu.memref_slice %arg13[%dma_start3A_1048, %dma_start3A_1049, %dma_start3A_1050] : memref<20x128x8xi32, #tpu.memory_space<vmem>> -> memref<1x128x8xi32, #tpu.memory_space<vmem>>
        %dma_start3A_1052 = tpu.memref_squeeze %dma_start3A_1051 : memref<1x128x8xi32, #tpu.memory_space<vmem>> -> memref<128x8xi32, #tpu.memory_space<vmem>>
        %dma_start3A_1053 = arith.constant 0 : i32
        %dma_start3A_1054 = tpu.memref_slice %arg9[%dma_start3A_1047, %dma_start3A_1053] : memref<20x128xi32, #tpu.memory_space<vmem>> -> memref<1x128xi32, #tpu.memory_space<vmem>>
        %dma_start3A_1055 = tpu.memref_squeeze %dma_start3A_1054 : memref<1x128xi32, #tpu.memory_space<vmem>> -> memref<128xi32, #tpu.memory_space<vmem>>
        %dma_start3A_1056 = arith.constant 0 : i32
        %dma_start3A_1057 = arith.constant 0 : i32
        %dma_start3A_1058 = tpu.memref_slice %arg6[%dma_start3A_1056, %dma_start3A_1057] : memref<125000x8xi32, #tpu.memory_space<vmem_shared>> -> memref<125000x8xi32, #tpu.memory_space<vmem_shared>>
        tpu.enqueue_indirect_dma source(%dma_start3A_1058 : memref<125000x8xi32, #tpu.memory_space<vmem_shared>>) target(%dma_start3A_1052 : memref<128x8xi32, #tpu.memory_space<vmem>>) offsets(%dma_start3A_1055 : memref<128xi32, #tpu.memory_space<vmem>>) semaphore(%arg17 : memref<!tpu.dma_semaphore, #tpu.memory_space<semaphore_mem>>)
        %dma_start3A_1059 = arith.constant 17 : i32
        %dma_start3A_1060 = arith.constant 17 : i32
        %dma_start3A_1061 = arith.constant 0 : i32
        %dma_start3A_1062 = arith.constant 0 : i32
        %dma_start3A_1063 = tpu.memref_slice %arg13[%dma_start3A_1060, %dma_start3A_1061, %dma_start3A_1062] : memref<20x128x8xi32, #tpu.memory_space<vmem>> -> memref<1x128x8xi32, #tpu.memory_space<vmem>>
        %dma_start3A_1064 = tpu.memref_squeeze %dma_start3A_1063 : memref<1x128x8xi32, #tpu.memory_space<vmem>> -> memref<128x8xi32, #tpu.memory_space<vmem>>
        %dma_start3A_1065 = arith.constant 0 : i32
        %dma_start3A_1066 = tpu.memref_slice %arg9[%dma_start3A_1059, %dma_start3A_1065] : memref<20x128xi32, #tpu.memory_space<vmem>> -> memref<1x128xi32, #tpu.memory_space<vmem>>
        %dma_start3A_1067 = tpu.memref_squeeze %dma_start3A_1066 : memref<1x128xi32, #tpu.memory_space<vmem>> -> memref<128xi32, #tpu.memory_space<vmem>>
        %dma_start3A_1068 = arith.constant 0 : i32
        %dma_start3A_1069 = arith.constant 0 : i32
        %dma_start3A_1070 = tpu.memref_slice %arg6[%dma_start3A_1068, %dma_start3A_1069] : memref<125000x8xi32, #tpu.memory_space<vmem_shared>> -> memref<125000x8xi32, #tpu.memory_space<vmem_shared>>
        tpu.enqueue_indirect_dma source(%dma_start3A_1070 : memref<125000x8xi32, #tpu.memory_space<vmem_shared>>) target(%dma_start3A_1064 : memref<128x8xi32, #tpu.memory_space<vmem>>) offsets(%dma_start3A_1067 : memref<128xi32, #tpu.memory_space<vmem>>) semaphore(%arg17 : memref<!tpu.dma_semaphore, #tpu.memory_space<semaphore_mem>>)
        %dma_start3A_1071 = arith.constant 18 : i32
        %dma_start3A_1072 = arith.constant 18 : i32
        %dma_start3A_1073 = arith.constant 0 : i32
        %dma_start3A_1074 = arith.constant 0 : i32
        %dma_start3A_1075 = tpu.memref_slice %arg13[%dma_start3A_1072, %dma_start3A_1073, %dma_start3A_1074] : memref<20x128x8xi32, #tpu.memory_space<vmem>> -> memref<1x128x8xi32, #tpu.memory_space<vmem>>
        %dma_start3A_1076 = tpu.memref_squeeze %dma_start3A_1075 : memref<1x128x8xi32, #tpu.memory_space<vmem>> -> memref<128x8xi32, #tpu.memory_space<vmem>>
        %dma_start3A_1077 = arith.constant 0 : i32
        %dma_start3A_1078 = tpu.memref_slice %arg9[%dma_start3A_1071, %dma_start3A_1077] : memref<20x128xi32, #tpu.memory_space<vmem>> -> memref<1x128xi32, #tpu.memory_space<vmem>>
        %dma_start3A_1079 = tpu.memref_squeeze %dma_start3A_1078 : memref<1x128xi32, #tpu.memory_space<vmem>> -> memref<128xi32, #tpu.memory_space<vmem>>
        %dma_start3A_1080 = arith.constant 0 : i32
        %dma_start3A_1081 = arith.constant 0 : i32
        %dma_start3A_1082 = tpu.memref_slice %arg6[%dma_start3A_1080, %dma_start3A_1081] : memref<125000x8xi32, #tpu.memory_space<vmem_shared>> -> memref<125000x8xi32, #tpu.memory_space<vmem_shared>>
        tpu.enqueue_indirect_dma source(%dma_start3A_1082 : memref<125000x8xi32, #tpu.memory_space<vmem_shared>>) target(%dma_start3A_1076 : memref<128x8xi32, #tpu.memory_space<vmem>>) offsets(%dma_start3A_1079 : memref<128xi32, #tpu.memory_space<vmem>>) semaphore(%arg17 : memref<!tpu.dma_semaphore, #tpu.memory_space<semaphore_mem>>)
        %dma_start3A_1083 = arith.constant 19 : i32
        %dma_start3A_1084 = arith.constant 19 : i32
        %dma_start3A_1085 = arith.constant 0 : i32
        %dma_start3A_1086 = arith.constant 0 : i32
        %dma_start3A_1087 = tpu.memref_slice %arg13[%dma_start3A_1084, %dma_start3A_1085, %dma_start3A_1086] : memref<20x128x8xi32, #tpu.memory_space<vmem>> -> memref<1x128x8xi32, #tpu.memory_space<vmem>>
        %dma_start3A_1088 = tpu.memref_squeeze %dma_start3A_1087 : memref<1x128x8xi32, #tpu.memory_space<vmem>> -> memref<128x8xi32, #tpu.memory_space<vmem>>
        %dma_start3A_1089 = arith.constant 0 : i32
        %dma_start3A_1090 = tpu.memref_slice %arg9[%dma_start3A_1083, %dma_start3A_1089] : memref<20x128xi32, #tpu.memory_space<vmem>> -> memref<1x128xi32, #tpu.memory_space<vmem>>
        %dma_start3A_1091 = tpu.memref_squeeze %dma_start3A_1090 : memref<1x128xi32, #tpu.memory_space<vmem>> -> memref<128xi32, #tpu.memory_space<vmem>>
        %dma_start3A_1092 = arith.constant 0 : i32
        %dma_start3A_1093 = arith.constant 0 : i32
        %dma_start3A_1094 = tpu.memref_slice %arg6[%dma_start3A_1092, %dma_start3A_1093] : memref<125000x8xi32, #tpu.memory_space<vmem_shared>> -> memref<125000x8xi32, #tpu.memory_space<vmem_shared>>
        tpu.enqueue_indirect_dma source(%dma_start3A_1094 : memref<125000x8xi32, #tpu.memory_space<vmem_shared>>) target(%dma_start3A_1088 : memref<128x8xi32, #tpu.memory_space<vmem>>) offsets(%dma_start3A_1091 : memref<128xi32, #tpu.memory_space<vmem>>) semaphore(%arg17 : memref<!tpu.dma_semaphore, #tpu.memory_space<semaphore_mem>>)
      } else {
      }
      %dma_wait3A_570 = arith.constant 0 : i32
      %dma_wait3A_571 = arith.constant 0 : i32
      %dma_wait3A_572 = arith.constant 0 : i32
      %dma_wait3A_573 = arith.constant 0 : i32
      %dma_wait3A_574 = tpu.memref_slice %arg14[%dma_wait3A_571, %dma_wait3A_572, %dma_wait3A_573] : memref<20x128x8xi32, #tpu.memory_space<vmem>> -> memref<1x128x8xi32, #tpu.memory_space<vmem>>
      %dma_wait3A_575 = tpu.memref_squeeze %dma_wait3A_574 : memref<1x128x8xi32, #tpu.memory_space<vmem>> -> memref<128x8xi32, #tpu.memory_space<vmem>>
      %dma_wait3A_576 = arith.constant 0 : i32
      %dma_wait3A_577 = tpu.memref_slice %arg10[%dma_wait3A_570, %dma_wait3A_576] : memref<20x128xi32, #tpu.memory_space<vmem>> -> memref<1x128xi32, #tpu.memory_space<vmem>>
      %dma_wait3A_578 = tpu.memref_squeeze %dma_wait3A_577 : memref<1x128xi32, #tpu.memory_space<vmem>> -> memref<128xi32, #tpu.memory_space<vmem>>
      %dma_wait3A_579 = arith.constant 0 : i32
      %dma_wait3A_580 = arith.constant 0 : i32
      %dma_wait3A_581 = tpu.memref_slice %arg6[%dma_wait3A_579, %dma_wait3A_580] : memref<125000x8xi32, #tpu.memory_space<vmem_shared>> -> memref<125000x8xi32, #tpu.memory_space<vmem_shared>>
      tpu.wait_indirect_dma semaphore(%arg18 : memref<!tpu.dma_semaphore, #tpu.memory_space<semaphore_mem>>) src(%dma_wait3A_581 : memref<125000x8xi32, #tpu.memory_space<vmem_shared>>) dst(%dma_wait3A_575 : memref<128x8xi32, #tpu.memory_space<vmem>>)
      %dma_wait3A_582 = arith.constant 1 : i32
      %dma_wait3A_583 = arith.constant 1 : i32
      %dma_wait3A_584 = arith.constant 0 : i32
      %dma_wait3A_585 = arith.constant 0 : i32
      %dma_wait3A_586 = tpu.memref_slice %arg14[%dma_wait3A_583, %dma_wait3A_584, %dma_wait3A_585] : memref<20x128x8xi32, #tpu.memory_space<vmem>> -> memref<1x128x8xi32, #tpu.memory_space<vmem>>
      %dma_wait3A_587 = tpu.memref_squeeze %dma_wait3A_586 : memref<1x128x8xi32, #tpu.memory_space<vmem>> -> memref<128x8xi32, #tpu.memory_space<vmem>>
      %dma_wait3A_588 = arith.constant 0 : i32
      %dma_wait3A_589 = tpu.memref_slice %arg10[%dma_wait3A_582, %dma_wait3A_588] : memref<20x128xi32, #tpu.memory_space<vmem>> -> memref<1x128xi32, #tpu.memory_space<vmem>>
      %dma_wait3A_590 = tpu.memref_squeeze %dma_wait3A_589 : memref<1x128xi32, #tpu.memory_space<vmem>> -> memref<128xi32, #tpu.memory_space<vmem>>
      %dma_wait3A_591 = arith.constant 0 : i32
      %dma_wait3A_592 = arith.constant 0 : i32
      %dma_wait3A_593 = tpu.memref_slice %arg6[%dma_wait3A_591, %dma_wait3A_592] : memref<125000x8xi32, #tpu.memory_space<vmem_shared>> -> memref<125000x8xi32, #tpu.memory_space<vmem_shared>>
      tpu.wait_indirect_dma semaphore(%arg18 : memref<!tpu.dma_semaphore, #tpu.memory_space<semaphore_mem>>) src(%dma_wait3A_593 : memref<125000x8xi32, #tpu.memory_space<vmem_shared>>) dst(%dma_wait3A_587 : memref<128x8xi32, #tpu.memory_space<vmem>>)
      %dma_wait3A_594 = arith.constant 2 : i32
      %dma_wait3A_595 = arith.constant 2 : i32
      %dma_wait3A_596 = arith.constant 0 : i32
      %dma_wait3A_597 = arith.constant 0 : i32
      %dma_wait3A_598 = tpu.memref_slice %arg14[%dma_wait3A_595, %dma_wait3A_596, %dma_wait3A_597] : memref<20x128x8xi32, #tpu.memory_space<vmem>> -> memref<1x128x8xi32, #tpu.memory_space<vmem>>
      %dma_wait3A_599 = tpu.memref_squeeze %dma_wait3A_598 : memref<1x128x8xi32, #tpu.memory_space<vmem>> -> memref<128x8xi32, #tpu.memory_space<vmem>>
      %dma_wait3A_600 = arith.constant 0 : i32
      %dma_wait3A_601 = tpu.memref_slice %arg10[%dma_wait3A_594, %dma_wait3A_600] : memref<20x128xi32, #tpu.memory_space<vmem>> -> memref<1x128xi32, #tpu.memory_space<vmem>>
      %dma_wait3A_602 = tpu.memref_squeeze %dma_wait3A_601 : memref<1x128xi32, #tpu.memory_space<vmem>> -> memref<128xi32, #tpu.memory_space<vmem>>
      %dma_wait3A_603 = arith.constant 0 : i32
      %dma_wait3A_604 = arith.constant 0 : i32
      %dma_wait3A_605 = tpu.memref_slice %arg6[%dma_wait3A_603, %dma_wait3A_604] : memref<125000x8xi32, #tpu.memory_space<vmem_shared>> -> memref<125000x8xi32, #tpu.memory_space<vmem_shared>>
      tpu.wait_indirect_dma semaphore(%arg18 : memref<!tpu.dma_semaphore, #tpu.memory_space<semaphore_mem>>) src(%dma_wait3A_605 : memref<125000x8xi32, #tpu.memory_space<vmem_shared>>) dst(%dma_wait3A_599 : memref<128x8xi32, #tpu.memory_space<vmem>>)
      %dma_wait3A_606 = arith.constant 3 : i32
      %dma_wait3A_607 = arith.constant 3 : i32
      %dma_wait3A_608 = arith.constant 0 : i32
      %dma_wait3A_609 = arith.constant 0 : i32
      %dma_wait3A_610 = tpu.memref_slice %arg14[%dma_wait3A_607, %dma_wait3A_608, %dma_wait3A_609] : memref<20x128x8xi32, #tpu.memory_space<vmem>> -> memref<1x128x8xi32, #tpu.memory_space<vmem>>
      %dma_wait3A_611 = tpu.memref_squeeze %dma_wait3A_610 : memref<1x128x8xi32, #tpu.memory_space<vmem>> -> memref<128x8xi32, #tpu.memory_space<vmem>>
      %dma_wait3A_612 = arith.constant 0 : i32
      %dma_wait3A_613 = tpu.memref_slice %arg10[%dma_wait3A_606, %dma_wait3A_612] : memref<20x128xi32, #tpu.memory_space<vmem>> -> memref<1x128xi32, #tpu.memory_space<vmem>>
      %dma_wait3A_614 = tpu.memref_squeeze %dma_wait3A_613 : memref<1x128xi32, #tpu.memory_space<vmem>> -> memref<128xi32, #tpu.memory_space<vmem>>
      %dma_wait3A_615 = arith.constant 0 : i32
      %dma_wait3A_616 = arith.constant 0 : i32
      %dma_wait3A_617 = tpu.memref_slice %arg6[%dma_wait3A_615, %dma_wait3A_616] : memref<125000x8xi32, #tpu.memory_space<vmem_shared>> -> memref<125000x8xi32, #tpu.memory_space<vmem_shared>>
      tpu.wait_indirect_dma semaphore(%arg18 : memref<!tpu.dma_semaphore, #tpu.memory_space<semaphore_mem>>) src(%dma_wait3A_617 : memref<125000x8xi32, #tpu.memory_space<vmem_shared>>) dst(%dma_wait3A_611 : memref<128x8xi32, #tpu.memory_space<vmem>>)
      %dma_wait3A_618 = arith.constant 4 : i32
      %dma_wait3A_619 = arith.constant 4 : i32
      %dma_wait3A_620 = arith.constant 0 : i32
      %dma_wait3A_621 = arith.constant 0 : i32
      %dma_wait3A_622 = tpu.memref_slice %arg14[%dma_wait3A_619, %dma_wait3A_620, %dma_wait3A_621] : memref<20x128x8xi32, #tpu.memory_space<vmem>> -> memref<1x128x8xi32, #tpu.memory_space<vmem>>
      %dma_wait3A_623 = tpu.memref_squeeze %dma_wait3A_622 : memref<1x128x8xi32, #tpu.memory_space<vmem>> -> memref<128x8xi32, #tpu.memory_space<vmem>>
      %dma_wait3A_624 = arith.constant 0 : i32
      %dma_wait3A_625 = tpu.memref_slice %arg10[%dma_wait3A_618, %dma_wait3A_624] : memref<20x128xi32, #tpu.memory_space<vmem>> -> memref<1x128xi32, #tpu.memory_space<vmem>>
      %dma_wait3A_626 = tpu.memref_squeeze %dma_wait3A_625 : memref<1x128xi32, #tpu.memory_space<vmem>> -> memref<128xi32, #tpu.memory_space<vmem>>
      %dma_wait3A_627 = arith.constant 0 : i32
      %dma_wait3A_628 = arith.constant 0 : i32
      %dma_wait3A_629 = tpu.memref_slice %arg6[%dma_wait3A_627, %dma_wait3A_628] : memref<125000x8xi32, #tpu.memory_space<vmem_shared>> -> memref<125000x8xi32, #tpu.memory_space<vmem_shared>>
      tpu.wait_indirect_dma semaphore(%arg18 : memref<!tpu.dma_semaphore, #tpu.memory_space<semaphore_mem>>) src(%dma_wait3A_629 : memref<125000x8xi32, #tpu.memory_space<vmem_shared>>) dst(%dma_wait3A_623 : memref<128x8xi32, #tpu.memory_space<vmem>>)
      %dma_wait3A_630 = arith.constant 5 : i32
      %dma_wait3A_631 = arith.constant 5 : i32
      %dma_wait3A_632 = arith.constant 0 : i32
      %dma_wait3A_633 = arith.constant 0 : i32
      %dma_wait3A_634 = tpu.memref_slice %arg14[%dma_wait3A_631, %dma_wait3A_632, %dma_wait3A_633] : memref<20x128x8xi32, #tpu.memory_space<vmem>> -> memref<1x128x8xi32, #tpu.memory_space<vmem>>
      %dma_wait3A_635 = tpu.memref_squeeze %dma_wait3A_634 : memref<1x128x8xi32, #tpu.memory_space<vmem>> -> memref<128x8xi32, #tpu.memory_space<vmem>>
      %dma_wait3A_636 = arith.constant 0 : i32
      %dma_wait3A_637 = tpu.memref_slice %arg10[%dma_wait3A_630, %dma_wait3A_636] : memref<20x128xi32, #tpu.memory_space<vmem>> -> memref<1x128xi32, #tpu.memory_space<vmem>>
      %dma_wait3A_638 = tpu.memref_squeeze %dma_wait3A_637 : memref<1x128xi32, #tpu.memory_space<vmem>> -> memref<128xi32, #tpu.memory_space<vmem>>
      %dma_wait3A_639 = arith.constant 0 : i32
      %dma_wait3A_640 = arith.constant 0 : i32
      %dma_wait3A_641 = tpu.memref_slice %arg6[%dma_wait3A_639, %dma_wait3A_640] : memref<125000x8xi32, #tpu.memory_space<vmem_shared>> -> memref<125000x8xi32, #tpu.memory_space<vmem_shared>>
      tpu.wait_indirect_dma semaphore(%arg18 : memref<!tpu.dma_semaphore, #tpu.memory_space<semaphore_mem>>) src(%dma_wait3A_641 : memref<125000x8xi32, #tpu.memory_space<vmem_shared>>) dst(%dma_wait3A_635 : memref<128x8xi32, #tpu.memory_space<vmem>>)
      %dma_wait3A_642 = arith.constant 6 : i32
      %dma_wait3A_643 = arith.constant 6 : i32
      %dma_wait3A_644 = arith.constant 0 : i32
      %dma_wait3A_645 = arith.constant 0 : i32
      %dma_wait3A_646 = tpu.memref_slice %arg14[%dma_wait3A_643, %dma_wait3A_644, %dma_wait3A_645] : memref<20x128x8xi32, #tpu.memory_space<vmem>> -> memref<1x128x8xi32, #tpu.memory_space<vmem>>
      %dma_wait3A_647 = tpu.memref_squeeze %dma_wait3A_646 : memref<1x128x8xi32, #tpu.memory_space<vmem>> -> memref<128x8xi32, #tpu.memory_space<vmem>>
      %dma_wait3A_648 = arith.constant 0 : i32
      %dma_wait3A_649 = tpu.memref_slice %arg10[%dma_wait3A_642, %dma_wait3A_648] : memref<20x128xi32, #tpu.memory_space<vmem>> -> memref<1x128xi32, #tpu.memory_space<vmem>>
      %dma_wait3A_650 = tpu.memref_squeeze %dma_wait3A_649 : memref<1x128xi32, #tpu.memory_space<vmem>> -> memref<128xi32, #tpu.memory_space<vmem>>
      %dma_wait3A_651 = arith.constant 0 : i32
      %dma_wait3A_652 = arith.constant 0 : i32
      %dma_wait3A_653 = tpu.memref_slice %arg6[%dma_wait3A_651, %dma_wait3A_652] : memref<125000x8xi32, #tpu.memory_space<vmem_shared>> -> memref<125000x8xi32, #tpu.memory_space<vmem_shared>>
      tpu.wait_indirect_dma semaphore(%arg18 : memref<!tpu.dma_semaphore, #tpu.memory_space<semaphore_mem>>) src(%dma_wait3A_653 : memref<125000x8xi32, #tpu.memory_space<vmem_shared>>) dst(%dma_wait3A_647 : memref<128x8xi32, #tpu.memory_space<vmem>>)
      %dma_wait3A_654 = arith.constant 7 : i32
      %dma_wait3A_655 = arith.constant 7 : i32
      %dma_wait3A_656 = arith.constant 0 : i32
      %dma_wait3A_657 = arith.constant 0 : i32
      %dma_wait3A_658 = tpu.memref_slice %arg14[%dma_wait3A_655, %dma_wait3A_656, %dma_wait3A_657] : memref<20x128x8xi32, #tpu.memory_space<vmem>> -> memref<1x128x8xi32, #tpu.memory_space<vmem>>
      %dma_wait3A_659 = tpu.memref_squeeze %dma_wait3A_658 : memref<1x128x8xi32, #tpu.memory_space<vmem>> -> memref<128x8xi32, #tpu.memory_space<vmem>>
      %dma_wait3A_660 = arith.constant 0 : i32
      %dma_wait3A_661 = tpu.memref_slice %arg10[%dma_wait3A_654, %dma_wait3A_660] : memref<20x128xi32, #tpu.memory_space<vmem>> -> memref<1x128xi32, #tpu.memory_space<vmem>>
      %dma_wait3A_662 = tpu.memref_squeeze %dma_wait3A_661 : memref<1x128xi32, #tpu.memory_space<vmem>> -> memref<128xi32, #tpu.memory_space<vmem>>
      %dma_wait3A_663 = arith.constant 0 : i32
      %dma_wait3A_664 = arith.constant 0 : i32
      %dma_wait3A_665 = tpu.memref_slice %arg6[%dma_wait3A_663, %dma_wait3A_664] : memref<125000x8xi32, #tpu.memory_space<vmem_shared>> -> memref<125000x8xi32, #tpu.memory_space<vmem_shared>>
      tpu.wait_indirect_dma semaphore(%arg18 : memref<!tpu.dma_semaphore, #tpu.memory_space<semaphore_mem>>) src(%dma_wait3A_665 : memref<125000x8xi32, #tpu.memory_space<vmem_shared>>) dst(%dma_wait3A_659 : memref<128x8xi32, #tpu.memory_space<vmem>>)
      %dma_wait3A_666 = arith.constant 8 : i32
      %dma_wait3A_667 = arith.constant 8 : i32
      %dma_wait3A_668 = arith.constant 0 : i32
      %dma_wait3A_669 = arith.constant 0 : i32
      %dma_wait3A_670 = tpu.memref_slice %arg14[%dma_wait3A_667, %dma_wait3A_668, %dma_wait3A_669] : memref<20x128x8xi32, #tpu.memory_space<vmem>> -> memref<1x128x8xi32, #tpu.memory_space<vmem>>
      %dma_wait3A_671 = tpu.memref_squeeze %dma_wait3A_670 : memref<1x128x8xi32, #tpu.memory_space<vmem>> -> memref<128x8xi32, #tpu.memory_space<vmem>>
      %dma_wait3A_672 = arith.constant 0 : i32
      %dma_wait3A_673 = tpu.memref_slice %arg10[%dma_wait3A_666, %dma_wait3A_672] : memref<20x128xi32, #tpu.memory_space<vmem>> -> memref<1x128xi32, #tpu.memory_space<vmem>>
      %dma_wait3A_674 = tpu.memref_squeeze %dma_wait3A_673 : memref<1x128xi32, #tpu.memory_space<vmem>> -> memref<128xi32, #tpu.memory_space<vmem>>
      %dma_wait3A_675 = arith.constant 0 : i32
      %dma_wait3A_676 = arith.constant 0 : i32
      %dma_wait3A_677 = tpu.memref_slice %arg6[%dma_wait3A_675, %dma_wait3A_676] : memref<125000x8xi32, #tpu.memory_space<vmem_shared>> -> memref<125000x8xi32, #tpu.memory_space<vmem_shared>>
      tpu.wait_indirect_dma semaphore(%arg18 : memref<!tpu.dma_semaphore, #tpu.memory_space<semaphore_mem>>) src(%dma_wait3A_677 : memref<125000x8xi32, #tpu.memory_space<vmem_shared>>) dst(%dma_wait3A_671 : memref<128x8xi32, #tpu.memory_space<vmem>>)
      %dma_wait3A_678 = arith.constant 9 : i32
      %dma_wait3A_679 = arith.constant 9 : i32
      %dma_wait3A_680 = arith.constant 0 : i32
      %dma_wait3A_681 = arith.constant 0 : i32
      %dma_wait3A_682 = tpu.memref_slice %arg14[%dma_wait3A_679, %dma_wait3A_680, %dma_wait3A_681] : memref<20x128x8xi32, #tpu.memory_space<vmem>> -> memref<1x128x8xi32, #tpu.memory_space<vmem>>
      %dma_wait3A_683 = tpu.memref_squeeze %dma_wait3A_682 : memref<1x128x8xi32, #tpu.memory_space<vmem>> -> memref<128x8xi32, #tpu.memory_space<vmem>>
      %dma_wait3A_684 = arith.constant 0 : i32
      %dma_wait3A_685 = tpu.memref_slice %arg10[%dma_wait3A_678, %dma_wait3A_684] : memref<20x128xi32, #tpu.memory_space<vmem>> -> memref<1x128xi32, #tpu.memory_space<vmem>>
      %dma_wait3A_686 = tpu.memref_squeeze %dma_wait3A_685 : memref<1x128xi32, #tpu.memory_space<vmem>> -> memref<128xi32, #tpu.memory_space<vmem>>
      %dma_wait3A_687 = arith.constant 0 : i32
      %dma_wait3A_688 = arith.constant 0 : i32
      %dma_wait3A_689 = tpu.memref_slice %arg6[%dma_wait3A_687, %dma_wait3A_688] : memref<125000x8xi32, #tpu.memory_space<vmem_shared>> -> memref<125000x8xi32, #tpu.memory_space<vmem_shared>>
      tpu.wait_indirect_dma semaphore(%arg18 : memref<!tpu.dma_semaphore, #tpu.memory_space<semaphore_mem>>) src(%dma_wait3A_689 : memref<125000x8xi32, #tpu.memory_space<vmem_shared>>) dst(%dma_wait3A_683 : memref<128x8xi32, #tpu.memory_space<vmem>>)
      %dma_wait3A_690 = arith.constant 10 : i32
      %dma_wait3A_691 = arith.constant 10 : i32
      %dma_wait3A_692 = arith.constant 0 : i32
      %dma_wait3A_693 = arith.constant 0 : i32
      %dma_wait3A_694 = tpu.memref_slice %arg14[%dma_wait3A_691, %dma_wait3A_692, %dma_wait3A_693] : memref<20x128x8xi32, #tpu.memory_space<vmem>> -> memref<1x128x8xi32, #tpu.memory_space<vmem>>
      %dma_wait3A_695 = tpu.memref_squeeze %dma_wait3A_694 : memref<1x128x8xi32, #tpu.memory_space<vmem>> -> memref<128x8xi32, #tpu.memory_space<vmem>>
      %dma_wait3A_696 = arith.constant 0 : i32
      %dma_wait3A_697 = tpu.memref_slice %arg10[%dma_wait3A_690, %dma_wait3A_696] : memref<20x128xi32, #tpu.memory_space<vmem>> -> memref<1x128xi32, #tpu.memory_space<vmem>>
      %dma_wait3A_698 = tpu.memref_squeeze %dma_wait3A_697 : memref<1x128xi32, #tpu.memory_space<vmem>> -> memref<128xi32, #tpu.memory_space<vmem>>
      %dma_wait3A_699 = arith.constant 0 : i32
      %dma_wait3A_700 = arith.constant 0 : i32
      %dma_wait3A_701 = tpu.memref_slice %arg6[%dma_wait3A_699, %dma_wait3A_700] : memref<125000x8xi32, #tpu.memory_space<vmem_shared>> -> memref<125000x8xi32, #tpu.memory_space<vmem_shared>>
      tpu.wait_indirect_dma semaphore(%arg18 : memref<!tpu.dma_semaphore, #tpu.memory_space<semaphore_mem>>) src(%dma_wait3A_701 : memref<125000x8xi32, #tpu.memory_space<vmem_shared>>) dst(%dma_wait3A_695 : memref<128x8xi32, #tpu.memory_space<vmem>>)
      %dma_wait3A_702 = arith.constant 11 : i32
      %dma_wait3A_703 = arith.constant 11 : i32
      %dma_wait3A_704 = arith.constant 0 : i32
      %dma_wait3A_705 = arith.constant 0 : i32
      %dma_wait3A_706 = tpu.memref_slice %arg14[%dma_wait3A_703, %dma_wait3A_704, %dma_wait3A_705] : memref<20x128x8xi32, #tpu.memory_space<vmem>> -> memref<1x128x8xi32, #tpu.memory_space<vmem>>
      %dma_wait3A_707 = tpu.memref_squeeze %dma_wait3A_706 : memref<1x128x8xi32, #tpu.memory_space<vmem>> -> memref<128x8xi32, #tpu.memory_space<vmem>>
      %dma_wait3A_708 = arith.constant 0 : i32
      %dma_wait3A_709 = tpu.memref_slice %arg10[%dma_wait3A_702, %dma_wait3A_708] : memref<20x128xi32, #tpu.memory_space<vmem>> -> memref<1x128xi32, #tpu.memory_space<vmem>>
      %dma_wait3A_710 = tpu.memref_squeeze %dma_wait3A_709 : memref<1x128xi32, #tpu.memory_space<vmem>> -> memref<128xi32, #tpu.memory_space<vmem>>
      %dma_wait3A_711 = arith.constant 0 : i32
      %dma_wait3A_712 = arith.constant 0 : i32
      %dma_wait3A_713 = tpu.memref_slice %arg6[%dma_wait3A_711, %dma_wait3A_712] : memref<125000x8xi32, #tpu.memory_space<vmem_shared>> -> memref<125000x8xi32, #tpu.memory_space<vmem_shared>>
      tpu.wait_indirect_dma semaphore(%arg18 : memref<!tpu.dma_semaphore, #tpu.memory_space<semaphore_mem>>) src(%dma_wait3A_713 : memref<125000x8xi32, #tpu.memory_space<vmem_shared>>) dst(%dma_wait3A_707 : memref<128x8xi32, #tpu.memory_space<vmem>>)
      %dma_wait3A_714 = arith.constant 12 : i32
      %dma_wait3A_715 = arith.constant 12 : i32
      %dma_wait3A_716 = arith.constant 0 : i32
      %dma_wait3A_717 = arith.constant 0 : i32
      %dma_wait3A_718 = tpu.memref_slice %arg14[%dma_wait3A_715, %dma_wait3A_716, %dma_wait3A_717] : memref<20x128x8xi32, #tpu.memory_space<vmem>> -> memref<1x128x8xi32, #tpu.memory_space<vmem>>
      %dma_wait3A_719 = tpu.memref_squeeze %dma_wait3A_718 : memref<1x128x8xi32, #tpu.memory_space<vmem>> -> memref<128x8xi32, #tpu.memory_space<vmem>>
      %dma_wait3A_720 = arith.constant 0 : i32
      %dma_wait3A_721 = tpu.memref_slice %arg10[%dma_wait3A_714, %dma_wait3A_720] : memref<20x128xi32, #tpu.memory_space<vmem>> -> memref<1x128xi32, #tpu.memory_space<vmem>>
      %dma_wait3A_722 = tpu.memref_squeeze %dma_wait3A_721 : memref<1x128xi32, #tpu.memory_space<vmem>> -> memref<128xi32, #tpu.memory_space<vmem>>
      %dma_wait3A_723 = arith.constant 0 : i32
      %dma_wait3A_724 = arith.constant 0 : i32
      %dma_wait3A_725 = tpu.memref_slice %arg6[%dma_wait3A_723, %dma_wait3A_724] : memref<125000x8xi32, #tpu.memory_space<vmem_shared>> -> memref<125000x8xi32, #tpu.memory_space<vmem_shared>>
      tpu.wait_indirect_dma semaphore(%arg18 : memref<!tpu.dma_semaphore, #tpu.memory_space<semaphore_mem>>) src(%dma_wait3A_725 : memref<125000x8xi32, #tpu.memory_space<vmem_shared>>) dst(%dma_wait3A_719 : memref<128x8xi32, #tpu.memory_space<vmem>>)
      %dma_wait3A_726 = arith.constant 13 : i32
      %dma_wait3A_727 = arith.constant 13 : i32
      %dma_wait3A_728 = arith.constant 0 : i32
      %dma_wait3A_729 = arith.constant 0 : i32
      %dma_wait3A_730 = tpu.memref_slice %arg14[%dma_wait3A_727, %dma_wait3A_728, %dma_wait3A_729] : memref<20x128x8xi32, #tpu.memory_space<vmem>> -> memref<1x128x8xi32, #tpu.memory_space<vmem>>
      %dma_wait3A_731 = tpu.memref_squeeze %dma_wait3A_730 : memref<1x128x8xi32, #tpu.memory_space<vmem>> -> memref<128x8xi32, #tpu.memory_space<vmem>>
      %dma_wait3A_732 = arith.constant 0 : i32
      %dma_wait3A_733 = tpu.memref_slice %arg10[%dma_wait3A_726, %dma_wait3A_732] : memref<20x128xi32, #tpu.memory_space<vmem>> -> memref<1x128xi32, #tpu.memory_space<vmem>>
      %dma_wait3A_734 = tpu.memref_squeeze %dma_wait3A_733 : memref<1x128xi32, #tpu.memory_space<vmem>> -> memref<128xi32, #tpu.memory_space<vmem>>
      %dma_wait3A_735 = arith.constant 0 : i32
      %dma_wait3A_736 = arith.constant 0 : i32
      %dma_wait3A_737 = tpu.memref_slice %arg6[%dma_wait3A_735, %dma_wait3A_736] : memref<125000x8xi32, #tpu.memory_space<vmem_shared>> -> memref<125000x8xi32, #tpu.memory_space<vmem_shared>>
      tpu.wait_indirect_dma semaphore(%arg18 : memref<!tpu.dma_semaphore, #tpu.memory_space<semaphore_mem>>) src(%dma_wait3A_737 : memref<125000x8xi32, #tpu.memory_space<vmem_shared>>) dst(%dma_wait3A_731 : memref<128x8xi32, #tpu.memory_space<vmem>>)
      %dma_wait3A_738 = arith.constant 14 : i32
      %dma_wait3A_739 = arith.constant 14 : i32
      %dma_wait3A_740 = arith.constant 0 : i32
      %dma_wait3A_741 = arith.constant 0 : i32
      %dma_wait3A_742 = tpu.memref_slice %arg14[%dma_wait3A_739, %dma_wait3A_740, %dma_wait3A_741] : memref<20x128x8xi32, #tpu.memory_space<vmem>> -> memref<1x128x8xi32, #tpu.memory_space<vmem>>
      %dma_wait3A_743 = tpu.memref_squeeze %dma_wait3A_742 : memref<1x128x8xi32, #tpu.memory_space<vmem>> -> memref<128x8xi32, #tpu.memory_space<vmem>>
      %dma_wait3A_744 = arith.constant 0 : i32
      %dma_wait3A_745 = tpu.memref_slice %arg10[%dma_wait3A_738, %dma_wait3A_744] : memref<20x128xi32, #tpu.memory_space<vmem>> -> memref<1x128xi32, #tpu.memory_space<vmem>>
      %dma_wait3A_746 = tpu.memref_squeeze %dma_wait3A_745 : memref<1x128xi32, #tpu.memory_space<vmem>> -> memref<128xi32, #tpu.memory_space<vmem>>
      %dma_wait3A_747 = arith.constant 0 : i32
      %dma_wait3A_748 = arith.constant 0 : i32
      %dma_wait3A_749 = tpu.memref_slice %arg6[%dma_wait3A_747, %dma_wait3A_748] : memref<125000x8xi32, #tpu.memory_space<vmem_shared>> -> memref<125000x8xi32, #tpu.memory_space<vmem_shared>>
      tpu.wait_indirect_dma semaphore(%arg18 : memref<!tpu.dma_semaphore, #tpu.memory_space<semaphore_mem>>) src(%dma_wait3A_749 : memref<125000x8xi32, #tpu.memory_space<vmem_shared>>) dst(%dma_wait3A_743 : memref<128x8xi32, #tpu.memory_space<vmem>>)
      %dma_wait3A_750 = arith.constant 15 : i32
      %dma_wait3A_751 = arith.constant 15 : i32
      %dma_wait3A_752 = arith.constant 0 : i32
      %dma_wait3A_753 = arith.constant 0 : i32
      %dma_wait3A_754 = tpu.memref_slice %arg14[%dma_wait3A_751, %dma_wait3A_752, %dma_wait3A_753] : memref<20x128x8xi32, #tpu.memory_space<vmem>> -> memref<1x128x8xi32, #tpu.memory_space<vmem>>
      %dma_wait3A_755 = tpu.memref_squeeze %dma_wait3A_754 : memref<1x128x8xi32, #tpu.memory_space<vmem>> -> memref<128x8xi32, #tpu.memory_space<vmem>>
      %dma_wait3A_756 = arith.constant 0 : i32
      %dma_wait3A_757 = tpu.memref_slice %arg10[%dma_wait3A_750, %dma_wait3A_756] : memref<20x128xi32, #tpu.memory_space<vmem>> -> memref<1x128xi32, #tpu.memory_space<vmem>>
      %dma_wait3A_758 = tpu.memref_squeeze %dma_wait3A_757 : memref<1x128xi32, #tpu.memory_space<vmem>> -> memref<128xi32, #tpu.memory_space<vmem>>
      %dma_wait3A_759 = arith.constant 0 : i32
      %dma_wait3A_760 = arith.constant 0 : i32
      %dma_wait3A_761 = tpu.memref_slice %arg6[%dma_wait3A_759, %dma_wait3A_760] : memref<125000x8xi32, #tpu.memory_space<vmem_shared>> -> memref<125000x8xi32, #tpu.memory_space<vmem_shared>>
      tpu.wait_indirect_dma semaphore(%arg18 : memref<!tpu.dma_semaphore, #tpu.memory_space<semaphore_mem>>) src(%dma_wait3A_761 : memref<125000x8xi32, #tpu.memory_space<vmem_shared>>) dst(%dma_wait3A_755 : memref<128x8xi32, #tpu.memory_space<vmem>>)
      %dma_wait3A_762 = arith.constant 16 : i32
      %dma_wait3A_763 = arith.constant 16 : i32
      %dma_wait3A_764 = arith.constant 0 : i32
      %dma_wait3A_765 = arith.constant 0 : i32
      %dma_wait3A_766 = tpu.memref_slice %arg14[%dma_wait3A_763, %dma_wait3A_764, %dma_wait3A_765] : memref<20x128x8xi32, #tpu.memory_space<vmem>> -> memref<1x128x8xi32, #tpu.memory_space<vmem>>
      %dma_wait3A_767 = tpu.memref_squeeze %dma_wait3A_766 : memref<1x128x8xi32, #tpu.memory_space<vmem>> -> memref<128x8xi32, #tpu.memory_space<vmem>>
      %dma_wait3A_768 = arith.constant 0 : i32
      %dma_wait3A_769 = tpu.memref_slice %arg10[%dma_wait3A_762, %dma_wait3A_768] : memref<20x128xi32, #tpu.memory_space<vmem>> -> memref<1x128xi32, #tpu.memory_space<vmem>>
      %dma_wait3A_770 = tpu.memref_squeeze %dma_wait3A_769 : memref<1x128xi32, #tpu.memory_space<vmem>> -> memref<128xi32, #tpu.memory_space<vmem>>
      %dma_wait3A_771 = arith.constant 0 : i32
      %dma_wait3A_772 = arith.constant 0 : i32
      %dma_wait3A_773 = tpu.memref_slice %arg6[%dma_wait3A_771, %dma_wait3A_772] : memref<125000x8xi32, #tpu.memory_space<vmem_shared>> -> memref<125000x8xi32, #tpu.memory_space<vmem_shared>>
      tpu.wait_indirect_dma semaphore(%arg18 : memref<!tpu.dma_semaphore, #tpu.memory_space<semaphore_mem>>) src(%dma_wait3A_773 : memref<125000x8xi32, #tpu.memory_space<vmem_shared>>) dst(%dma_wait3A_767 : memref<128x8xi32, #tpu.memory_space<vmem>>)
      %dma_wait3A_774 = arith.constant 17 : i32
      %dma_wait3A_775 = arith.constant 17 : i32
      %dma_wait3A_776 = arith.constant 0 : i32
      %dma_wait3A_777 = arith.constant 0 : i32
      %dma_wait3A_778 = tpu.memref_slice %arg14[%dma_wait3A_775, %dma_wait3A_776, %dma_wait3A_777] : memref<20x128x8xi32, #tpu.memory_space<vmem>> -> memref<1x128x8xi32, #tpu.memory_space<vmem>>
      %dma_wait3A_779 = tpu.memref_squeeze %dma_wait3A_778 : memref<1x128x8xi32, #tpu.memory_space<vmem>> -> memref<128x8xi32, #tpu.memory_space<vmem>>
      %dma_wait3A_780 = arith.constant 0 : i32
      %dma_wait3A_781 = tpu.memref_slice %arg10[%dma_wait3A_774, %dma_wait3A_780] : memref<20x128xi32, #tpu.memory_space<vmem>> -> memref<1x128xi32, #tpu.memory_space<vmem>>
      %dma_wait3A_782 = tpu.memref_squeeze %dma_wait3A_781 : memref<1x128xi32, #tpu.memory_space<vmem>> -> memref<128xi32, #tpu.memory_space<vmem>>
      %dma_wait3A_783 = arith.constant 0 : i32
      %dma_wait3A_784 = arith.constant 0 : i32
      %dma_wait3A_785 = tpu.memref_slice %arg6[%dma_wait3A_783, %dma_wait3A_784] : memref<125000x8xi32, #tpu.memory_space<vmem_shared>> -> memref<125000x8xi32, #tpu.memory_space<vmem_shared>>
      tpu.wait_indirect_dma semaphore(%arg18 : memref<!tpu.dma_semaphore, #tpu.memory_space<semaphore_mem>>) src(%dma_wait3A_785 : memref<125000x8xi32, #tpu.memory_space<vmem_shared>>) dst(%dma_wait3A_779 : memref<128x8xi32, #tpu.memory_space<vmem>>)
      %dma_wait3A_786 = arith.constant 18 : i32
      %dma_wait3A_787 = arith.constant 18 : i32
      %dma_wait3A_788 = arith.constant 0 : i32
      %dma_wait3A_789 = arith.constant 0 : i32
      %dma_wait3A_790 = tpu.memref_slice %arg14[%dma_wait3A_787, %dma_wait3A_788, %dma_wait3A_789] : memref<20x128x8xi32, #tpu.memory_space<vmem>> -> memref<1x128x8xi32, #tpu.memory_space<vmem>>
      %dma_wait3A_791 = tpu.memref_squeeze %dma_wait3A_790 : memref<1x128x8xi32, #tpu.memory_space<vmem>> -> memref<128x8xi32, #tpu.memory_space<vmem>>
      %dma_wait3A_792 = arith.constant 0 : i32
      %dma_wait3A_793 = tpu.memref_slice %arg10[%dma_wait3A_786, %dma_wait3A_792] : memref<20x128xi32, #tpu.memory_space<vmem>> -> memref<1x128xi32, #tpu.memory_space<vmem>>
      %dma_wait3A_794 = tpu.memref_squeeze %dma_wait3A_793 : memref<1x128xi32, #tpu.memory_space<vmem>> -> memref<128xi32, #tpu.memory_space<vmem>>
      %dma_wait3A_795 = arith.constant 0 : i32
      %dma_wait3A_796 = arith.constant 0 : i32
      %dma_wait3A_797 = tpu.memref_slice %arg6[%dma_wait3A_795, %dma_wait3A_796] : memref<125000x8xi32, #tpu.memory_space<vmem_shared>> -> memref<125000x8xi32, #tpu.memory_space<vmem_shared>>
      tpu.wait_indirect_dma semaphore(%arg18 : memref<!tpu.dma_semaphore, #tpu.memory_space<semaphore_mem>>) src(%dma_wait3A_797 : memref<125000x8xi32, #tpu.memory_space<vmem_shared>>) dst(%dma_wait3A_791 : memref<128x8xi32, #tpu.memory_space<vmem>>)
      %dma_wait3A_798 = arith.constant 19 : i32
      %dma_wait3A_799 = arith.constant 19 : i32
      %dma_wait3A_800 = arith.constant 0 : i32
      %dma_wait3A_801 = arith.constant 0 : i32
      %dma_wait3A_802 = tpu.memref_slice %arg14[%dma_wait3A_799, %dma_wait3A_800, %dma_wait3A_801] : memref<20x128x8xi32, #tpu.memory_space<vmem>> -> memref<1x128x8xi32, #tpu.memory_space<vmem>>
      %dma_wait3A_803 = tpu.memref_squeeze %dma_wait3A_802 : memref<1x128x8xi32, #tpu.memory_space<vmem>> -> memref<128x8xi32, #tpu.memory_space<vmem>>
      %dma_wait3A_804 = arith.constant 0 : i32
      %dma_wait3A_805 = tpu.memref_slice %arg10[%dma_wait3A_798, %dma_wait3A_804] : memref<20x128xi32, #tpu.memory_space<vmem>> -> memref<1x128xi32, #tpu.memory_space<vmem>>
      %dma_wait3A_806 = tpu.memref_squeeze %dma_wait3A_805 : memref<1x128xi32, #tpu.memory_space<vmem>> -> memref<128xi32, #tpu.memory_space<vmem>>
      %dma_wait3A_807 = arith.constant 0 : i32
      %dma_wait3A_808 = arith.constant 0 : i32
      %dma_wait3A_809 = tpu.memref_slice %arg6[%dma_wait3A_807, %dma_wait3A_808] : memref<125000x8xi32, #tpu.memory_space<vmem_shared>> -> memref<125000x8xi32, #tpu.memory_space<vmem_shared>>
      tpu.wait_indirect_dma semaphore(%arg18 : memref<!tpu.dma_semaphore, #tpu.memory_space<semaphore_mem>>) src(%dma_wait3A_809 : memref<125000x8xi32, #tpu.memory_space<vmem_shared>>) dst(%dma_wait3A_803 : memref<128x8xi32, #tpu.memory_space<vmem>>)
      %ge3A_810 = arith.constant 2 : i32
      %ge3A_811 = arith.cmpi sge, %add3A_562, %ge3A_810 : i32
      %convert_element_type3A_812 = arith.extui %ge3A_811 : i1 to i32
      %cond3A_813 = arith.constant 0 : i32
      %cond3A_814 = arith.cmpi ne, %convert_element_type3A_812, %cond3A_813 : i32
      scf.if %cond3A_814 {
        %sub3A = arith.constant 2 : i32
        %sub3A_834 = arith.subi %add3A_562, %sub3A : i32
        %mul3A_835 = arith.constant 20 : i32
        %mul3A_836 = arith.muli %sub3A_834, %mul3A_835 : i32
        %add3A_837 = arith.addi %mul3A_2, %mul3A_836 : i32
        %dma_wait3A_838 = arith.constant 0 : i32
        %dma_wait3A_839 = tpu.memref_slice %arg5[%add3A_837, %dma_wait3A_838] : memref<25600x128xf32, #tpu.memory_space<hbm>> -> memref<20x128xf32, #tpu.memory_space<hbm>>
        %dma_wait3A_840 = arith.constant 0 : i32
        %dma_wait3A_841 = tpu.memref_slice %arg5[%add3A_837, %dma_wait3A_840] : memref<25600x128xf32, #tpu.memory_space<hbm>> -> memref<20x128xf32, #tpu.memory_space<hbm>>
        tpu.wait_dma2 semaphore(%arg22 : memref<!tpu.dma_semaphore, #tpu.memory_space<semaphore_mem>>) src(%arg16 : memref<20x128xf32, #tpu.memory_space<vmem>>) dst(%dma_wait3A_841 : memref<20x128xf32, #tpu.memory_space<hbm>>)
      } else {
      }
      %scan3A_815 = arith.constant 0 : i32
      %scan3A_816 = arith.constant 20 : i32
      %scan3A_817 = arith.addi %scan3A_815, %scan3A_816 : i32
      %scan3A_818 = arith.constant 1 : i32
      scf.for %scan3A_834 = %scan3A_815 to %scan3A_817 step %scan3A_818  : i32 {
        %mul3A_835 = arith.constant 1 : i32
        %mul3A_836 = arith.muli %scan3A_834, %mul3A_835 : i32
        %add3A_837 = arith.constant 0 : i32
        %add3A_838 = arith.addi %add3A_837, %mul3A_836 : i32
        %broadcast_in_dim3A = arith.constant 0 : i32
        %broadcast_in_dim3A_839 = vector.broadcast %broadcast_in_dim3A : i32 to vector<16xi32>
        %add3A_840 = vector.broadcast %add3A_838 : i32 to vector<16xi32>
        %add3A_841 = arith.addi %broadcast_in_dim3A_839, %add3A_840 : vector<16xi32>
        %add3A_842 = arith.constant 0 : i32
        %add3A_843 = vector.broadcast %add3A_842 : i32 to vector<16xi32>
        %add3A_844 = arith.addi %add3A_843, %iota3A : vector<16xi32>
        %get3A = arith.index_cast %add3A_838 : i32 to index
        %get3A_845 = arith.constant 0 : index
        %get3A_846 = tpu.vector_load %arg8[%get3A, %get3A_845] {strides = array<i32>} : memref<20x128xi32, #tpu.memory_space<vmem>>, vector<16xi32>,
        %and3A = arith.constant 7 : i32
        %and3A_847 = vector.broadcast %and3A : i32 to vector<16xi32>
        %and3A_848 = arith.andi %get3A_846, %and3A_847 : vector<16xi32>
        %gather3A = tpu.vector_load_idx %arg14[%add3A_841, %add3A_844, %and3A_848] : memref<20x128x8xi32, #tpu.memory_space<vmem>>[vector<16xi32>, vector<16xi32>, vector<16xi32>], vector<16xi32>,
        %bitcast3A = vector.bitcast %gather3A : vector<16xi32> to vector<32xbf16>
        %unpack3A = tpu.unpack_subelements %bitcast3A, 0 {pack_format = #tpu.pack_format<interleaved>} : vector<32xbf16> -> vector<16xf32>
        %unpack3A_849 = tpu.unpack_subelements %bitcast3A, 1 {pack_format = #tpu.pack_format<interleaved>} : vector<32xbf16> -> vector<16xf32>
        %get3A_850 = arith.index_cast %add3A_838 : i32 to index
        %get3A_851 = arith.constant 0 : index
        %get3A_852 = tpu.vector_load %arg12[%get3A_850, %get3A_851] {strides = array<i32>} : memref<20x128xf32, #tpu.memory_space<vmem>>, vector<16xf32>,
        %mul3A_853 = arith.mulf %get3A_852, %unpack3A : vector<16xf32>
        %sub3A = arith.subf %mul3A_853, %unpack3A_849 : vector<16xf32>
        %swap3A = arith.index_cast %add3A_838 : i32 to index
        %swap3A_854 = arith.constant 0 : index
        %swap3A_855 = tpu.vector_load %arg16[%swap3A, %swap3A_854] {strides = array<i32>} : memref<20x128xf32, #tpu.memory_space<vmem>>, vector<16xf32>,
        tpu.vector_store %arg16[%swap3A, %swap3A_854], %sub3A {strides = array<i32>} : memref<20x128xf32, #tpu.memory_space<vmem>>, vector<16xf32>,
        %add3A_856 = arith.constant 16 : i32
        %add3A_857 = vector.broadcast %add3A_856 : i32 to vector<16xi32>
        %add3A_858 = arith.addi %add3A_857, %iota3A : vector<16xi32>
        %get3A_859 = arith.index_cast %add3A_838 : i32 to index
        %get3A_860 = arith.constant 16 : index
        %get3A_861 = tpu.vector_load %arg8[%get3A_859, %get3A_860] {strides = array<i32>} : memref<20x128xi32, #tpu.memory_space<vmem>>, vector<16xi32>,
        %and3A_862 = arith.constant 7 : i32
        %and3A_863 = vector.broadcast %and3A_862 : i32 to vector<16xi32>
        %and3A_864 = arith.andi %get3A_861, %and3A_863 : vector<16xi32>
        %gather3A_865 = tpu.vector_load_idx %arg14[%add3A_841, %add3A_858, %and3A_864] : memref<20x128x8xi32, #tpu.memory_space<vmem>>[vector<16xi32>, vector<16xi32>, vector<16xi32>], vector<16xi32>,
        %bitcast3A_866 = vector.bitcast %gather3A_865 : vector<16xi32> to vector<32xbf16>
        %unpack3A_867 = tpu.unpack_subelements %bitcast3A_866, 0 {pack_format = #tpu.pack_format<interleaved>} : vector<32xbf16> -> vector<16xf32>
        %unpack3A_868 = tpu.unpack_subelements %bitcast3A_866, 1 {pack_format = #tpu.pack_format<interleaved>} : vector<32xbf16> -> vector<16xf32>
        %get3A_869 = arith.index_cast %add3A_838 : i32 to index
        %get3A_870 = arith.constant 16 : index
        %get3A_871 = tpu.vector_load %arg12[%get3A_869, %get3A_870] {strides = array<i32>} : memref<20x128xf32, #tpu.memory_space<vmem>>, vector<16xf32>,
        %mul3A_872 = arith.mulf %get3A_871, %unpack3A_867 : vector<16xf32>
        %sub3A_873 = arith.subf %mul3A_872, %unpack3A_868 : vector<16xf32>
        %swap3A_874 = arith.index_cast %add3A_838 : i32 to index
        %swap3A_875 = arith.constant 16 : index
        %swap3A_876 = tpu.vector_load %arg16[%swap3A_874, %swap3A_875] {strides = array<i32>} : memref<20x128xf32, #tpu.memory_space<vmem>>, vector<16xf32>,
        tpu.vector_store %arg16[%swap3A_874, %swap3A_875], %sub3A_873 {strides = array<i32>} : memref<20x128xf32, #tpu.memory_space<vmem>>, vector<16xf32>,
        %add3A_877 = arith.constant 32 : i32
        %add3A_878 = vector.broadcast %add3A_877 : i32 to vector<16xi32>
        %add3A_879 = arith.addi %add3A_878, %iota3A : vector<16xi32>
        %get3A_880 = arith.index_cast %add3A_838 : i32 to index
        %get3A_881 = arith.constant 32 : index
        %get3A_882 = tpu.vector_load %arg8[%get3A_880, %get3A_881] {strides = array<i32>} : memref<20x128xi32, #tpu.memory_space<vmem>>, vector<16xi32>,
        %and3A_883 = arith.constant 7 : i32
        %and3A_884 = vector.broadcast %and3A_883 : i32 to vector<16xi32>
        %and3A_885 = arith.andi %get3A_882, %and3A_884 : vector<16xi32>
        %gather3A_886 = tpu.vector_load_idx %arg14[%add3A_841, %add3A_879, %and3A_885] : memref<20x128x8xi32, #tpu.memory_space<vmem>>[vector<16xi32>, vector<16xi32>, vector<16xi32>], vector<16xi32>,
        %bitcast3A_887 = vector.bitcast %gather3A_886 : vector<16xi32> to vector<32xbf16>
        %unpack3A_888 = tpu.unpack_subelements %bitcast3A_887, 0 {pack_format = #tpu.pack_format<interleaved>} : vector<32xbf16> -> vector<16xf32>
        %unpack3A_889 = tpu.unpack_subelements %bitcast3A_887, 1 {pack_format = #tpu.pack_format<interleaved>} : vector<32xbf16> -> vector<16xf32>
        %get3A_890 = arith.index_cast %add3A_838 : i32 to index
        %get3A_891 = arith.constant 32 : index
        %get3A_892 = tpu.vector_load %arg12[%get3A_890, %get3A_891] {strides = array<i32>} : memref<20x128xf32, #tpu.memory_space<vmem>>, vector<16xf32>,
        %mul3A_893 = arith.mulf %get3A_892, %unpack3A_888 : vector<16xf32>
        %sub3A_894 = arith.subf %mul3A_893, %unpack3A_889 : vector<16xf32>
        %swap3A_895 = arith.index_cast %add3A_838 : i32 to index
        %swap3A_896 = arith.constant 32 : index
        %swap3A_897 = tpu.vector_load %arg16[%swap3A_895, %swap3A_896] {strides = array<i32>} : memref<20x128xf32, #tpu.memory_space<vmem>>, vector<16xf32>,
        tpu.vector_store %arg16[%swap3A_895, %swap3A_896], %sub3A_894 {strides = array<i32>} : memref<20x128xf32, #tpu.memory_space<vmem>>, vector<16xf32>,
        %add3A_898 = arith.constant 48 : i32
        %add3A_899 = vector.broadcast %add3A_898 : i32 to vector<16xi32>
        %add3A_900 = arith.addi %add3A_899, %iota3A : vector<16xi32>
        %get3A_901 = arith.index_cast %add3A_838 : i32 to index
        %get3A_902 = arith.constant 48 : index
        %get3A_903 = tpu.vector_load %arg8[%get3A_901, %get3A_902] {strides = array<i32>} : memref<20x128xi32, #tpu.memory_space<vmem>>, vector<16xi32>,
        %and3A_904 = arith.constant 7 : i32
        %and3A_905 = vector.broadcast %and3A_904 : i32 to vector<16xi32>
        %and3A_906 = arith.andi %get3A_903, %and3A_905 : vector<16xi32>
        %gather3A_907 = tpu.vector_load_idx %arg14[%add3A_841, %add3A_900, %and3A_906] : memref<20x128x8xi32, #tpu.memory_space<vmem>>[vector<16xi32>, vector<16xi32>, vector<16xi32>], vector<16xi32>,
        %bitcast3A_908 = vector.bitcast %gather3A_907 : vector<16xi32> to vector<32xbf16>
        %unpack3A_909 = tpu.unpack_subelements %bitcast3A_908, 0 {pack_format = #tpu.pack_format<interleaved>} : vector<32xbf16> -> vector<16xf32>
        %unpack3A_910 = tpu.unpack_subelements %bitcast3A_908, 1 {pack_format = #tpu.pack_format<interleaved>} : vector<32xbf16> -> vector<16xf32>
        %get3A_911 = arith.index_cast %add3A_838 : i32 to index
        %get3A_912 = arith.constant 48 : index
        %get3A_913 = tpu.vector_load %arg12[%get3A_911, %get3A_912] {strides = array<i32>} : memref<20x128xf32, #tpu.memory_space<vmem>>, vector<16xf32>,
        %mul3A_914 = arith.mulf %get3A_913, %unpack3A_909 : vector<16xf32>
        %sub3A_915 = arith.subf %mul3A_914, %unpack3A_910 : vector<16xf32>
        %swap3A_916 = arith.index_cast %add3A_838 : i32 to index
        %swap3A_917 = arith.constant 48 : index
        %swap3A_918 = tpu.vector_load %arg16[%swap3A_916, %swap3A_917] {strides = array<i32>} : memref<20x128xf32, #tpu.memory_space<vmem>>, vector<16xf32>,
        tpu.vector_store %arg16[%swap3A_916, %swap3A_917], %sub3A_915 {strides = array<i32>} : memref<20x128xf32, #tpu.memory_space<vmem>>, vector<16xf32>,
        %add3A_919 = arith.constant 64 : i32
        %add3A_920 = vector.broadcast %add3A_919 : i32 to vector<16xi32>
        %add3A_921 = arith.addi %add3A_920, %iota3A : vector<16xi32>
        %get3A_922 = arith.index_cast %add3A_838 : i32 to index
        %get3A_923 = arith.constant 64 : index
        %get3A_924 = tpu.vector_load %arg8[%get3A_922, %get3A_923] {strides = array<i32>} : memref<20x128xi32, #tpu.memory_space<vmem>>, vector<16xi32>,
        %and3A_925 = arith.constant 7 : i32
        %and3A_926 = vector.broadcast %and3A_925 : i32 to vector<16xi32>
        %and3A_927 = arith.andi %get3A_924, %and3A_926 : vector<16xi32>
        %gather3A_928 = tpu.vector_load_idx %arg14[%add3A_841, %add3A_921, %and3A_927] : memref<20x128x8xi32, #tpu.memory_space<vmem>>[vector<16xi32>, vector<16xi32>, vector<16xi32>], vector<16xi32>,
        %bitcast3A_929 = vector.bitcast %gather3A_928 : vector<16xi32> to vector<32xbf16>
        %unpack3A_930 = tpu.unpack_subelements %bitcast3A_929, 0 {pack_format = #tpu.pack_format<interleaved>} : vector<32xbf16> -> vector<16xf32>
        %unpack3A_931 = tpu.unpack_subelements %bitcast3A_929, 1 {pack_format = #tpu.pack_format<interleaved>} : vector<32xbf16> -> vector<16xf32>
        %get3A_932 = arith.index_cast %add3A_838 : i32 to index
        %get3A_933 = arith.constant 64 : index
        %get3A_934 = tpu.vector_load %arg12[%get3A_932, %get3A_933] {strides = array<i32>} : memref<20x128xf32, #tpu.memory_space<vmem>>, vector<16xf32>,
        %mul3A_935 = arith.mulf %get3A_934, %unpack3A_930 : vector<16xf32>
        %sub3A_936 = arith.subf %mul3A_935, %unpack3A_931 : vector<16xf32>
        %swap3A_937 = arith.index_cast %add3A_838 : i32 to index
        %swap3A_938 = arith.constant 64 : index
        %swap3A_939 = tpu.vector_load %arg16[%swap3A_937, %swap3A_938] {strides = array<i32>} : memref<20x128xf32, #tpu.memory_space<vmem>>, vector<16xf32>,
        tpu.vector_store %arg16[%swap3A_937, %swap3A_938], %sub3A_936 {strides = array<i32>} : memref<20x128xf32, #tpu.memory_space<vmem>>, vector<16xf32>,
        %add3A_940 = arith.constant 80 : i32
        %add3A_941 = vector.broadcast %add3A_940 : i32 to vector<16xi32>
        %add3A_942 = arith.addi %add3A_941, %iota3A : vector<16xi32>
        %get3A_943 = arith.index_cast %add3A_838 : i32 to index
        %get3A_944 = arith.constant 80 : index
        %get3A_945 = tpu.vector_load %arg8[%get3A_943, %get3A_944] {strides = array<i32>} : memref<20x128xi32, #tpu.memory_space<vmem>>, vector<16xi32>,
        %and3A_946 = arith.constant 7 : i32
        %and3A_947 = vector.broadcast %and3A_946 : i32 to vector<16xi32>
        %and3A_948 = arith.andi %get3A_945, %and3A_947 : vector<16xi32>
        %gather3A_949 = tpu.vector_load_idx %arg14[%add3A_841, %add3A_942, %and3A_948] : memref<20x128x8xi32, #tpu.memory_space<vmem>>[vector<16xi32>, vector<16xi32>, vector<16xi32>], vector<16xi32>,
        %bitcast3A_950 = vector.bitcast %gather3A_949 : vector<16xi32> to vector<32xbf16>
        %unpack3A_951 = tpu.unpack_subelements %bitcast3A_950, 0 {pack_format = #tpu.pack_format<interleaved>} : vector<32xbf16> -> vector<16xf32>
        %unpack3A_952 = tpu.unpack_subelements %bitcast3A_950, 1 {pack_format = #tpu.pack_format<interleaved>} : vector<32xbf16> -> vector<16xf32>
        %get3A_953 = arith.index_cast %add3A_838 : i32 to index
        %get3A_954 = arith.constant 80 : index
        %get3A_955 = tpu.vector_load %arg12[%get3A_953, %get3A_954] {strides = array<i32>} : memref<20x128xf32, #tpu.memory_space<vmem>>, vector<16xf32>,
        %mul3A_956 = arith.mulf %get3A_955, %unpack3A_951 : vector<16xf32>
        %sub3A_957 = arith.subf %mul3A_956, %unpack3A_952 : vector<16xf32>
        %swap3A_958 = arith.index_cast %add3A_838 : i32 to index
        %swap3A_959 = arith.constant 80 : index
        %swap3A_960 = tpu.vector_load %arg16[%swap3A_958, %swap3A_959] {strides = array<i32>} : memref<20x128xf32, #tpu.memory_space<vmem>>, vector<16xf32>,
        tpu.vector_store %arg16[%swap3A_958, %swap3A_959], %sub3A_957 {strides = array<i32>} : memref<20x128xf32, #tpu.memory_space<vmem>>, vector<16xf32>,
        %add3A_961 = arith.constant 96 : i32
        %add3A_962 = vector.broadcast %add3A_961 : i32 to vector<16xi32>
        %add3A_963 = arith.addi %add3A_962, %iota3A : vector<16xi32>
        %get3A_964 = arith.index_cast %add3A_838 : i32 to index
        %get3A_965 = arith.constant 96 : index
        %get3A_966 = tpu.vector_load %arg8[%get3A_964, %get3A_965] {strides = array<i32>} : memref<20x128xi32, #tpu.memory_space<vmem>>, vector<16xi32>,
        %and3A_967 = arith.constant 7 : i32
        %and3A_968 = vector.broadcast %and3A_967 : i32 to vector<16xi32>
        %and3A_969 = arith.andi %get3A_966, %and3A_968 : vector<16xi32>
        %gather3A_970 = tpu.vector_load_idx %arg14[%add3A_841, %add3A_963, %and3A_969] : memref<20x128x8xi32, #tpu.memory_space<vmem>>[vector<16xi32>, vector<16xi32>, vector<16xi32>], vector<16xi32>,
        %bitcast3A_971 = vector.bitcast %gather3A_970 : vector<16xi32> to vector<32xbf16>
        %unpack3A_972 = tpu.unpack_subelements %bitcast3A_971, 0 {pack_format = #tpu.pack_format<interleaved>} : vector<32xbf16> -> vector<16xf32>
        %unpack3A_973 = tpu.unpack_subelements %bitcast3A_971, 1 {pack_format = #tpu.pack_format<interleaved>} : vector<32xbf16> -> vector<16xf32>
        %get3A_974 = arith.index_cast %add3A_838 : i32 to index
        %get3A_975 = arith.constant 96 : index
        %get3A_976 = tpu.vector_load %arg12[%get3A_974, %get3A_975] {strides = array<i32>} : memref<20x128xf32, #tpu.memory_space<vmem>>, vector<16xf32>,
        %mul3A_977 = arith.mulf %get3A_976, %unpack3A_972 : vector<16xf32>
        %sub3A_978 = arith.subf %mul3A_977, %unpack3A_973 : vector<16xf32>
        %swap3A_979 = arith.index_cast %add3A_838 : i32 to index
        %swap3A_980 = arith.constant 96 : index
        %swap3A_981 = tpu.vector_load %arg16[%swap3A_979, %swap3A_980] {strides = array<i32>} : memref<20x128xf32, #tpu.memory_space<vmem>>, vector<16xf32>,
        tpu.vector_store %arg16[%swap3A_979, %swap3A_980], %sub3A_978 {strides = array<i32>} : memref<20x128xf32, #tpu.memory_space<vmem>>, vector<16xf32>,
        %add3A_982 = arith.constant 112 : i32
        %add3A_983 = vector.broadcast %add3A_982 : i32 to vector<16xi32>
        %add3A_984 = arith.addi %add3A_983, %iota3A : vector<16xi32>
        %get3A_985 = arith.index_cast %add3A_838 : i32 to index
        %get3A_986 = arith.constant 112 : index
        %get3A_987 = tpu.vector_load %arg8[%get3A_985, %get3A_986] {strides = array<i32>} : memref<20x128xi32, #tpu.memory_space<vmem>>, vector<16xi32>,
        %and3A_988 = arith.constant 7 : i32
        %and3A_989 = vector.broadcast %and3A_988 : i32 to vector<16xi32>
        %and3A_990 = arith.andi %get3A_987, %and3A_989 : vector<16xi32>
        %gather3A_991 = tpu.vector_load_idx %arg14[%add3A_841, %add3A_984, %and3A_990] : memref<20x128x8xi32, #tpu.memory_space<vmem>>[vector<16xi32>, vector<16xi32>, vector<16xi32>], vector<16xi32>,
        %bitcast3A_992 = vector.bitcast %gather3A_991 : vector<16xi32> to vector<32xbf16>
        %unpack3A_993 = tpu.unpack_subelements %bitcast3A_992, 0 {pack_format = #tpu.pack_format<interleaved>} : vector<32xbf16> -> vector<16xf32>
        %unpack3A_994 = tpu.unpack_subelements %bitcast3A_992, 1 {pack_format = #tpu.pack_format<interleaved>} : vector<32xbf16> -> vector<16xf32>
        %get3A_995 = arith.index_cast %add3A_838 : i32 to index
        %get3A_996 = arith.constant 112 : index
        %get3A_997 = tpu.vector_load %arg12[%get3A_995, %get3A_996] {strides = array<i32>} : memref<20x128xf32, #tpu.memory_space<vmem>>, vector<16xf32>,
        %mul3A_998 = arith.mulf %get3A_997, %unpack3A_993 : vector<16xf32>
        %sub3A_999 = arith.subf %mul3A_998, %unpack3A_994 : vector<16xf32>
        %swap3A_1000 = arith.index_cast %add3A_838 : i32 to index
        %swap3A_1001 = arith.constant 112 : index
        %swap3A_1002 = tpu.vector_load %arg16[%swap3A_1000, %swap3A_1001] {strides = array<i32>} : memref<20x128xf32, #tpu.memory_space<vmem>>, vector<16xf32>,
        tpu.vector_store %arg16[%swap3A_1000, %swap3A_1001], %sub3A_999 {strides = array<i32>} : memref<20x128xf32, #tpu.memory_space<vmem>>, vector<16xf32>,
      }
      %scan3A_819 = arith.constant 20 : i32
      %mul3A_820 = arith.constant 20 : i32
      %mul3A_821 = arith.muli %add3A_562, %mul3A_820 : i32
      %add3A_822 = arith.addi %mul3A_2, %mul3A_821 : i32
      %dma_start3A_823 = arith.constant 0 : i32
      %dma_start3A_824 = tpu.memref_slice %arg5[%add3A_822, %dma_start3A_823] : memref<25600x128xf32, #tpu.memory_space<hbm>> -> memref<20x128xf32, #tpu.memory_space<hbm>>
      %dma_start3A_825 = arith.constant 0 : i32
      %dma_start3A_826 = tpu.memref_slice %arg5[%add3A_822, %dma_start3A_825] : memref<25600x128xf32, #tpu.memory_space<hbm>> -> memref<20x128xf32, #tpu.memory_space<hbm>>
      tpu.enqueue_dma source(%arg16 : memref<20x128xf32, #tpu.memory_space<vmem>>) target(%dma_start3A_826 : memref<20x128xf32, #tpu.memory_space<hbm>>) target_semaphore(%arg22 : memref<!tpu.dma_semaphore, #tpu.memory_space<semaphore_mem>>)
      %add3A_827 = arith.constant 2 : i32
      %add3A_828 = arith.addi %add3A_562, %add3A_827 : i32
      %lt3A_829 = arith.constant 40 : i32
      %lt3A_830 = arith.cmpi slt, %add3A_828, %lt3A_829 : i32
      %convert_element_type3A_831 = arith.extui %lt3A_830 : i1 to i32
      %cond3A_832 = arith.constant 0 : i32
      %cond3A_833 = arith.cmpi ne, %convert_element_type3A_831, %cond3A_832 : i32
      scf.if %cond3A_833 {
        %add3A_834 = arith.constant 2 : i32
        %add3A_835 = arith.addi %add3A_562, %add3A_834 : i32
        %mul3A_836 = arith.constant 20 : i32
        %mul3A_837 = arith.muli %add3A_835, %mul3A_836 : i32
        %add3A_838 = arith.addi %mul3A_2, %mul3A_837 : i32
        %dma_start3A_839 = arith.constant 0 : i32
        %dma_start3A_840 = tpu.memref_slice %arg3[%add3A_838, %dma_start3A_839] : memref<25600x128xi32, #tpu.memory_space<hbm>> -> memref<20x128xi32, #tpu.memory_space<hbm>>
        %dma_start3A_841 = arith.constant 0 : i32
        %dma_start3A_842 = tpu.memref_slice %arg3[%add3A_838, %dma_start3A_841] : memref<25600x128xi32, #tpu.memory_space<hbm>> -> memref<20x128xi32, #tpu.memory_space<hbm>>
        tpu.enqueue_dma source(%dma_start3A_842 : memref<20x128xi32, #tpu.memory_space<hbm>>) target(%arg8 : memref<20x128xi32, #tpu.memory_space<vmem>>) target_semaphore(%arg20 : memref<!tpu.dma_semaphore, #tpu.memory_space<semaphore_mem>>)
        %mul3A_843 = arith.constant 20 : i32
        %mul3A_844 = arith.muli %add3A_835, %mul3A_843 : i32
        %add3A_845 = arith.addi %mul3A_2, %mul3A_844 : i32
        %dma_start3A_846 = arith.constant 0 : i32
        %dma_start3A_847 = tpu.memref_slice %arg4[%add3A_845, %dma_start3A_846] : memref<25600x128xf32, #tpu.memory_space<hbm>> -> memref<20x128xf32, #tpu.memory_space<hbm>>
        %dma_start3A_848 = arith.constant 0 : i32
        %dma_start3A_849 = tpu.memref_slice %arg4[%add3A_845, %dma_start3A_848] : memref<25600x128xf32, #tpu.memory_space<hbm>> -> memref<20x128xf32, #tpu.memory_space<hbm>>
        tpu.enqueue_dma source(%dma_start3A_849 : memref<20x128xf32, #tpu.memory_space<hbm>>) target(%arg12 : memref<20x128xf32, #tpu.memory_space<vmem>>) target_semaphore(%arg20 : memref<!tpu.dma_semaphore, #tpu.memory_space<semaphore_mem>>)
      } else {
      }
    }
    %scan3A_276 = arith.constant 20 : i32
    %add3A_277 = arith.constant 760 : i32
    %add3A_278 = arith.addi %mul3A_2, %add3A_277 : i32
    %dma_wait3A_279 = arith.constant 0 : i32
    %dma_wait3A_280 = tpu.memref_slice %arg5[%add3A_278, %dma_wait3A_279] : memref<25600x128xf32, #tpu.memory_space<hbm>> -> memref<20x128xf32, #tpu.memory_space<hbm>>
    %dma_wait3A_281 = arith.constant 0 : i32
    %dma_wait3A_282 = tpu.memref_slice %arg5[%add3A_278, %dma_wait3A_281] : memref<25600x128xf32, #tpu.memory_space<hbm>> -> memref<20x128xf32, #tpu.memory_space<hbm>>
    tpu.wait_dma2 semaphore(%arg21 : memref<!tpu.dma_semaphore, #tpu.memory_space<semaphore_mem>>) src(%arg15 : memref<20x128xf32, #tpu.memory_space<vmem>>) dst(%dma_wait3A_282 : memref<20x128xf32, #tpu.memory_space<hbm>>)
    %add3A_283 = arith.constant 780 : i32
    %add3A_284 = arith.addi %mul3A_2, %add3A_283 : i32
    %dma_wait3A_285 = arith.constant 0 : i32
    %dma_wait3A_286 = tpu.memref_slice %arg5[%add3A_284, %dma_wait3A_285] : memref<25600x128xf32, #tpu.memory_space<hbm>> -> memref<20x128xf32, #tpu.memory_space<hbm>>
    %dma_wait3A_287 = arith.constant 0 : i32
    %dma_wait3A_288 = tpu.memref_slice %arg5[%add3A_284, %dma_wait3A_287] : memref<25600x128xf32, #tpu.memory_space<hbm>> -> memref<20x128xf32, #tpu.memory_space<hbm>>
    tpu.wait_dma2 semaphore(%arg22 : memref<!tpu.dma_semaphore, #tpu.memory_space<semaphore_mem>>) src(%arg16 : memref<20x128xf32, #tpu.memory_space<vmem>>) dst(%dma_wait3A_288 : memref<20x128xf32, #tpu.memory_space<hbm>>)
    return
  }
}

</mosaic_0001>

<sc_bundles>
// kernel: kernel.4.cloned.1.call-start
scs
__scs_entry_jumppad:
0x0: {  	(pc) =	sbr.rel $0x88, $3  }
0x1: {  	(tag) =	ssettag $0x0;
	lr =	simm.s32 $0x1  }
0x2: {  	[smem:$0x3F9B] =	sst lr;
	_ =	strace $0xD0000000  }
0x3: {  	_ = 	snop  }
0x4: {  	_ = 	snop  }
0x5: {  	_ = 	snop  }
0x6: {  	_ = 	snop  }
0x7: {  	_ = 	snop  }
__scs_overlays_trampoline_lowered:
0x8: {  	[smem:$0x3FAA] =	sst s0  }
0x9: {  	[smem:$0x3FAB] =	sst s1  }
0xa: {  	[smem:$0x3FAC] =	sst s2  }
0xb: {  	[smem:$0x3FAD] =	sst s3  }
0xc: {  	[smem:$0x3FAE] =	sst s4  }
0xd: {  	[smem:$0x3FAF] =	sst s5  }
0xe: {  	[smem:$0x3FB0] =	sst s6  }
0xf: {  	[smem:$0x3FB1] =	sst s7  }
0x10: {  	[smem:$0x3FB2] =	sst s8  }
0x11: {  	[smem:$0x3FB3] =	sst s9;
	s0 =	simm.s32 @!p0 $0x0  }
0x12: {  	s1 =	sld [smem:$0x3F99];
	s0 =	simm.s32 @p0 $0x1  }
0x13: {  	[smem:$0x3FB4] =	sst s0;
	s0 =	simm.s32 @!p1 $0x0  }
0x14: {  	s2 =	sld [smem:$0x3F98];
	s0 =	simm.s32 @p1 $0x1  }
0x15: {  	[smem:$0x3FB5] =	sst s0;
	s0 =	simm.s32 @!p2 $0x0  }
0x16: {  	s3 =	sld [smem:$0x3FDB];
	s0 =	simm.s32 @p2 $0x1  }
0x17: {  	s4 =	simm.s32 $0x1BF5;
	[smem:$0x3FB7] =	sst s0  }
0x18: {  	s0 =	sld [smem:$0x3F9A];
	_ =	swait.ge [sflag:s4], $0x0  }
0x19: {  	s7 =	sld [smem:$0x3F9B]  }
0x1a: {  	s8 =	sadd.s32 $0xFFFFE003, lr  }
0x1b: {  	s9 =	sadd.s32 $0xFFFFFEF7, lr;
	s5 =	simm.s32 $0xFFFFFFFF;
	p2 =	slt.u32 s8, $0xFFFFF086  }
0x1c: {  	p1 =	slt.u32 s9, $0xF7A;
	s5 =	simm.s32 @!p2 $0x0  }
0x1d: {  	s5 =	simm.s32 @p1 $0x1;
	p0 =	seq.s32 s7, s2  }
0x1e: {  	s7 =	smul.u32 @!p0 $0xF7A, s2;
	p2 =	seq.s32 @!p0 s5, $0x0  }
0x1f: {  	s9 =	smul.u32 $0xF7A, s1;
	s8 =	simm.s32 @!p0 $0x1BF5;
	p2 =	por !p2, p0  }
0x20: {  	[sflag:s8] =	ssyncset.s32 @!p0 $0xFFFFF086;
	s6 =	sadd.s32 @!p0 s3, s7;
	s7 =	simm.s32 @!p0 $0x108  }
0x21: {  	s3 =	sadd.s32 s3, s9;
	s6 =	sadd.s32 @!p0 $0x88, s6;
	s7 =	simm.s32 @p2 $0x1082  }
0x22: {  	[simem:s7], [sflag:s8] =	dma.local @!p0 [hbm:s6], $0xF7A  }
0x23: {  	s9 =	sor.u32 $0xD0000000, s2;
	s6 =	simm.s32 $0x108;
	_ =	swait.ge @!p0 [sflag:s8], $0x0  }
0x24: {  	s3 =	sadd.s32 $0x88, s3;
	s6 =	simm.s32 @!p1 $0x1082;
	[sflag:s4] =	ssyncset.s32 $0xFFFFF086  }
0x25: {  	[simem:s6], [sflag:s4] =	dma.local [hbm:s3], $0xF7A  }
0x26: {  	[smem:$0x3F9B] =	sst s1;
	(tag) =	ssettag s2;
	_ =	strace s9  }
0x27: {  	s1 =	sld [smem:$0x3FAB]  }
0x28: {  	s2 =	sld [smem:$0x3FAC]  }
0x29: {  	s4 =	sld [smem:$0x3FAE]  }
0x2a: {  	p0 =	seq.s32 s5, $0x0;
	s5 =	sld [smem:$0x3FAF]  }
0x2b: {  	s6 =	sld [smem:$0x3FB0]  }
0x2c: {  	s7 =	sld [smem:$0x3FB1]  }
0x2d: {  	s3 =	simm.s32 $0x108;
	s8 =	sld [smem:$0x3FB2]  }
0x2e: {  	s3 =	simm.s32 @!p0 $0x1082;
	s9 =	sld [smem:$0x3FB3]  }
0x2f: {  	lr =	sadd.s32 s0, s3;
	s0 =	sld [smem:$0x3FAA]  }
0x30: {  	s3 =	sld [smem:$0x3FAD]  }
0x31: {  	[smem:$0x3FB6] =	sst s10  }
0x32: {  	s10 =	sld [smem:$0x3FB4];
	_ =	sdelay $0x3  }
0x33: {  	p0 =	seq.s32 s10, $0x1;
	s10 =	sld [smem:$0x3FB6];
	_ =	sdelay $0x3  }
0x34: {  	[smem:$0x3FB6] =	sst s10  }
0x35: {  	s10 =	sld [smem:$0x3FB5];
	_ =	sdelay $0x3  }
0x36: {  	p1 =	seq.s32 s10, $0x1;
	s10 =	sld [smem:$0x3FB6];
	_ =	sdelay $0x3  }
0x37: {  	[smem:$0x3FB6] =	sst s10  }
0x38: {  	s10 =	sld [smem:$0x3FB7]  }
0x39: {  	_ = 	snop;
	(pc) =	sbr.ind lr, $3  }
0x3a: {  	_ = 	snop  }
0x3b: {  	_ = 	snop  }
0x3c: {  	p2 =	seq.s32 s10, $0x1;
	s10 =	sld [smem:$0x3FB6]  }
0x3d: {  	_ =	shalt  }
0x3e: {  	_ =	shalt  }
0x3f: {  	_ =	shalt  }
0x40: {  	_ =	shalt  }
0x41: {  	_ =	shalt  }
0x42: {  	_ =	shalt  }
0x43: {  	_ =	shalt  }
0x44: {  	_ =	shalt  }
0x45: {  	_ =	shalt  }
0x46: {  	_ =	shalt  }
0x47: {  	_ =	shalt  }
0x48: {  	_ =	shalt  }
0x49: {  	_ =	shalt  }
0x4a: {  	_ =	shalt  }
0x4b: {  	_ =	shalt  }
0x4c: {  	_ =	shalt  }
0x4d: {  	_ =	shalt  }
0x4e: {  	_ =	shalt  }
0x4f: {  	_ =	shalt  }
0x50: {  	_ =	shalt  }
0x51: {  	_ =	shalt  }
0x52: {  	_ =	shalt  }
0x53: {  	_ =	shalt  }
0x54: {  	_ =	shalt  }
0x55: {  	_ =	shalt  }
0x56: {  	_ =	shalt  }
0x57: {  	_ =	shalt  }
0x58: {  	_ =	shalt  }
0x59: {  	_ =	shalt  }
0x5a: {  	_ =	shalt  }
0x5b: {  	_ =	shalt  }
0x5c: {  	_ =	shalt  }
0x5d: {  	_ =	shalt  }
0x5e: {  	_ =	shalt  }
0x5f: {  	_ =	shalt  }
0x60: {  	_ =	shalt  }
0x61: {  	_ =	shalt  }
0x62: {  	_ =	shalt  }
0x63: {  	_ =	shalt  }
0x64: {  	_ =	shalt  }
0x65: {  	_ =	shalt  }
0x66: {  	_ =	shalt  }
0x67: {  	_ =	shalt  }
0x68: {  	_ =	shalt  }
0x69: {  	_ =	shalt  }
0x6a: {  	_ =	shalt  }
0x6b: {  	_ =	shalt  }
0x6c: {  	_ =	shalt  }
0x6d: {  	_ =	shalt  }
0x6e: {  	_ =	shalt  }
0x6f: {  	_ =	shalt  }
0x70: {  	_ =	shalt  }
0x71: {  	_ =	shalt  }
0x72: {  	_ =	shalt  }
0x73: {  	_ =	shalt  }
0x74: {  	_ =	shalt  }
0x75: {  	_ =	shalt  }
0x76: {  	_ =	shalt  }
0x77: {  	_ =	shalt  }
0x78: {  	_ =	shalt  }
0x79: {  	_ =	shalt  }
0x7a: {  	_ =	shalt  }
0x7b: {  	_ =	shalt  }
0x7c: {  	_ =	shalt  }
0x7d: {  	_ =	shalt  }
0x7e: {  	_ =	shalt  }
0x7f: {  	_ =	shalt  }
0x80: {  	_ =	shalt  }
0x81: {  	_ =	shalt  }
0x82: {  	_ =	shalt  }
0x83: {  	_ =	shalt  }
0x84: {  	_ =	shalt  }
0x85: {  	_ =	shalt  }
0x86: {  	_ =	shalt  }
0x87: {  	_ =	shalt  }
.Lfunc_end0:
.L_simem_size_0:
called_computation_lowered:
.L_overlay_start_0:
0x88: {  	s2 =	sld [smem:$0x3FD9]  }
0x89: {  	s3 =	sld [smem:$0x3FFE];
	_ =	sdelay $0x1  }
0x8a: {  	s1 =	srdreg.scid  }
0x8b: {  	s0 =	sand.u32 $0x1, s1  }
0x8c: {  	s18 =	sshll.u32 s0, $0xA;
	s2 =	sadd.s32 s3, s2  }
0x8d: {  	s2 =	sadd.s32 s2, s18  }
0x8e: {  	[smem:$0x3FC2] =	sst s2  }
0x8f: {  	_ = 	snop  }
0x90: {  	s2 =	sld [smem:$0x3FC7]  }
0x91: {  	s19 =	sld [smem:$0x3FC6]  }
0x92: {  	s4 =	sld [smem:$0x3FC5]  }
0x93: {  	s5 =	sld [smem:$0x3FC4]  }
0x94: {  	s6 =	sld [smem:$0x3FD0];
	(tm) =	ssettm $0x1  }
0x95: {  	s7 =	sld [smem:$0x3FFB];
	_ =	sdelay $0x3  }
0x96: {  	_ =	strace s7  }
0x97: {  	s7 =	sld [smem:$0x3FFC];
	_ =	sdelay $0x3  }
0x98: {  	_ =	strace s7  }
0x99: {  	s7 =	sld [smem:$0x3FFD];
	_ =	sdelay $0x3  }
0x9a: {  	_ =	strace s7  }
0x9b: {  	_ =	strace $0x8FFFFFFF  }
0x9c: {  	s20 =	sld [smem:$0x3FDB];
	_ =	sdelay $0x1  }
0x9d: {  	s8 =	simm.s32 $_scs_section_size  }
0x9e: {  	s9 =	simm.s32 $_size__tile_overlayer_lowered;
	s10 =	simm.s32 $_tile_overlayer_lowered  }
0x9f: {  	s23 =	simm.s32 $0x1BFF;
	s22 =	sshll.u32 s10, $0x1;
	s7 =	sadd.s32 s8, s20  }
0xa0: {  	s11 =	simm.s32 $0x0;
	s21 =	sshll.u32 s9, $0x1;
	s9 =	sadd.s32 s22, s7  }
0xa1: {  	[timem:s11], [sflag:s23] =	dma.local [hbm:s9], s21  }
0xa2: {  	_ =	swait.ge [sflag:s23], s21  }
0xa3: {  	s8 =	ssub.s32 $0x0, s21;
	[sflag:s23] =	ssyncset.done $0x0  }
0xa4: {  	[sflag:s23] =	ssyncadd.s32 s8;
	_ =	sdelay $0x1  }
0xa5: {  	s24 =	simm.s32 $0x1B8B  }
0xa6: {  	_ =	swait.ge [sflag:s24], $0x1  }
0xa7: {  	[sflag:s24] =	ssyncset.done $0x0  }
0xa8: {  	s25 =	simm.s32 $0x1B8E;
	[sflag:s24] =	ssyncadd.s32 $0xFFFFFFFF  }
0xa9: {  	s26 =	simm.s32 $execute0_lowered;
	[smem:$0x3FD2] =	sst s25  }
0xaa: {  	s8 =	sshll.u32 s26, $0x1;
	_ =	strace $0x80000046;
	[dreg:$0x1] =	wrdreg $0xFFFFFFFF  }
0xab: {  	s28 =	simm.s32 $_size_execute0_lowered;
	s7 =	sadd.s32 s7, s8;
	[dreg:$0x0] =	wrdreg $0x0  }
0xac: {  	s8 =	sshll.u32 s28, $0x1;
	[dreg:$0x2] =	wrdreg s7  }
0xad: {  	[dreg:$0x3] =	wrdreg s8  }
0xae: {  	[dreg:$0x4] =	wrdreg $0xC0  }
0xaf: {  	_ =	task [dreg:s11], $0x5FFFF  }
0xb0: {  	[dreg:$0x1] =	wrdreg $0xFFFFFFFF  }
0xb1: {  	[dreg:$0x0] =	wrdreg $0x60  }
0xb2: {  	[dreg:$0x2] =	wrdreg s2  }
0xb3: {  	[dreg:$0x3] =	wrdreg s19  }
0xb4: {  	[dreg:$0x4] =	wrdreg s4  }
0xb5: {  	[dreg:$0x5] =	wrdreg s5  }
0xb6: {  	[dreg:$0x6] =	wrdreg s6  }
0xb7: {  	[dreg:$0x7] =	wrdreg $0x9  }
0xb8: {  	_ =	task.clear_ibuf [dreg:s11], $0x8FFFF;
	_ =	strace $0x90000046  }
0xb9: {  	s29 =	simm.s32 $0x9;
	_ =	strace $0x80000048  }
0xba: {  	_ =	swait.ge [sflag:s29], $0x1  }
0xbb: {  	[sflag:s29] =	ssyncadd.s32 $0xFFFFFFFF  }
0xbc: {  	_ =	strace $0x90000048  }
0xbd: {  	_ =	sfence  }
0xbe: {  	s30 =	sld [smem:$0x0];
	_ =	sdelay $0x2  }
0xbf: {  	s31 =	sshll.u32 s1, $0xD;
	s1 =	sshrl.u32 s1, $0x2  }
0xc0: {  	s3 =	sand.u32 $0x4000, s31;
	s1 =	sadd.s32 s1, s30  }
0xc1: {  	s0 =	sor.u32 s3, s0;
	s1 =	sshll.u32 s1, $0x11  }
0xc2: {  	s0 =	sor.u32 s1, s0  }
0xc3: {  	s0 =	sadd.s32 $0x8F2B, s0  }
0xc4: {  	[sflag:s0] =	ssyncadd.remote.s32 $0x1  }
0xc5: {  	_ =	sfence.sel $0xFFFF  }
0xc6: {  	[dreg:$0x0] =	wrdreg $0xFFFFFFFF;
	(pc) =	sbr.abs _section_cstart, $3  }
0xc7: {  	[dreg:$0x1] =	wrdreg $0xFFFFFFFF  }
0xc8: {  	_ =	task.clear_ibuf [dreg:s11], $0x2FFFF;
	_ =	strace $0x9FFFFFFF  }
0xc9: {  	(tm) =	ssettm $0x7FFFFFFF  }
tec
execute0_lowered:
.L_overlay_start_1:
0x0: {  	(tag) =	ssettag $0x1  }
0x1: {  	s0 =	rddreg [dreg:$0x0]  }
0x2: {  	s2 =	srdreg.scid;
	s5 =	stileid.u32  }
0x3: {  	s1 =	rddreg [dreg:$0x1];
	s4 =	sand.u32 $0x1, s2;
	s18 =	sshll.u32 s5, $0x1  }
0x4: {  	s3 =	rddreg [dreg:$0x2];
	s2 =	sor.u32 s4, s18  }
0x5: {  	s6 =	rddreg [dreg:$0x4];
	s7 =	smul.u32 $0x1E848, s2  }
0x6: {  	s28 =	simm.s32 $0xB760;
	s29 =	simm.s32 $0xD5F0;
	s30 =	simm.s32 $0x1  }
0x7: {  	s31 =	simm.s32 $0xF480;
	s5 =	rddreg [dreg:$0x3];
	s7 =	sshrl.u32 s7, $0x5  }
0x8: {  	s4 =	ssub.s32 $0x2, s4;
	s2 =	simm.s32 $0x0;
	s7 =	sand.u32 $0x1FFF8, s7  }
0x9: {  	s8 =	sshrl.u32 s4, $0x1;
	[smem:$0x7FF] =	sst s2;
	s7 =	smin.u32 s7, $0x1D900  }
0xa: {  	s4 =	ssub.s32 s4, s8;
	_ =	strace $0x80000047;
	s19 =	sadd.s32 s0, s7  }
0xb: {  	s20 =	sadd.s32 s1, s7;
	s21 =	sadd.s32 $0x3D2, s7;
	[dreg:$0x6] =	wrdreg s19  }
0xc: {  	s9 =	sadd.s32 s3, s7;
	s22 =	sadd.s32 s5, s7;
	[dreg:$0x7] =	wrdreg s20  }
0xd: {  	s26 =	sadd.s32 $0x7A4, s7;
	s11 =	sadd.s32 s6, s7;
	[dreg:$0x8] =	wrdreg s9  }
0xe: {  	s7 =	sadd.s32 $0xB76, s7;
	[dreg:$0x9] =	wrdreg s22;
	s23 =	sadd.s32 s0, s21  }
0xf: {  	s24 =	sadd.s32 s1, s21;
	s25 =	sadd.s32 s3, s21;
	s10 =	sadd.s32 s5, s21  }
0x10: {  	s12 =	sadd.s32 s0, s26;
	s13 =	sadd.s32 s1, s26;
	s14 =	sadd.s32 s3, s26  }
0x11: {  	s15 =	sadd.s32 s5, s26;
	s16 =	sadd.s32 s6, s21;
	s17 =	sadd.s32 s0, s7  }
.Ltmp0:
0x12: {  	s18 =	sadd.s32 s1, s7;
	s19 =	sadd.s32 s3, s7;
	(pc) =	sbr.rel .LBB2_1-.Ltmp0, $4  }
0x13: {  	s20 =	sadd.s32 s5, s7;
	s21 =	smax.u32 s4, $0x1;
	[dreg:$0xa] =	wrdreg s23  }
0x14: {  	s26 =	simm.s32 $0x98D0;
	s1 =	simm.s32 $0x2;
	[dreg:$0xb] =	wrdreg s24  }
0x15: {  	s0 =	simm.s32 $0x11310;
	s22 =	simm.s32 $0x3;
	[dreg:$0xc] =	wrdreg s25  }
0x16: {  	v0 =	vlaneseq.u32;
	s25 =	simm.s32 $0x7A40;
	s23 =	simm.s32 $0x4;
	s24 =	simm.s32 $0x0  }
.LBB2_8:
0x17: {  	s24 =	sadd.s32 $0x1, s24  }
0x18: {  	_ =	swait.ge [sflag:s22], $0x1E90;
	p0 =	sne.s32 s24, s21  }
.Ltmp1:
0x19: {  	[sflag:s22] =	ssyncset.done $0x0;
	(pc) =	sbr.rel @!p0 .LBB2_9-.Ltmp1, $4  }
0x1a: {  	[sflag:s22] =	ssyncadd.s32 $0xFFFFE170  }
0x1b: {  	_ =	swait.ge [sflag:s23], $0x1E90  }
0x1c: {  	[sflag:s23] =	ssyncset.done $0x0  }
0x1d: {  	[sflag:s23] =	ssyncadd.s32 $0xFFFFE170  }
.LBB2_1:
0x1e: {  	s3 =	rddreg [dreg:$0x6]  }
0x1f: {  	[tilespmem:s2], [sflag:$0x1] =	stream.linear.gather [hbm4b:s3+s2], $0x1E90, $0x38;
	[tilespmem:$0x131A0] =	vst v63  }
0x20: {  	s7 =	rddreg [dreg:$0x7];
	s4 =	simm.s32 $0x1E90  }
0x21: {  	[tilespmem:s4], [sflag:$0x1] =	stream.linear.gather [hbm4b:s7+s2], $0x1E90, $0x38;
	[tilespmem:$0x131A0] =	vst v63  }
0x22: {  	s8 =	rddreg [dreg:$0x8];
	s9 =	simm.s32 $0x3D20  }
0x23: {  	[tilespmem:s9], [sflag:$0x1] =	stream.linear.gather [hbm4b:s8+s2], $0x1E90, $0x38;
	[tilespmem:$0x131A0] =	vst v63  }
0x24: {  	s5 =	rddreg [dreg:$0x9];
	s6 =	simm.s32 $0x5BB0  }
0x25: {  	[tilespmem:s6], [sflag:$0x1] =	stream.linear.gather [hbm4b:s5+s2], $0x1E90, $0x38;
	[tilespmem:$0x131A0] =	vst v63  }
0x26: {  	s7 =	rddreg [dreg:$0xa]  }
0x27: {  	[tilespmem:s25], [sflag:$0x2] =	stream.linear.gather [hbm4b:s7+s2], $0x1E90, $0x38;
	[tilespmem:$0x131A0] =	vst v63  }
0x28: {  	p0 =	por $0x1, $0x1;
	s8 =	rddreg [dreg:$0xb]  }
0x29: {  	[tilespmem:s26], [sflag:$0x2] =	stream.linear.gather [hbm4b:s8+s2], $0x1E90, $0x38;
	[tilespmem:$0x131A0] =	vst v63  }
0x2a: {  	s3 =	simm.s32 $0x0;
	s4 =	smov.u32 s10;
	s9 =	rddreg [dreg:$0xc]  }
0x2b: {  	[tilespmem:s28], [sflag:$0x2] =	stream.linear.gather [hbm4b:s9+s2], $0x1E90, $0x38;
	[tilespmem:$0x131A0] =	vst v63  }
.LBB2_2:
0x2c: {  	[tilespmem:s29], [sflag:$0x2] =	stream.linear.gather [hbm4b:s4+s2], $0x1E90, $0x38;
	[tilespmem:$0x131A0] =	vst v63  }
0x2d: {  	_ =	swait.ge [sflag:s30], $0x1E90  }
0x2e: {  	[sflag:s30] =	ssyncset.done $0x0  }
0x2f: {  	[sflag:s30] =	ssyncadd.s32 $0xFFFFE170  }
0x30: {  	_ =	swait.ge [sflag:s30], $0x1E90  }
0x31: {  	[sflag:s30] =	ssyncset.done $0x0  }
0x32: {  	[sflag:s30] =	ssyncadd.s32 $0xFFFFE170  }
0x33: {  	_ =	swait.ge [sflag:s30], $0x1E90  }
0x34: {  	[sflag:s30] =	ssyncset.done $0x0  }
0x35: {  	[sflag:s30] =	ssyncadd.s32 $0xFFFFE170  }
0x36: {  	_ =	swait.ge [sflag:s30], $0x1E90  }
0x37: {  	[sflag:s30] =	ssyncset.done $0x0  }
0x38: {  	s4 =	simm.s32 @!p0 $0x3;
	[sflag:s30] =	ssyncadd.s32 $0xFFFFE170  }
0x39: {  	_ =	swait.ge @!p0 [sflag:s4], $0x1E90  }
0x3a: {  	[sflag:s4] =	ssyncset.done @!p0 $0x0  }
0x3b: {  	s8 =	simm.s32 $0x1E90;
	[sflag:s4] =	ssyncadd.s32 @!p0 $0xFFFFE170  }
0x3c: {  	s5 =	simm.s32 $0x0;
	v1 =	vld [tilespmem:s8+$0x0]  }
0x3d: {  	s9 =	simm.s32 $0x5BB0;
	v2 =	vld [tilespmem:s5+$0x0]  }
0x3e: {  	v3 =	vld [tilespmem:s9+$0x0];
	_ =	sdelay $0x3  }
0x3f: {  	vm0 =	vge.f32 v2, $0.0e+00  }
0x40: {  	v1 =	vsel vm0, v1, v3  }
0x41: {  	(erf) = vrcp.f32 v1;
	_ =	sdelay $0x2  }
0x42: {  	s4 =	simm.s32 $0x3D20  }
0x43: {  	v1 =	vld [tilespmem:s4+$0x0];
	_ =	sdelay $0x3  }
0x44: {  	v3 =	vor.u32 s5, v0  }
0x45: {  	v1 =	vsel vm0, v2, v1;
	v2 =	vpop (erf)  }
0x46: {  	v1 =	vmul.f32 v2, v1;
	_ =	sdelay $0x1  }
0x47: {  	v1 =	vpack.i.f32.bf16 v1, v2  }
0x48: {  	s6 =	simm.s32 $0x1EA0;
	[tilespmem:v3+s31+$0x0] =	vst.idx.msk $0xffff, v1  }
0x49: {  	s5 =	simm.s32 $0x10;
	v2 =	vld [tilespmem:s6+$0x0]  }
0x4a: {  	s7 =	simm.s32 $0x5BC0;
	s8 =	simm.s32 $0x20;
	s9 =	simm.s32 $0x10;
	v1 =	vld [tilespmem:s5+$0x0]  }
.LBB2_3:
0x4b: {  	p1 =	sne.s32 s8, $0x1E80;
	v3 =	vld [tilespmem:s7+$0x0];
	_ =	sdelay $0x3  }
0x4c: {  	vm0 =	vge.f32 v1, $0.0e+00  }
0x4d: {  	v2 =	vsel vm0, v2, v3  }
0x4e: {  	(erf) = vrcp.f32 v2;
	_ =	sdelay $0x2  }
0x4f: {  	s4 =	sadd.s32 $0x10, s4  }
0x50: {  	v2 =	vld [tilespmem:s4+$0x0];
	_ =	sdelay $0x3  }
0x51: {  	v3 =	vor.u32 s5, v0;
	s5 =	smov.u32 s8  }
0x52: {  	v1 =	vsel vm0, v1, v2;
	v2 =	vpop (erf)  }
0x53: {  	v1 =	vmul.f32 v2, v1  }
.Ltmp2:
0x54: {  	(pc) =	sbr.rel @p1 .LBB2_3-.Ltmp2, $4  }
0x55: {  	v1 =	vpack.i.f32.bf16 v1, v2  }
0x56: {  	s6 =	sadd.s32 $0x10, s6;
	[tilespmem:v3+s31+$0x0] =	vst.idx.msk $0xffff, v1  }
0x57: {  	s9 =	sadd.s32 $0x10, s9;
	v2 =	vld [tilespmem:s6+$0x0]  }
0x58: {  	s7 =	sadd.s32 $0x10, s7;
	s8 =	sadd.s32 $0x10, s8;
	v1 =	vld [tilespmem:s9+$0x0]  }
0x59: {  	v3 =	vld [tilespmem:s7+$0x0];
	_ =	sdelay $0x3  }
0x5a: {  	vm0 =	vge.f32 v1, $0.0e+00  }
0x5b: {  	v2 =	vsel vm0, v2, v3  }
0x5c: {  	(erf) = vrcp.f32 v2;
	_ =	sdelay $0x2  }
0x5d: {  	s4 =	sadd.s32 $0x10, s4  }
0x5e: {  	v2 =	vld [tilespmem:s4+$0x0];
	_ =	sdelay $0x3  }
0x5f: {  	v3 =	vor.u32 s5, v0  }
0x60: {  	v1 =	vsel vm0, v1, v2;
	v2 =	vpop (erf)  }
0x61: {  	v1 =	vmul.f32 v2, v1;
	_ =	sdelay $0x1  }
0x62: {  	v1 =	vpack.i.f32.bf16 v1, v2  }
0x63: {  	s5 =	sadd.s32 s3, s11;
	[tilespmem:v3+s31+$0x0] =	vst.idx.msk $0xffff, v1  }
0x64: {  	[hbm4b:s5+s2] =	stream.linear.scatter [tilespmem:s31], [sflag:$0x3], $0x1E90, $0x38;
	[tilespmem:$0x131A0] =	vst v63  }
0x65: {  	s4 =	simm.s32 @p0 $0x0  }
0x66: {  	[tilespmem:s4], [sflag:$0x1] =	stream.linear.gather @p0 [hbm4b:s12+s4], $0x1E90, $0x38;
	[tilespmem:$0x131A0] =	vst v63  }
0x67: {  	s5 =	simm.s32 @p0 $0x1E90  }
0x68: {  	[tilespmem:s5], [sflag:$0x1] =	stream.linear.gather @p0 [hbm4b:s13+s4], $0x1E90, $0x38;
	[tilespmem:$0x131A0] =	vst v63  }
0x69: {  	s5 =	simm.s32 @p0 $0x3D20  }
0x6a: {  	[tilespmem:s5], [sflag:$0x1] =	stream.linear.gather @p0 [hbm4b:s14+s4], $0x1E90, $0x38;
	[tilespmem:$0x131A0] =	vst v63  }
0x6b: {  	s5 =	simm.s32 @p0 $0x5BB0  }
0x6c: {  	[tilespmem:s5], [sflag:$0x1] =	stream.linear.gather @p0 [hbm4b:s15+s4], $0x1E90, $0x38;
	[tilespmem:$0x131A0] =	vst v63  }
0x6d: {  	_ =	swait.ge [sflag:s1], $0x1E90  }
0x6e: {  	[sflag:s1] =	ssyncset.done $0x0  }
0x6f: {  	[sflag:s1] =	ssyncadd.s32 $0xFFFFE170  }
0x70: {  	_ =	swait.ge [sflag:s1], $0x1E90  }
0x71: {  	[sflag:s1] =	ssyncset.done $0x0  }
0x72: {  	[sflag:s1] =	ssyncadd.s32 $0xFFFFE170  }
0x73: {  	_ =	swait.ge [sflag:s1], $0x1E90  }
0x74: {  	[sflag:s1] =	ssyncset.done $0x0  }
0x75: {  	[sflag:s1] =	ssyncadd.s32 $0xFFFFE170  }
0x76: {  	_ =	swait.ge [sflag:s1], $0x1E90  }
0x77: {  	[sflag:s1] =	ssyncset.done $0x0  }
0x78: {  	s4 =	simm.s32 @!p0 $0x4;
	[sflag:s1] =	ssyncadd.s32 $0xFFFFE170  }
0x79: {  	_ =	swait.ge @!p0 [sflag:s4], $0x1E90  }
0x7a: {  	[sflag:s4] =	ssyncset.done @!p0 $0x0  }
0x7b: {  	s6 =	simm.s32 $0x98D0;
	[sflag:s4] =	ssyncadd.s32 @!p0 $0xFFFFE170  }
0x7c: {  	s7 =	simm.s32 $0x7A40;
	v1 =	vld [tilespmem:s6+$0x0]  }
0x7d: {  	s8 =	simm.s32 $0xD5F0;
	v2 =	vld [tilespmem:s7+$0x0]  }
0x7e: {  	v3 =	vld [tilespmem:s8+$0x0];
	_ =	sdelay $0x3  }
0x7f: {  	vm15 =	vge.f32 v2, $0.0e+00  }
0x80: {  	v1 =	vsel vm15, v1, v3  }
0x81: {  	(erf) = vrcp.f32 v1;
	_ =	sdelay $0x2  }
0x82: {  	s4 =	simm.s32 $0xB760  }
0x83: {  	v1 =	vld [tilespmem:s4+$0x0];
	_ =	sdelay $0x2  }
0x84: {  	s9 =	simm.s32 $0x0  }
0x85: {  	v3 =	vor.u32 s9, v0  }
0x86: {  	v1 =	vsel vm15, v2, v1;
	v2 =	vpop (erf)  }
0x87: {  	v1 =	vmul.f32 v2, v1;
	_ =	sdelay $0x1  }
0x88: {  	v1 =	vpack.i.f32.bf16 v1, v2  }
0x89: {  	s6 =	simm.s32 $0x98E0;
	[tilespmem:v3+s0+$0x0] =	vst.idx.msk $0xffff, v1  }
0x8a: {  	s7 =	simm.s32 $0x7A50;
	v2 =	vld [tilespmem:s6+$0x0]  }
0x8b: {  	s5 =	simm.s32 $0x10;
	s8 =	simm.s32 $0xD600;
	s9 =	simm.s32 $0x20;
	v1 =	vld [tilespmem:s7+$0x0]  }
.LBB2_5:
0x8c: {  	p1 =	sne.s32 s9, $0x1E80;
	v3 =	vld [tilespmem:s8+$0x0];
	_ =	sdelay $0x3  }
0x8d: {  	vm0 =	vge.f32 v1, $0.0e+00  }
0x8e: {  	v2 =	vsel vm0, v2, v3  }
0x8f: {  	(erf) = vrcp.f32 v2;
	_ =	sdelay $0x2  }
0x90: {  	s4 =	sadd.s32 $0x10, s4  }
0x91: {  	v2 =	vld [tilespmem:s4+$0x0];
	_ =	sdelay $0x3  }
0x92: {  	v3 =	vor.u32 s5, v0;
	s5 =	smov.u32 s9  }
0x93: {  	v1 =	vsel vm0, v1, v2;
	v2 =	vpop (erf)  }
0x94: {  	v1 =	vmul.f32 v2, v1  }
.Ltmp3:
0x95: {  	(pc) =	sbr.rel @p1 .LBB2_5-.Ltmp3, $4  }
0x96: {  	v1 =	vpack.i.f32.bf16 v1, v2  }
0x97: {  	s6 =	sadd.s32 $0x10, s6;
	[tilespmem:v3+s0+$0x0] =	vst.idx.msk $0xffff, v1  }
0x98: {  	s7 =	sadd.s32 $0x10, s7;
	v2 =	vld [tilespmem:s6+$0x0]  }
0x99: {  	s8 =	sadd.s32 $0x10, s8;
	s9 =	sadd.s32 $0x10, s9;
	v1 =	vld [tilespmem:s7+$0x0]  }
0x9a: {  	v3 =	vld [tilespmem:s8+$0x0];
	_ =	sdelay $0x3  }
0x9b: {  	vm0 =	vge.f32 v1, $0.0e+00  }
0x9c: {  	v2 =	vsel vm0, v2, v3  }
0x9d: {  	(erf) = vrcp.f32 v2;
	_ =	sdelay $0x2  }
0x9e: {  	s4 =	sadd.s32 $0x10, s4  }
0x9f: {  	v2 =	vld [tilespmem:s4+$0x0];
	_ =	sdelay $0x3  }
0xa0: {  	v3 =	vor.u32 s5, v0  }
0xa1: {  	v1 =	vsel vm0, v1, v2;
	v2 =	vpop (erf)  }
.Ltmp4:
0xa2: {  	v1 =	vmul.f32 v2, v1;
	(pc) =	sbr.rel @!p0 .LBB2_8-.Ltmp4, $4  }
0xa3: {  	_ = 	snop  }
0xa4: {  	v1 =	vpack.i.f32.bf16 v1, v2  }
0xa5: {  	s3 =	sadd.s32 s3, s16;
	[tilespmem:v3+s0+$0x0] =	vst.idx.msk $0xffff, v1  }
0xa6: {  	[hbm4b:s3+s2] =	stream.linear.scatter [tilespmem:s0], [sflag:$0x4], $0x1E90, $0x38;
	[tilespmem:$0x131A0] =	vst v63  }
0xa7: {  	[tilespmem:s25], [sflag:$0x2] =	stream.linear.gather [hbm4b:s17+s2], $0x1E90, $0x38;
	[tilespmem:$0x131A0] =	vst v63  }
.Ltmp5:
0xa8: {  	_ = 	snop;
	(pc) =	sbr.rel .LBB2_2-.Ltmp5, $4  }
0xa9: {  	_ = 	snop  }
0xaa: {  	[tilespmem:s26], [sflag:$0x2] =	stream.linear.gather [hbm4b:s18+s2], $0x1E90, $0x38;
	[tilespmem:$0x131A0] =	vst v63  }
0xab: {  	s3 =	simm.s32 $0x7A4;
	p0 =	por $0x0, $0x0;
	s4 =	smov.u32 s20  }
0xac: {  	[tilespmem:s28], [sflag:$0x2] =	stream.linear.gather [hbm4b:s19+s2], $0x1E90, $0x38;
	[tilespmem:$0x131A0] =	vst v63  }
.LBB2_9:
0xad: {  	_ =	sfence.sel $0x180000  }
0xae: {  	[bflag:$0x0] =	sbarrier.arrive $0xFFFF  }
0xaf: {  	_ =	strace $0x90000047  }
0xb0: {  	s0 =	stileid.u32;
	[bflag:$0x2] =	sbarrier.arrive $0xFFFF  }
0xb1: {  	p0 =	sne.s32 s0, $0x0;
	s0 =	rddreg [dreg:$0x5]  }
0xb2: {  	s0 =	sadd.s32 @!p0 $0x100000, s0  }
0xb3: {  	[sflag:s0] =	ssyncadd.tile.s32 @!p0 $0x1;
	_ =	shalt  }
.Lfunc_end2:
_tile_overlayer_lowered:
.L_overlay_start_2:
0xb4: {  	(tag) =	ssettag $0x2  }
0xb5: {  	s0 =	rddreg [dreg:$0x0];
	s2 =	stileid.u32  }
0xb6: {  	s1 =	rddreg [dreg:$0x1];
	p0 =	sne.s32 s2, $0x0  }
0xb7: {  	s3 =	rddreg [dreg:$0x2];
	[bflag:$0x3] =	sbarrier.arrive $0xFFFF;
	s2 =	simm.s32 @!p0 $0x1C05  }
0xb8: {  	[timem:s3], [sflag:s2] =	dma.local @!p0 [hbm:s0], s1  }
0xb9: {  	s0 =	simm.s32 @!p0 $0x5  }
0xba: {  	_ =	swait.ge @!p0 [sflag:s0], s1  }
0xbb: {  	s1 =	ssub.s32 @!p0 $0x0, s1;
	[sflag:s0] =	ssyncset.done @!p0 $0x0  }
0xbc: {  	[sflag:s0] =	ssyncadd.s32 @!p0 s1  }
0xbd: {  	[bflag:$0x3] =	sbarrier.arrive $0xFFFF  }
0xbe: {  	_ =	shalt  }

// kernel: kernel.7.cloned.1.call-start
scs
__scs_entry_jumppad:
0x0: {  	(pc) =	sbr.rel $0x88, $3  }
0x1: {  	(tag) =	ssettag $0x0;
	lr =	simm.s32 $0x1  }
0x2: {  	[smem:$0x3F9B] =	sst lr;
	_ =	strace $0xD0000000  }
0x3: {  	_ = 	snop  }
0x4: {  	_ = 	snop  }
0x5: {  	_ = 	snop  }
0x6: {  	_ = 	snop  }
0x7: {  	_ = 	snop  }
__scs_overlays_trampoline_lowered:
0x8: {  	[smem:$0x3FAA] =	sst s0  }
0x9: {  	[smem:$0x3FAB] =	sst s1  }
0xa: {  	[smem:$0x3FAC] =	sst s2  }
0xb: {  	[smem:$0x3FAD] =	sst s3  }
0xc: {  	[smem:$0x3FAE] =	sst s4  }
0xd: {  	[smem:$0x3FAF] =	sst s5  }
0xe: {  	[smem:$0x3FB0] =	sst s6  }
0xf: {  	[smem:$0x3FB1] =	sst s7  }
0x10: {  	[smem:$0x3FB2] =	sst s8  }
0x11: {  	[smem:$0x3FB3] =	sst s9;
	s0 =	simm.s32 @!p0 $0x0  }
0x12: {  	s1 =	sld [smem:$0x3F99];
	s0 =	simm.s32 @p0 $0x1  }
0x13: {  	[smem:$0x3FB4] =	sst s0;
	s0 =	simm.s32 @!p1 $0x0  }
0x14: {  	s2 =	sld [smem:$0x3F98];
	s0 =	simm.s32 @p1 $0x1  }
0x15: {  	[smem:$0x3FB5] =	sst s0;
	s0 =	simm.s32 @!p2 $0x0  }
0x16: {  	s3 =	sld [smem:$0x3FDB];
	s0 =	simm.s32 @p2 $0x1  }
0x17: {  	s4 =	simm.s32 $0x1BF5;
	[smem:$0x3FB7] =	sst s0  }
0x18: {  	s0 =	sld [smem:$0x3F9A];
	_ =	swait.ge [sflag:s4], $0x0  }
0x19: {  	s7 =	sld [smem:$0x3F9B]  }
0x1a: {  	s8 =	sadd.s32 $0xFFFFE003, lr  }
0x1b: {  	s9 =	sadd.s32 $0xFFFFFEF7, lr;
	s5 =	simm.s32 $0xFFFFFFFF;
	p2 =	slt.u32 s8, $0xFFFFF086  }
0x1c: {  	p1 =	slt.u32 s9, $0xF7A;
	s5 =	simm.s32 @!p2 $0x0  }
0x1d: {  	s5 =	simm.s32 @p1 $0x1;
	p0 =	seq.s32 s7, s2  }
0x1e: {  	s7 =	smul.u32 @!p0 $0xF7A, s2;
	p2 =	seq.s32 @!p0 s5, $0x0  }
0x1f: {  	s9 =	smul.u32 $0xF7A, s1;
	s8 =	simm.s32 @!p0 $0x1BF5;
	p2 =	por !p2, p0  }
0x20: {  	[sflag:s8] =	ssyncset.s32 @!p0 $0xFFFFF086;
	s6 =	sadd.s32 @!p0 s3, s7;
	s7 =	simm.s32 @!p0 $0x108  }
0x21: {  	s3 =	sadd.s32 s3, s9;
	s6 =	sadd.s32 @!p0 $0x88, s6;
	s7 =	simm.s32 @p2 $0x1082  }
0x22: {  	[simem:s7], [sflag:s8] =	dma.local @!p0 [hbm:s6], $0xF7A  }
0x23: {  	s9 =	sor.u32 $0xD0000000, s2;
	s6 =	simm.s32 $0x108;
	_ =	swait.ge @!p0 [sflag:s8], $0x0  }
0x24: {  	s3 =	sadd.s32 $0x88, s3;
	s6 =	simm.s32 @!p1 $0x1082;
	[sflag:s4] =	ssyncset.s32 $0xFFFFF086  }
0x25: {  	[simem:s6], [sflag:s4] =	dma.local [hbm:s3], $0xF7A  }
0x26: {  	[smem:$0x3F9B] =	sst s1;
	(tag) =	ssettag s2;
	_ =	strace s9  }
0x27: {  	s1 =	sld [smem:$0x3FAB]  }
0x28: {  	s2 =	sld [smem:$0x3FAC]  }
0x29: {  	s4 =	sld [smem:$0x3FAE]  }
0x2a: {  	p0 =	seq.s32 s5, $0x0;
	s5 =	sld [smem:$0x3FAF]  }
0x2b: {  	s6 =	sld [smem:$0x3FB0]  }
0x2c: {  	s7 =	sld [smem:$0x3FB1]  }
0x2d: {  	s3 =	simm.s32 $0x108;
	s8 =	sld [smem:$0x3FB2]  }
0x2e: {  	s3 =	simm.s32 @!p0 $0x1082;
	s9 =	sld [smem:$0x3FB3]  }
0x2f: {  	lr =	sadd.s32 s0, s3;
	s0 =	sld [smem:$0x3FAA]  }
0x30: {  	s3 =	sld [smem:$0x3FAD]  }
0x31: {  	[smem:$0x3FB6] =	sst s10  }
0x32: {  	s10 =	sld [smem:$0x3FB4];
	_ =	sdelay $0x3  }
0x33: {  	p0 =	seq.s32 s10, $0x1;
	s10 =	sld [smem:$0x3FB6];
	_ =	sdelay $0x3  }
0x34: {  	[smem:$0x3FB6] =	sst s10  }
0x35: {  	s10 =	sld [smem:$0x3FB5];
	_ =	sdelay $0x3  }
0x36: {  	p1 =	seq.s32 s10, $0x1;
	s10 =	sld [smem:$0x3FB6];
	_ =	sdelay $0x3  }
0x37: {  	[smem:$0x3FB6] =	sst s10  }
0x38: {  	s10 =	sld [smem:$0x3FB7]  }
0x39: {  	_ = 	snop;
	(pc) =	sbr.ind lr, $3  }
0x3a: {  	_ = 	snop  }
0x3b: {  	_ = 	snop  }
0x3c: {  	p2 =	seq.s32 s10, $0x1;
	s10 =	sld [smem:$0x3FB6]  }
0x3d: {  	_ =	shalt  }
0x3e: {  	_ =	shalt  }
0x3f: {  	_ =	shalt  }
0x40: {  	_ =	shalt  }
0x41: {  	_ =	shalt  }
0x42: {  	_ =	shalt  }
0x43: {  	_ =	shalt  }
0x44: {  	_ =	shalt  }
0x45: {  	_ =	shalt  }
0x46: {  	_ =	shalt  }
0x47: {  	_ =	shalt  }
0x48: {  	_ =	shalt  }
0x49: {  	_ =	shalt  }
0x4a: {  	_ =	shalt  }
0x4b: {  	_ =	shalt  }
0x4c: {  	_ =	shalt  }
0x4d: {  	_ =	shalt  }
0x4e: {  	_ =	shalt  }
0x4f: {  	_ =	shalt  }
0x50: {  	_ =	shalt  }
0x51: {  	_ =	shalt  }
0x52: {  	_ =	shalt  }
0x53: {  	_ =	shalt  }
0x54: {  	_ =	shalt  }
0x55: {  	_ =	shalt  }
0x56: {  	_ =	shalt  }
0x57: {  	_ =	shalt  }
0x58: {  	_ =	shalt  }
0x59: {  	_ =	shalt  }
0x5a: {  	_ =	shalt  }
0x5b: {  	_ =	shalt  }
0x5c: {  	_ =	shalt  }
0x5d: {  	_ =	shalt  }
0x5e: {  	_ =	shalt  }
0x5f: {  	_ =	shalt  }
0x60: {  	_ =	shalt  }
0x61: {  	_ =	shalt  }
0x62: {  	_ =	shalt  }
0x63: {  	_ =	shalt  }
0x64: {  	_ =	shalt  }
0x65: {  	_ =	shalt  }
0x66: {  	_ =	shalt  }
0x67: {  	_ =	shalt  }
0x68: {  	_ =	shalt  }
0x69: {  	_ =	shalt  }
0x6a: {  	_ =	shalt  }
0x6b: {  	_ =	shalt  }
0x6c: {  	_ =	shalt  }
0x6d: {  	_ =	shalt  }
0x6e: {  	_ =	shalt  }
0x6f: {  	_ =	shalt  }
0x70: {  	_ =	shalt  }
0x71: {  	_ =	shalt  }
0x72: {  	_ =	shalt  }
0x73: {  	_ =	shalt  }
0x74: {  	_ =	shalt  }
0x75: {  	_ =	shalt  }
0x76: {  	_ =	shalt  }
0x77: {  	_ =	shalt  }
0x78: {  	_ =	shalt  }
0x79: {  	_ =	shalt  }
0x7a: {  	_ =	shalt  }
0x7b: {  	_ =	shalt  }
0x7c: {  	_ =	shalt  }
0x7d: {  	_ =	shalt  }
0x7e: {  	_ =	shalt  }
0x7f: {  	_ =	shalt  }
0x80: {  	_ =	shalt  }
0x81: {  	_ =	shalt  }
0x82: {  	_ =	shalt  }
0x83: {  	_ =	shalt  }
0x84: {  	_ =	shalt  }
0x85: {  	_ =	shalt  }
0x86: {  	_ =	shalt  }
0x87: {  	_ =	shalt  }
.Lfunc_end0:
.L_simem_size_0:
called_computation.1_lowered:
.L_overlay_start_0:
0x88: {  	s2 =	sld [smem:$0x3FD9]  }
0x89: {  	s3 =	sld [smem:$0x3FFE];
	_ =	sdelay $0x1  }
0x8a: {  	s1 =	srdreg.scid  }
0x8b: {  	s0 =	sand.u32 $0x1, s1  }
0x8c: {  	s17 =	sshll.u32 s0, $0xA;
	s2 =	sadd.s32 s3, s2  }
0x8d: {  	s2 =	sadd.s32 s2, s17  }
0x8e: {  	[smem:$0x3FC2] =	sst s2  }
0x8f: {  	_ = 	snop  }
0x90: {  	s2 =	sld [smem:$0x3FC9]  }
0x91: {  	s18 =	sld [smem:$0x3FC8]  }
0x92: {  	s4 =	sld [smem:$0x3FD0];
	(tm) =	ssettm $0x1  }
0x93: {  	s5 =	sld [smem:$0x3FFB];
	_ =	sdelay $0x3  }
0x94: {  	_ =	strace s5  }
0x95: {  	s5 =	sld [smem:$0x3FFC];
	_ =	sdelay $0x3  }
0x96: {  	_ =	strace s5  }
0x97: {  	s5 =	sld [smem:$0x3FFD];
	_ =	sdelay $0x3  }
0x98: {  	_ =	strace s5  }
0x99: {  	_ =	strace $0x8FFFFFFF  }
0x9a: {  	s19 =	sld [smem:$0x3FDB];
	_ =	sdelay $0x1  }
0x9b: {  	s6 =	simm.s32 $_scs_section_size  }
0x9c: {  	s7 =	simm.s32 $_size__tile_overlayer_lowered;
	s8 =	simm.s32 $_tile_overlayer_lowered  }
0x9d: {  	s22 =	simm.s32 $0x1BFF;
	s21 =	sshll.u32 s8, $0x1;
	s5 =	sadd.s32 s6, s19  }
0x9e: {  	s9 =	simm.s32 $0x0;
	s20 =	sshll.u32 s7, $0x1;
	s7 =	sadd.s32 s21, s5  }
0x9f: {  	[timem:s9], [sflag:s22] =	dma.local [hbm:s7], s20  }
0xa0: {  	_ =	swait.ge [sflag:s22], s20  }
0xa1: {  	s6 =	ssub.s32 $0x0, s20;
	[sflag:s22] =	ssyncset.done $0x0  }
0xa2: {  	[sflag:s22] =	ssyncadd.s32 s6;
	_ =	sdelay $0x1  }
0xa3: {  	s23 =	simm.s32 $0x1B8B  }
0xa4: {  	_ =	swait.ge [sflag:s23], $0x1  }
0xa5: {  	[sflag:s23] =	ssyncset.done $0x0  }
0xa6: {  	s25 =	simm.s32 $0x1B8E;
	s24 =	sld [smem:$0x3FFE];
	[sflag:s23] =	ssyncadd.s32 $0xFFFFFFFF  }
0xa7: {  	s26 =	simm.s32 $execute0_lowered;
	[smem:$0x3FD2] =	sst s25  }
0xa8: {  	s7 =	sshll.u32 s26, $0x1;
	_ =	strace $0x80000049;
	[dreg:$0x1] =	wrdreg $0xFFFFFFFF  }
0xa9: {  	s28 =	simm.s32 $_size_execute0_lowered;
	s5 =	sadd.s32 s5, s7;
	[dreg:$0x0] =	wrdreg $0x0  }
0xaa: {  	s7 =	sshll.u32 s28, $0x1;
	[dreg:$0x2] =	wrdreg s5  }
0xab: {  	[dreg:$0x3] =	wrdreg s7  }
0xac: {  	[dreg:$0x4] =	wrdreg $0xC0  }
0xad: {  	_ =	task [dreg:s9], $0x5FFFF  }
0xae: {  	[dreg:$0x1] =	wrdreg $0xFFFFFFFF  }
0xaf: {  	[dreg:$0x0] =	wrdreg $0x60  }
0xb0: {  	[dreg:$0x2] =	wrdreg s4  }
0xb1: {  	[dreg:$0x3] =	wrdreg s18  }
0xb2: {  	[dreg:$0x4] =	wrdreg s2  }
0xb3: {  	[dreg:$0x5] =	wrdreg s24  }
0xb4: {  	[dreg:$0x6] =	wrdreg $0x0  }
0xb5: {  	[dreg:$0x7] =	wrdreg $0x9  }
0xb6: {  	_ =	task.clear_ibuf [dreg:s9], $0x8FFFF;
	_ =	strace $0x90000049  }
0xb7: {  	s29 =	simm.s32 $0x9;
	_ =	strace $0x8000004B  }
0xb8: {  	_ =	swait.ge [sflag:s29], $0x1  }
0xb9: {  	[sflag:s29] =	ssyncadd.s32 $0xFFFFFFFF  }
0xba: {  	_ =	strace $0x9000004B  }
0xbb: {  	_ =	sfence  }
0xbc: {  	s30 =	sld [smem:$0x0];
	_ =	sdelay $0x2  }
0xbd: {  	s31 =	sshll.u32 s1, $0xD;
	s1 =	sshrl.u32 s1, $0x2  }
0xbe: {  	s3 =	sand.u32 $0x4000, s31;
	s1 =	sadd.s32 s1, s30  }
0xbf: {  	s0 =	sor.u32 s3, s0;
	s1 =	sshll.u32 s1, $0x11  }
0xc0: {  	s0 =	sor.u32 s1, s0  }
0xc1: {  	s0 =	sadd.s32 $0x8F2B, s0  }
0xc2: {  	[sflag:s0] =	ssyncadd.remote.s32 $0x1  }
0xc3: {  	_ =	sfence.sel $0xFFFF  }
0xc4: {  	[dreg:$0x0] =	wrdreg $0xFFFFFFFF;
	(pc) =	sbr.abs _section_cstart, $3  }
0xc5: {  	[dreg:$0x1] =	wrdreg $0xFFFFFFFF  }
0xc6: {  	_ =	task.clear_ibuf [dreg:s9], $0x2FFFF;
	_ =	strace $0x9FFFFFFF  }
0xc7: {  	(tm) =	ssettm $0x7FFFFFFF  }
tec
execute0_lowered:
.L_overlay_start_1:
0x0: {  	(tag) =	ssettag $0x1  }
0x1: {  	s0 =	rddreg [dreg:$0x0]  }
0x2: {  	s1 =	rddreg [dreg:$0x1]  }
0x3: {  	s2 =	rddreg [dreg:$0x2]  }
0x4: {  	s4 =	rddreg [dreg:$0x3]  }
0x5: {  	s3 =	rddreg [dreg:$0x4];
	s5 =	simm.s32 $0x0  }
0x6: {  	s6 =	srdreg.scid;
	s11 =	stileid.u32;
	s29 =	simm.s32 $0x18028  }
0x7: {  	s14 =	simm.s32 $0x11B28;
	s28 =	simm.s32 $0x1CC28;
	s30 =	simm.s32 $0x1  }
0x8: {  	s31 =	simm.s32 $0x1D028;
	[smem:$0x7FF] =	sst s5;
	s7 =	sand.u32 $0x1, s6  }
0x9: {  	s8 =	smul.u32 $0x1E88, s11;
	s6 =	sadd.s32 $0x800, s4;
	s9 =	sshll.u32 s11, $0x1  }
0xa: {  	s11 =	sshll.u32 s11, $0x6;
	_ =	strace $0x8000004A;
	s16 =	ssub.s32 $0x2, s7  }
0xb: {  	s7 =	sor.u32 s7, s9;
	s19 =	sor.u32 $0x1C07, s11;
	s11 =	simm.s32 $0x0  }
0xc: {  	s10 =	sshrl.u32 s16, $0x1;
	s8 =	smin.u32 s8, $0x1C9C0;
	s18 =	smul.u32 $0x3200, s7  }
0xd: {  	s7 =	smul.u32 $0x320, s7;
	[dreg:$0x7] =	wrdreg s19;
	s19 =	simm.s32 $0x1C028  }
0xe: {  	s4 =	ssub.s32 s16, s10;
	s17 =	sshll.u32 s8, $0x3;
	s0 =	sadd.s32 s0, s8  }
0xf: {  	s8 =	simm.s32 $0x3;
	s9 =	sadd.s32 s17, s3;
	[dreg:$0x6] =	wrdreg s0  }
0x10: {  	s20 =	sor.u32 $0x140, s18;
	s21 =	sadd.s32 s1, s18;
	s22 =	sadd.s32 s2, s18  }
0x11: {  	s24 =	sadd.s32 $0x28, s7;
	s15 =	sor.u32 $0x14, s7;
	[dreg:$0x8] =	wrdreg s21  }
0x12: {  	s16 =	sadd.s32 $0x3C, s7;
	s25 =	smax.u32 s4, $0x1;
	[dreg:$0x9] =	wrdreg s22  }
0x13: {  	v0 =	vlaneseq.u32;
	s4 =	simm.s32 $0x1DA28;
	s23 =	sadd.s32 s1, s20;
	[dreg:$0xc] =	wrdreg s24  }
.Ltmp0:
0x14: {  	v0 =	vmul.u32 $0x8, v0;
	s0 =	sadd.s32 s2, s20;
	[dreg:$0xd] =	wrdreg s25;
	(pc) =	sbr.rel .LBB2_1-.Ltmp0, $4  }
0x15: {  	s26 =	sshrl.u32 s9, $0x3;
	s25 =	simm.s32 $0x13028;
	[dreg:$0xa] =	wrdreg s23  }
0x16: {  	v1 =	vor.u32 $0x80, v0;
	s21 =	simm.s32 $0x11AA8;
	s20 =	simm.s32 $0x1C428;
	[dreg:$0xb] =	wrdreg s0  }
0x17: {  	v2 =	vor.u32 $0x100, v0;
	v3 =	vor.u32 $0x180, v0;
	v4 =	vor.u32 $0x200, v0;
	s22 =	simm.s32 $0x1C828;
	s24 =	simm.s32 $0x11BA8;
	[dreg:$0xe] =	wrdreg s26  }
0x18: {  	v5 =	vor.u32 $0x280, v0;
	v6 =	vor.u32 $0x300, v0;
	v7 =	vor.u32 $0x380, v0;
	s23 =	simm.s32 $0x80;
	s26 =	simm.s32 $0x4;
	s0 =	simm.s32 $0x2  }
.LBB2_16:
0x19: {  	s9 =	simm.s32 $0x5  }
0x1a: {  	_ =	swait.ge [sflag:s9], $0xA00  }
0x1b: {  	[sflag:s9] =	ssyncset.done $0x0  }
0x1c: {  	s10 =	simm.s32 $0x6;
	[sflag:s9] =	ssyncadd.s32 $0xFFFFF600  }
0x1d: {  	_ =	swait.ge [sflag:s10], $0xA00  }
0x1e: {  	s11 =	rddreg [dreg:$0xf]  }
0x1f: {  	s18 =	rddreg [dreg:$0xd];
	s11 =	sadd.s32 $0x1, s11  }
0x20: {  	p0 =	sne.s32 s11, s18  }
.Ltmp1:
0x21: {  	_ = 	snop;
	(pc) =	sbr.rel @!p0 .LBB2_17-.Ltmp1, $3  }
0x22: {  	_ =	sdelay $0x1  }
0x23: {  	[sflag:s10] =	ssyncset.done $0x0  }
0x24: {  	[sflag:s10] =	ssyncadd.s32 $0xFFFFF600  }
.LBB2_1:
0x25: {  	[dreg:$0xf] =	wrdreg s11  }
0x26: {  	s9 =	rddreg [dreg:$0x6]  }
0x27: {  	s10 =	rddreg [dreg:$0x7]  }
0x28: {  	s18 =	rddreg [dreg:$0xe]  }
0x29: {  	[spmem:s18], [sflag:s10] =	dma.local [hbm:s9], $0x1E88  }
0x2a: {  	s10 =	simm.s32 $0x7  }
0x2b: {  	_ =	swait.ge [sflag:s10], $0x1E88  }
0x2c: {  	[sflag:s10] =	ssyncset.done $0x0  }
0x2d: {  	[sflag:s10] =	ssyncadd.s32 $0xFFFFE178  }
0x2e: {  	[bflag:$0x0] =	sbarrier.arrive $0xFFFF  }
0x2f: {  	s12 =	simm.s32 $0xF428;
	s13 =	simm.s32 $0x8;
	s11 =	rddreg [dreg:$0x8]  }
0x30: {  	[tilespmem:s12], [sflag:$0x8] =	stream.linear.gather [hbm4b:s11+s5], $0xA00, $0x38;
	[tilespmem:$0x1E428] =	vst v63  }
0x31: {  	_ =	swait.ge [sflag:s13], $0xA00  }
0x32: {  	[sflag:s13] =	ssyncset.done $0x0  }
0x33: {  	s18 =	simm.s32 $0x11C28;
	s17 =	rddreg [dreg:$0x9];
	[sflag:s13] =	ssyncadd.s32 $0xFFFFF600  }
0x34: {  	[tilespmem:s18], [sflag:$0x8] =	stream.linear.gather [hbm4b:s17+s5], $0xA00, $0x38;
	[tilespmem:$0x1E428] =	vst v63  }
0x35: {  	_ =	swait.ge [sflag:s13], $0xA00  }
0x36: {  	[sflag:s13] =	ssyncset.done $0x0  }
0x37: {  	s10 =	simm.s32 $0x0;
	[sflag:s13] =	ssyncadd.s32 $0xFFFFF600  }
0x38: {  	v9 =	vld [tilespmem:s10+$0xF498]  }
0x39: {  	v12 =	vld [tilespmem:s10+$0xF428]  }
0x3a: {  	v13 =	vld [tilespmem:s10+$0xF438]  }
0x3b: {  	v11 =	vld [tilespmem:s10+$0xF448]  }
0x3c: {  	v10 =	vld [tilespmem:s10+$0xF458]  }
0x3d: {  	v8 =	vld [tilespmem:s10+$0xF468];
	v14 =	vshrl.u32 v9, $0x3  }
0x3e: {  	v9 =	vld [tilespmem:s10+$0xF478];
	v12 =	vshrl.u32 v12, $0x3;
	[tilespmem:s10+$0x10898] =	vst v14  }
0x3f: {  	s9 =	simm.s32 $0x80;
	s11 =	simm.s32 $0x400;
	v13 =	vshrl.u32 v13, $0x3;
	[tilespmem:s10+$0x10828] =	vst v12;
	v12 =	vld [tilespmem:s10+$0xF488]  }
.LBB2_2:
0x40: {  	p0 =	sne.s32 s11, $0x2600;
	v14 =	vld [tilespmem:s9+$0xF498];
	[tilespmem:s10+$0x10838] =	vst v13;
	v11 =	vshrl.u32 v11, $0x3  }
0x41: {  	v13 =	vld [tilespmem:s9+$0xF428];
	[tilespmem:s10+$0x10848] =	vst v11;
	v10 =	vshrl.u32 v10, $0x3  }
0x42: {  	v15 =	vld [tilespmem:s9+$0xF438];
	[tilespmem:s10+$0x10858] =	vst v10;
	v8 =	vshrl.u32 v8, $0x3  }
.Ltmp2:
0x43: {  	v11 =	vld [tilespmem:s9+$0xF448];
	[tilespmem:s10+$0x10868] =	vst v8;
	v8 =	vshrl.u32 v9, $0x3;
	(pc) =	sbr.rel @p0 .LBB2_2-.Ltmp2, $4  }
0x44: {  	v10 =	vld [tilespmem:s9+$0xF458];
	[tilespmem:s10+$0x10878] =	vst v8;
	v9 =	vshrl.u32 v12, $0x3  }
0x45: {  	v8 =	vld [tilespmem:s9+$0xF468];
	v12 =	vshrl.u32 v14, $0x3;
	[tilespmem:s10+$0x10888] =	vst v9;
	s10 =	smov.u32 s9  }
0x46: {  	v13 =	vshrl.u32 v13, $0x3;
	v9 =	vld [tilespmem:s10+$0xF478];
	[tilespmem:s10+$0x10898] =	vst v12  }
0x47: {  	s9 =	sshra.s32 s11, $0x2;
	s11 =	sadd.s32 $0x200, s11;
	[tilespmem:s10+$0x10828] =	vst v13;
	v13 =	vshrl.u32 v15, $0x3;
	v12 =	vld [tilespmem:s10+$0xF488]  }
0x48: {  	v14 =	vld [tilespmem:s9+$0xF498];
	[tilespmem:s10+$0x10838] =	vst v13;
	v11 =	vshrl.u32 v11, $0x3  }
0x49: {  	v13 =	vld [tilespmem:s9+$0xF428];
	[tilespmem:s10+$0x10848] =	vst v11;
	v10 =	vshrl.u32 v10, $0x3  }
0x4a: {  	v11 =	vld [tilespmem:s9+$0xF438];
	[tilespmem:s10+$0x10858] =	vst v10;
	v8 =	vshrl.u32 v8, $0x3  }
0x4b: {  	v10 =	vld [tilespmem:s9+$0xF448];
	[tilespmem:s10+$0x10868] =	vst v8;
	v8 =	vshrl.u32 v9, $0x3  }
0x4c: {  	v60 =	vld [tilespmem:s9+$0xF458];
	[tilespmem:s10+$0x10878] =	vst v8;
	v8 =	vshrl.u32 v12, $0x3  }
0x4d: {  	v61 =	vld [tilespmem:s9+$0xF468];
	[tilespmem:s10+$0x10888] =	vst v8;
	v8 =	vshrl.u32 v14, $0x3  }
0x4e: {  	v62 =	vld [tilespmem:s9+$0xF478];
	v13 =	vshrl.u32 v13, $0x3;
	[tilespmem:s9+$0x10898] =	vst v8  }
0x4f: {  	v63 =	vld [tilespmem:s9+$0xF488];
	[tilespmem:s9+$0x10828] =	vst v13;
	v8 =	vshrl.u32 v11, $0x3  }
0x50: {  	[tilespmem:s9+$0x10838] =	vst v8;
	v8 =	vshrl.u32 v10, $0x3  }
0x51: {  	[tilespmem:s9+$0x10848] =	vst v8;
	v8 =	vshrl.u32 v60, $0x3  }
0x52: {  	[tilespmem:s9+$0x10858] =	vst v8;
	v8 =	vshrl.u32 v61, $0x3  }
0x53: {  	[tilespmem:s9+$0x10868] =	vst v8;
	v8 =	vshrl.u32 v62, $0x3  }
0x54: {  	[tilespmem:s9+$0x10878] =	vst v8;
	v8 =	vshrl.u32 v63, $0x3  }
0x55: {  	s18 =	simm.s32 $0x10828;
	[tilespmem:s9+$0x10888] =	vst v8  }
0x56: {  	[tilespmem:s25], [sflag:$0x1] =	stream.indirect.gather [spmem:s3], $0x8, s18, s23, $0xb8;
	[tilespmem:$0x1E428] =	vst v63  }
0x57: {  	s11 =	simm.s32 $0x13428;
	s10 =	simm.s32 $0x108A8  }
0x58: {  	[tilespmem:s11], [sflag:$0x1] =	stream.indirect.gather [spmem:s3], $0x8, s10, s23, $0xb8;
	[tilespmem:$0x1E428] =	vst v63  }
0x59: {  	s12 =	simm.s32 $0x10928;
	s13 =	simm.s32 $0x13828  }
0x5a: {  	[tilespmem:s13], [sflag:$0x1] =	stream.indirect.gather [spmem:s3], $0x8, s12, s23, $0xb8;
	[tilespmem:$0x1E428] =	vst v63  }
0x5b: {  	s17 =	simm.s32 $0x109A8;
	s18 =	simm.s32 $0x13C28  }
0x5c: {  	[tilespmem:s18], [sflag:$0x1] =	stream.indirect.gather [spmem:s3], $0x8, s17, s23, $0xb8;
	[tilespmem:$0x1E428] =	vst v63  }
0x5d: {  	s10 =	simm.s32 $0x10A28;
	s11 =	simm.s32 $0x14028  }
0x5e: {  	[tilespmem:s11], [sflag:$0x1] =	stream.indirect.gather [spmem:s3], $0x8, s10, s23, $0xb8;
	[tilespmem:$0x1E428] =	vst v63  }
0x5f: {  	s12 =	simm.s32 $0x10AA8;
	s13 =	simm.s32 $0x14428  }
0x60: {  	[tilespmem:s13], [sflag:$0x1] =	stream.indirect.gather [spmem:s3], $0x8, s12, s23, $0xb8;
	[tilespmem:$0x1E428] =	vst v63  }
0x61: {  	s17 =	simm.s32 $0x10B28;
	s18 =	simm.s32 $0x14828  }
0x62: {  	[tilespmem:s18], [sflag:$0x1] =	stream.indirect.gather [spmem:s3], $0x8, s17, s23, $0xb8;
	[tilespmem:$0x1E428] =	vst v63  }
0x63: {  	s10 =	simm.s32 $0x10BA8;
	s11 =	simm.s32 $0x14C28  }
0x64: {  	[tilespmem:s11], [sflag:$0x1] =	stream.indirect.gather [spmem:s3], $0x8, s10, s23, $0xb8;
	[tilespmem:$0x1E428] =	vst v63  }
0x65: {  	s12 =	simm.s32 $0x10C28;
	s13 =	simm.s32 $0x15028  }
0x66: {  	[tilespmem:s13], [sflag:$0x1] =	stream.indirect.gather [spmem:s3], $0x8, s12, s23, $0xb8;
	[tilespmem:$0x1E428] =	vst v63  }
0x67: {  	s17 =	simm.s32 $0x10CA8;
	s18 =	simm.s32 $0x15428  }
0x68: {  	[tilespmem:s18], [sflag:$0x1] =	stream.indirect.gather [spmem:s3], $0x8, s17, s23, $0xb8;
	[tilespmem:$0x1E428] =	vst v63  }
0x69: {  	s10 =	simm.s32 $0x10D28;
	s11 =	simm.s32 $0x15828  }
0x6a: {  	[tilespmem:s11], [sflag:$0x1] =	stream.indirect.gather [spmem:s3], $0x8, s10, s23, $0xb8;
	[tilespmem:$0x1E428] =	vst v63  }
0x6b: {  	s12 =	simm.s32 $0x10DA8;
	s13 =	simm.s32 $0x15C28  }
0x6c: {  	[tilespmem:s13], [sflag:$0x1] =	stream.indirect.gather [spmem:s3], $0x8, s12, s23, $0xb8;
	[tilespmem:$0x1E428] =	vst v63  }
0x6d: {  	s17 =	simm.s32 $0x10E28;
	s18 =	simm.s32 $0x16028  }
0x6e: {  	[tilespmem:s18], [sflag:$0x1] =	stream.indirect.gather [spmem:s3], $0x8, s17, s23, $0xb8;
	[tilespmem:$0x1E428] =	vst v63  }
0x6f: {  	s10 =	simm.s32 $0x10EA8;
	s11 =	simm.s32 $0x16428  }
0x70: {  	[tilespmem:s11], [sflag:$0x1] =	stream.indirect.gather [spmem:s3], $0x8, s10, s23, $0xb8;
	[tilespmem:$0x1E428] =	vst v63  }
0x71: {  	s12 =	simm.s32 $0x10F28;
	s13 =	simm.s32 $0x16828  }
0x72: {  	[tilespmem:s13], [sflag:$0x1] =	stream.indirect.gather [spmem:s3], $0x8, s12, s23, $0xb8;
	[tilespmem:$0x1E428] =	vst v63  }
0x73: {  	s17 =	simm.s32 $0x10FA8;
	s18 =	simm.s32 $0x16C28  }
0x74: {  	[tilespmem:s18], [sflag:$0x1] =	stream.indirect.gather [spmem:s3], $0x8, s17, s23, $0xb8;
	[tilespmem:$0x1E428] =	vst v63  }
0x75: {  	s10 =	simm.s32 $0x11028;
	s11 =	simm.s32 $0x17028  }
0x76: {  	[tilespmem:s11], [sflag:$0x1] =	stream.indirect.gather [spmem:s3], $0x8, s10, s23, $0xb8;
	[tilespmem:$0x1E428] =	vst v63  }
0x77: {  	s12 =	simm.s32 $0x110A8;
	s13 =	simm.s32 $0x17428  }
0x78: {  	[tilespmem:s13], [sflag:$0x1] =	stream.indirect.gather [spmem:s3], $0x8, s12, s23, $0xb8;
	[tilespmem:$0x1E428] =	vst v63  }
0x79: {  	s17 =	simm.s32 $0x11128;
	s18 =	simm.s32 $0x17828  }
0x7a: {  	[tilespmem:s18], [sflag:$0x1] =	stream.indirect.gather [spmem:s3], $0x8, s17, s23, $0xb8;
	[tilespmem:$0x1E428] =	vst v63  }
0x7b: {  	s11 =	simm.s32 $0x111A8;
	s12 =	simm.s32 $0x17C28  }
0x7c: {  	[tilespmem:s12], [sflag:$0x1] =	stream.indirect.gather [spmem:s3], $0x8, s11, s23, $0xb8;
	[tilespmem:$0x1E428] =	vst v63  }
0x7d: {  	s9 =	simm.s32 $0x0;
	s13 =	rddreg [dreg:$0xa];
	s11 =	simm.s32 $0xFE28  }
0x7e: {  	[tilespmem:s11], [sflag:$0x4] =	stream.linear.gather [hbm4b:s13+s9], $0xA00, $0x38;
	[tilespmem:$0x1E428] =	vst v63  }
0x7f: {  	s17 =	rddreg [dreg:$0xb];
	s18 =	simm.s32 $0x12628  }
0x80: {  	[tilespmem:s18], [sflag:$0x4] =	stream.linear.gather [hbm4b:s17+s9], $0xA00, $0x38;
	[tilespmem:$0x1E428] =	vst v63  }
.LBB2_4:
0x81: {  	_ =	swait.ge [sflag:s26], $0xA00  }
0x82: {  	[sflag:s26] =	ssyncset.done $0x0  }
0x83: {  	[sflag:s26] =	ssyncadd.s32 $0xFFFFF600  }
0x84: {  	_ =	swait.ge [sflag:s26], $0xA00  }
0x85: {  	[sflag:s26] =	ssyncset.done $0x0  }
0x86: {  	s11 =	simm.s32 $0x0;
	[sflag:s26] =	ssyncadd.s32 $0xFFFFF600  }
0x87: {  	v9 =	vld [tilespmem:s11+$0xFE98]  }
0x88: {  	v12 =	vld [tilespmem:s11+$0xFE28]  }
0x89: {  	v13 =	vld [tilespmem:s11+$0xFE38]  }
0x8a: {  	v11 =	vld [tilespmem:s11+$0xFE48]  }
0x8b: {  	v10 =	vld [tilespmem:s11+$0xFE58]  }
0x8c: {  	v8 =	vld [tilespmem:s11+$0xFE68];
	v14 =	vshrl.u32 v9, $0x3  }
0x8d: {  	v9 =	vld [tilespmem:s11+$0xFE78];
	v12 =	vshrl.u32 v12, $0x3;
	[tilespmem:s11+$0x11298] =	vst v14  }
0x8e: {  	s10 =	simm.s32 $0x80;
	s12 =	simm.s32 $0x400;
	v13 =	vshrl.u32 v13, $0x3;
	[tilespmem:s11+$0x11228] =	vst v12;
	v12 =	vld [tilespmem:s11+$0xFE88]  }
.LBB2_5:
0x8f: {  	p0 =	sne.s32 s12, $0x2600;
	v14 =	vld [tilespmem:s10+$0xFE98];
	[tilespmem:s11+$0x11238] =	vst v13;
	v11 =	vshrl.u32 v11, $0x3  }
0x90: {  	v13 =	vld [tilespmem:s10+$0xFE28];
	[tilespmem:s11+$0x11248] =	vst v11;
	v10 =	vshrl.u32 v10, $0x3  }
0x91: {  	v15 =	vld [tilespmem:s10+$0xFE38];
	[tilespmem:s11+$0x11258] =	vst v10;
	v8 =	vshrl.u32 v8, $0x3  }
.Ltmp3:
0x92: {  	v11 =	vld [tilespmem:s10+$0xFE48];
	[tilespmem:s11+$0x11268] =	vst v8;
	v8 =	vshrl.u32 v9, $0x3;
	(pc) =	sbr.rel @p0 .LBB2_5-.Ltmp3, $4  }
0x93: {  	v10 =	vld [tilespmem:s10+$0xFE58];
	[tilespmem:s11+$0x11278] =	vst v8;
	v9 =	vshrl.u32 v12, $0x3  }
0x94: {  	v8 =	vld [tilespmem:s10+$0xFE68];
	v12 =	vshrl.u32 v14, $0x3;
	[tilespmem:s11+$0x11288] =	vst v9;
	s11 =	smov.u32 s10  }
0x95: {  	v13 =	vshrl.u32 v13, $0x3;
	v9 =	vld [tilespmem:s11+$0xFE78];
	[tilespmem:s11+$0x11298] =	vst v12  }
0x96: {  	s10 =	sshra.s32 s12, $0x2;
	s12 =	sadd.s32 $0x200, s12;
	[tilespmem:s11+$0x11228] =	vst v13;
	v13 =	vshrl.u32 v15, $0x3;
	v12 =	vld [tilespmem:s11+$0xFE88]  }
0x97: {  	v14 =	vld [tilespmem:s10+$0xFE98];
	[tilespmem:s11+$0x11238] =	vst v13;
	v11 =	vshrl.u32 v11, $0x3  }
0x98: {  	v13 =	vld [tilespmem:s10+$0xFE28];
	[tilespmem:s11+$0x11248] =	vst v11;
	v10 =	vshrl.u32 v10, $0x3  }
0x99: {  	v11 =	vld [tilespmem:s10+$0xFE38];
	[tilespmem:s11+$0x11258] =	vst v10;
	v8 =	vshrl.u32 v8, $0x3  }
0x9a: {  	v10 =	vld [tilespmem:s10+$0xFE48];
	[tilespmem:s11+$0x11268] =	vst v8;
	v8 =	vshrl.u32 v9, $0x3  }
0x9b: {  	v60 =	vld [tilespmem:s10+$0xFE58];
	[tilespmem:s11+$0x11278] =	vst v8;
	v8 =	vshrl.u32 v12, $0x3  }
0x9c: {  	v61 =	vld [tilespmem:s10+$0xFE68];
	[tilespmem:s11+$0x11288] =	vst v8;
	v8 =	vshrl.u32 v14, $0x3  }
0x9d: {  	v62 =	vld [tilespmem:s10+$0xFE78];
	v13 =	vshrl.u32 v13, $0x3;
	[tilespmem:s10+$0x11298] =	vst v8  }
0x9e: {  	v63 =	vld [tilespmem:s10+$0xFE88];
	[tilespmem:s10+$0x11228] =	vst v13;
	v8 =	vshrl.u32 v11, $0x3  }
0x9f: {  	[tilespmem:s10+$0x11238] =	vst v8;
	v8 =	vshrl.u32 v10, $0x3  }
0xa0: {  	[tilespmem:s10+$0x11248] =	vst v8;
	v8 =	vshrl.u32 v60, $0x3  }
0xa1: {  	[tilespmem:s10+$0x11258] =	vst v8;
	v8 =	vshrl.u32 v61, $0x3  }
0xa2: {  	[tilespmem:s10+$0x11268] =	vst v8;
	v8 =	vshrl.u32 v62, $0x3  }
0xa3: {  	[tilespmem:s10+$0x11278] =	vst v8;
	v8 =	vshrl.u32 v63, $0x3  }
0xa4: {  	s13 =	simm.s32 $0x11228;
	[tilespmem:s10+$0x11288] =	vst v8  }
0xa5: {  	[tilespmem:s29], [sflag:$0x2] =	stream.indirect.gather [spmem:s3], $0x8, s13, s23, $0xb8;
	[tilespmem:$0x1E428] =	vst v63  }
0xa6: {  	s17 =	simm.s32 $0x112A8;
	s18 =	simm.s32 $0x18428  }
0xa7: {  	[tilespmem:s18], [sflag:$0x2] =	stream.indirect.gather [spmem:s3], $0x8, s17, s23, $0xb8;
	[tilespmem:$0x1E428] =	vst v63  }
0xa8: {  	s12 =	simm.s32 $0x11328;
	s13 =	simm.s32 $0x18828  }
0xa9: {  	[tilespmem:s13], [sflag:$0x2] =	stream.indirect.gather [spmem:s3], $0x8, s12, s23, $0xb8;
	[tilespmem:$0x1E428] =	vst v63  }
0xaa: {  	s17 =	simm.s32 $0x113A8;
	s18 =	simm.s32 $0x18C28  }
0xab: {  	[tilespmem:s18], [sflag:$0x2] =	stream.indirect.gather [spmem:s3], $0x8, s17, s23, $0xb8;
	[tilespmem:$0x1E428] =	vst v63  }
0xac: {  	s12 =	simm.s32 $0x11428;
	s13 =	simm.s32 $0x19028  }
0xad: {  	[tilespmem:s13], [sflag:$0x2] =	stream.indirect.gather [spmem:s3], $0x8, s12, s23, $0xb8;
	[tilespmem:$0x1E428] =	vst v63  }
0xae: {  	s17 =	simm.s32 $0x114A8;
	s18 =	simm.s32 $0x19428  }
0xaf: {  	[tilespmem:s18], [sflag:$0x2] =	stream.indirect.gather [spmem:s3], $0x8, s17, s23, $0xb8;
	[tilespmem:$0x1E428] =	vst v63  }
0xb0: {  	s12 =	simm.s32 $0x11528;
	s13 =	simm.s32 $0x19828  }
0xb1: {  	[tilespmem:s13], [sflag:$0x2] =	stream.indirect.gather [spmem:s3], $0x8, s12, s23, $0xb8;
	[tilespmem:$0x1E428] =	vst v63  }
0xb2: {  	s17 =	simm.s32 $0x115A8;
	s18 =	simm.s32 $0x19C28  }
0xb3: {  	[tilespmem:s18], [sflag:$0x2] =	stream.indirect.gather [spmem:s3], $0x8, s17, s23, $0xb8;
	[tilespmem:$0x1E428] =	vst v63  }
0xb4: {  	s12 =	simm.s32 $0x11628;
	s13 =	simm.s32 $0x1A028  }
0xb5: {  	[tilespmem:s13], [sflag:$0x2] =	stream.indirect.gather [spmem:s3], $0x8, s12, s23, $0xb8;
	[tilespmem:$0x1E428] =	vst v63  }
0xb6: {  	s17 =	simm.s32 $0x116A8;
	s18 =	simm.s32 $0x1A428  }
0xb7: {  	[tilespmem:s18], [sflag:$0x2] =	stream.indirect.gather [spmem:s3], $0x8, s17, s23, $0xb8;
	[tilespmem:$0x1E428] =	vst v63  }
0xb8: {  	s12 =	simm.s32 $0x11728;
	s13 =	simm.s32 $0x1A828  }
0xb9: {  	[tilespmem:s13], [sflag:$0x2] =	stream.indirect.gather [spmem:s3], $0x8, s12, s23, $0xb8;
	[tilespmem:$0x1E428] =	vst v63  }
0xba: {  	s17 =	simm.s32 $0x117A8;
	s18 =	simm.s32 $0x1AC28  }
0xbb: {  	[tilespmem:s18], [sflag:$0x2] =	stream.indirect.gather [spmem:s3], $0x8, s17, s23, $0xb8;
	[tilespmem:$0x1E428] =	vst v63  }
0xbc: {  	s12 =	simm.s32 $0x11828;
	s13 =	simm.s32 $0x1B028  }
0xbd: {  	[tilespmem:s13], [sflag:$0x2] =	stream.indirect.gather [spmem:s3], $0x8, s12, s23, $0xb8;
	[tilespmem:$0x1E428] =	vst v63  }
0xbe: {  	s17 =	simm.s32 $0x118A8;
	s18 =	simm.s32 $0x1B428  }
0xbf: {  	[tilespmem:s18], [sflag:$0x2] =	stream.indirect.gather [spmem:s3], $0x8, s17, s23, $0xb8;
	[tilespmem:$0x1E428] =	vst v63  }
0xc0: {  	s11 =	simm.s32 $0x11928;
	s12 =	simm.s32 $0x1B828  }
0xc1: {  	[tilespmem:s12], [sflag:$0x2] =	stream.indirect.gather [spmem:s3], $0x8, s11, s23, $0xb8;
	[tilespmem:$0x1E428] =	vst v63  }
0xc2: {  	s13 =	simm.s32 $0x119A8;
	s17 =	simm.s32 $0x1BC28  }
0xc3: {  	[tilespmem:s17], [sflag:$0x2] =	stream.indirect.gather [spmem:s3], $0x8, s13, s23, $0xb8;
	[tilespmem:$0x1E428] =	vst v63  }
0xc4: {  	s18 =	simm.s32 $0x11A28  }
0xc5: {  	[tilespmem:s19], [sflag:$0x2] =	stream.indirect.gather [spmem:s3], $0x8, s18, s23, $0xb8;
	[tilespmem:$0x1E428] =	vst v63  }
0xc6: {  	_ = 	snop  }
0xc7: {  	[tilespmem:s20], [sflag:$0x2] =	stream.indirect.gather [spmem:s3], $0x8, s21, s23, $0xb8;
	[tilespmem:$0x1E428] =	vst v63  }
0xc8: {  	_ = 	snop  }
0xc9: {  	[tilespmem:s22], [sflag:$0x2] =	stream.indirect.gather [spmem:s3], $0x8, s14, s23, $0xb8;
	[tilespmem:$0x1E428] =	vst v63  }
0xca: {  	_ = 	snop  }
0xcb: {  	[tilespmem:s28], [sflag:$0x2] =	stream.indirect.gather [spmem:s3], $0x8, s24, s23, $0xb8;
	[tilespmem:$0x1E428] =	vst v63  }
0xcc: {  	_ =	swait.ge [sflag:s30], $0x400  }
0xcd: {  	[sflag:s30] =	ssyncset.done $0x0  }
0xce: {  	[sflag:s30] =	ssyncadd.s32 $0xFFFFFC00  }
0xcf: {  	_ =	swait.ge [sflag:s30], $0x400  }
0xd0: {  	[sflag:s30] =	ssyncset.done $0x0  }
0xd1: {  	[sflag:s30] =	ssyncadd.s32 $0xFFFFFC00  }
0xd2: {  	_ =	swait.ge [sflag:s30], $0x400  }
0xd3: {  	[sflag:s30] =	ssyncset.done $0x0  }
0xd4: {  	[sflag:s30] =	ssyncadd.s32 $0xFFFFFC00  }
0xd5: {  	_ =	swait.ge [sflag:s30], $0x400  }
0xd6: {  	[sflag:s30] =	ssyncset.done $0x0  }
0xd7: {  	[sflag:s30] =	ssyncadd.s32 $0xFFFFFC00  }
0xd8: {  	_ =	swait.ge [sflag:s30], $0x400  }
0xd9: {  	[sflag:s30] =	ssyncset.done $0x0  }
0xda: {  	[sflag:s30] =	ssyncadd.s32 $0xFFFFFC00  }
0xdb: {  	_ =	swait.ge [sflag:s30], $0x400  }
0xdc: {  	[sflag:s30] =	ssyncset.done $0x0  }
0xdd: {  	[sflag:s30] =	ssyncadd.s32 $0xFFFFFC00  }
0xde: {  	_ =	swait.ge [sflag:s30], $0x400  }
0xdf: {  	[sflag:s30] =	ssyncset.done $0x0  }
0xe0: {  	[sflag:s30] =	ssyncadd.s32 $0xFFFFFC00  }
0xe1: {  	_ =	swait.ge [sflag:s30], $0x400  }
0xe2: {  	[sflag:s30] =	ssyncset.done $0x0  }
0xe3: {  	[sflag:s30] =	ssyncadd.s32 $0xFFFFFC00  }
0xe4: {  	_ =	swait.ge [sflag:s30], $0x400  }
0xe5: {  	[sflag:s30] =	ssyncset.done $0x0  }
0xe6: {  	[sflag:s30] =	ssyncadd.s32 $0xFFFFFC00  }
0xe7: {  	_ =	swait.ge [sflag:s30], $0x400  }
0xe8: {  	[sflag:s30] =	ssyncset.done $0x0  }
0xe9: {  	[sflag:s30] =	ssyncadd.s32 $0xFFFFFC00  }
0xea: {  	_ =	swait.ge [sflag:s30], $0x400  }
0xeb: {  	[sflag:s30] =	ssyncset.done $0x0  }
0xec: {  	[sflag:s30] =	ssyncadd.s32 $0xFFFFFC00  }
0xed: {  	_ =	swait.ge [sflag:s30], $0x400  }
0xee: {  	[sflag:s30] =	ssyncset.done $0x0  }
0xef: {  	[sflag:s30] =	ssyncadd.s32 $0xFFFFFC00  }
0xf0: {  	_ =	swait.ge [sflag:s30], $0x400  }
0xf1: {  	[sflag:s30] =	ssyncset.done $0x0  }
0xf2: {  	[sflag:s30] =	ssyncadd.s32 $0xFFFFFC00  }
0xf3: {  	_ =	swait.ge [sflag:s30], $0x400  }
0xf4: {  	[sflag:s30] =	ssyncset.done $0x0  }
0xf5: {  	[sflag:s30] =	ssyncadd.s32 $0xFFFFFC00  }
0xf6: {  	_ =	swait.ge [sflag:s30], $0x400  }
0xf7: {  	[sflag:s30] =	ssyncset.done $0x0  }
0xf8: {  	[sflag:s30] =	ssyncadd.s32 $0xFFFFFC00  }
0xf9: {  	_ =	swait.ge [sflag:s30], $0x400  }
0xfa: {  	[sflag:s30] =	ssyncset.done $0x0  }
0xfb: {  	[sflag:s30] =	ssyncadd.s32 $0xFFFFFC00  }
0xfc: {  	_ =	swait.ge [sflag:s30], $0x400  }
0xfd: {  	[sflag:s30] =	ssyncset.done $0x0  }
0xfe: {  	[sflag:s30] =	ssyncadd.s32 $0xFFFFFC00  }
0xff: {  	_ =	swait.ge [sflag:s30], $0x400  }
0x100: {  	[sflag:s30] =	ssyncset.done $0x0  }
0x101: {  	[sflag:s30] =	ssyncadd.s32 $0xFFFFFC00  }
0x102: {  	_ =	swait.ge [sflag:s30], $0x400  }
0x103: {  	[sflag:s30] =	ssyncset.done $0x0  }
0x104: {  	[sflag:s30] =	ssyncadd.s32 $0xFFFFFC00  }
0x105: {  	_ =	swait.ge [sflag:s30], $0x400  }
0x106: {  	p0 =	seq.s32 s9, $0x0;
	[sflag:s30] =	ssyncset.done $0x0  }
0x107: {  	s10 =	simm.s32 @!p0 $0x5;
	[sflag:s30] =	ssyncadd.s32 $0xFFFFFC00  }
0x108: {  	_ =	swait.ge @!p0 [sflag:s10], $0xA00  }
0x109: {  	s11 =	simm.s32 $0x11C68;
	s12 =	simm.s32 $0x1D068;
	[sflag:s10] =	ssyncset.done @!p0 $0x0  }
0x10a: {  	s13 =	simm.s32 $0xF468;
	[sflag:s10] =	ssyncadd.s32 @!p0 $0xFFFFF600;
	s10 =	simm.s32 $0x0  }
.LBB2_7:
0x10b: {  	v8 =	vld [tilespmem:s13+$0xFFFFFFC0];
	_ =	sdelay $0x4  }
0x10c: {  	s17 =	sshll.u32 s10, $0xA;
	v8 =	vand.u32 $0x7, v8  }
0x10d: {  	v8 =	vor.u32 s17, v8  }
0x10e: {  	v8 =	vor.u32 v0, v8;
	_ =	sdelay $0x4  }
0x10f: {  	v8 =	vld.idx.msk [tilespmem:v8+s25+$0x0], $0xffff  }
0x110: {  	v9 =	vld [tilespmem:s11+$0xFFFFFFC0];
	_ =	sdelay $0x3  }
0x111: {  	v10 =	vunpack.i.l.bf16.f32 v8  }
0x112: {  	v9 =	vmul.f32 v9, v10  }
0x113: {  	v8 =	vunpack.i.u.bf16.f32 v8  }
0x114: {  	v8 =	vsub.f32 v9, v8;
	_ =	sdelay $0x1  }
0x115: {  	[tilespmem:s12+$0xFFFFFFC0] =	vst v8  }
0x116: {  	v8 =	vld [tilespmem:s13+$0xFFFFFFD0];
	_ =	sdelay $0x4  }
0x117: {  	v8 =	vand.u32 $0x7, v8  }
0x118: {  	v8 =	vor.u32 s17, v8  }
0x119: {  	v8 =	vor.u32 v1, v8;
	_ =	sdelay $0x4  }
0x11a: {  	v8 =	vld.idx.msk [tilespmem:v8+s25+$0x0], $0xffff  }
0x11b: {  	v50 =	vld [tilespmem:s11+$0xFFFFFFD0];
	_ =	sdelay $0x3  }
0x11c: {  	v51 =	vunpack.i.l.bf16.f32 v8  }
0x11d: {  	v9 =	vmul.f32 v50, v51  }
0x11e: {  	v8 =	vunpack.i.u.bf16.f32 v8  }
0x11f: {  	v8 =	vsub.f32 v9, v8;
	_ =	sdelay $0x1  }
0x120: {  	[tilespmem:s12+$0xFFFFFFD0] =	vst v8  }
0x121: {  	v8 =	vld [tilespmem:s13+$0xFFFFFFE0];
	_ =	sdelay $0x4  }
0x122: {  	v8 =	vand.u32 $0x7, v8  }
0x123: {  	v8 =	vor.u32 s17, v8  }
0x124: {  	v8 =	vor.u32 v2, v8;
	_ =	sdelay $0x4  }
0x125: {  	v8 =	vld.idx.msk [tilespmem:v8+s25+$0x0], $0xffff  }
0x126: {  	v52 =	vld [tilespmem:s11+$0xFFFFFFE0];
	_ =	sdelay $0x3  }
0x127: {  	v53 =	vunpack.i.l.bf16.f32 v8  }
0x128: {  	v9 =	vmul.f32 v52, v53  }
0x129: {  	v8 =	vunpack.i.u.bf16.f32 v8  }
0x12a: {  	v8 =	vsub.f32 v9, v8;
	_ =	sdelay $0x1  }
0x12b: {  	[tilespmem:s12+$0xFFFFFFE0] =	vst v8  }
0x12c: {  	v8 =	vld [tilespmem:s13+$0xFFFFFFF0];
	_ =	sdelay $0x4  }
0x12d: {  	v8 =	vand.u32 $0x7, v8  }
0x12e: {  	v8 =	vor.u32 s17, v8  }
0x12f: {  	v8 =	vor.u32 v3, v8;
	_ =	sdelay $0x4  }
0x130: {  	v8 =	vld.idx.msk [tilespmem:v8+s25+$0x0], $0xffff  }
0x131: {  	v54 =	vld [tilespmem:s11+$0xFFFFFFF0];
	_ =	sdelay $0x3  }
0x132: {  	v55 =	vunpack.i.l.bf16.f32 v8  }
0x133: {  	v9 =	vmul.f32 v54, v55  }
0x134: {  	v8 =	vunpack.i.u.bf16.f32 v8  }
0x135: {  	v8 =	vsub.f32 v9, v8;
	_ =	sdelay $0x1  }
0x136: {  	[tilespmem:s12+$0xFFFFFFF0] =	vst v8  }
0x137: {  	v8 =	vld [tilespmem:s13+$0x0];
	_ =	sdelay $0x4  }
0x138: {  	v8 =	vand.u32 $0x7, v8  }
0x139: {  	v8 =	vor.u32 s17, v8  }
0x13a: {  	v8 =	vor.u32 v4, v8;
	_ =	sdelay $0x4  }
0x13b: {  	v8 =	vld.idx.msk [tilespmem:v8+s25+$0x0], $0xffff  }
0x13c: {  	v56 =	vld [tilespmem:s11+$0x0];
	_ =	sdelay $0x3  }
0x13d: {  	v57 =	vunpack.i.l.bf16.f32 v8  }
0x13e: {  	v9 =	vmul.f32 v56, v57  }
0x13f: {  	v8 =	vunpack.i.u.bf16.f32 v8  }
0x140: {  	v8 =	vsub.f32 v9, v8;
	_ =	sdelay $0x1  }
0x141: {  	[tilespmem:s12+$0x0] =	vst v8  }
0x142: {  	v8 =	vld [tilespmem:s13+$0x10];
	_ =	sdelay $0x4  }
0x143: {  	v8 =	vand.u32 $0x7, v8  }
0x144: {  	v8 =	vor.u32 s17, v8  }
0x145: {  	v8 =	vor.u32 v5, v8;
	_ =	sdelay $0x4  }
0x146: {  	v8 =	vld.idx.msk [tilespmem:v8+s25+$0x0], $0xffff  }
0x147: {  	v58 =	vld [tilespmem:s11+$0x10];
	_ =	sdelay $0x3  }
0x148: {  	v59 =	vunpack.i.l.bf16.f32 v8  }
0x149: {  	v9 =	vmul.f32 v58, v59  }
0x14a: {  	v8 =	vunpack.i.u.bf16.f32 v8  }
0x14b: {  	v8 =	vsub.f32 v9, v8;
	_ =	sdelay $0x1  }
0x14c: {  	[tilespmem:s12+$0x10] =	vst v8  }
0x14d: {  	v8 =	vld [tilespmem:s13+$0x20];
	_ =	sdelay $0x4  }
0x14e: {  	v8 =	vand.u32 $0x7, v8  }
0x14f: {  	v8 =	vor.u32 s17, v8  }
0x150: {  	v8 =	vor.u32 v6, v8;
	_ =	sdelay $0x4  }
0x151: {  	v8 =	vld.idx.msk [tilespmem:v8+s25+$0x0], $0xffff  }
0x152: {  	v60 =	vld [tilespmem:s11+$0x20];
	_ =	sdelay $0x3  }
0x153: {  	v61 =	vunpack.i.l.bf16.f32 v8  }
0x154: {  	v9 =	vmul.f32 v60, v61  }
0x155: {  	v8 =	vunpack.i.u.bf16.f32 v8  }
0x156: {  	v8 =	vsub.f32 v9, v8;
	_ =	sdelay $0x1  }
0x157: {  	[tilespmem:s12+$0x20] =	vst v8  }
0x158: {  	v8 =	vld [tilespmem:s13+$0x30];
	_ =	sdelay $0x4  }
0x159: {  	v8 =	vand.u32 $0x7, v8  }
0x15a: {  	v8 =	vor.u32 s17, v8  }
0x15b: {  	v8 =	vor.u32 v7, v8;
	_ =	sdelay $0x4  }
0x15c: {  	v8 =	vld.idx.msk [tilespmem:v8+s25+$0x0], $0xffff  }
0x15d: {  	v62 =	vld [tilespmem:s11+$0x30];
	_ =	sdelay $0x3  }
0x15e: {  	p1 =	sne.s32 s10, $0x13;
	v63 =	vunpack.i.l.bf16.f32 v8  }
.Ltmp4:
0x15f: {  	v9 =	vmul.f32 v62, v63;
	(pc) =	sbr.rel @p1 .LBB2_7-.Ltmp4, $4  }
0x160: {  	v8 =	vunpack.i.u.bf16.f32 v8  }
0x161: {  	v8 =	vsub.f32 v9, v8  }
0x162: {  	s10 =	sadd.s32 $0x1, s10  }
0x163: {  	s11 =	sadd.s32 $0x80, s11;
	s13 =	sadd.s32 $0x80, s13;
	[tilespmem:s12+$0x30] =	vst v8;
	s12 =	sadd.s32 $0x80, s12  }
0x164: {  	s10 =	smul.u32 $0x28, s9;
	p1 =	seq.s32 s9, $0x13  }
.Ltmp5:
0x165: {  	_ = 	snop;
	(pc) =	sbr.rel @p1 .LBB2_12-.Ltmp5, $4  }
0x166: {  	s11 =	sadd.s32 s7, s10  }
0x167: {  	s11 =	sshll.u32 s11, $0x4  }
0x168: {  	s11 =	sadd.s32 s6, s11  }
0x169: {  	[hbm4b:s11+s5] =	stream.linear.scatter [tilespmem:s31], [sflag:$0x5], $0xA00, $0x38;
	[tilespmem:$0x1E428] =	vst v63  }
0x16a: {  	s11 =	rddreg [dreg:$0xc]  }
0x16b: {  	s11 =	sadd.s32 s10, s11  }
0x16c: {  	s11 =	sshll.u32 s11, $0x4  }
0x16d: {  	s11 =	sand.u32 $0x1FFFFF80, s11  }
0x16e: {  	s13 =	simm.s32 $0x0;
	s17 =	simm.s32 $0xF428;
	s12 =	sadd.s32 s1, s11  }
0x16f: {  	[tilespmem:s17], [sflag:$0x3] =	stream.linear.gather [hbm4b:s12+s13], $0xA00, $0x38;
	[tilespmem:$0x1E428] =	vst v63  }
0x170: {  	s18 =	simm.s32 $0x11C28;
	s11 =	sadd.s32 s2, s11  }
0x171: {  	[tilespmem:s18], [sflag:$0x3] =	stream.linear.gather [hbm4b:s11+s13], $0xA00, $0x38;
	[tilespmem:$0x1E428] =	vst v63  }
0x172: {  	_ =	swait.ge [sflag:s8], $0xA00  }
0x173: {  	[sflag:s8] =	ssyncset.done $0x0  }
0x174: {  	[sflag:s8] =	ssyncadd.s32 $0xFFFFF600  }
0x175: {  	_ =	swait.ge [sflag:s8], $0xA00  }
0x176: {  	[sflag:s8] =	ssyncset.done $0x0  }
0x177: {  	s12 =	simm.s32 $0x0;
	[sflag:s8] =	ssyncadd.s32 $0xFFFFF600  }
0x178: {  	v9 =	vld [tilespmem:s12+$0xF498]  }
0x179: {  	v12 =	vld [tilespmem:s12+$0xF428]  }
0x17a: {  	v13 =	vld [tilespmem:s12+$0xF438]  }
0x17b: {  	v11 =	vld [tilespmem:s12+$0xF448]  }
0x17c: {  	v10 =	vld [tilespmem:s12+$0xF458]  }
0x17d: {  	v8 =	vld [tilespmem:s12+$0xF468];
	v14 =	vshrl.u32 v9, $0x3  }
0x17e: {  	v9 =	vld [tilespmem:s12+$0xF478];
	v12 =	vshrl.u32 v12, $0x3;
	[tilespmem:s12+$0x10898] =	vst v14  }
0x17f: {  	s11 =	simm.s32 $0x80;
	s13 =	simm.s32 $0x400;
	v13 =	vshrl.u32 v13, $0x3;
	[tilespmem:s12+$0x10828] =	vst v12;
	v12 =	vld [tilespmem:s12+$0xF488]  }
.LBB2_10:
0x180: {  	p2 =	sne.s32 s13, $0x2600;
	v14 =	vld [tilespmem:s11+$0xF498];
	[tilespmem:s12+$0x10838] =	vst v13;
	v11 =	vshrl.u32 v11, $0x3  }
0x181: {  	v13 =	vld [tilespmem:s11+$0xF428];
	[tilespmem:s12+$0x10848] =	vst v11;
	v10 =	vshrl.u32 v10, $0x3  }
0x182: {  	v15 =	vld [tilespmem:s11+$0xF438];
	[tilespmem:s12+$0x10858] =	vst v10;
	v8 =	vshrl.u32 v8, $0x3  }
.Ltmp6:
0x183: {  	v11 =	vld [tilespmem:s11+$0xF448];
	[tilespmem:s12+$0x10868] =	vst v8;
	v8 =	vshrl.u32 v9, $0x3;
	(pc) =	sbr.rel @p2 .LBB2_10-.Ltmp6, $4  }
0x184: {  	v10 =	vld [tilespmem:s11+$0xF458];
	[tilespmem:s12+$0x10878] =	vst v8;
	v9 =	vshrl.u32 v12, $0x3  }
0x185: {  	v8 =	vld [tilespmem:s11+$0xF468];
	v12 =	vshrl.u32 v14, $0x3;
	[tilespmem:s12+$0x10888] =	vst v9;
	s12 =	smov.u32 s11  }
0x186: {  	v13 =	vshrl.u32 v13, $0x3;
	v9 =	vld [tilespmem:s12+$0xF478];
	[tilespmem:s12+$0x10898] =	vst v12  }
0x187: {  	s11 =	sshra.s32 s13, $0x2;
	s13 =	sadd.s32 $0x200, s13;
	[tilespmem:s12+$0x10828] =	vst v13;
	v13 =	vshrl.u32 v15, $0x3;
	v12 =	vld [tilespmem:s12+$0xF488]  }
0x188: {  	v14 =	vld [tilespmem:s11+$0xF498];
	[tilespmem:s12+$0x10838] =	vst v13;
	v11 =	vshrl.u32 v11, $0x3  }
0x189: {  	v13 =	vld [tilespmem:s11+$0xF428];
	[tilespmem:s12+$0x10848] =	vst v11;
	v10 =	vshrl.u32 v10, $0x3  }
0x18a: {  	v11 =	vld [tilespmem:s11+$0xF438];
	[tilespmem:s12+$0x10858] =	vst v10;
	v8 =	vshrl.u32 v8, $0x3  }
0x18b: {  	v10 =	vld [tilespmem:s11+$0xF448];
	[tilespmem:s12+$0x10868] =	vst v8;
	v8 =	vshrl.u32 v9, $0x3  }
0x18c: {  	v60 =	vld [tilespmem:s11+$0xF458];
	[tilespmem:s12+$0x10878] =	vst v8;
	v8 =	vshrl.u32 v12, $0x3  }
0x18d: {  	v61 =	vld [tilespmem:s11+$0xF468];
	[tilespmem:s12+$0x10888] =	vst v8;
	v8 =	vshrl.u32 v14, $0x3  }
0x18e: {  	v62 =	vld [tilespmem:s11+$0xF478];
	v13 =	vshrl.u32 v13, $0x3;
	[tilespmem:s11+$0x10898] =	vst v8  }
0x18f: {  	v63 =	vld [tilespmem:s11+$0xF488];
	[tilespmem:s11+$0x10828] =	vst v13;
	v8 =	vshrl.u32 v11, $0x3  }
0x190: {  	[tilespmem:s11+$0x10838] =	vst v8;
	v8 =	vshrl.u32 v10, $0x3  }
0x191: {  	[tilespmem:s11+$0x10848] =	vst v8;
	v8 =	vshrl.u32 v60, $0x3  }
0x192: {  	[tilespmem:s11+$0x10858] =	vst v8;
	v8 =	vshrl.u32 v61, $0x3  }
0x193: {  	[tilespmem:s11+$0x10868] =	vst v8;
	v8 =	vshrl.u32 v62, $0x3  }
0x194: {  	[tilespmem:s11+$0x10878] =	vst v8;
	v8 =	vshrl.u32 v63, $0x3  }
0x195: {  	s13 =	simm.s32 $0x10828;
	[tilespmem:s11+$0x10888] =	vst v8  }
0x196: {  	[tilespmem:s25], [sflag:$0x1] =	stream.indirect.gather [spmem:s3], $0x8, s13, s23, $0xb8;
	[tilespmem:$0x1E428] =	vst v63  }
0x197: {  	s17 =	simm.s32 $0x108A8;
	s18 =	simm.s32 $0x13428  }
0x198: {  	[tilespmem:s18], [sflag:$0x1] =	stream.indirect.gather [spmem:s3], $0x8, s17, s23, $0xb8;
	[tilespmem:$0x1E428] =	vst v63  }
0x199: {  	s12 =	simm.s32 $0x10928;
	s13 =	simm.s32 $0x13828  }
0x19a: {  	[tilespmem:s13], [sflag:$0x1] =	stream.indirect.gather [spmem:s3], $0x8, s12, s23, $0xb8;
	[tilespmem:$0x1E428] =	vst v63  }
0x19b: {  	s17 =	simm.s32 $0x109A8;
	s18 =	simm.s32 $0x13C28  }
0x19c: {  	[tilespmem:s18], [sflag:$0x1] =	stream.indirect.gather [spmem:s3], $0x8, s17, s23, $0xb8;
	[tilespmem:$0x1E428] =	vst v63  }
0x19d: {  	s12 =	simm.s32 $0x10A28;
	s13 =	simm.s32 $0x14028  }
0x19e: {  	[tilespmem:s13], [sflag:$0x1] =	stream.indirect.gather [spmem:s3], $0x8, s12, s23, $0xb8;
	[tilespmem:$0x1E428] =	vst v63  }
0x19f: {  	s17 =	simm.s32 $0x10AA8;
	s18 =	simm.s32 $0x14428  }
0x1a0: {  	[tilespmem:s18], [sflag:$0x1] =	stream.indirect.gather [spmem:s3], $0x8, s17, s23, $0xb8;
	[tilespmem:$0x1E428] =	vst v63  }
0x1a1: {  	s12 =	simm.s32 $0x10B28;
	s13 =	simm.s32 $0x14828  }
0x1a2: {  	[tilespmem:s13], [sflag:$0x1] =	stream.indirect.gather [spmem:s3], $0x8, s12, s23, $0xb8;
	[tilespmem:$0x1E428] =	vst v63  }
0x1a3: {  	s17 =	simm.s32 $0x10BA8;
	s18 =	simm.s32 $0x14C28  }
0x1a4: {  	[tilespmem:s18], [sflag:$0x1] =	stream.indirect.gather [spmem:s3], $0x8, s17, s23, $0xb8;
	[tilespmem:$0x1E428] =	vst v63  }
0x1a5: {  	s12 =	simm.s32 $0x10C28;
	s13 =	simm.s32 $0x15028  }
0x1a6: {  	[tilespmem:s13], [sflag:$0x1] =	stream.indirect.gather [spmem:s3], $0x8, s12, s23, $0xb8;
	[tilespmem:$0x1E428] =	vst v63  }
0x1a7: {  	s17 =	simm.s32 $0x10CA8;
	s18 =	simm.s32 $0x15428  }
0x1a8: {  	[tilespmem:s18], [sflag:$0x1] =	stream.indirect.gather [spmem:s3], $0x8, s17, s23, $0xb8;
	[tilespmem:$0x1E428] =	vst v63  }
0x1a9: {  	s12 =	simm.s32 $0x10D28;
	s13 =	simm.s32 $0x15828  }
0x1aa: {  	[tilespmem:s13], [sflag:$0x1] =	stream.indirect.gather [spmem:s3], $0x8, s12, s23, $0xb8;
	[tilespmem:$0x1E428] =	vst v63  }
0x1ab: {  	s17 =	simm.s32 $0x10DA8;
	s18 =	simm.s32 $0x15C28  }
0x1ac: {  	[tilespmem:s18], [sflag:$0x1] =	stream.indirect.gather [spmem:s3], $0x8, s17, s23, $0xb8;
	[tilespmem:$0x1E428] =	vst v63  }
0x1ad: {  	s12 =	simm.s32 $0x10E28;
	s13 =	simm.s32 $0x16028  }
0x1ae: {  	[tilespmem:s13], [sflag:$0x1] =	stream.indirect.gather [spmem:s3], $0x8, s12, s23, $0xb8;
	[tilespmem:$0x1E428] =	vst v63  }
0x1af: {  	s17 =	simm.s32 $0x10EA8;
	s18 =	simm.s32 $0x16428  }
0x1b0: {  	[tilespmem:s18], [sflag:$0x1] =	stream.indirect.gather [spmem:s3], $0x8, s17, s23, $0xb8;
	[tilespmem:$0x1E428] =	vst v63  }
0x1b1: {  	s12 =	simm.s32 $0x10F28;
	s13 =	simm.s32 $0x16828  }
0x1b2: {  	[tilespmem:s13], [sflag:$0x1] =	stream.indirect.gather [spmem:s3], $0x8, s12, s23, $0xb8;
	[tilespmem:$0x1E428] =	vst v63  }
0x1b3: {  	s17 =	simm.s32 $0x10FA8;
	s18 =	simm.s32 $0x16C28  }
0x1b4: {  	[tilespmem:s18], [sflag:$0x1] =	stream.indirect.gather [spmem:s3], $0x8, s17, s23, $0xb8;
	[tilespmem:$0x1E428] =	vst v63  }
0x1b5: {  	s12 =	simm.s32 $0x11028;
	s13 =	simm.s32 $0x17028  }
0x1b6: {  	[tilespmem:s13], [sflag:$0x1] =	stream.indirect.gather [spmem:s3], $0x8, s12, s23, $0xb8;
	[tilespmem:$0x1E428] =	vst v63  }
0x1b7: {  	s17 =	simm.s32 $0x110A8;
	s18 =	simm.s32 $0x17428  }
0x1b8: {  	[tilespmem:s18], [sflag:$0x1] =	stream.indirect.gather [spmem:s3], $0x8, s17, s23, $0xb8;
	[tilespmem:$0x1E428] =	vst v63  }
0x1b9: {  	s12 =	simm.s32 $0x11128;
	s13 =	simm.s32 $0x17828  }
0x1ba: {  	[tilespmem:s13], [sflag:$0x1] =	stream.indirect.gather [spmem:s3], $0x8, s12, s23, $0xb8;
	[tilespmem:$0x1E428] =	vst v63  }
0x1bb: {  	s17 =	simm.s32 $0x111A8;
	s18 =	simm.s32 $0x17C28  }
0x1bc: {  	[tilespmem:s18], [sflag:$0x1] =	stream.indirect.gather [spmem:s3], $0x8, s17, s23, $0xb8;
	[tilespmem:$0x1E428] =	vst v63  }
.LBB2_12:
0x1bd: {  	_ =	swait.ge [sflag:s0], $0x400  }
0x1be: {  	[sflag:s0] =	ssyncset.done $0x0  }
0x1bf: {  	[sflag:s0] =	ssyncadd.s32 $0xFFFFFC00  }
0x1c0: {  	_ =	swait.ge [sflag:s0], $0x400  }
0x1c1: {  	[sflag:s0] =	ssyncset.done $0x0  }
0x1c2: {  	[sflag:s0] =	ssyncadd.s32 $0xFFFFFC00  }
0x1c3: {  	_ =	swait.ge [sflag:s0], $0x400  }
0x1c4: {  	[sflag:s0] =	ssyncset.done $0x0  }
0x1c5: {  	[sflag:s0] =	ssyncadd.s32 $0xFFFFFC00  }
0x1c6: {  	_ =	swait.ge [sflag:s0], $0x400  }
0x1c7: {  	[sflag:s0] =	ssyncset.done $0x0  }
0x1c8: {  	[sflag:s0] =	ssyncadd.s32 $0xFFFFFC00  }
0x1c9: {  	_ =	swait.ge [sflag:s0], $0x400  }
0x1ca: {  	[sflag:s0] =	ssyncset.done $0x0  }
0x1cb: {  	[sflag:s0] =	ssyncadd.s32 $0xFFFFFC00  }
0x1cc: {  	_ =	swait.ge [sflag:s0], $0x400  }
0x1cd: {  	[sflag:s0] =	ssyncset.done $0x0  }
0x1ce: {  	[sflag:s0] =	ssyncadd.s32 $0xFFFFFC00  }
0x1cf: {  	_ =	swait.ge [sflag:s0], $0x400  }
0x1d0: {  	[sflag:s0] =	ssyncset.done $0x0  }
0x1d1: {  	[sflag:s0] =	ssyncadd.s32 $0xFFFFFC00  }
0x1d2: {  	_ =	swait.ge [sflag:s0], $0x400  }
0x1d3: {  	[sflag:s0] =	ssyncset.done $0x0  }
0x1d4: {  	[sflag:s0] =	ssyncadd.s32 $0xFFFFFC00  }
0x1d5: {  	_ =	swait.ge [sflag:s0], $0x400  }
0x1d6: {  	[sflag:s0] =	ssyncset.done $0x0  }
0x1d7: {  	[sflag:s0] =	ssyncadd.s32 $0xFFFFFC00  }
0x1d8: {  	_ =	swait.ge [sflag:s0], $0x400  }
0x1d9: {  	[sflag:s0] =	ssyncset.done $0x0  }
0x1da: {  	[sflag:s0] =	ssyncadd.s32 $0xFFFFFC00  }
0x1db: {  	_ =	swait.ge [sflag:s0], $0x400  }
0x1dc: {  	[sflag:s0] =	ssyncset.done $0x0  }
0x1dd: {  	[sflag:s0] =	ssyncadd.s32 $0xFFFFFC00  }
0x1de: {  	_ =	swait.ge [sflag:s0], $0x400  }
0x1df: {  	[sflag:s0] =	ssyncset.done $0x0  }
0x1e0: {  	[sflag:s0] =	ssyncadd.s32 $0xFFFFFC00  }
0x1e1: {  	_ =	swait.ge [sflag:s0], $0x400  }
0x1e2: {  	[sflag:s0] =	ssyncset.done $0x0  }
0x1e3: {  	[sflag:s0] =	ssyncadd.s32 $0xFFFFFC00  }
0x1e4: {  	_ =	swait.ge [sflag:s0], $0x400  }
0x1e5: {  	[sflag:s0] =	ssyncset.done $0x0  }
0x1e6: {  	[sflag:s0] =	ssyncadd.s32 $0xFFFFFC00  }
0x1e7: {  	_ =	swait.ge [sflag:s0], $0x400  }
0x1e8: {  	[sflag:s0] =	ssyncset.done $0x0  }
0x1e9: {  	[sflag:s0] =	ssyncadd.s32 $0xFFFFFC00  }
0x1ea: {  	_ =	swait.ge [sflag:s0], $0x400  }
0x1eb: {  	[sflag:s0] =	ssyncset.done $0x0  }
0x1ec: {  	[sflag:s0] =	ssyncadd.s32 $0xFFFFFC00  }
0x1ed: {  	_ =	swait.ge [sflag:s0], $0x400  }
0x1ee: {  	[sflag:s0] =	ssyncset.done $0x0  }
0x1ef: {  	[sflag:s0] =	ssyncadd.s32 $0xFFFFFC00  }
0x1f0: {  	_ =	swait.ge [sflag:s0], $0x400  }
0x1f1: {  	[sflag:s0] =	ssyncset.done $0x0  }
0x1f2: {  	[sflag:s0] =	ssyncadd.s32 $0xFFFFFC00  }
0x1f3: {  	_ =	swait.ge [sflag:s0], $0x400  }
0x1f4: {  	[sflag:s0] =	ssyncset.done $0x0  }
0x1f5: {  	[sflag:s0] =	ssyncadd.s32 $0xFFFFFC00  }
0x1f6: {  	_ =	swait.ge [sflag:s0], $0x400  }
0x1f7: {  	[sflag:s0] =	ssyncset.done $0x0  }
0x1f8: {  	s11 =	simm.s32 @!p0 $0x6;
	[sflag:s0] =	ssyncadd.s32 $0xFFFFFC00  }
0x1f9: {  	_ =	swait.ge @!p0 [sflag:s11], $0xA00  }
0x1fa: {  	s12 =	simm.s32 $0x12668;
	s13 =	simm.s32 $0x1DA68;
	[sflag:s11] =	ssyncset.done @!p0 $0x0  }
0x1fb: {  	s17 =	simm.s32 $0xFE68;
	[sflag:s11] =	ssyncadd.s32 @!p0 $0xFFFFF600;
	s11 =	simm.s32 $0x0  }
.LBB2_13:
0x1fc: {  	v8 =	vld [tilespmem:s17+$0xFFFFFFC0];
	_ =	sdelay $0x4  }
0x1fd: {  	s18 =	sshll.u32 s11, $0xA;
	v8 =	vand.u32 $0x7, v8  }
0x1fe: {  	v8 =	vor.u32 s18, v8  }
0x1ff: {  	v8 =	vor.u32 v0, v8;
	_ =	sdelay $0x4  }
0x200: {  	v8 =	vld.idx.msk [tilespmem:v8+s29+$0x0], $0xffff  }
0x201: {  	v9 =	vld [tilespmem:s12+$0xFFFFFFC0];
	_ =	sdelay $0x3  }
0x202: {  	v10 =	vunpack.i.l.bf16.f32 v8  }
0x203: {  	v9 =	vmul.f32 v9, v10  }
0x204: {  	v8 =	vunpack.i.u.bf16.f32 v8  }
0x205: {  	v8 =	vsub.f32 v9, v8;
	_ =	sdelay $0x1  }
0x206: {  	[tilespmem:s13+$0xFFFFFFC0] =	vst v8  }
0x207: {  	v8 =	vld [tilespmem:s17+$0xFFFFFFD0];
	_ =	sdelay $0x4  }
0x208: {  	v8 =	vand.u32 $0x7, v8  }
0x209: {  	v8 =	vor.u32 s18, v8  }
0x20a: {  	v8 =	vor.u32 v1, v8;
	_ =	sdelay $0x4  }
0x20b: {  	v8 =	vld.idx.msk [tilespmem:v8+s29+$0x0], $0xffff  }
0x20c: {  	v50 =	vld [tilespmem:s12+$0xFFFFFFD0];
	_ =	sdelay $0x3  }
0x20d: {  	v51 =	vunpack.i.l.bf16.f32 v8  }
0x20e: {  	v9 =	vmul.f32 v50, v51  }
0x20f: {  	v8 =	vunpack.i.u.bf16.f32 v8  }
0x210: {  	v8 =	vsub.f32 v9, v8;
	_ =	sdelay $0x1  }
0x211: {  	[tilespmem:s13+$0xFFFFFFD0] =	vst v8  }
0x212: {  	v8 =	vld [tilespmem:s17+$0xFFFFFFE0];
	_ =	sdelay $0x4  }
0x213: {  	v8 =	vand.u32 $0x7, v8  }
0x214: {  	v8 =	vor.u32 s18, v8  }
0x215: {  	v8 =	vor.u32 v2, v8;
	_ =	sdelay $0x4  }
0x216: {  	v8 =	vld.idx.msk [tilespmem:v8+s29+$0x0], $0xffff  }
0x217: {  	v52 =	vld [tilespmem:s12+$0xFFFFFFE0];
	_ =	sdelay $0x3  }
0x218: {  	v53 =	vunpack.i.l.bf16.f32 v8  }
0x219: {  	v9 =	vmul.f32 v52, v53  }
0x21a: {  	v8 =	vunpack.i.u.bf16.f32 v8  }
0x21b: {  	v8 =	vsub.f32 v9, v8;
	_ =	sdelay $0x1  }
0x21c: {  	[tilespmem:s13+$0xFFFFFFE0] =	vst v8  }
0x21d: {  	v8 =	vld [tilespmem:s17+$0xFFFFFFF0];
	_ =	sdelay $0x4  }
0x21e: {  	v8 =	vand.u32 $0x7, v8  }
0x21f: {  	v8 =	vor.u32 s18, v8  }
0x220: {  	v8 =	vor.u32 v3, v8;
	_ =	sdelay $0x4  }
0x221: {  	v8 =	vld.idx.msk [tilespmem:v8+s29+$0x0], $0xffff  }
0x222: {  	v54 =	vld [tilespmem:s12+$0xFFFFFFF0];
	_ =	sdelay $0x3  }
0x223: {  	v55 =	vunpack.i.l.bf16.f32 v8  }
0x224: {  	v9 =	vmul.f32 v54, v55  }
0x225: {  	v8 =	vunpack.i.u.bf16.f32 v8  }
0x226: {  	v8 =	vsub.f32 v9, v8;
	_ =	sdelay $0x1  }
0x227: {  	[tilespmem:s13+$0xFFFFFFF0] =	vst v8  }
0x228: {  	v8 =	vld [tilespmem:s17+$0x0];
	_ =	sdelay $0x4  }
0x229: {  	v8 =	vand.u32 $0x7, v8  }
0x22a: {  	v8 =	vor.u32 s18, v8  }
0x22b: {  	v8 =	vor.u32 v4, v8;
	_ =	sdelay $0x4  }
0x22c: {  	v8 =	vld.idx.msk [tilespmem:v8+s29+$0x0], $0xffff  }
0x22d: {  	v56 =	vld [tilespmem:s12+$0x0];
	_ =	sdelay $0x3  }
0x22e: {  	v57 =	vunpack.i.l.bf16.f32 v8  }
0x22f: {  	v9 =	vmul.f32 v56, v57  }
0x230: {  	v8 =	vunpack.i.u.bf16.f32 v8  }
0x231: {  	v8 =	vsub.f32 v9, v8;
	_ =	sdelay $0x1  }
0x232: {  	[tilespmem:s13+$0x0] =	vst v8  }
0x233: {  	v8 =	vld [tilespmem:s17+$0x10];
	_ =	sdelay $0x4  }
0x234: {  	v8 =	vand.u32 $0x7, v8  }
0x235: {  	v8 =	vor.u32 s18, v8  }
0x236: {  	v8 =	vor.u32 v5, v8;
	_ =	sdelay $0x4  }
0x237: {  	v8 =	vld.idx.msk [tilespmem:v8+s29+$0x0], $0xffff  }
0x238: {  	v58 =	vld [tilespmem:s12+$0x10];
	_ =	sdelay $0x3  }
0x239: {  	v59 =	vunpack.i.l.bf16.f32 v8  }
0x23a: {  	v9 =	vmul.f32 v58, v59  }
0x23b: {  	v8 =	vunpack.i.u.bf16.f32 v8  }
0x23c: {  	v8 =	vsub.f32 v9, v8;
	_ =	sdelay $0x1  }
0x23d: {  	[tilespmem:s13+$0x10] =	vst v8  }
0x23e: {  	v8 =	vld [tilespmem:s17+$0x20];
	_ =	sdelay $0x4  }
0x23f: {  	v8 =	vand.u32 $0x7, v8  }
0x240: {  	v8 =	vor.u32 s18, v8  }
0x241: {  	v8 =	vor.u32 v6, v8;
	_ =	sdelay $0x4  }
0x242: {  	v8 =	vld.idx.msk [tilespmem:v8+s29+$0x0], $0xffff  }
0x243: {  	v60 =	vld [tilespmem:s12+$0x20];
	_ =	sdelay $0x3  }
0x244: {  	v61 =	vunpack.i.l.bf16.f32 v8  }
0x245: {  	v9 =	vmul.f32 v60, v61  }
0x246: {  	v8 =	vunpack.i.u.bf16.f32 v8  }
0x247: {  	v8 =	vsub.f32 v9, v8;
	_ =	sdelay $0x1  }
0x248: {  	[tilespmem:s13+$0x20] =	vst v8  }
0x249: {  	v8 =	vld [tilespmem:s17+$0x30];
	_ =	sdelay $0x4  }
0x24a: {  	v8 =	vand.u32 $0x7, v8  }
0x24b: {  	v8 =	vor.u32 s18, v8  }
0x24c: {  	v8 =	vor.u32 v7, v8;
	_ =	sdelay $0x4  }
0x24d: {  	v8 =	vld.idx.msk [tilespmem:v8+s29+$0x0], $0xffff  }
0x24e: {  	v62 =	vld [tilespmem:s12+$0x30];
	_ =	sdelay $0x3  }
0x24f: {  	p0 =	sne.s32 s11, $0x13;
	v63 =	vunpack.i.l.bf16.f32 v8  }
.Ltmp7:
0x250: {  	v9 =	vmul.f32 v62, v63;
	(pc) =	sbr.rel @p0 .LBB2_13-.Ltmp7, $4  }
0x251: {  	v8 =	vunpack.i.u.bf16.f32 v8  }
0x252: {  	v8 =	vsub.f32 v9, v8  }
0x253: {  	s11 =	sadd.s32 $0x1, s11  }
0x254: {  	s12 =	sadd.s32 $0x80, s12;
	s17 =	sadd.s32 $0x80, s17;
	[tilespmem:s13+$0x30] =	vst v8;
	s13 =	sadd.s32 $0x80, s13  }
.Ltmp8:
0x255: {  	s11 =	sadd.s32 s10, s15;
	(pc) =	sbr.rel @p1 .LBB2_16-.Ltmp8, $4  }
0x256: {  	s11 =	sshll.u32 s11, $0x4  }
0x257: {  	s11 =	sand.u32 $0x1FFFFFC0, s11  }
0x258: {  	s11 =	sadd.s32 s6, s11  }
0x259: {  	[hbm4b:s11+s5] =	stream.linear.scatter [tilespmem:s4], [sflag:$0x6], $0xA00, $0x38;
	[tilespmem:$0x1E428] =	vst v63  }
0x25a: {  	s10 =	sadd.s32 s10, s16  }
0x25b: {  	s10 =	sshll.u32 s10, $0x4  }
.Ltmp9:
0x25c: {  	s10 =	sand.u32 $0x1FFFFFC0, s10;
	(pc) =	sbr.rel .LBB2_4-.Ltmp9, $4  }
0x25d: {  	s12 =	simm.s32 $0xFE28;
	s11 =	sadd.s32 s1, s10  }
0x25e: {  	[tilespmem:s12], [sflag:$0x4] =	stream.linear.gather [hbm4b:s11+s5], $0xA00, $0x38;
	[tilespmem:$0x1E428] =	vst v63  }
0x25f: {  	s18 =	simm.s32 $0x12628;
	s9 =	sadd.s32 $0x1, s9;
	s10 =	sadd.s32 s2, s10  }
0x260: {  	[tilespmem:s18], [sflag:$0x4] =	stream.linear.gather [hbm4b:s10+s5], $0xA00, $0x38;
	[tilespmem:$0x1E428] =	vst v63  }
.LBB2_17:
0x261: {  	_ =	sfence.sel $0x180000  }
0x262: {  	[bflag:$0x0] =	sbarrier.arrive $0xFFFF  }
0x263: {  	_ =	strace $0x9000004A  }
0x264: {  	s0 =	stileid.u32;
	[bflag:$0x2] =	sbarrier.arrive $0xFFFF  }
0x265: {  	p0 =	sne.s32 s0, $0x0;
	s0 =	rddreg [dreg:$0x5]  }
0x266: {  	s0 =	sadd.s32 @!p0 $0x100000, s0  }
0x267: {  	[sflag:s0] =	ssyncadd.tile.s32 @!p0 $0x1;
	_ =	shalt  }
.Lfunc_end2:
_tile_overlayer_lowered:
.L_overlay_start_2:
0x268: {  	(tag) =	ssettag $0x2  }
0x269: {  	s0 =	rddreg [dreg:$0x0];
	s2 =	stileid.u32  }
0x26a: {  	s1 =	rddreg [dreg:$0x1];
	p0 =	sne.s32 s2, $0x0  }
0x26b: {  	s3 =	rddreg [dreg:$0x2];
	[bflag:$0x3] =	sbarrier.arrive $0xFFFF;
	s2 =	simm.s32 @!p0 $0x1C08  }
0x26c: {  	[timem:s3], [sflag:s2] =	dma.local @!p0 [hbm:s0], s1  }
0x26d: {  	s0 =	simm.s32 @!p0 $0x8  }
0x26e: {  	_ =	swait.ge @!p0 [sflag:s0], s1  }
0x26f: {  	s1 =	ssub.s32 @!p0 $0x0, s1;
	[sflag:s0] =	ssyncset.done @!p0 $0x0  }
0x270: {  	[sflag:s0] =	ssyncadd.s32 @!p0 s1  }
0x271: {  	[bflag:$0x3] =	sbarrier.arrive $0xFFFF  }
0x272: {  	_ =	shalt  }

</sc_bundles>
